<compile_context>
chip_gen: v7x
topology: tpu7x:2x2x1
jax: 0.10.2.dev20260603
libtpu: 0.0.44.dev20260713+nightly
codegen_flags: <defaults>
</compile_context>

<pallas_src>
import functools

import jax
import jax.numpy as jnp
from jax import lax
from jax.experimental import pallas as pl
from jax.experimental.pallas import tpu as pltpu
from jax.experimental.pallas import tpu_sc as plsc

N = 10000
D = 128
H = 16
NC = 2
NS = 16
NW = NC * NS
RPS = 625
NPAD = NS * RPS
DH = D // (2 * NC)

CH_A = 200
CPT_A = 100
NB_A = 4

CH_B = 400
CPT_B = 25
NB_B = 5


def _sc_agg128(x, src_t, dst_t, p):
    mesh = plsc.VectorSubcoreMesh(core_axis_name="c", subcore_axis_name="s")

    @functools.partial(
        pl.kernel,
        out_type=jax.ShapeDtypeStruct((NC, NPAD, DH), jnp.float32),
        mesh=mesh,
        scratch_types=[
            pltpu.VMEM((CPT_A, CH_A), jnp.int32),
            pltpu.VMEM((CPT_A, CH_A), jnp.int32),
            pltpu.VMEM((NB_A, CH_A, DH), jnp.float32),
            pltpu.VMEM_SHARED((NPAD, DH), jnp.float32),
            pltpu.SemaphoreType.DMA,
        ],
        compiler_params=pltpu.CompilerParams(use_tc_tiling_on_sc=False),
    )
    def k(x_hbm, src_hbm, dst_hbm, out_hbm, src_v, dst_v, rows_v,
          agg_sh, sem):
        cid = lax.axis_index("c")
        sid = lax.axis_index("s")
        x_half = x_hbm.at[2 * p + cid]

        pltpu.sync_copy(src_hbm.at[sid], src_v)
        pltpu.sync_copy(dst_hbm.at[sid], dst_v)

        def zrow(i, carry):
            for kk in range(DH // 16):
                rows_v[0, i, pl.ds(kk * 16, 16)] = jnp.zeros((16,), jnp.float32)
            return carry

        lax.fori_loop(0, CH_A, zrow, 0)
        base = sid * RPS
        for off, nb in ((0, 200), (200, 200), (400, 200), (600, 25)):
            pltpu.sync_copy(rows_v.at[0, pl.ds(0, nb)],
                            agg_sh.at[pl.ds(base + off, nb)])
        plsc.subcore_barrier()

        for b in range(NB_A):
            pltpu.async_copy(x_half.at[src_v.at[b]], rows_v.at[b], sem)

        def group(g, carry):
            for b in range(NB_A):
                j = g * NB_A + b
                pltpu.make_async_copy(x_half.at[src_v.at[j]],
                                      rows_v.at[b], sem).wait()
                pltpu.sync_copy(rows_v.at[b], agg_sh.at[dst_v.at[j]], add=True)
                pltpu.async_copy(x_half.at[src_v.at[j + NB_A]], rows_v.at[b], sem)
            return carry

        lax.fori_loop(0, CPT_A // NB_A - 1, group, 0)
        for b in range(NB_A):
            j = CPT_A - NB_A + b
            pltpu.make_async_copy(x_half.at[src_v.at[j]],
                                  rows_v.at[b], sem).wait()
            pltpu.sync_copy(rows_v.at[b], agg_sh.at[dst_v.at[j]], add=True)
        plsc.subcore_barrier()
        pltpu.sync_copy(agg_sh.at[pl.ds(sid * RPS, RPS)],
                        out_hbm.at[cid, pl.ds(sid * RPS, RPS)])

    return k(x, src_t, dst_t)


def _sc_agg16(y, src_t, dst_t):
    mesh = plsc.VectorSubcoreMesh(core_axis_name="c", subcore_axis_name="s")

    @functools.partial(
        pl.kernel,
        out_type=jax.ShapeDtypeStruct((NC, NPAD, H), jnp.float32),
        mesh=mesh,
        scratch_types=[
            pltpu.VMEM((CPT_B, CH_B), jnp.int32),
            pltpu.VMEM((CPT_B, CH_B), jnp.int32),
            pltpu.VMEM((NB_B, CH_B, H), jnp.float32),
            pltpu.VMEM((RPS, H), jnp.float32),
            pltpu.VMEM_SHARED((NPAD, H), jnp.float32),
            pltpu.VMEM_SHARED((NPAD, H), jnp.float32),
            pltpu.SemaphoreType.DMA,
        ],
        compiler_params=pltpu.CompilerParams(use_tc_tiling_on_sc=False),
    )
    def k(y_hbm, src_hbm, dst_hbm, out_hbm, src_v, dst_v, rows_v, zero_v,
          agg_sh, y_sh, sem):
        cid = lax.axis_index("c")
        sid = lax.axis_index("s")
        wid = cid * NS + sid

        pltpu.sync_copy(src_hbm.at[wid], src_v)
        pltpu.sync_copy(dst_hbm.at[wid], dst_v)
        pltpu.sync_copy(y_hbm.at[pl.ds(sid * RPS, RPS)],
                        y_sh.at[pl.ds(sid * RPS, RPS)])

        def zrow(i, carry):
            zero_v[i, :] = jnp.zeros((H,), jnp.float32)
            return carry

        lax.fori_loop(0, RPS, zrow, 0)
        pltpu.sync_copy(zero_v, agg_sh.at[pl.ds(sid * RPS, RPS)])
        plsc.subcore_barrier()

        for b in range(NB_B):
            pltpu.async_copy(y_sh.at[src_v.at[b]], rows_v.at[b], sem)

        def group(g, carry):
            for b in range(NB_B):
                j = g * NB_B + b
                pltpu.make_async_copy(y_sh.at[src_v.at[j]],
                                      rows_v.at[b], sem).wait()
                pltpu.sync_copy(rows_v.at[b], agg_sh.at[dst_v.at[j]], add=True)
                pltpu.async_copy(y_sh.at[src_v.at[j + NB_B]], rows_v.at[b], sem)
            return carry

        lax.fori_loop(0, CPT_B // NB_B - 1, group, 0)
        for b in range(NB_B):
            j = CPT_B - NB_B + b
            pltpu.make_async_copy(y_sh.at[src_v.at[j]],
                                  rows_v.at[b], sem).wait()
            pltpu.sync_copy(rows_v.at[b], agg_sh.at[dst_v.at[j]], add=True)
        plsc.subcore_barrier()
        pltpu.sync_copy(agg_sh.at[pl.ds(sid * RPS, RPS)],
                        out_hbm.at[cid, pl.ds(sid * RPS, RPS)])

    return k(y, src_t, dst_t)


def _tc_layer1(agga, aggb, x, w_rel, b_rel, w_root):

    def body(agga_ref, aggb_ref, x_ref, wrel_ref, b_ref, wroot_ref, o_ref):
        a = jnp.concatenate([agga_ref[0], agga_ref[1],
                             aggb_ref[0], aggb_ref[1]], axis=1)
        o_ref[...] = jax.nn.relu(a @ wrel_ref[...] + b_ref[...]
                                 + x_ref[...] @ wroot_ref[...])

    return pl.pallas_call(
        body,
        out_shape=jax.ShapeDtypeStruct((NPAD, H), jnp.float32),
    )(agga, aggb, x, w_rel, b_rel, w_root)


def _tc_layer2_head(agg, h1p, w_rel, b_rel, w_root, wfc, bfc):

    def body(agg_ref, h1_ref, wrel_ref, b_ref, wroot_ref, wfc_ref, bfc_ref,
             o_ref):
        a = agg_ref[0] + agg_ref[1]
        h2 = jax.nn.relu(a @ wrel_ref[...] + b_ref[...]
                         + h1_ref[...] @ wroot_ref[...])
        o_ref[...] = h2 @ wfc_ref[...] + bfc_ref[...]

    return pl.pallas_call(
        body,
        out_shape=jax.ShapeDtypeStruct((N, 1), jnp.float32),
    )(agg, h1p, w_rel, b_rel, w_root, wfc, bfc)


def kernel(x, edge_index, W1_rel, b1, W1_root, W2_rel, b2, W2_root, W_fc, b_fc):
    src_a = edge_index[0].reshape(NS, CPT_A, CH_A)
    dst_a = edge_index[1].reshape(NS, CPT_A, CH_A)
    src_b = edge_index[0].reshape(NW, CPT_B, CH_B)
    dst_b = edge_index[1].reshape(NW, CPT_B, CH_B)

    xsplit = x.reshape(N, 2 * NC, DH).swapaxes(0, 1)
    agg1a = _sc_agg128(xsplit, src_a, dst_a, 0)
    agg1b = _sc_agg128(xsplit, src_a, dst_a, 1)
    h1p = _tc_layer1(agg1a, agg1b, x, W1_rel, b1.reshape(1, H), W1_root)
    agg2 = _sc_agg16(h1p, src_b, dst_b)
    out = _tc_layer2_head(agg2, h1p, W2_rel, b2.reshape(1, H), W2_root,
                          W_fc, b_fc.reshape(1, 1))
    return out

# --- scband reference (transcript-rebuilt; emitter-appended) ---
"""Pipeline reference for scband-job-shop-graph-conv-46712064311848 (READ-ONLY COPY).

The authoritative reference and input builder live on the scoring server;
editing this copy changes nothing except your own understanding.
"""

import jax, jax.numpy as jnp
import numpy as np

N = 10000
E = 320000
D = 128
H = 16
O = 1


def setup_inputs(seed: int = 0) -> dict:
    key = jax.random.key(seed)
    ks = jax.random.split(key, 12)
    x = jax.random.normal(ks[0], (N, D), dtype=jnp.float32)
    edge_index = jax.random.randint(ks[1], (2, E), 0, N, dtype=jnp.int32)
    # GraphConv layer 1: lin_rel (with bias) on aggregated neighbors, lin_root (no bias) on self
    W1_rel = jax.random.normal(ks[2], (D, H), dtype=jnp.float32) / np.sqrt(D)
    b1 = jnp.zeros((H,), dtype=jnp.float32)
    W1_root = jax.random.normal(ks[3], (D, H), dtype=jnp.float32) / np.sqrt(D)
    # GraphConv layer 2
    W2_rel = jax.random.normal(ks[4], (H, H), dtype=jnp.float32) / np.sqrt(H)
    b2 = jnp.zeros((H,), dtype=jnp.float32)
    W2_root = jax.random.normal(ks[5], (H, H), dtype=jnp.float32) / np.sqrt(H)
    # Final Linear
    W_fc = jax.random.normal(ks[6], (H, O), dtype=jnp.float32) / np.sqrt(H)
    b_fc = jnp.zeros((O,), dtype=jnp.float32)
    return {"x": x, "edge_index": edge_index,
            "W1_rel": W1_rel, "b1": b1, "W1_root": W1_root,
            "W2_rel": W2_rel, "b2": b2, "W2_root": W2_root,
            "W_fc": W_fc, "b_fc": b_fc}


def reference(x, edge_index, W1_rel, b1, W1_root, W2_rel, b2, W2_root, W_fc, b_fc):
    src = edge_index[0]
    dst = edge_index[1]

    def graph_conv(h, W_rel, b_rel, W_root):
        # PyG GraphConv: out = lin_rel(sum_{j in N(i)} x_j) + lin_root(x_i)
        msgs = jnp.take(h, src, axis=0)
        agg = jnp.zeros_like(h).at[dst].add(msgs)
        return agg @ W_rel + b_rel + h @ W_root

    h = jax.nn.relu(graph_conv(x, W1_rel, b1, W1_root))
    h = jax.nn.relu(graph_conv(h, W2_rel, b2, W2_root))
    out = h @ W_fc + b_fc
    return out

if __name__ == "__main__":
    import jax
    _d = setup_inputs()
    print(jax.jit(kernel)(*tuple(_d.values())))

</pallas_src>

<mosaic_0001>
#map = affine_map<(d0, d1) -> (0, 0, 0)>
module attributes {stable_mosaic.version = 14 : i64} {
  func.func @k(%arg0: i32, %arg1: i32, %arg2: memref<4x10000x32xf32, #tpu.memory_space<hbm>>, %arg3: memref<16x100x200xi32, #tpu.memory_space<hbm>>, %arg4: memref<16x100x200xi32, #tpu.memory_space<hbm>>, %arg5: memref<2x10000x32xf32, #tpu.memory_space<hbm>>, %arg6: memref<100x200xi32, #tpu.memory_space<vmem>>, %arg7: memref<100x200xi32, #tpu.memory_space<vmem>>, %arg8: memref<4x200x32xf32, #tpu.memory_space<vmem>>, %arg9: memref<10000x32xf32, #tpu.memory_space<vmem_shared>>, %arg10: memref<!tpu.dma_semaphore, #tpu.memory_space<semaphore_mem>>) attributes {dimension_semantics = [#tpu.dimension_semantics<core_parallel>, #tpu.dimension_semantics<subcore_parallel>], iteration_bounds = array<i64: 2, 16>, scalar_prefetch = 0 : i64, scratch_operands = 5 : i64, tpu.core_type = #tpu.core_type<sc_vector_subcore>, window_params = [{transform_indices = #map}, {transform_indices = #map}, {transform_indices = #map}, {transform_indices = #map}]} {
    %add3A = arith.constant 2 : i32
    %add3A_0 = arith.addi %add3A, %arg0 : i32
    "tpu.region"() ({
      %run_scoped3A_163 = tpu.sem_alloc : memref<!tpu.dma_semaphore, #tpu.memory_space<semaphore_mem>>
      %dma_start3A_164 = arith.constant 0 : i32
      %dma_start3A_165 = arith.constant 0 : i32
      %dma_start3A_166 = tpu.memref_slice %arg3[%arg1, %dma_start3A_164, %dma_start3A_165] : memref<16x100x200xi32, #tpu.memory_space<hbm>> -> memref<1x100x200xi32, #tpu.memory_space<hbm>>
      %dma_start3A_167 = tpu.memref_squeeze %dma_start3A_166 : memref<1x100x200xi32, #tpu.memory_space<hbm>> -> memref<100x200xi32, #tpu.memory_space<hbm>>
      %dma_start3A_168 = arith.constant 0 : i32
      %dma_start3A_169 = arith.constant 0 : i32
      %dma_start3A_170 = tpu.memref_slice %arg3[%arg1, %dma_start3A_168, %dma_start3A_169] : memref<16x100x200xi32, #tpu.memory_space<hbm>> -> memref<1x100x200xi32, #tpu.memory_space<hbm>>
      %dma_start3A_171 = tpu.memref_squeeze %dma_start3A_170 : memref<1x100x200xi32, #tpu.memory_space<hbm>> -> memref<100x200xi32, #tpu.memory_space<hbm>>
      tpu.enqueue_dma source(%dma_start3A_171 : memref<100x200xi32, #tpu.memory_space<hbm>>) target(%arg6 : memref<100x200xi32, #tpu.memory_space<vmem>>) target_semaphore(%run_scoped3A_163 : memref<!tpu.dma_semaphore, #tpu.memory_space<semaphore_mem>>)
      %dma_wait3A_172 = arith.constant 0 : i32
      %dma_wait3A_173 = arith.constant 0 : i32
      %dma_wait3A_174 = tpu.memref_slice %arg3[%arg1, %dma_wait3A_172, %dma_wait3A_173] : memref<16x100x200xi32, #tpu.memory_space<hbm>> -> memref<1x100x200xi32, #tpu.memory_space<hbm>>
      %dma_wait3A_175 = tpu.memref_squeeze %dma_wait3A_174 : memref<1x100x200xi32, #tpu.memory_space<hbm>> -> memref<100x200xi32, #tpu.memory_space<hbm>>
      %dma_wait3A_176 = arith.constant 0 : i32
      %dma_wait3A_177 = arith.constant 0 : i32
      %dma_wait3A_178 = tpu.memref_slice %arg3[%arg1, %dma_wait3A_176, %dma_wait3A_177] : memref<16x100x200xi32, #tpu.memory_space<hbm>> -> memref<1x100x200xi32, #tpu.memory_space<hbm>>
      %dma_wait3A_179 = tpu.memref_squeeze %dma_wait3A_178 : memref<1x100x200xi32, #tpu.memory_space<hbm>> -> memref<100x200xi32, #tpu.memory_space<hbm>>
      tpu.wait_dma2 semaphore(%run_scoped3A_163 : memref<!tpu.dma_semaphore, #tpu.memory_space<semaphore_mem>>) src(%dma_wait3A_179 : memref<100x200xi32, #tpu.memory_space<hbm>>) dst(%arg6 : memref<100x200xi32, #tpu.memory_space<vmem>>)
      tpu.yield
    }) : () -> ()
    "tpu.region"() ({
      %run_scoped3A_163 = tpu.sem_alloc : memref<!tpu.dma_semaphore, #tpu.memory_space<semaphore_mem>>
      %dma_start3A_164 = arith.constant 0 : i32
      %dma_start3A_165 = arith.constant 0 : i32
      %dma_start3A_166 = tpu.memref_slice %arg4[%arg1, %dma_start3A_164, %dma_start3A_165] : memref<16x100x200xi32, #tpu.memory_space<hbm>> -> memref<1x100x200xi32, #tpu.memory_space<hbm>>
      %dma_start3A_167 = tpu.memref_squeeze %dma_start3A_166 : memref<1x100x200xi32, #tpu.memory_space<hbm>> -> memref<100x200xi32, #tpu.memory_space<hbm>>
      %dma_start3A_168 = arith.constant 0 : i32
      %dma_start3A_169 = arith.constant 0 : i32
      %dma_start3A_170 = tpu.memref_slice %arg4[%arg1, %dma_start3A_168, %dma_start3A_169] : memref<16x100x200xi32, #tpu.memory_space<hbm>> -> memref<1x100x200xi32, #tpu.memory_space<hbm>>
      %dma_start3A_171 = tpu.memref_squeeze %dma_start3A_170 : memref<1x100x200xi32, #tpu.memory_space<hbm>> -> memref<100x200xi32, #tpu.memory_space<hbm>>
      tpu.enqueue_dma source(%dma_start3A_171 : memref<100x200xi32, #tpu.memory_space<hbm>>) target(%arg7 : memref<100x200xi32, #tpu.memory_space<vmem>>) target_semaphore(%run_scoped3A_163 : memref<!tpu.dma_semaphore, #tpu.memory_space<semaphore_mem>>)
      %dma_wait3A_172 = arith.constant 0 : i32
      %dma_wait3A_173 = arith.constant 0 : i32
      %dma_wait3A_174 = tpu.memref_slice %arg4[%arg1, %dma_wait3A_172, %dma_wait3A_173] : memref<16x100x200xi32, #tpu.memory_space<hbm>> -> memref<1x100x200xi32, #tpu.memory_space<hbm>>
      %dma_wait3A_175 = tpu.memref_squeeze %dma_wait3A_174 : memref<1x100x200xi32, #tpu.memory_space<hbm>> -> memref<100x200xi32, #tpu.memory_space<hbm>>
      %dma_wait3A_176 = arith.constant 0 : i32
      %dma_wait3A_177 = arith.constant 0 : i32
      %dma_wait3A_178 = tpu.memref_slice %arg4[%arg1, %dma_wait3A_176, %dma_wait3A_177] : memref<16x100x200xi32, #tpu.memory_space<hbm>> -> memref<1x100x200xi32, #tpu.memory_space<hbm>>
      %dma_wait3A_179 = tpu.memref_squeeze %dma_wait3A_178 : memref<1x100x200xi32, #tpu.memory_space<hbm>> -> memref<100x200xi32, #tpu.memory_space<hbm>>
      tpu.wait_dma2 semaphore(%run_scoped3A_163 : memref<!tpu.dma_semaphore, #tpu.memory_space<semaphore_mem>>) src(%dma_wait3A_179 : memref<100x200xi32, #tpu.memory_space<hbm>>) dst(%arg7 : memref<100x200xi32, #tpu.memory_space<vmem>>)
      tpu.yield
    }) : () -> ()
    %scan3A = arith.constant 0 : i32
    %scan3A_1 = arith.constant 0 : i32
    %scan3A_2 = arith.constant 200 : i32
    %scan3A_3 = arith.addi %scan3A_1, %scan3A_2 : i32
    %scan3A_4 = arith.constant 1 : i32
    scf.for %scan3A_163 = %scan3A_1 to %scan3A_3 step %scan3A_4  : i32 {
      %broadcast_in_dim3A = arith.constant 0.000000e+00 : f32
      %broadcast_in_dim3A_164 = vector.broadcast %broadcast_in_dim3A : f32 to vector<16xf32>
      %swap3A = arith.constant 0 : i32
      %swap3A_165 = arith.index_cast %swap3A : i32 to index
      %swap3A_166 = arith.index_cast %scan3A_163 : i32 to index
      %swap3A_167 = arith.constant 0 : index
      %swap3A_168 = tpu.vector_load %arg8[%swap3A_165, %swap3A_166, %swap3A_167] {strides = array<i32>} : memref<4x200x32xf32, #tpu.memory_space<vmem>>, vector<1x1x16xf32>,
      %swap3A_169 = vector.shape_cast %swap3A_168 : vector<1x1x16xf32> to vector<16xf32>
      %swap3A_170 = vector.shape_cast %broadcast_in_dim3A_164 : vector<16xf32> to vector<1x1x16xf32>
      tpu.vector_store %arg8[%swap3A_165, %swap3A_166, %swap3A_167], %swap3A_170 {strides = array<i32>} : memref<4x200x32xf32, #tpu.memory_space<vmem>>, vector<1x1x16xf32>,
      %broadcast_in_dim3A_171 = arith.constant 0.000000e+00 : f32
      %broadcast_in_dim3A_172 = vector.broadcast %broadcast_in_dim3A_171 : f32 to vector<16xf32>
      %swap3A_173 = arith.constant 0 : i32
      %swap3A_174 = arith.index_cast %swap3A_173 : i32 to index
      %swap3A_175 = arith.index_cast %scan3A_163 : i32 to index
      %swap3A_176 = arith.constant 16 : index
      %swap3A_177 = tpu.vector_load %arg8[%swap3A_174, %swap3A_175, %swap3A_176] {strides = array<i32>} : memref<4x200x32xf32, #tpu.memory_space<vmem>>, vector<1x1x16xf32>,
      %swap3A_178 = vector.shape_cast %swap3A_177 : vector<1x1x16xf32> to vector<16xf32>
      %swap3A_179 = vector.shape_cast %broadcast_in_dim3A_172 : vector<16xf32> to vector<1x1x16xf32>
      tpu.vector_store %arg8[%swap3A_174, %swap3A_175, %swap3A_176], %swap3A_179 {strides = array<i32>} : memref<4x200x32xf32, #tpu.memory_space<vmem>>, vector<1x1x16xf32>,
    }
    %scan3A_5 = arith.constant 200 : i32
    %mul3A = arith.constant 625 : i32
    %mul3A_6 = arith.muli %arg1, %mul3A : i32
    %add3A_7 = arith.constant 0 : i32
    %add3A_8 = arith.addi %mul3A_6, %add3A_7 : i32
    %run_scoped3A = arith.constant 0 : i32
    "tpu.region"() ({
      %run_scoped3A_163 = tpu.sem_alloc : memref<!tpu.dma_semaphore, #tpu.memory_space<semaphore_mem>>
      %dma_start3A_164 = arith.constant 0 : i32
      %dma_start3A_165 = arith.constant 0 : i32
      %dma_start3A_166 = tpu.memref_slice %arg8[%run_scoped3A, %dma_start3A_164, %dma_start3A_165] : memref<4x200x32xf32, #tpu.memory_space<vmem>> -> memref<1x200x32xf32, #tpu.memory_space<vmem>>
      %dma_start3A_167 = tpu.memref_squeeze %dma_start3A_166 : memref<1x200x32xf32, #tpu.memory_space<vmem>> -> memref<200x32xf32, #tpu.memory_space<vmem>>
      %dma_start3A_168 = arith.constant 0 : i32
      %dma_start3A_169 = tpu.memref_slice %arg9[%add3A_8, %dma_start3A_168] : memref<10000x32xf32, #tpu.memory_space<vmem_shared>> -> memref<200x32xf32, #tpu.memory_space<vmem_shared>>
      %dma_start3A_170 = arith.constant 0 : i32
      %dma_start3A_171 = tpu.memref_slice %arg9[%add3A_8, %dma_start3A_170] : memref<10000x32xf32, #tpu.memory_space<vmem_shared>> -> memref<200x32xf32, #tpu.memory_space<vmem_shared>>
      %dma_start3A_172 = arith.constant 0 : i32
      %dma_start3A_173 = arith.constant 0 : i32
      %dma_start3A_174 = tpu.memref_slice %arg8[%run_scoped3A, %dma_start3A_172, %dma_start3A_173] : memref<4x200x32xf32, #tpu.memory_space<vmem>> -> memref<1x200x32xf32, #tpu.memory_space<vmem>>
      %dma_start3A_175 = tpu.memref_squeeze %dma_start3A_174 : memref<1x200x32xf32, #tpu.memory_space<vmem>> -> memref<200x32xf32, #tpu.memory_space<vmem>>
      tpu.enqueue_dma source(%dma_start3A_175 : memref<200x32xf32, #tpu.memory_space<vmem>>) target(%dma_start3A_171 : memref<200x32xf32, #tpu.memory_space<vmem_shared>>) target_semaphore(%run_scoped3A_163 : memref<!tpu.dma_semaphore, #tpu.memory_space<semaphore_mem>>)
      %dma_wait3A_176 = arith.constant 0 : i32
      %dma_wait3A_177 = arith.constant 0 : i32
      %dma_wait3A_178 = tpu.memref_slice %arg8[%run_scoped3A, %dma_wait3A_176, %dma_wait3A_177] : memref<4x200x32xf32, #tpu.memory_space<vmem>> -> memref<1x200x32xf32, #tpu.memory_space<vmem>>
      %dma_wait3A_179 = tpu.memref_squeeze %dma_wait3A_178 : memref<1x200x32xf32, #tpu.memory_space<vmem>> -> memref<200x32xf32, #tpu.memory_space<vmem>>
      %dma_wait3A_180 = arith.constant 0 : i32
      %dma_wait3A_181 = tpu.memref_slice %arg9[%add3A_8, %dma_wait3A_180] : memref<10000x32xf32, #tpu.memory_space<vmem_shared>> -> memref<200x32xf32, #tpu.memory_space<vmem_shared>>
      %dma_wait3A_182 = arith.constant 0 : i32
      %dma_wait3A_183 = tpu.memref_slice %arg9[%add3A_8, %dma_wait3A_182] : memref<10000x32xf32, #tpu.memory_space<vmem_shared>> -> memref<200x32xf32, #tpu.memory_space<vmem_shared>>
      %dma_wait3A_184 = arith.constant 0 : i32
      %dma_wait3A_185 = arith.constant 0 : i32
      %dma_wait3A_186 = tpu.memref_slice %arg8[%run_scoped3A, %dma_wait3A_184, %dma_wait3A_185] : memref<4x200x32xf32, #tpu.memory_space<vmem>> -> memref<1x200x32xf32, #tpu.memory_space<vmem>>
      %dma_wait3A_187 = tpu.memref_squeeze %dma_wait3A_186 : memref<1x200x32xf32, #tpu.memory_space<vmem>> -> memref<200x32xf32, #tpu.memory_space<vmem>>
      tpu.wait_dma2 semaphore(%run_scoped3A_163 : memref<!tpu.dma_semaphore, #tpu.memory_space<semaphore_mem>>) src(%dma_wait3A_187 : memref<200x32xf32, #tpu.memory_space<vmem>>) dst(%dma_wait3A_183 : memref<200x32xf32, #tpu.memory_space<vmem_shared>>)
      tpu.yield
    }) : () -> ()
    %add3A_9 = arith.constant 200 : i32
    %add3A_10 = arith.addi %mul3A_6, %add3A_9 : i32
    %run_scoped3A_11 = arith.constant 0 : i32
    "tpu.region"() ({
      %run_scoped3A_163 = tpu.sem_alloc : memref<!tpu.dma_semaphore, #tpu.memory_space<semaphore_mem>>
      %dma_start3A_164 = arith.constant 0 : i32
      %dma_start3A_165 = arith.constant 0 : i32
      %dma_start3A_166 = tpu.memref_slice %arg8[%run_scoped3A_11, %dma_start3A_164, %dma_start3A_165] : memref<4x200x32xf32, #tpu.memory_space<vmem>> -> memref<1x200x32xf32, #tpu.memory_space<vmem>>
      %dma_start3A_167 = tpu.memref_squeeze %dma_start3A_166 : memref<1x200x32xf32, #tpu.memory_space<vmem>> -> memref<200x32xf32, #tpu.memory_space<vmem>>
      %dma_start3A_168 = arith.constant 0 : i32
      %dma_start3A_169 = tpu.memref_slice %arg9[%add3A_10, %dma_start3A_168] : memref<10000x32xf32, #tpu.memory_space<vmem_shared>> -> memref<200x32xf32, #tpu.memory_space<vmem_shared>>
      %dma_start3A_170 = arith.constant 0 : i32
      %dma_start3A_171 = tpu.memref_slice %arg9[%add3A_10, %dma_start3A_170] : memref<10000x32xf32, #tpu.memory_space<vmem_shared>> -> memref<200x32xf32, #tpu.memory_space<vmem_shared>>
      %dma_start3A_172 = arith.constant 0 : i32
      %dma_start3A_173 = arith.constant 0 : i32
      %dma_start3A_174 = tpu.memref_slice %arg8[%run_scoped3A_11, %dma_start3A_172, %dma_start3A_173] : memref<4x200x32xf32, #tpu.memory_space<vmem>> -> memref<1x200x32xf32, #tpu.memory_space<vmem>>
      %dma_start3A_175 = tpu.memref_squeeze %dma_start3A_174 : memref<1x200x32xf32, #tpu.memory_space<vmem>> -> memref<200x32xf32, #tpu.memory_space<vmem>>
      tpu.enqueue_dma source(%dma_start3A_175 : memref<200x32xf32, #tpu.memory_space<vmem>>) target(%dma_start3A_171 : memref<200x32xf32, #tpu.memory_space<vmem_shared>>) target_semaphore(%run_scoped3A_163 : memref<!tpu.dma_semaphore, #tpu.memory_space<semaphore_mem>>)
      %dma_wait3A_176 = arith.constant 0 : i32
      %dma_wait3A_177 = arith.constant 0 : i32
      %dma_wait3A_178 = tpu.memref_slice %arg8[%run_scoped3A_11, %dma_wait3A_176, %dma_wait3A_177] : memref<4x200x32xf32, #tpu.memory_space<vmem>> -> memref<1x200x32xf32, #tpu.memory_space<vmem>>
      %dma_wait3A_179 = tpu.memref_squeeze %dma_wait3A_178 : memref<1x200x32xf32, #tpu.memory_space<vmem>> -> memref<200x32xf32, #tpu.memory_space<vmem>>
      %dma_wait3A_180 = arith.constant 0 : i32
      %dma_wait3A_181 = tpu.memref_slice %arg9[%add3A_10, %dma_wait3A_180] : memref<10000x32xf32, #tpu.memory_space<vmem_shared>> -> memref<200x32xf32, #tpu.memory_space<vmem_shared>>
      %dma_wait3A_182 = arith.constant 0 : i32
      %dma_wait3A_183 = tpu.memref_slice %arg9[%add3A_10, %dma_wait3A_182] : memref<10000x32xf32, #tpu.memory_space<vmem_shared>> -> memref<200x32xf32, #tpu.memory_space<vmem_shared>>
      %dma_wait3A_184 = arith.constant 0 : i32
      %dma_wait3A_185 = arith.constant 0 : i32
      %dma_wait3A_186 = tpu.memref_slice %arg8[%run_scoped3A_11, %dma_wait3A_184, %dma_wait3A_185] : memref<4x200x32xf32, #tpu.memory_space<vmem>> -> memref<1x200x32xf32, #tpu.memory_space<vmem>>
      %dma_wait3A_187 = tpu.memref_squeeze %dma_wait3A_186 : memref<1x200x32xf32, #tpu.memory_space<vmem>> -> memref<200x32xf32, #tpu.memory_space<vmem>>
      tpu.wait_dma2 semaphore(%run_scoped3A_163 : memref<!tpu.dma_semaphore, #tpu.memory_space<semaphore_mem>>) src(%dma_wait3A_187 : memref<200x32xf32, #tpu.memory_space<vmem>>) dst(%dma_wait3A_183 : memref<200x32xf32, #tpu.memory_space<vmem_shared>>)
      tpu.yield
    }) : () -> ()
    %add3A_12 = arith.constant 400 : i32
    %add3A_13 = arith.addi %mul3A_6, %add3A_12 : i32
    %run_scoped3A_14 = arith.constant 0 : i32
    "tpu.region"() ({
      %run_scoped3A_163 = tpu.sem_alloc : memref<!tpu.dma_semaphore, #tpu.memory_space<semaphore_mem>>
      %dma_start3A_164 = arith.constant 0 : i32
      %dma_start3A_165 = arith.constant 0 : i32
      %dma_start3A_166 = tpu.memref_slice %arg8[%run_scoped3A_14, %dma_start3A_164, %dma_start3A_165] : memref<4x200x32xf32, #tpu.memory_space<vmem>> -> memref<1x200x32xf32, #tpu.memory_space<vmem>>
      %dma_start3A_167 = tpu.memref_squeeze %dma_start3A_166 : memref<1x200x32xf32, #tpu.memory_space<vmem>> -> memref<200x32xf32, #tpu.memory_space<vmem>>
      %dma_start3A_168 = arith.constant 0 : i32
      %dma_start3A_169 = tpu.memref_slice %arg9[%add3A_13, %dma_start3A_168] : memref<10000x32xf32, #tpu.memory_space<vmem_shared>> -> memref<200x32xf32, #tpu.memory_space<vmem_shared>>
      %dma_start3A_170 = arith.constant 0 : i32
      %dma_start3A_171 = tpu.memref_slice %arg9[%add3A_13, %dma_start3A_170] : memref<10000x32xf32, #tpu.memory_space<vmem_shared>> -> memref<200x32xf32, #tpu.memory_space<vmem_shared>>
      %dma_start3A_172 = arith.constant 0 : i32
      %dma_start3A_173 = arith.constant 0 : i32
      %dma_start3A_174 = tpu.memref_slice %arg8[%run_scoped3A_14, %dma_start3A_172, %dma_start3A_173] : memref<4x200x32xf32, #tpu.memory_space<vmem>> -> memref<1x200x32xf32, #tpu.memory_space<vmem>>
      %dma_start3A_175 = tpu.memref_squeeze %dma_start3A_174 : memref<1x200x32xf32, #tpu.memory_space<vmem>> -> memref<200x32xf32, #tpu.memory_space<vmem>>
      tpu.enqueue_dma source(%dma_start3A_175 : memref<200x32xf32, #tpu.memory_space<vmem>>) target(%dma_start3A_171 : memref<200x32xf32, #tpu.memory_space<vmem_shared>>) target_semaphore(%run_scoped3A_163 : memref<!tpu.dma_semaphore, #tpu.memory_space<semaphore_mem>>)
      %dma_wait3A_176 = arith.constant 0 : i32
      %dma_wait3A_177 = arith.constant 0 : i32
      %dma_wait3A_178 = tpu.memref_slice %arg8[%run_scoped3A_14, %dma_wait3A_176, %dma_wait3A_177] : memref<4x200x32xf32, #tpu.memory_space<vmem>> -> memref<1x200x32xf32, #tpu.memory_space<vmem>>
      %dma_wait3A_179 = tpu.memref_squeeze %dma_wait3A_178 : memref<1x200x32xf32, #tpu.memory_space<vmem>> -> memref<200x32xf32, #tpu.memory_space<vmem>>
      %dma_wait3A_180 = arith.constant 0 : i32
      %dma_wait3A_181 = tpu.memref_slice %arg9[%add3A_13, %dma_wait3A_180] : memref<10000x32xf32, #tpu.memory_space<vmem_shared>> -> memref<200x32xf32, #tpu.memory_space<vmem_shared>>
      %dma_wait3A_182 = arith.constant 0 : i32
      %dma_wait3A_183 = tpu.memref_slice %arg9[%add3A_13, %dma_wait3A_182] : memref<10000x32xf32, #tpu.memory_space<vmem_shared>> -> memref<200x32xf32, #tpu.memory_space<vmem_shared>>
      %dma_wait3A_184 = arith.constant 0 : i32
      %dma_wait3A_185 = arith.constant 0 : i32
      %dma_wait3A_186 = tpu.memref_slice %arg8[%run_scoped3A_14, %dma_wait3A_184, %dma_wait3A_185] : memref<4x200x32xf32, #tpu.memory_space<vmem>> -> memref<1x200x32xf32, #tpu.memory_space<vmem>>
      %dma_wait3A_187 = tpu.memref_squeeze %dma_wait3A_186 : memref<1x200x32xf32, #tpu.memory_space<vmem>> -> memref<200x32xf32, #tpu.memory_space<vmem>>
      tpu.wait_dma2 semaphore(%run_scoped3A_163 : memref<!tpu.dma_semaphore, #tpu.memory_space<semaphore_mem>>) src(%dma_wait3A_187 : memref<200x32xf32, #tpu.memory_space<vmem>>) dst(%dma_wait3A_183 : memref<200x32xf32, #tpu.memory_space<vmem_shared>>)
      tpu.yield
    }) : () -> ()
    %add3A_15 = arith.constant 600 : i32
    %add3A_16 = arith.addi %mul3A_6, %add3A_15 : i32
    %run_scoped3A_17 = arith.constant 0 : i32
    "tpu.region"() ({
      %run_scoped3A_163 = tpu.sem_alloc : memref<!tpu.dma_semaphore, #tpu.memory_space<semaphore_mem>>
      %dma_start3A_164 = arith.constant 0 : i32
      %dma_start3A_165 = arith.constant 0 : i32
      %dma_start3A_166 = tpu.memref_slice %arg8[%run_scoped3A_17, %dma_start3A_164, %dma_start3A_165] : memref<4x200x32xf32, #tpu.memory_space<vmem>> -> memref<1x25x32xf32, #tpu.memory_space<vmem>>
      %dma_start3A_167 = tpu.memref_squeeze %dma_start3A_166 : memref<1x25x32xf32, #tpu.memory_space<vmem>> -> memref<25x32xf32, #tpu.memory_space<vmem>>
      %dma_start3A_168 = arith.constant 0 : i32
      %dma_start3A_169 = tpu.memref_slice %arg9[%add3A_16, %dma_start3A_168] : memref<10000x32xf32, #tpu.memory_space<vmem_shared>> -> memref<25x32xf32, #tpu.memory_space<vmem_shared>>
      %dma_start3A_170 = arith.constant 0 : i32
      %dma_start3A_171 = tpu.memref_slice %arg9[%add3A_16, %dma_start3A_170] : memref<10000x32xf32, #tpu.memory_space<vmem_shared>> -> memref<25x32xf32, #tpu.memory_space<vmem_shared>>
      %dma_start3A_172 = arith.constant 0 : i32
      %dma_start3A_173 = arith.constant 0 : i32
      %dma_start3A_174 = tpu.memref_slice %arg8[%run_scoped3A_17, %dma_start3A_172, %dma_start3A_173] : memref<4x200x32xf32, #tpu.memory_space<vmem>> -> memref<1x25x32xf32, #tpu.memory_space<vmem>>
      %dma_start3A_175 = tpu.memref_squeeze %dma_start3A_174 : memref<1x25x32xf32, #tpu.memory_space<vmem>> -> memref<25x32xf32, #tpu.memory_space<vmem>>
      tpu.enqueue_dma source(%dma_start3A_175 : memref<25x32xf32, #tpu.memory_space<vmem>>) target(%dma_start3A_171 : memref<25x32xf32, #tpu.memory_space<vmem_shared>>) target_semaphore(%run_scoped3A_163 : memref<!tpu.dma_semaphore, #tpu.memory_space<semaphore_mem>>)
      %dma_wait3A_176 = arith.constant 0 : i32
      %dma_wait3A_177 = arith.constant 0 : i32
      %dma_wait3A_178 = tpu.memref_slice %arg8[%run_scoped3A_17, %dma_wait3A_176, %dma_wait3A_177] : memref<4x200x32xf32, #tpu.memory_space<vmem>> -> memref<1x25x32xf32, #tpu.memory_space<vmem>>
      %dma_wait3A_179 = tpu.memref_squeeze %dma_wait3A_178 : memref<1x25x32xf32, #tpu.memory_space<vmem>> -> memref<25x32xf32, #tpu.memory_space<vmem>>
      %dma_wait3A_180 = arith.constant 0 : i32
      %dma_wait3A_181 = tpu.memref_slice %arg9[%add3A_16, %dma_wait3A_180] : memref<10000x32xf32, #tpu.memory_space<vmem_shared>> -> memref<25x32xf32, #tpu.memory_space<vmem_shared>>
      %dma_wait3A_182 = arith.constant 0 : i32
      %dma_wait3A_183 = tpu.memref_slice %arg9[%add3A_16, %dma_wait3A_182] : memref<10000x32xf32, #tpu.memory_space<vmem_shared>> -> memref<25x32xf32, #tpu.memory_space<vmem_shared>>
      %dma_wait3A_184 = arith.constant 0 : i32
      %dma_wait3A_185 = arith.constant 0 : i32
      %dma_wait3A_186 = tpu.memref_slice %arg8[%run_scoped3A_17, %dma_wait3A_184, %dma_wait3A_185] : memref<4x200x32xf32, #tpu.memory_space<vmem>> -> memref<1x25x32xf32, #tpu.memory_space<vmem>>
      %dma_wait3A_187 = tpu.memref_squeeze %dma_wait3A_186 : memref<1x25x32xf32, #tpu.memory_space<vmem>> -> memref<25x32xf32, #tpu.memory_space<vmem>>
      tpu.wait_dma2 semaphore(%run_scoped3A_163 : memref<!tpu.dma_semaphore, #tpu.memory_space<semaphore_mem>>) src(%dma_wait3A_187 : memref<25x32xf32, #tpu.memory_space<vmem>>) dst(%dma_wait3A_183 : memref<25x32xf32, #tpu.memory_space<vmem_shared>>)
      tpu.yield
    }) : () -> ()
    %barrier3A = arith.constant 0 : index
    tpu.barrier barrier_id(%barrier3A)
    %dma_start3A = arith.constant 0 : i32
    %dma_start3A_18 = arith.constant 0 : i32
    %dma_start3A_19 = arith.constant 0 : i32
    %dma_start3A_20 = arith.constant 0 : i32
    %dma_start3A_21 = tpu.memref_slice %arg8[%dma_start3A_18, %dma_start3A_19, %dma_start3A_20] : memref<4x200x32xf32, #tpu.memory_space<vmem>> -> memref<1x200x32xf32, #tpu.memory_space<vmem>>
    %dma_start3A_22 = tpu.memref_squeeze %dma_start3A_21 : memref<1x200x32xf32, #tpu.memory_space<vmem>> -> memref<200x32xf32, #tpu.memory_space<vmem>>
    %dma_start3A_23 = arith.constant 0 : i32
    %dma_start3A_24 = tpu.memref_slice %arg6[%dma_start3A, %dma_start3A_23] : memref<100x200xi32, #tpu.memory_space<vmem>> -> memref<1x200xi32, #tpu.memory_space<vmem>>
    %dma_start3A_25 = tpu.memref_squeeze %dma_start3A_24 : memref<1x200xi32, #tpu.memory_space<vmem>> -> memref<200xi32, #tpu.memory_space<vmem>>
    %dma_start3A_26 = arith.constant 0 : i32
    %dma_start3A_27 = arith.constant 0 : i32
    %dma_start3A_28 = tpu.memref_slice %arg2[%add3A_0, %dma_start3A_26, %dma_start3A_27] : memref<4x10000x32xf32, #tpu.memory_space<hbm>> -> memref<1x10000x32xf32, #tpu.memory_space<hbm>>
    %dma_start3A_29 = tpu.memref_squeeze %dma_start3A_28 : memref<1x10000x32xf32, #tpu.memory_space<hbm>> -> memref<10000x32xf32, #tpu.memory_space<hbm>>
    %dma_start3A_30 = arith.constant 0 : i32
    %dma_start3A_31 = arith.constant 0 : i32
    %dma_start3A_32 = tpu.memref_slice %dma_start3A_29[%dma_start3A_30, %dma_start3A_31] : memref<10000x32xf32, #tpu.memory_space<hbm>> -> memref<10000x32xf32, #tpu.memory_space<hbm>>
    tpu.enqueue_indirect_dma source(%dma_start3A_32 : memref<10000x32xf32, #tpu.memory_space<hbm>>) target(%dma_start3A_22 : memref<200x32xf32, #tpu.memory_space<vmem>>) offsets(%dma_start3A_25 : memref<200xi32, #tpu.memory_space<vmem>>) semaphore(%arg10 : memref<!tpu.dma_semaphore, #tpu.memory_space<semaphore_mem>>)
    %dma_start3A_33 = arith.constant 1 : i32
    %dma_start3A_34 = arith.constant 1 : i32
    %dma_start3A_35 = arith.constant 0 : i32
    %dma_start3A_36 = arith.constant 0 : i32
    %dma_start3A_37 = tpu.memref_slice %arg8[%dma_start3A_34, %dma_start3A_35, %dma_start3A_36] : memref<4x200x32xf32, #tpu.memory_space<vmem>> -> memref<1x200x32xf32, #tpu.memory_space<vmem>>
    %dma_start3A_38 = tpu.memref_squeeze %dma_start3A_37 : memref<1x200x32xf32, #tpu.memory_space<vmem>> -> memref<200x32xf32, #tpu.memory_space<vmem>>
    %dma_start3A_39 = arith.constant 0 : i32
    %dma_start3A_40 = tpu.memref_slice %arg6[%dma_start3A_33, %dma_start3A_39] : memref<100x200xi32, #tpu.memory_space<vmem>> -> memref<1x200xi32, #tpu.memory_space<vmem>>
    %dma_start3A_41 = tpu.memref_squeeze %dma_start3A_40 : memref<1x200xi32, #tpu.memory_space<vmem>> -> memref<200xi32, #tpu.memory_space<vmem>>
    %dma_start3A_42 = arith.constant 0 : i32
    %dma_start3A_43 = arith.constant 0 : i32
    %dma_start3A_44 = tpu.memref_slice %arg2[%add3A_0, %dma_start3A_42, %dma_start3A_43] : memref<4x10000x32xf32, #tpu.memory_space<hbm>> -> memref<1x10000x32xf32, #tpu.memory_space<hbm>>
    %dma_start3A_45 = tpu.memref_squeeze %dma_start3A_44 : memref<1x10000x32xf32, #tpu.memory_space<hbm>> -> memref<10000x32xf32, #tpu.memory_space<hbm>>
    %dma_start3A_46 = arith.constant 0 : i32
    %dma_start3A_47 = arith.constant 0 : i32
    %dma_start3A_48 = tpu.memref_slice %dma_start3A_45[%dma_start3A_46, %dma_start3A_47] : memref<10000x32xf32, #tpu.memory_space<hbm>> -> memref<10000x32xf32, #tpu.memory_space<hbm>>
    tpu.enqueue_indirect_dma source(%dma_start3A_48 : memref<10000x32xf32, #tpu.memory_space<hbm>>) target(%dma_start3A_38 : memref<200x32xf32, #tpu.memory_space<vmem>>) offsets(%dma_start3A_41 : memref<200xi32, #tpu.memory_space<vmem>>) semaphore(%arg10 : memref<!tpu.dma_semaphore, #tpu.memory_space<semaphore_mem>>)
    %dma_start3A_49 = arith.constant 2 : i32
    %dma_start3A_50 = arith.constant 2 : i32
    %dma_start3A_51 = arith.constant 0 : i32
    %dma_start3A_52 = arith.constant 0 : i32
    %dma_start3A_53 = tpu.memref_slice %arg8[%dma_start3A_50, %dma_start3A_51, %dma_start3A_52] : memref<4x200x32xf32, #tpu.memory_space<vmem>> -> memref<1x200x32xf32, #tpu.memory_space<vmem>>
    %dma_start3A_54 = tpu.memref_squeeze %dma_start3A_53 : memref<1x200x32xf32, #tpu.memory_space<vmem>> -> memref<200x32xf32, #tpu.memory_space<vmem>>
    %dma_start3A_55 = arith.constant 0 : i32
    %dma_start3A_56 = tpu.memref_slice %arg6[%dma_start3A_49, %dma_start3A_55] : memref<100x200xi32, #tpu.memory_space<vmem>> -> memref<1x200xi32, #tpu.memory_space<vmem>>
    %dma_start3A_57 = tpu.memref_squeeze %dma_start3A_56 : memref<1x200xi32, #tpu.memory_space<vmem>> -> memref<200xi32, #tpu.memory_space<vmem>>
    %dma_start3A_58 = arith.constant 0 : i32
    %dma_start3A_59 = arith.constant 0 : i32
    %dma_start3A_60 = tpu.memref_slice %arg2[%add3A_0, %dma_start3A_58, %dma_start3A_59] : memref<4x10000x32xf32, #tpu.memory_space<hbm>> -> memref<1x10000x32xf32, #tpu.memory_space<hbm>>
    %dma_start3A_61 = tpu.memref_squeeze %dma_start3A_60 : memref<1x10000x32xf32, #tpu.memory_space<hbm>> -> memref<10000x32xf32, #tpu.memory_space<hbm>>
    %dma_start3A_62 = arith.constant 0 : i32
    %dma_start3A_63 = arith.constant 0 : i32
    %dma_start3A_64 = tpu.memref_slice %dma_start3A_61[%dma_start3A_62, %dma_start3A_63] : memref<10000x32xf32, #tpu.memory_space<hbm>> -> memref<10000x32xf32, #tpu.memory_space<hbm>>
    tpu.enqueue_indirect_dma source(%dma_start3A_64 : memref<10000x32xf32, #tpu.memory_space<hbm>>) target(%dma_start3A_54 : memref<200x32xf32, #tpu.memory_space<vmem>>) offsets(%dma_start3A_57 : memref<200xi32, #tpu.memory_space<vmem>>) semaphore(%arg10 : memref<!tpu.dma_semaphore, #tpu.memory_space<semaphore_mem>>)
    %dma_start3A_65 = arith.constant 3 : i32
    %dma_start3A_66 = arith.constant 3 : i32
    %dma_start3A_67 = arith.constant 0 : i32
    %dma_start3A_68 = arith.constant 0 : i32
    %dma_start3A_69 = tpu.memref_slice %arg8[%dma_start3A_66, %dma_start3A_67, %dma_start3A_68] : memref<4x200x32xf32, #tpu.memory_space<vmem>> -> memref<1x200x32xf32, #tpu.memory_space<vmem>>
    %dma_start3A_70 = tpu.memref_squeeze %dma_start3A_69 : memref<1x200x32xf32, #tpu.memory_space<vmem>> -> memref<200x32xf32, #tpu.memory_space<vmem>>
    %dma_start3A_71 = arith.constant 0 : i32
    %dma_start3A_72 = tpu.memref_slice %arg6[%dma_start3A_65, %dma_start3A_71] : memref<100x200xi32, #tpu.memory_space<vmem>> -> memref<1x200xi32, #tpu.memory_space<vmem>>
    %dma_start3A_73 = tpu.memref_squeeze %dma_start3A_72 : memref<1x200xi32, #tpu.memory_space<vmem>> -> memref<200xi32, #tpu.memory_space<vmem>>
    %dma_start3A_74 = arith.constant 0 : i32
    %dma_start3A_75 = arith.constant 0 : i32
    %dma_start3A_76 = tpu.memref_slice %arg2[%add3A_0, %dma_start3A_74, %dma_start3A_75] : memref<4x10000x32xf32, #tpu.memory_space<hbm>> -> memref<1x10000x32xf32, #tpu.memory_space<hbm>>
    %dma_start3A_77 = tpu.memref_squeeze %dma_start3A_76 : memref<1x10000x32xf32, #tpu.memory_space<hbm>> -> memref<10000x32xf32, #tpu.memory_space<hbm>>
    %dma_start3A_78 = arith.constant 0 : i32
    %dma_start3A_79 = arith.constant 0 : i32
    %dma_start3A_80 = tpu.memref_slice %dma_start3A_77[%dma_start3A_78, %dma_start3A_79] : memref<10000x32xf32, #tpu.memory_space<hbm>> -> memref<10000x32xf32, #tpu.memory_space<hbm>>
    tpu.enqueue_indirect_dma source(%dma_start3A_80 : memref<10000x32xf32, #tpu.memory_space<hbm>>) target(%dma_start3A_70 : memref<200x32xf32, #tpu.memory_space<vmem>>) offsets(%dma_start3A_73 : memref<200xi32, #tpu.memory_space<vmem>>) semaphore(%arg10 : memref<!tpu.dma_semaphore, #tpu.memory_space<semaphore_mem>>)
    %scan3A_81 = arith.constant 0 : i32
    %scan3A_82 = arith.constant 0 : i32
    %scan3A_83 = arith.constant 24 : i32
    %scan3A_84 = arith.addi %scan3A_82, %scan3A_83 : i32
    %scan3A_85 = arith.constant 1 : i32
    scf.for %scan3A_163 = %scan3A_82 to %scan3A_84 step %scan3A_85  : i32 {
      %mul3A_164 = arith.constant 4 : i32
      %mul3A_165 = arith.muli %scan3A_163, %mul3A_164 : i32
      %add3A_166 = arith.constant 0 : i32
      %add3A_167 = arith.addi %mul3A_165, %add3A_166 : i32
      %dma_wait3A_168 = arith.constant 0 : i32
      %dma_wait3A_169 = arith.constant 0 : i32
      %dma_wait3A_170 = arith.constant 0 : i32
      %dma_wait3A_171 = tpu.memref_slice %arg8[%dma_wait3A_168, %dma_wait3A_169, %dma_wait3A_170] : memref<4x200x32xf32, #tpu.memory_space<vmem>> -> memref<1x200x32xf32, #tpu.memory_space<vmem>>
      %dma_wait3A_172 = tpu.memref_squeeze %dma_wait3A_171 : memref<1x200x32xf32, #tpu.memory_space<vmem>> -> memref<200x32xf32, #tpu.memory_space<vmem>>
      %dma_wait3A_173 = arith.constant 0 : i32
      %dma_wait3A_174 = tpu.memref_slice %arg6[%add3A_167, %dma_wait3A_173] : memref<100x200xi32, #tpu.memory_space<vmem>> -> memref<1x200xi32, #tpu.memory_space<vmem>>
      %dma_wait3A_175 = tpu.memref_squeeze %dma_wait3A_174 : memref<1x200xi32, #tpu.memory_space<vmem>> -> memref<200xi32, #tpu.memory_space<vmem>>
      %dma_wait3A_176 = arith.constant 0 : i32
      %dma_wait3A_177 = arith.constant 0 : i32
      %dma_wait3A_178 = tpu.memref_slice %arg2[%add3A_0, %dma_wait3A_176, %dma_wait3A_177] : memref<4x10000x32xf32, #tpu.memory_space<hbm>> -> memref<1x10000x32xf32, #tpu.memory_space<hbm>>
      %dma_wait3A_179 = tpu.memref_squeeze %dma_wait3A_178 : memref<1x10000x32xf32, #tpu.memory_space<hbm>> -> memref<10000x32xf32, #tpu.memory_space<hbm>>
      %dma_wait3A_180 = arith.constant 0 : i32
      %dma_wait3A_181 = arith.constant 0 : i32
      %dma_wait3A_182 = tpu.memref_slice %dma_wait3A_179[%dma_wait3A_180, %dma_wait3A_181] : memref<10000x32xf32, #tpu.memory_space<hbm>> -> memref<10000x32xf32, #tpu.memory_space<hbm>>
      tpu.wait_indirect_dma semaphore(%arg10 : memref<!tpu.dma_semaphore, #tpu.memory_space<semaphore_mem>>) src(%dma_wait3A_182 : memref<10000x32xf32, #tpu.memory_space<hbm>>) dst(%dma_wait3A_172 : memref<200x32xf32, #tpu.memory_space<vmem>>)
      %run_scoped3A_183 = arith.constant 0 : i32
      "tpu.region"() ({
        %run_scoped3A_312 = tpu.sem_alloc : memref<!tpu.dma_semaphore, #tpu.memory_space<semaphore_mem>>
        %dma_start3A_313 = arith.constant 0 : i32
        %dma_start3A_314 = arith.constant 0 : i32
        %dma_start3A_315 = tpu.memref_slice %arg8[%run_scoped3A_183, %dma_start3A_313, %dma_start3A_314] : memref<4x200x32xf32, #tpu.memory_space<vmem>> -> memref<1x200x32xf32, #tpu.memory_space<vmem>>
        %dma_start3A_316 = tpu.memref_squeeze %dma_start3A_315 : memref<1x200x32xf32, #tpu.memory_space<vmem>> -> memref<200x32xf32, #tpu.memory_space<vmem>>
        %dma_start3A_317 = arith.constant 0 : i32
        %dma_start3A_318 = tpu.memref_slice %arg7[%add3A_167, %dma_start3A_317] : memref<100x200xi32, #tpu.memory_space<vmem>> -> memref<1x200xi32, #tpu.memory_space<vmem>>
        %dma_start3A_319 = tpu.memref_squeeze %dma_start3A_318 : memref<1x200xi32, #tpu.memory_space<vmem>> -> memref<200xi32, #tpu.memory_space<vmem>>
        %dma_start3A_320 = arith.constant 0 : i32
        %dma_start3A_321 = arith.constant 0 : i32
        %dma_start3A_322 = tpu.memref_slice %arg9[%dma_start3A_320, %dma_start3A_321] : memref<10000x32xf32, #tpu.memory_space<vmem_shared>> -> memref<10000x32xf32, #tpu.memory_space<vmem_shared>>
        tpu.enqueue_indirect_dma source(%dma_start3A_316 : memref<200x32xf32, #tpu.memory_space<vmem>>) target(%dma_start3A_322 : memref<10000x32xf32, #tpu.memory_space<vmem_shared>>) offsets(%dma_start3A_319 : memref<200xi32, #tpu.memory_space<vmem>>) semaphore(%run_scoped3A_312 : memref<!tpu.dma_semaphore, #tpu.memory_space<semaphore_mem>>) {add = true}
        %dma_wait3A_323 = arith.constant 0 : i32
        %dma_wait3A_324 = arith.constant 0 : i32
        %dma_wait3A_325 = tpu.memref_slice %arg8[%run_scoped3A_183, %dma_wait3A_323, %dma_wait3A_324] : memref<4x200x32xf32, #tpu.memory_space<vmem>> -> memref<1x200x32xf32, #tpu.memory_space<vmem>>
        %dma_wait3A_326 = tpu.memref_squeeze %dma_wait3A_325 : memref<1x200x32xf32, #tpu.memory_space<vmem>> -> memref<200x32xf32, #tpu.memory_space<vmem>>
        %dma_wait3A_327 = arith.constant 0 : i32
        %dma_wait3A_328 = tpu.memref_slice %arg7[%add3A_167, %dma_wait3A_327] : memref<100x200xi32, #tpu.memory_space<vmem>> -> memref<1x200xi32, #tpu.memory_space<vmem>>
        %dma_wait3A_329 = tpu.memref_squeeze %dma_wait3A_328 : memref<1x200xi32, #tpu.memory_space<vmem>> -> memref<200xi32, #tpu.memory_space<vmem>>
        %dma_wait3A_330 = arith.constant 0 : i32
        %dma_wait3A_331 = arith.constant 0 : i32
        %dma_wait3A_332 = tpu.memref_slice %arg9[%dma_wait3A_330, %dma_wait3A_331] : memref<10000x32xf32, #tpu.memory_space<vmem_shared>> -> memref<10000x32xf32, #tpu.memory_space<vmem_shared>>
        tpu.wait_indirect_dma semaphore(%run_scoped3A_312 : memref<!tpu.dma_semaphore, #tpu.memory_space<semaphore_mem>>) src(%dma_wait3A_326 : memref<200x32xf32, #tpu.memory_space<vmem>>) dst(%dma_wait3A_332 : memref<10000x32xf32, #tpu.memory_space<vmem_shared>>)
        tpu.yield
      }) : () -> ()
      %add3A_184 = arith.constant 4 : i32
      %add3A_185 = arith.addi %add3A_167, %add3A_184 : i32
      %dma_start3A_186 = arith.constant 0 : i32
      %dma_start3A_187 = arith.constant 0 : i32
      %dma_start3A_188 = arith.constant 0 : i32
      %dma_start3A_189 = tpu.memref_slice %arg8[%dma_start3A_186, %dma_start3A_187, %dma_start3A_188] : memref<4x200x32xf32, #tpu.memory_space<vmem>> -> memref<1x200x32xf32, #tpu.memory_space<vmem>>
      %dma_start3A_190 = tpu.memref_squeeze %dma_start3A_189 : memref<1x200x32xf32, #tpu.memory_space<vmem>> -> memref<200x32xf32, #tpu.memory_space<vmem>>
      %dma_start3A_191 = arith.constant 0 : i32
      %dma_start3A_192 = tpu.memref_slice %arg6[%add3A_185, %dma_start3A_191] : memref<100x200xi32, #tpu.memory_space<vmem>> -> memref<1x200xi32, #tpu.memory_space<vmem>>
      %dma_start3A_193 = tpu.memref_squeeze %dma_start3A_192 : memref<1x200xi32, #tpu.memory_space<vmem>> -> memref<200xi32, #tpu.memory_space<vmem>>
      %dma_start3A_194 = arith.constant 0 : i32
      %dma_start3A_195 = arith.constant 0 : i32
      %dma_start3A_196 = tpu.memref_slice %arg2[%add3A_0, %dma_start3A_194, %dma_start3A_195] : memref<4x10000x32xf32, #tpu.memory_space<hbm>> -> memref<1x10000x32xf32, #tpu.memory_space<hbm>>
      %dma_start3A_197 = tpu.memref_squeeze %dma_start3A_196 : memref<1x10000x32xf32, #tpu.memory_space<hbm>> -> memref<10000x32xf32, #tpu.memory_space<hbm>>
      %dma_start3A_198 = arith.constant 0 : i32
      %dma_start3A_199 = arith.constant 0 : i32
      %dma_start3A_200 = tpu.memref_slice %dma_start3A_197[%dma_start3A_198, %dma_start3A_199] : memref<10000x32xf32, #tpu.memory_space<hbm>> -> memref<10000x32xf32, #tpu.memory_space<hbm>>
      tpu.enqueue_indirect_dma source(%dma_start3A_200 : memref<10000x32xf32, #tpu.memory_space<hbm>>) target(%dma_start3A_190 : memref<200x32xf32, #tpu.memory_space<vmem>>) offsets(%dma_start3A_193 : memref<200xi32, #tpu.memory_space<vmem>>) semaphore(%arg10 : memref<!tpu.dma_semaphore, #tpu.memory_space<semaphore_mem>>)
      %mul3A_201 = arith.constant 4 : i32
      %mul3A_202 = arith.muli %scan3A_163, %mul3A_201 : i32
      %add3A_203 = arith.constant 1 : i32
      %add3A_204 = arith.addi %mul3A_202, %add3A_203 : i32
      %dma_wait3A_205 = arith.constant 1 : i32
      %dma_wait3A_206 = arith.constant 0 : i32
      %dma_wait3A_207 = arith.constant 0 : i32
      %dma_wait3A_208 = tpu.memref_slice %arg8[%dma_wait3A_205, %dma_wait3A_206, %dma_wait3A_207] : memref<4x200x32xf32, #tpu.memory_space<vmem>> -> memref<1x200x32xf32, #tpu.memory_space<vmem>>
      %dma_wait3A_209 = tpu.memref_squeeze %dma_wait3A_208 : memref<1x200x32xf32, #tpu.memory_space<vmem>> -> memref<200x32xf32, #tpu.memory_space<vmem>>
      %dma_wait3A_210 = arith.constant 0 : i32
      %dma_wait3A_211 = tpu.memref_slice %arg6[%add3A_204, %dma_wait3A_210] : memref<100x200xi32, #tpu.memory_space<vmem>> -> memref<1x200xi32, #tpu.memory_space<vmem>>
      %dma_wait3A_212 = tpu.memref_squeeze %dma_wait3A_211 : memref<1x200xi32, #tpu.memory_space<vmem>> -> memref<200xi32, #tpu.memory_space<vmem>>
      %dma_wait3A_213 = arith.constant 0 : i32
      %dma_wait3A_214 = arith.constant 0 : i32
      %dma_wait3A_215 = tpu.memref_slice %arg2[%add3A_0, %dma_wait3A_213, %dma_wait3A_214] : memref<4x10000x32xf32, #tpu.memory_space<hbm>> -> memref<1x10000x32xf32, #tpu.memory_space<hbm>>
      %dma_wait3A_216 = tpu.memref_squeeze %dma_wait3A_215 : memref<1x10000x32xf32, #tpu.memory_space<hbm>> -> memref<10000x32xf32, #tpu.memory_space<hbm>>
      %dma_wait3A_217 = arith.constant 0 : i32
      %dma_wait3A_218 = arith.constant 0 : i32
      %dma_wait3A_219 = tpu.memref_slice %dma_wait3A_216[%dma_wait3A_217, %dma_wait3A_218] : memref<10000x32xf32, #tpu.memory_space<hbm>> -> memref<10000x32xf32, #tpu.memory_space<hbm>>
      tpu.wait_indirect_dma semaphore(%arg10 : memref<!tpu.dma_semaphore, #tpu.memory_space<semaphore_mem>>) src(%dma_wait3A_219 : memref<10000x32xf32, #tpu.memory_space<hbm>>) dst(%dma_wait3A_209 : memref<200x32xf32, #tpu.memory_space<vmem>>)
      %run_scoped3A_220 = arith.constant 1 : i32
      "tpu.region"() ({
        %run_scoped3A_312 = tpu.sem_alloc : memref<!tpu.dma_semaphore, #tpu.memory_space<semaphore_mem>>
        %dma_start3A_313 = arith.constant 0 : i32
        %dma_start3A_314 = arith.constant 0 : i32
        %dma_start3A_315 = tpu.memref_slice %arg8[%run_scoped3A_220, %dma_start3A_313, %dma_start3A_314] : memref<4x200x32xf32, #tpu.memory_space<vmem>> -> memref<1x200x32xf32, #tpu.memory_space<vmem>>
        %dma_start3A_316 = tpu.memref_squeeze %dma_start3A_315 : memref<1x200x32xf32, #tpu.memory_space<vmem>> -> memref<200x32xf32, #tpu.memory_space<vmem>>
        %dma_start3A_317 = arith.constant 0 : i32
        %dma_start3A_318 = tpu.memref_slice %arg7[%add3A_204, %dma_start3A_317] : memref<100x200xi32, #tpu.memory_space<vmem>> -> memref<1x200xi32, #tpu.memory_space<vmem>>
        %dma_start3A_319 = tpu.memref_squeeze %dma_start3A_318 : memref<1x200xi32, #tpu.memory_space<vmem>> -> memref<200xi32, #tpu.memory_space<vmem>>
        %dma_start3A_320 = arith.constant 0 : i32
        %dma_start3A_321 = arith.constant 0 : i32
        %dma_start3A_322 = tpu.memref_slice %arg9[%dma_start3A_320, %dma_start3A_321] : memref<10000x32xf32, #tpu.memory_space<vmem_shared>> -> memref<10000x32xf32, #tpu.memory_space<vmem_shared>>
        tpu.enqueue_indirect_dma source(%dma_start3A_316 : memref<200x32xf32, #tpu.memory_space<vmem>>) target(%dma_start3A_322 : memref<10000x32xf32, #tpu.memory_space<vmem_shared>>) offsets(%dma_start3A_319 : memref<200xi32, #tpu.memory_space<vmem>>) semaphore(%run_scoped3A_312 : memref<!tpu.dma_semaphore, #tpu.memory_space<semaphore_mem>>) {add = true}
        %dma_wait3A_323 = arith.constant 0 : i32
        %dma_wait3A_324 = arith.constant 0 : i32
        %dma_wait3A_325 = tpu.memref_slice %arg8[%run_scoped3A_220, %dma_wait3A_323, %dma_wait3A_324] : memref<4x200x32xf32, #tpu.memory_space<vmem>> -> memref<1x200x32xf32, #tpu.memory_space<vmem>>
        %dma_wait3A_326 = tpu.memref_squeeze %dma_wait3A_325 : memref<1x200x32xf32, #tpu.memory_space<vmem>> -> memref<200x32xf32, #tpu.memory_space<vmem>>
        %dma_wait3A_327 = arith.constant 0 : i32
        %dma_wait3A_328 = tpu.memref_slice %arg7[%add3A_204, %dma_wait3A_327] : memref<100x200xi32, #tpu.memory_space<vmem>> -> memref<1x200xi32, #tpu.memory_space<vmem>>
        %dma_wait3A_329 = tpu.memref_squeeze %dma_wait3A_328 : memref<1x200xi32, #tpu.memory_space<vmem>> -> memref<200xi32, #tpu.memory_space<vmem>>
        %dma_wait3A_330 = arith.constant 0 : i32
        %dma_wait3A_331 = arith.constant 0 : i32
        %dma_wait3A_332 = tpu.memref_slice %arg9[%dma_wait3A_330, %dma_wait3A_331] : memref<10000x32xf32, #tpu.memory_space<vmem_shared>> -> memref<10000x32xf32, #tpu.memory_space<vmem_shared>>
        tpu.wait_indirect_dma semaphore(%run_scoped3A_312 : memref<!tpu.dma_semaphore, #tpu.memory_space<semaphore_mem>>) src(%dma_wait3A_326 : memref<200x32xf32, #tpu.memory_space<vmem>>) dst(%dma_wait3A_332 : memref<10000x32xf32, #tpu.memory_space<vmem_shared>>)
        tpu.yield
      }) : () -> ()
      %add3A_221 = arith.constant 4 : i32
      %add3A_222 = arith.addi %add3A_204, %add3A_221 : i32
      %dma_start3A_223 = arith.constant 1 : i32
      %dma_start3A_224 = arith.constant 0 : i32
      %dma_start3A_225 = arith.constant 0 : i32
      %dma_start3A_226 = tpu.memref_slice %arg8[%dma_start3A_223, %dma_start3A_224, %dma_start3A_225] : memref<4x200x32xf32, #tpu.memory_space<vmem>> -> memref<1x200x32xf32, #tpu.memory_space<vmem>>
      %dma_start3A_227 = tpu.memref_squeeze %dma_start3A_226 : memref<1x200x32xf32, #tpu.memory_space<vmem>> -> memref<200x32xf32, #tpu.memory_space<vmem>>
      %dma_start3A_228 = arith.constant 0 : i32
      %dma_start3A_229 = tpu.memref_slice %arg6[%add3A_222, %dma_start3A_228] : memref<100x200xi32, #tpu.memory_space<vmem>> -> memref<1x200xi32, #tpu.memory_space<vmem>>
      %dma_start3A_230 = tpu.memref_squeeze %dma_start3A_229 : memref<1x200xi32, #tpu.memory_space<vmem>> -> memref<200xi32, #tpu.memory_space<vmem>>
      %dma_start3A_231 = arith.constant 0 : i32
      %dma_start3A_232 = arith.constant 0 : i32
      %dma_start3A_233 = tpu.memref_slice %arg2[%add3A_0, %dma_start3A_231, %dma_start3A_232] : memref<4x10000x32xf32, #tpu.memory_space<hbm>> -> memref<1x10000x32xf32, #tpu.memory_space<hbm>>
      %dma_start3A_234 = tpu.memref_squeeze %dma_start3A_233 : memref<1x10000x32xf32, #tpu.memory_space<hbm>> -> memref<10000x32xf32, #tpu.memory_space<hbm>>
      %dma_start3A_235 = arith.constant 0 : i32
      %dma_start3A_236 = arith.constant 0 : i32
      %dma_start3A_237 = tpu.memref_slice %dma_start3A_234[%dma_start3A_235, %dma_start3A_236] : memref<10000x32xf32, #tpu.memory_space<hbm>> -> memref<10000x32xf32, #tpu.memory_space<hbm>>
      tpu.enqueue_indirect_dma source(%dma_start3A_237 : memref<10000x32xf32, #tpu.memory_space<hbm>>) target(%dma_start3A_227 : memref<200x32xf32, #tpu.memory_space<vmem>>) offsets(%dma_start3A_230 : memref<200xi32, #tpu.memory_space<vmem>>) semaphore(%arg10 : memref<!tpu.dma_semaphore, #tpu.memory_space<semaphore_mem>>)
      %mul3A_238 = arith.constant 4 : i32
      %mul3A_239 = arith.muli %scan3A_163, %mul3A_238 : i32
      %add3A_240 = arith.constant 2 : i32
      %add3A_241 = arith.addi %mul3A_239, %add3A_240 : i32
      %dma_wait3A_242 = arith.constant 2 : i32
      %dma_wait3A_243 = arith.constant 0 : i32
      %dma_wait3A_244 = arith.constant 0 : i32
      %dma_wait3A_245 = tpu.memref_slice %arg8[%dma_wait3A_242, %dma_wait3A_243, %dma_wait3A_244] : memref<4x200x32xf32, #tpu.memory_space<vmem>> -> memref<1x200x32xf32, #tpu.memory_space<vmem>>
      %dma_wait3A_246 = tpu.memref_squeeze %dma_wait3A_245 : memref<1x200x32xf32, #tpu.memory_space<vmem>> -> memref<200x32xf32, #tpu.memory_space<vmem>>
      %dma_wait3A_247 = arith.constant 0 : i32
      %dma_wait3A_248 = tpu.memref_slice %arg6[%add3A_241, %dma_wait3A_247] : memref<100x200xi32, #tpu.memory_space<vmem>> -> memref<1x200xi32, #tpu.memory_space<vmem>>
      %dma_wait3A_249 = tpu.memref_squeeze %dma_wait3A_248 : memref<1x200xi32, #tpu.memory_space<vmem>> -> memref<200xi32, #tpu.memory_space<vmem>>
      %dma_wait3A_250 = arith.constant 0 : i32
      %dma_wait3A_251 = arith.constant 0 : i32
      %dma_wait3A_252 = tpu.memref_slice %arg2[%add3A_0, %dma_wait3A_250, %dma_wait3A_251] : memref<4x10000x32xf32, #tpu.memory_space<hbm>> -> memref<1x10000x32xf32, #tpu.memory_space<hbm>>
      %dma_wait3A_253 = tpu.memref_squeeze %dma_wait3A_252 : memref<1x10000x32xf32, #tpu.memory_space<hbm>> -> memref<10000x32xf32, #tpu.memory_space<hbm>>
      %dma_wait3A_254 = arith.constant 0 : i32
      %dma_wait3A_255 = arith.constant 0 : i32
      %dma_wait3A_256 = tpu.memref_slice %dma_wait3A_253[%dma_wait3A_254, %dma_wait3A_255] : memref<10000x32xf32, #tpu.memory_space<hbm>> -> memref<10000x32xf32, #tpu.memory_space<hbm>>
      tpu.wait_indirect_dma semaphore(%arg10 : memref<!tpu.dma_semaphore, #tpu.memory_space<semaphore_mem>>) src(%dma_wait3A_256 : memref<10000x32xf32, #tpu.memory_space<hbm>>) dst(%dma_wait3A_246 : memref<200x32xf32, #tpu.memory_space<vmem>>)
      %run_scoped3A_257 = arith.constant 2 : i32
      "tpu.region"() ({
        %run_scoped3A_312 = tpu.sem_alloc : memref<!tpu.dma_semaphore, #tpu.memory_space<semaphore_mem>>
        %dma_start3A_313 = arith.constant 0 : i32
        %dma_start3A_314 = arith.constant 0 : i32
        %dma_start3A_315 = tpu.memref_slice %arg8[%run_scoped3A_257, %dma_start3A_313, %dma_start3A_314] : memref<4x200x32xf32, #tpu.memory_space<vmem>> -> memref<1x200x32xf32, #tpu.memory_space<vmem>>
        %dma_start3A_316 = tpu.memref_squeeze %dma_start3A_315 : memref<1x200x32xf32, #tpu.memory_space<vmem>> -> memref<200x32xf32, #tpu.memory_space<vmem>>
        %dma_start3A_317 = arith.constant 0 : i32
        %dma_start3A_318 = tpu.memref_slice %arg7[%add3A_241, %dma_start3A_317] : memref<100x200xi32, #tpu.memory_space<vmem>> -> memref<1x200xi32, #tpu.memory_space<vmem>>
        %dma_start3A_319 = tpu.memref_squeeze %dma_start3A_318 : memref<1x200xi32, #tpu.memory_space<vmem>> -> memref<200xi32, #tpu.memory_space<vmem>>
        %dma_start3A_320 = arith.constant 0 : i32
        %dma_start3A_321 = arith.constant 0 : i32
        %dma_start3A_322 = tpu.memref_slice %arg9[%dma_start3A_320, %dma_start3A_321] : memref<10000x32xf32, #tpu.memory_space<vmem_shared>> -> memref<10000x32xf32, #tpu.memory_space<vmem_shared>>
        tpu.enqueue_indirect_dma source(%dma_start3A_316 : memref<200x32xf32, #tpu.memory_space<vmem>>) target(%dma_start3A_322 : memref<10000x32xf32, #tpu.memory_space<vmem_shared>>) offsets(%dma_start3A_319 : memref<200xi32, #tpu.memory_space<vmem>>) semaphore(%run_scoped3A_312 : memref<!tpu.dma_semaphore, #tpu.memory_space<semaphore_mem>>) {add = true}
        %dma_wait3A_323 = arith.constant 0 : i32
        %dma_wait3A_324 = arith.constant 0 : i32
        %dma_wait3A_325 = tpu.memref_slice %arg8[%run_scoped3A_257, %dma_wait3A_323, %dma_wait3A_324] : memref<4x200x32xf32, #tpu.memory_space<vmem>> -> memref<1x200x32xf32, #tpu.memory_space<vmem>>
        %dma_wait3A_326 = tpu.memref_squeeze %dma_wait3A_325 : memref<1x200x32xf32, #tpu.memory_space<vmem>> -> memref<200x32xf32, #tpu.memory_space<vmem>>
        %dma_wait3A_327 = arith.constant 0 : i32
        %dma_wait3A_328 = tpu.memref_slice %arg7[%add3A_241, %dma_wait3A_327] : memref<100x200xi32, #tpu.memory_space<vmem>> -> memref<1x200xi32, #tpu.memory_space<vmem>>
        %dma_wait3A_329 = tpu.memref_squeeze %dma_wait3A_328 : memref<1x200xi32, #tpu.memory_space<vmem>> -> memref<200xi32, #tpu.memory_space<vmem>>
        %dma_wait3A_330 = arith.constant 0 : i32
        %dma_wait3A_331 = arith.constant 0 : i32
        %dma_wait3A_332 = tpu.memref_slice %arg9[%dma_wait3A_330, %dma_wait3A_331] : memref<10000x32xf32, #tpu.memory_space<vmem_shared>> -> memref<10000x32xf32, #tpu.memory_space<vmem_shared>>
        tpu.wait_indirect_dma semaphore(%run_scoped3A_312 : memref<!tpu.dma_semaphore, #tpu.memory_space<semaphore_mem>>) src(%dma_wait3A_326 : memref<200x32xf32, #tpu.memory_space<vmem>>) dst(%dma_wait3A_332 : memref<10000x32xf32, #tpu.memory_space<vmem_shared>>)
        tpu.yield
      }) : () -> ()
      %add3A_258 = arith.constant 4 : i32
      %add3A_259 = arith.addi %add3A_241, %add3A_258 : i32
      %dma_start3A_260 = arith.constant 2 : i32
      %dma_start3A_261 = arith.constant 0 : i32
      %dma_start3A_262 = arith.constant 0 : i32
      %dma_start3A_263 = tpu.memref_slice %arg8[%dma_start3A_260, %dma_start3A_261, %dma_start3A_262] : memref<4x200x32xf32, #tpu.memory_space<vmem>> -> memref<1x200x32xf32, #tpu.memory_space<vmem>>
      %dma_start3A_264 = tpu.memref_squeeze %dma_start3A_263 : memref<1x200x32xf32, #tpu.memory_space<vmem>> -> memref<200x32xf32, #tpu.memory_space<vmem>>
      %dma_start3A_265 = arith.constant 0 : i32
      %dma_start3A_266 = tpu.memref_slice %arg6[%add3A_259, %dma_start3A_265] : memref<100x200xi32, #tpu.memory_space<vmem>> -> memref<1x200xi32, #tpu.memory_space<vmem>>
      %dma_start3A_267 = tpu.memref_squeeze %dma_start3A_266 : memref<1x200xi32, #tpu.memory_space<vmem>> -> memref<200xi32, #tpu.memory_space<vmem>>
      %dma_start3A_268 = arith.constant 0 : i32
      %dma_start3A_269 = arith.constant 0 : i32
      %dma_start3A_270 = tpu.memref_slice %arg2[%add3A_0, %dma_start3A_268, %dma_start3A_269] : memref<4x10000x32xf32, #tpu.memory_space<hbm>> -> memref<1x10000x32xf32, #tpu.memory_space<hbm>>
      %dma_start3A_271 = tpu.memref_squeeze %dma_start3A_270 : memref<1x10000x32xf32, #tpu.memory_space<hbm>> -> memref<10000x32xf32, #tpu.memory_space<hbm>>
      %dma_start3A_272 = arith.constant 0 : i32
      %dma_start3A_273 = arith.constant 0 : i32
      %dma_start3A_274 = tpu.memref_slice %dma_start3A_271[%dma_start3A_272, %dma_start3A_273] : memref<10000x32xf32, #tpu.memory_space<hbm>> -> memref<10000x32xf32, #tpu.memory_space<hbm>>
      tpu.enqueue_indirect_dma source(%dma_start3A_274 : memref<10000x32xf32, #tpu.memory_space<hbm>>) target(%dma_start3A_264 : memref<200x32xf32, #tpu.memory_space<vmem>>) offsets(%dma_start3A_267 : memref<200xi32, #tpu.memory_space<vmem>>) semaphore(%arg10 : memref<!tpu.dma_semaphore, #tpu.memory_space<semaphore_mem>>)
      %mul3A_275 = arith.constant 4 : i32
      %mul3A_276 = arith.muli %scan3A_163, %mul3A_275 : i32
      %add3A_277 = arith.constant 3 : i32
      %add3A_278 = arith.addi %mul3A_276, %add3A_277 : i32
      %dma_wait3A_279 = arith.constant 3 : i32
      %dma_wait3A_280 = arith.constant 0 : i32
      %dma_wait3A_281 = arith.constant 0 : i32
      %dma_wait3A_282 = tpu.memref_slice %arg8[%dma_wait3A_279, %dma_wait3A_280, %dma_wait3A_281] : memref<4x200x32xf32, #tpu.memory_space<vmem>> -> memref<1x200x32xf32, #tpu.memory_space<vmem>>
      %dma_wait3A_283 = tpu.memref_squeeze %dma_wait3A_282 : memref<1x200x32xf32, #tpu.memory_space<vmem>> -> memref<200x32xf32, #tpu.memory_space<vmem>>
      %dma_wait3A_284 = arith.constant 0 : i32
      %dma_wait3A_285 = tpu.memref_slice %arg6[%add3A_278, %dma_wait3A_284] : memref<100x200xi32, #tpu.memory_space<vmem>> -> memref<1x200xi32, #tpu.memory_space<vmem>>
      %dma_wait3A_286 = tpu.memref_squeeze %dma_wait3A_285 : memref<1x200xi32, #tpu.memory_space<vmem>> -> memref<200xi32, #tpu.memory_space<vmem>>
      %dma_wait3A_287 = arith.constant 0 : i32
      %dma_wait3A_288 = arith.constant 0 : i32
      %dma_wait3A_289 = tpu.memref_slice %arg2[%add3A_0, %dma_wait3A_287, %dma_wait3A_288] : memref<4x10000x32xf32, #tpu.memory_space<hbm>> -> memref<1x10000x32xf32, #tpu.memory_space<hbm>>
      %dma_wait3A_290 = tpu.memref_squeeze %dma_wait3A_289 : memref<1x10000x32xf32, #tpu.memory_space<hbm>> -> memref<10000x32xf32, #tpu.memory_space<hbm>>
      %dma_wait3A_291 = arith.constant 0 : i32
      %dma_wait3A_292 = arith.constant 0 : i32
      %dma_wait3A_293 = tpu.memref_slice %dma_wait3A_290[%dma_wait3A_291, %dma_wait3A_292] : memref<10000x32xf32, #tpu.memory_space<hbm>> -> memref<10000x32xf32, #tpu.memory_space<hbm>>
      tpu.wait_indirect_dma semaphore(%arg10 : memref<!tpu.dma_semaphore, #tpu.memory_space<semaphore_mem>>) src(%dma_wait3A_293 : memref<10000x32xf32, #tpu.memory_space<hbm>>) dst(%dma_wait3A_283 : memref<200x32xf32, #tpu.memory_space<vmem>>)
      %run_scoped3A_294 = arith.constant 3 : i32
      "tpu.region"() ({
        %run_scoped3A_312 = tpu.sem_alloc : memref<!tpu.dma_semaphore, #tpu.memory_space<semaphore_mem>>
        %dma_start3A_313 = arith.constant 0 : i32
        %dma_start3A_314 = arith.constant 0 : i32
        %dma_start3A_315 = tpu.memref_slice %arg8[%run_scoped3A_294, %dma_start3A_313, %dma_start3A_314] : memref<4x200x32xf32, #tpu.memory_space<vmem>> -> memref<1x200x32xf32, #tpu.memory_space<vmem>>
        %dma_start3A_316 = tpu.memref_squeeze %dma_start3A_315 : memref<1x200x32xf32, #tpu.memory_space<vmem>> -> memref<200x32xf32, #tpu.memory_space<vmem>>
        %dma_start3A_317 = arith.constant 0 : i32
        %dma_start3A_318 = tpu.memref_slice %arg7[%add3A_278, %dma_start3A_317] : memref<100x200xi32, #tpu.memory_space<vmem>> -> memref<1x200xi32, #tpu.memory_space<vmem>>
        %dma_start3A_319 = tpu.memref_squeeze %dma_start3A_318 : memref<1x200xi32, #tpu.memory_space<vmem>> -> memref<200xi32, #tpu.memory_space<vmem>>
        %dma_start3A_320 = arith.constant 0 : i32
        %dma_start3A_321 = arith.constant 0 : i32
        %dma_start3A_322 = tpu.memref_slice %arg9[%dma_start3A_320, %dma_start3A_321] : memref<10000x32xf32, #tpu.memory_space<vmem_shared>> -> memref<10000x32xf32, #tpu.memory_space<vmem_shared>>
        tpu.enqueue_indirect_dma source(%dma_start3A_316 : memref<200x32xf32, #tpu.memory_space<vmem>>) target(%dma_start3A_322 : memref<10000x32xf32, #tpu.memory_space<vmem_shared>>) offsets(%dma_start3A_319 : memref<200xi32, #tpu.memory_space<vmem>>) semaphore(%run_scoped3A_312 : memref<!tpu.dma_semaphore, #tpu.memory_space<semaphore_mem>>) {add = true}
        %dma_wait3A_323 = arith.constant 0 : i32
        %dma_wait3A_324 = arith.constant 0 : i32
        %dma_wait3A_325 = tpu.memref_slice %arg8[%run_scoped3A_294, %dma_wait3A_323, %dma_wait3A_324] : memref<4x200x32xf32, #tpu.memory_space<vmem>> -> memref<1x200x32xf32, #tpu.memory_space<vmem>>
        %dma_wait3A_326 = tpu.memref_squeeze %dma_wait3A_325 : memref<1x200x32xf32, #tpu.memory_space<vmem>> -> memref<200x32xf32, #tpu.memory_space<vmem>>
        %dma_wait3A_327 = arith.constant 0 : i32
        %dma_wait3A_328 = tpu.memref_slice %arg7[%add3A_278, %dma_wait3A_327] : memref<100x200xi32, #tpu.memory_space<vmem>> -> memref<1x200xi32, #tpu.memory_space<vmem>>
        %dma_wait3A_329 = tpu.memref_squeeze %dma_wait3A_328 : memref<1x200xi32, #tpu.memory_space<vmem>> -> memref<200xi32, #tpu.memory_space<vmem>>
        %dma_wait3A_330 = arith.constant 0 : i32
        %dma_wait3A_331 = arith.constant 0 : i32
        %dma_wait3A_332 = tpu.memref_slice %arg9[%dma_wait3A_330, %dma_wait3A_331] : memref<10000x32xf32, #tpu.memory_space<vmem_shared>> -> memref<10000x32xf32, #tpu.memory_space<vmem_shared>>
        tpu.wait_indirect_dma semaphore(%run_scoped3A_312 : memref<!tpu.dma_semaphore, #tpu.memory_space<semaphore_mem>>) src(%dma_wait3A_326 : memref<200x32xf32, #tpu.memory_space<vmem>>) dst(%dma_wait3A_332 : memref<10000x32xf32, #tpu.memory_space<vmem_shared>>)
        tpu.yield
      }) : () -> ()
      %add3A_295 = arith.constant 4 : i32
      %add3A_296 = arith.addi %add3A_278, %add3A_295 : i32
      %dma_start3A_297 = arith.constant 3 : i32
      %dma_start3A_298 = arith.constant 0 : i32
      %dma_start3A_299 = arith.constant 0 : i32
      %dma_start3A_300 = tpu.memref_slice %arg8[%dma_start3A_297, %dma_start3A_298, %dma_start3A_299] : memref<4x200x32xf32, #tpu.memory_space<vmem>> -> memref<1x200x32xf32, #tpu.memory_space<vmem>>
      %dma_start3A_301 = tpu.memref_squeeze %dma_start3A_300 : memref<1x200x32xf32, #tpu.memory_space<vmem>> -> memref<200x32xf32, #tpu.memory_space<vmem>>
      %dma_start3A_302 = arith.constant 0 : i32
      %dma_start3A_303 = tpu.memref_slice %arg6[%add3A_296, %dma_start3A_302] : memref<100x200xi32, #tpu.memory_space<vmem>> -> memref<1x200xi32, #tpu.memory_space<vmem>>
      %dma_start3A_304 = tpu.memref_squeeze %dma_start3A_303 : memref<1x200xi32, #tpu.memory_space<vmem>> -> memref<200xi32, #tpu.memory_space<vmem>>
      %dma_start3A_305 = arith.constant 0 : i32
      %dma_start3A_306 = arith.constant 0 : i32
      %dma_start3A_307 = tpu.memref_slice %arg2[%add3A_0, %dma_start3A_305, %dma_start3A_306] : memref<4x10000x32xf32, #tpu.memory_space<hbm>> -> memref<1x10000x32xf32, #tpu.memory_space<hbm>>
      %dma_start3A_308 = tpu.memref_squeeze %dma_start3A_307 : memref<1x10000x32xf32, #tpu.memory_space<hbm>> -> memref<10000x32xf32, #tpu.memory_space<hbm>>
      %dma_start3A_309 = arith.constant 0 : i32
      %dma_start3A_310 = arith.constant 0 : i32
      %dma_start3A_311 = tpu.memref_slice %dma_start3A_308[%dma_start3A_309, %dma_start3A_310] : memref<10000x32xf32, #tpu.memory_space<hbm>> -> memref<10000x32xf32, #tpu.memory_space<hbm>>
      tpu.enqueue_indirect_dma source(%dma_start3A_311 : memref<10000x32xf32, #tpu.memory_space<hbm>>) target(%dma_start3A_301 : memref<200x32xf32, #tpu.memory_space<vmem>>) offsets(%dma_start3A_304 : memref<200xi32, #tpu.memory_space<vmem>>) semaphore(%arg10 : memref<!tpu.dma_semaphore, #tpu.memory_space<semaphore_mem>>)
    }
    %scan3A_86 = arith.constant 24 : i32
    %dma_wait3A = arith.constant 96 : i32
    %dma_wait3A_87 = arith.constant 0 : i32
    %dma_wait3A_88 = arith.constant 0 : i32
    %dma_wait3A_89 = arith.constant 0 : i32
    %dma_wait3A_90 = tpu.memref_slice %arg8[%dma_wait3A_87, %dma_wait3A_88, %dma_wait3A_89] : memref<4x200x32xf32, #tpu.memory_space<vmem>> -> memref<1x200x32xf32, #tpu.memory_space<vmem>>
    %dma_wait3A_91 = tpu.memref_squeeze %dma_wait3A_90 : memref<1x200x32xf32, #tpu.memory_space<vmem>> -> memref<200x32xf32, #tpu.memory_space<vmem>>
    %dma_wait3A_92 = arith.constant 0 : i32
    %dma_wait3A_93 = tpu.memref_slice %arg6[%dma_wait3A, %dma_wait3A_92] : memref<100x200xi32, #tpu.memory_space<vmem>> -> memref<1x200xi32, #tpu.memory_space<vmem>>
    %dma_wait3A_94 = tpu.memref_squeeze %dma_wait3A_93 : memref<1x200xi32, #tpu.memory_space<vmem>> -> memref<200xi32, #tpu.memory_space<vmem>>
    %dma_wait3A_95 = arith.constant 0 : i32
    %dma_wait3A_96 = arith.constant 0 : i32
    %dma_wait3A_97 = tpu.memref_slice %arg2[%add3A_0, %dma_wait3A_95, %dma_wait3A_96] : memref<4x10000x32xf32, #tpu.memory_space<hbm>> -> memref<1x10000x32xf32, #tpu.memory_space<hbm>>
    %dma_wait3A_98 = tpu.memref_squeeze %dma_wait3A_97 : memref<1x10000x32xf32, #tpu.memory_space<hbm>> -> memref<10000x32xf32, #tpu.memory_space<hbm>>
    %dma_wait3A_99 = arith.constant 0 : i32
    %dma_wait3A_100 = arith.constant 0 : i32
    %dma_wait3A_101 = tpu.memref_slice %dma_wait3A_98[%dma_wait3A_99, %dma_wait3A_100] : memref<10000x32xf32, #tpu.memory_space<hbm>> -> memref<10000x32xf32, #tpu.memory_space<hbm>>
    tpu.wait_indirect_dma semaphore(%arg10 : memref<!tpu.dma_semaphore, #tpu.memory_space<semaphore_mem>>) src(%dma_wait3A_101 : memref<10000x32xf32, #tpu.memory_space<hbm>>) dst(%dma_wait3A_91 : memref<200x32xf32, #tpu.memory_space<vmem>>)
    %run_scoped3A_102 = arith.constant 0 : i32
    %run_scoped3A_103 = arith.constant 96 : i32
    "tpu.region"() ({
      %run_scoped3A_163 = tpu.sem_alloc : memref<!tpu.dma_semaphore, #tpu.memory_space<semaphore_mem>>
      %dma_start3A_164 = arith.constant 0 : i32
      %dma_start3A_165 = arith.constant 0 : i32
      %dma_start3A_166 = tpu.memref_slice %arg8[%run_scoped3A_102, %dma_start3A_164, %dma_start3A_165] : memref<4x200x32xf32, #tpu.memory_space<vmem>> -> memref<1x200x32xf32, #tpu.memory_space<vmem>>
      %dma_start3A_167 = tpu.memref_squeeze %dma_start3A_166 : memref<1x200x32xf32, #tpu.memory_space<vmem>> -> memref<200x32xf32, #tpu.memory_space<vmem>>
      %dma_start3A_168 = arith.constant 0 : i32
      %dma_start3A_169 = tpu.memref_slice %arg7[%run_scoped3A_103, %dma_start3A_168] : memref<100x200xi32, #tpu.memory_space<vmem>> -> memref<1x200xi32, #tpu.memory_space<vmem>>
      %dma_start3A_170 = tpu.memref_squeeze %dma_start3A_169 : memref<1x200xi32, #tpu.memory_space<vmem>> -> memref<200xi32, #tpu.memory_space<vmem>>
      %dma_start3A_171 = arith.constant 0 : i32
      %dma_start3A_172 = arith.constant 0 : i32
      %dma_start3A_173 = tpu.memref_slice %arg9[%dma_start3A_171, %dma_start3A_172] : memref<10000x32xf32, #tpu.memory_space<vmem_shared>> -> memref<10000x32xf32, #tpu.memory_space<vmem_shared>>
      tpu.enqueue_indirect_dma source(%dma_start3A_167 : memref<200x32xf32, #tpu.memory_space<vmem>>) target(%dma_start3A_173 : memref<10000x32xf32, #tpu.memory_space<vmem_shared>>) offsets(%dma_start3A_170 : memref<200xi32, #tpu.memory_space<vmem>>) semaphore(%run_scoped3A_163 : memref<!tpu.dma_semaphore, #tpu.memory_space<semaphore_mem>>) {add = true}
      %dma_wait3A_174 = arith.constant 0 : i32
      %dma_wait3A_175 = arith.constant 0 : i32
      %dma_wait3A_176 = tpu.memref_slice %arg8[%run_scoped3A_102, %dma_wait3A_174, %dma_wait3A_175] : memref<4x200x32xf32, #tpu.memory_space<vmem>> -> memref<1x200x32xf32, #tpu.memory_space<vmem>>
      %dma_wait3A_177 = tpu.memref_squeeze %dma_wait3A_176 : memref<1x200x32xf32, #tpu.memory_space<vmem>> -> memref<200x32xf32, #tpu.memory_space<vmem>>
      %dma_wait3A_178 = arith.constant 0 : i32
      %dma_wait3A_179 = tpu.memref_slice %arg7[%run_scoped3A_103, %dma_wait3A_178] : memref<100x200xi32, #tpu.memory_space<vmem>> -> memref<1x200xi32, #tpu.memory_space<vmem>>
      %dma_wait3A_180 = tpu.memref_squeeze %dma_wait3A_179 : memref<1x200xi32, #tpu.memory_space<vmem>> -> memref<200xi32, #tpu.memory_space<vmem>>
      %dma_wait3A_181 = arith.constant 0 : i32
      %dma_wait3A_182 = arith.constant 0 : i32
      %dma_wait3A_183 = tpu.memref_slice %arg9[%dma_wait3A_181, %dma_wait3A_182] : memref<10000x32xf32, #tpu.memory_space<vmem_shared>> -> memref<10000x32xf32, #tpu.memory_space<vmem_shared>>
      tpu.wait_indirect_dma semaphore(%run_scoped3A_163 : memref<!tpu.dma_semaphore, #tpu.memory_space<semaphore_mem>>) src(%dma_wait3A_177 : memref<200x32xf32, #tpu.memory_space<vmem>>) dst(%dma_wait3A_183 : memref<10000x32xf32, #tpu.memory_space<vmem_shared>>)
      tpu.yield
    }) : () -> ()
    %dma_wait3A_104 = arith.constant 97 : i32
    %dma_wait3A_105 = arith.constant 1 : i32
    %dma_wait3A_106 = arith.constant 0 : i32
    %dma_wait3A_107 = arith.constant 0 : i32
    %dma_wait3A_108 = tpu.memref_slice %arg8[%dma_wait3A_105, %dma_wait3A_106, %dma_wait3A_107] : memref<4x200x32xf32, #tpu.memory_space<vmem>> -> memref<1x200x32xf32, #tpu.memory_space<vmem>>
    %dma_wait3A_109 = tpu.memref_squeeze %dma_wait3A_108 : memref<1x200x32xf32, #tpu.memory_space<vmem>> -> memref<200x32xf32, #tpu.memory_space<vmem>>
    %dma_wait3A_110 = arith.constant 0 : i32
    %dma_wait3A_111 = tpu.memref_slice %arg6[%dma_wait3A_104, %dma_wait3A_110] : memref<100x200xi32, #tpu.memory_space<vmem>> -> memref<1x200xi32, #tpu.memory_space<vmem>>
    %dma_wait3A_112 = tpu.memref_squeeze %dma_wait3A_111 : memref<1x200xi32, #tpu.memory_space<vmem>> -> memref<200xi32, #tpu.memory_space<vmem>>
    %dma_wait3A_113 = arith.constant 0 : i32
    %dma_wait3A_114 = arith.constant 0 : i32
    %dma_wait3A_115 = tpu.memref_slice %arg2[%add3A_0, %dma_wait3A_113, %dma_wait3A_114] : memref<4x10000x32xf32, #tpu.memory_space<hbm>> -> memref<1x10000x32xf32, #tpu.memory_space<hbm>>
    %dma_wait3A_116 = tpu.memref_squeeze %dma_wait3A_115 : memref<1x10000x32xf32, #tpu.memory_space<hbm>> -> memref<10000x32xf32, #tpu.memory_space<hbm>>
    %dma_wait3A_117 = arith.constant 0 : i32
    %dma_wait3A_118 = arith.constant 0 : i32
    %dma_wait3A_119 = tpu.memref_slice %dma_wait3A_116[%dma_wait3A_117, %dma_wait3A_118] : memref<10000x32xf32, #tpu.memory_space<hbm>> -> memref<10000x32xf32, #tpu.memory_space<hbm>>
    tpu.wait_indirect_dma semaphore(%arg10 : memref<!tpu.dma_semaphore, #tpu.memory_space<semaphore_mem>>) src(%dma_wait3A_119 : memref<10000x32xf32, #tpu.memory_space<hbm>>) dst(%dma_wait3A_109 : memref<200x32xf32, #tpu.memory_space<vmem>>)
    %run_scoped3A_120 = arith.constant 1 : i32
    %run_scoped3A_121 = arith.constant 97 : i32
    "tpu.region"() ({
      %run_scoped3A_163 = tpu.sem_alloc : memref<!tpu.dma_semaphore, #tpu.memory_space<semaphore_mem>>
      %dma_start3A_164 = arith.constant 0 : i32
      %dma_start3A_165 = arith.constant 0 : i32
      %dma_start3A_166 = tpu.memref_slice %arg8[%run_scoped3A_120, %dma_start3A_164, %dma_start3A_165] : memref<4x200x32xf32, #tpu.memory_space<vmem>> -> memref<1x200x32xf32, #tpu.memory_space<vmem>>
      %dma_start3A_167 = tpu.memref_squeeze %dma_start3A_166 : memref<1x200x32xf32, #tpu.memory_space<vmem>> -> memref<200x32xf32, #tpu.memory_space<vmem>>
      %dma_start3A_168 = arith.constant 0 : i32
      %dma_start3A_169 = tpu.memref_slice %arg7[%run_scoped3A_121, %dma_start3A_168] : memref<100x200xi32, #tpu.memory_space<vmem>> -> memref<1x200xi32, #tpu.memory_space<vmem>>
      %dma_start3A_170 = tpu.memref_squeeze %dma_start3A_169 : memref<1x200xi32, #tpu.memory_space<vmem>> -> memref<200xi32, #tpu.memory_space<vmem>>
      %dma_start3A_171 = arith.constant 0 : i32
      %dma_start3A_172 = arith.constant 0 : i32
      %dma_start3A_173 = tpu.memref_slice %arg9[%dma_start3A_171, %dma_start3A_172] : memref<10000x32xf32, #tpu.memory_space<vmem_shared>> -> memref<10000x32xf32, #tpu.memory_space<vmem_shared>>
      tpu.enqueue_indirect_dma source(%dma_start3A_167 : memref<200x32xf32, #tpu.memory_space<vmem>>) target(%dma_start3A_173 : memref<10000x32xf32, #tpu.memory_space<vmem_shared>>) offsets(%dma_start3A_170 : memref<200xi32, #tpu.memory_space<vmem>>) semaphore(%run_scoped3A_163 : memref<!tpu.dma_semaphore, #tpu.memory_space<semaphore_mem>>) {add = true}
      %dma_wait3A_174 = arith.constant 0 : i32
      %dma_wait3A_175 = arith.constant 0 : i32
      %dma_wait3A_176 = tpu.memref_slice %arg8[%run_scoped3A_120, %dma_wait3A_174, %dma_wait3A_175] : memref<4x200x32xf32, #tpu.memory_space<vmem>> -> memref<1x200x32xf32, #tpu.memory_space<vmem>>
      %dma_wait3A_177 = tpu.memref_squeeze %dma_wait3A_176 : memref<1x200x32xf32, #tpu.memory_space<vmem>> -> memref<200x32xf32, #tpu.memory_space<vmem>>
      %dma_wait3A_178 = arith.constant 0 : i32
      %dma_wait3A_179 = tpu.memref_slice %arg7[%run_scoped3A_121, %dma_wait3A_178] : memref<100x200xi32, #tpu.memory_space<vmem>> -> memref<1x200xi32, #tpu.memory_space<vmem>>
      %dma_wait3A_180 = tpu.memref_squeeze %dma_wait3A_179 : memref<1x200xi32, #tpu.memory_space<vmem>> -> memref<200xi32, #tpu.memory_space<vmem>>
      %dma_wait3A_181 = arith.constant 0 : i32
      %dma_wait3A_182 = arith.constant 0 : i32
      %dma_wait3A_183 = tpu.memref_slice %arg9[%dma_wait3A_181, %dma_wait3A_182] : memref<10000x32xf32, #tpu.memory_space<vmem_shared>> -> memref<10000x32xf32, #tpu.memory_space<vmem_shared>>
      tpu.wait_indirect_dma semaphore(%run_scoped3A_163 : memref<!tpu.dma_semaphore, #tpu.memory_space<semaphore_mem>>) src(%dma_wait3A_177 : memref<200x32xf32, #tpu.memory_space<vmem>>) dst(%dma_wait3A_183 : memref<10000x32xf32, #tpu.memory_space<vmem_shared>>)
      tpu.yield
    }) : () -> ()
    %dma_wait3A_122 = arith.constant 98 : i32
    %dma_wait3A_123 = arith.constant 2 : i32
    %dma_wait3A_124 = arith.constant 0 : i32
    %dma_wait3A_125 = arith.constant 0 : i32
    %dma_wait3A_126 = tpu.memref_slice %arg8[%dma_wait3A_123, %dma_wait3A_124, %dma_wait3A_125] : memref<4x200x32xf32, #tpu.memory_space<vmem>> -> memref<1x200x32xf32, #tpu.memory_space<vmem>>
    %dma_wait3A_127 = tpu.memref_squeeze %dma_wait3A_126 : memref<1x200x32xf32, #tpu.memory_space<vmem>> -> memref<200x32xf32, #tpu.memory_space<vmem>>
    %dma_wait3A_128 = arith.constant 0 : i32
    %dma_wait3A_129 = tpu.memref_slice %arg6[%dma_wait3A_122, %dma_wait3A_128] : memref<100x200xi32, #tpu.memory_space<vmem>> -> memref<1x200xi32, #tpu.memory_space<vmem>>
    %dma_wait3A_130 = tpu.memref_squeeze %dma_wait3A_129 : memref<1x200xi32, #tpu.memory_space<vmem>> -> memref<200xi32, #tpu.memory_space<vmem>>
    %dma_wait3A_131 = arith.constant 0 : i32
    %dma_wait3A_132 = arith.constant 0 : i32
    %dma_wait3A_133 = tpu.memref_slice %arg2[%add3A_0, %dma_wait3A_131, %dma_wait3A_132] : memref<4x10000x32xf32, #tpu.memory_space<hbm>> -> memref<1x10000x32xf32, #tpu.memory_space<hbm>>
    %dma_wait3A_134 = tpu.memref_squeeze %dma_wait3A_133 : memref<1x10000x32xf32, #tpu.memory_space<hbm>> -> memref<10000x32xf32, #tpu.memory_space<hbm>>
    %dma_wait3A_135 = arith.constant 0 : i32
    %dma_wait3A_136 = arith.constant 0 : i32
    %dma_wait3A_137 = tpu.memref_slice %dma_wait3A_134[%dma_wait3A_135, %dma_wait3A_136] : memref<10000x32xf32, #tpu.memory_space<hbm>> -> memref<10000x32xf32, #tpu.memory_space<hbm>>
    tpu.wait_indirect_dma semaphore(%arg10 : memref<!tpu.dma_semaphore, #tpu.memory_space<semaphore_mem>>) src(%dma_wait3A_137 : memref<10000x32xf32, #tpu.memory_space<hbm>>) dst(%dma_wait3A_127 : memref<200x32xf32, #tpu.memory_space<vmem>>)
    %run_scoped3A_138 = arith.constant 2 : i32
    %run_scoped3A_139 = arith.constant 98 : i32
    "tpu.region"() ({
      %run_scoped3A_163 = tpu.sem_alloc : memref<!tpu.dma_semaphore, #tpu.memory_space<semaphore_mem>>
      %dma_start3A_164 = arith.constant 0 : i32
      %dma_start3A_165 = arith.constant 0 : i32
      %dma_start3A_166 = tpu.memref_slice %arg8[%run_scoped3A_138, %dma_start3A_164, %dma_start3A_165] : memref<4x200x32xf32, #tpu.memory_space<vmem>> -> memref<1x200x32xf32, #tpu.memory_space<vmem>>
      %dma_start3A_167 = tpu.memref_squeeze %dma_start3A_166 : memref<1x200x32xf32, #tpu.memory_space<vmem>> -> memref<200x32xf32, #tpu.memory_space<vmem>>
      %dma_start3A_168 = arith.constant 0 : i32
      %dma_start3A_169 = tpu.memref_slice %arg7[%run_scoped3A_139, %dma_start3A_168] : memref<100x200xi32, #tpu.memory_space<vmem>> -> memref<1x200xi32, #tpu.memory_space<vmem>>
      %dma_start3A_170 = tpu.memref_squeeze %dma_start3A_169 : memref<1x200xi32, #tpu.memory_space<vmem>> -> memref<200xi32, #tpu.memory_space<vmem>>
      %dma_start3A_171 = arith.constant 0 : i32
      %dma_start3A_172 = arith.constant 0 : i32
      %dma_start3A_173 = tpu.memref_slice %arg9[%dma_start3A_171, %dma_start3A_172] : memref<10000x32xf32, #tpu.memory_space<vmem_shared>> -> memref<10000x32xf32, #tpu.memory_space<vmem_shared>>
      tpu.enqueue_indirect_dma source(%dma_start3A_167 : memref<200x32xf32, #tpu.memory_space<vmem>>) target(%dma_start3A_173 : memref<10000x32xf32, #tpu.memory_space<vmem_shared>>) offsets(%dma_start3A_170 : memref<200xi32, #tpu.memory_space<vmem>>) semaphore(%run_scoped3A_163 : memref<!tpu.dma_semaphore, #tpu.memory_space<semaphore_mem>>) {add = true}
      %dma_wait3A_174 = arith.constant 0 : i32
      %dma_wait3A_175 = arith.constant 0 : i32
      %dma_wait3A_176 = tpu.memref_slice %arg8[%run_scoped3A_138, %dma_wait3A_174, %dma_wait3A_175] : memref<4x200x32xf32, #tpu.memory_space<vmem>> -> memref<1x200x32xf32, #tpu.memory_space<vmem>>
      %dma_wait3A_177 = tpu.memref_squeeze %dma_wait3A_176 : memref<1x200x32xf32, #tpu.memory_space<vmem>> -> memref<200x32xf32, #tpu.memory_space<vmem>>
      %dma_wait3A_178 = arith.constant 0 : i32
      %dma_wait3A_179 = tpu.memref_slice %arg7[%run_scoped3A_139, %dma_wait3A_178] : memref<100x200xi32, #tpu.memory_space<vmem>> -> memref<1x200xi32, #tpu.memory_space<vmem>>
      %dma_wait3A_180 = tpu.memref_squeeze %dma_wait3A_179 : memref<1x200xi32, #tpu.memory_space<vmem>> -> memref<200xi32, #tpu.memory_space<vmem>>
      %dma_wait3A_181 = arith.constant 0 : i32
      %dma_wait3A_182 = arith.constant 0 : i32
      %dma_wait3A_183 = tpu.memref_slice %arg9[%dma_wait3A_181, %dma_wait3A_182] : memref<10000x32xf32, #tpu.memory_space<vmem_shared>> -> memref<10000x32xf32, #tpu.memory_space<vmem_shared>>
      tpu.wait_indirect_dma semaphore(%run_scoped3A_163 : memref<!tpu.dma_semaphore, #tpu.memory_space<semaphore_mem>>) src(%dma_wait3A_177 : memref<200x32xf32, #tpu.memory_space<vmem>>) dst(%dma_wait3A_183 : memref<10000x32xf32, #tpu.memory_space<vmem_shared>>)
      tpu.yield
    }) : () -> ()
    %dma_wait3A_140 = arith.constant 99 : i32
    %dma_wait3A_141 = arith.constant 3 : i32
    %dma_wait3A_142 = arith.constant 0 : i32
    %dma_wait3A_143 = arith.constant 0 : i32
    %dma_wait3A_144 = tpu.memref_slice %arg8[%dma_wait3A_141, %dma_wait3A_142, %dma_wait3A_143] : memref<4x200x32xf32, #tpu.memory_space<vmem>> -> memref<1x200x32xf32, #tpu.memory_space<vmem>>
    %dma_wait3A_145 = tpu.memref_squeeze %dma_wait3A_144 : memref<1x200x32xf32, #tpu.memory_space<vmem>> -> memref<200x32xf32, #tpu.memory_space<vmem>>
    %dma_wait3A_146 = arith.constant 0 : i32
    %dma_wait3A_147 = tpu.memref_slice %arg6[%dma_wait3A_140, %dma_wait3A_146] : memref<100x200xi32, #tpu.memory_space<vmem>> -> memref<1x200xi32, #tpu.memory_space<vmem>>
    %dma_wait3A_148 = tpu.memref_squeeze %dma_wait3A_147 : memref<1x200xi32, #tpu.memory_space<vmem>> -> memref<200xi32, #tpu.memory_space<vmem>>
    %dma_wait3A_149 = arith.constant 0 : i32
    %dma_wait3A_150 = arith.constant 0 : i32
    %dma_wait3A_151 = tpu.memref_slice %arg2[%add3A_0, %dma_wait3A_149, %dma_wait3A_150] : memref<4x10000x32xf32, #tpu.memory_space<hbm>> -> memref<1x10000x32xf32, #tpu.memory_space<hbm>>
    %dma_wait3A_152 = tpu.memref_squeeze %dma_wait3A_151 : memref<1x10000x32xf32, #tpu.memory_space<hbm>> -> memref<10000x32xf32, #tpu.memory_space<hbm>>
    %dma_wait3A_153 = arith.constant 0 : i32
    %dma_wait3A_154 = arith.constant 0 : i32
    %dma_wait3A_155 = tpu.memref_slice %dma_wait3A_152[%dma_wait3A_153, %dma_wait3A_154] : memref<10000x32xf32, #tpu.memory_space<hbm>> -> memref<10000x32xf32, #tpu.memory_space<hbm>>
    tpu.wait_indirect_dma semaphore(%arg10 : memref<!tpu.dma_semaphore, #tpu.memory_space<semaphore_mem>>) src(%dma_wait3A_155 : memref<10000x32xf32, #tpu.memory_space<hbm>>) dst(%dma_wait3A_145 : memref<200x32xf32, #tpu.memory_space<vmem>>)
    %run_scoped3A_156 = arith.constant 3 : i32
    %run_scoped3A_157 = arith.constant 99 : i32
    "tpu.region"() ({
      %run_scoped3A_163 = tpu.sem_alloc : memref<!tpu.dma_semaphore, #tpu.memory_space<semaphore_mem>>
      %dma_start3A_164 = arith.constant 0 : i32
      %dma_start3A_165 = arith.constant 0 : i32
      %dma_start3A_166 = tpu.memref_slice %arg8[%run_scoped3A_156, %dma_start3A_164, %dma_start3A_165] : memref<4x200x32xf32, #tpu.memory_space<vmem>> -> memref<1x200x32xf32, #tpu.memory_space<vmem>>
      %dma_start3A_167 = tpu.memref_squeeze %dma_start3A_166 : memref<1x200x32xf32, #tpu.memory_space<vmem>> -> memref<200x32xf32, #tpu.memory_space<vmem>>
      %dma_start3A_168 = arith.constant 0 : i32
      %dma_start3A_169 = tpu.memref_slice %arg7[%run_scoped3A_157, %dma_start3A_168] : memref<100x200xi32, #tpu.memory_space<vmem>> -> memref<1x200xi32, #tpu.memory_space<vmem>>
      %dma_start3A_170 = tpu.memref_squeeze %dma_start3A_169 : memref<1x200xi32, #tpu.memory_space<vmem>> -> memref<200xi32, #tpu.memory_space<vmem>>
      %dma_start3A_171 = arith.constant 0 : i32
      %dma_start3A_172 = arith.constant 0 : i32
      %dma_start3A_173 = tpu.memref_slice %arg9[%dma_start3A_171, %dma_start3A_172] : memref<10000x32xf32, #tpu.memory_space<vmem_shared>> -> memref<10000x32xf32, #tpu.memory_space<vmem_shared>>
      tpu.enqueue_indirect_dma source(%dma_start3A_167 : memref<200x32xf32, #tpu.memory_space<vmem>>) target(%dma_start3A_173 : memref<10000x32xf32, #tpu.memory_space<vmem_shared>>) offsets(%dma_start3A_170 : memref<200xi32, #tpu.memory_space<vmem>>) semaphore(%run_scoped3A_163 : memref<!tpu.dma_semaphore, #tpu.memory_space<semaphore_mem>>) {add = true}
      %dma_wait3A_174 = arith.constant 0 : i32
      %dma_wait3A_175 = arith.constant 0 : i32
      %dma_wait3A_176 = tpu.memref_slice %arg8[%run_scoped3A_156, %dma_wait3A_174, %dma_wait3A_175] : memref<4x200x32xf32, #tpu.memory_space<vmem>> -> memref<1x200x32xf32, #tpu.memory_space<vmem>>
      %dma_wait3A_177 = tpu.memref_squeeze %dma_wait3A_176 : memref<1x200x32xf32, #tpu.memory_space<vmem>> -> memref<200x32xf32, #tpu.memory_space<vmem>>
      %dma_wait3A_178 = arith.constant 0 : i32
      %dma_wait3A_179 = tpu.memref_slice %arg7[%run_scoped3A_157, %dma_wait3A_178] : memref<100x200xi32, #tpu.memory_space<vmem>> -> memref<1x200xi32, #tpu.memory_space<vmem>>
      %dma_wait3A_180 = tpu.memref_squeeze %dma_wait3A_179 : memref<1x200xi32, #tpu.memory_space<vmem>> -> memref<200xi32, #tpu.memory_space<vmem>>
      %dma_wait3A_181 = arith.constant 0 : i32
      %dma_wait3A_182 = arith.constant 0 : i32
      %dma_wait3A_183 = tpu.memref_slice %arg9[%dma_wait3A_181, %dma_wait3A_182] : memref<10000x32xf32, #tpu.memory_space<vmem_shared>> -> memref<10000x32xf32, #tpu.memory_space<vmem_shared>>
      tpu.wait_indirect_dma semaphore(%run_scoped3A_163 : memref<!tpu.dma_semaphore, #tpu.memory_space<semaphore_mem>>) src(%dma_wait3A_177 : memref<200x32xf32, #tpu.memory_space<vmem>>) dst(%dma_wait3A_183 : memref<10000x32xf32, #tpu.memory_space<vmem_shared>>)
      tpu.yield
    }) : () -> ()
    %barrier3A_158 = arith.constant 0 : index
    tpu.barrier barrier_id(%barrier3A_158)
    %mul3A_159 = arith.constant 625 : i32
    %mul3A_160 = arith.muli %arg1, %mul3A_159 : i32
    %mul3A_161 = arith.constant 625 : i32
    %mul3A_162 = arith.muli %arg1, %mul3A_161 : i32
    "tpu.region"() ({
      %run_scoped3A_163 = tpu.sem_alloc : memref<!tpu.dma_semaphore, #tpu.memory_space<semaphore_mem>>
      %dma_start3A_164 = arith.constant 0 : i32
      %dma_start3A_165 = tpu.memref_slice %arg5[%arg0, %mul3A_162, %dma_start3A_164] : memref<2x10000x32xf32, #tpu.memory_space<hbm>> -> memref<1x625x32xf32, #tpu.memory_space<hbm>>
      %dma_start3A_166 = tpu.memref_squeeze %dma_start3A_165 : memref<1x625x32xf32, #tpu.memory_space<hbm>> -> memref<625x32xf32, #tpu.memory_space<hbm>>
      %dma_start3A_167 = arith.constant 0 : i32
      %dma_start3A_168 = tpu.memref_slice %arg9[%mul3A_160, %dma_start3A_167] : memref<10000x32xf32, #tpu.memory_space<vmem_shared>> -> memref<625x32xf32, #tpu.memory_space<vmem_shared>>
      tpu.enqueue_dma source(%dma_start3A_168 : memref<625x32xf32, #tpu.memory_space<vmem_shared>>) target(%dma_start3A_166 : memref<625x32xf32, #tpu.memory_space<hbm>>) target_semaphore(%run_scoped3A_163 : memref<!tpu.dma_semaphore, #tpu.memory_space<semaphore_mem>>)
      %dma_wait3A_169 = arith.constant 0 : i32
      %dma_wait3A_170 = tpu.memref_slice %arg5[%arg0, %mul3A_162, %dma_wait3A_169] : memref<2x10000x32xf32, #tpu.memory_space<hbm>> -> memref<1x625x32xf32, #tpu.memory_space<hbm>>
      %dma_wait3A_171 = tpu.memref_squeeze %dma_wait3A_170 : memref<1x625x32xf32, #tpu.memory_space<hbm>> -> memref<625x32xf32, #tpu.memory_space<hbm>>
      %dma_wait3A_172 = arith.constant 0 : i32
      %dma_wait3A_173 = tpu.memref_slice %arg9[%mul3A_160, %dma_wait3A_172] : memref<10000x32xf32, #tpu.memory_space<vmem_shared>> -> memref<625x32xf32, #tpu.memory_space<vmem_shared>>
      tpu.wait_dma2 semaphore(%run_scoped3A_163 : memref<!tpu.dma_semaphore, #tpu.memory_space<semaphore_mem>>) src(%dma_wait3A_173 : memref<625x32xf32, #tpu.memory_space<vmem_shared>>) dst(%dma_wait3A_171 : memref<625x32xf32, #tpu.memory_space<hbm>>)
      tpu.yield
    }) : () -> ()
    return
  }
}

#map = affine_map<(d0, d1) -> (0, 0, 0)>
module attributes {stable_mosaic.version = 14 : i64} {
  func.func @k(%arg0: i32, %arg1: i32, %arg2: memref<4x10000x32xf32, #tpu.memory_space<hbm>>, %arg3: memref<16x100x200xi32, #tpu.memory_space<hbm>>, %arg4: memref<16x100x200xi32, #tpu.memory_space<hbm>>, %arg5: memref<2x10000x32xf32, #tpu.memory_space<hbm>>, %arg6: memref<100x200xi32, #tpu.memory_space<vmem>>, %arg7: memref<100x200xi32, #tpu.memory_space<vmem>>, %arg8: memref<4x200x32xf32, #tpu.memory_space<vmem>>, %arg9: memref<10000x32xf32, #tpu.memory_space<vmem_shared>>, %arg10: memref<!tpu.dma_semaphore, #tpu.memory_space<semaphore_mem>>) attributes {dimension_semantics = [#tpu.dimension_semantics<core_parallel>, #tpu.dimension_semantics<subcore_parallel>], iteration_bounds = array<i64: 2, 16>, scalar_prefetch = 0 : i64, scratch_operands = 5 : i64, tpu.core_type = #tpu.core_type<sc_vector_subcore>, window_params = [{transform_indices = #map}, {transform_indices = #map}, {transform_indices = #map}, {transform_indices = #map}]} {
    %add3A = arith.constant 0 : i32
    %add3A_0 = arith.addi %add3A, %arg0 : i32
    "tpu.region"() ({
      %run_scoped3A_163 = tpu.sem_alloc : memref<!tpu.dma_semaphore, #tpu.memory_space<semaphore_mem>>
      %dma_start3A_164 = arith.constant 0 : i32
      %dma_start3A_165 = arith.constant 0 : i32
      %dma_start3A_166 = tpu.memref_slice %arg3[%arg1, %dma_start3A_164, %dma_start3A_165] : memref<16x100x200xi32, #tpu.memory_space<hbm>> -> memref<1x100x200xi32, #tpu.memory_space<hbm>>
      %dma_start3A_167 = tpu.memref_squeeze %dma_start3A_166 : memref<1x100x200xi32, #tpu.memory_space<hbm>> -> memref<100x200xi32, #tpu.memory_space<hbm>>
      %dma_start3A_168 = arith.constant 0 : i32
      %dma_start3A_169 = arith.constant 0 : i32
      %dma_start3A_170 = tpu.memref_slice %arg3[%arg1, %dma_start3A_168, %dma_start3A_169] : memref<16x100x200xi32, #tpu.memory_space<hbm>> -> memref<1x100x200xi32, #tpu.memory_space<hbm>>
      %dma_start3A_171 = tpu.memref_squeeze %dma_start3A_170 : memref<1x100x200xi32, #tpu.memory_space<hbm>> -> memref<100x200xi32, #tpu.memory_space<hbm>>
      tpu.enqueue_dma source(%dma_start3A_171 : memref<100x200xi32, #tpu.memory_space<hbm>>) target(%arg6 : memref<100x200xi32, #tpu.memory_space<vmem>>) target_semaphore(%run_scoped3A_163 : memref<!tpu.dma_semaphore, #tpu.memory_space<semaphore_mem>>)
      %dma_wait3A_172 = arith.constant 0 : i32
      %dma_wait3A_173 = arith.constant 0 : i32
      %dma_wait3A_174 = tpu.memref_slice %arg3[%arg1, %dma_wait3A_172, %dma_wait3A_173] : memref<16x100x200xi32, #tpu.memory_space<hbm>> -> memref<1x100x200xi32, #tpu.memory_space<hbm>>
      %dma_wait3A_175 = tpu.memref_squeeze %dma_wait3A_174 : memref<1x100x200xi32, #tpu.memory_space<hbm>> -> memref<100x200xi32, #tpu.memory_space<hbm>>
      %dma_wait3A_176 = arith.constant 0 : i32
      %dma_wait3A_177 = arith.constant 0 : i32
      %dma_wait3A_178 = tpu.memref_slice %arg3[%arg1, %dma_wait3A_176, %dma_wait3A_177] : memref<16x100x200xi32, #tpu.memory_space<hbm>> -> memref<1x100x200xi32, #tpu.memory_space<hbm>>
      %dma_wait3A_179 = tpu.memref_squeeze %dma_wait3A_178 : memref<1x100x200xi32, #tpu.memory_space<hbm>> -> memref<100x200xi32, #tpu.memory_space<hbm>>
      tpu.wait_dma2 semaphore(%run_scoped3A_163 : memref<!tpu.dma_semaphore, #tpu.memory_space<semaphore_mem>>) src(%dma_wait3A_179 : memref<100x200xi32, #tpu.memory_space<hbm>>) dst(%arg6 : memref<100x200xi32, #tpu.memory_space<vmem>>)
      tpu.yield
    }) : () -> ()
    "tpu.region"() ({
      %run_scoped3A_163 = tpu.sem_alloc : memref<!tpu.dma_semaphore, #tpu.memory_space<semaphore_mem>>
      %dma_start3A_164 = arith.constant 0 : i32
      %dma_start3A_165 = arith.constant 0 : i32
      %dma_start3A_166 = tpu.memref_slice %arg4[%arg1, %dma_start3A_164, %dma_start3A_165] : memref<16x100x200xi32, #tpu.memory_space<hbm>> -> memref<1x100x200xi32, #tpu.memory_space<hbm>>
      %dma_start3A_167 = tpu.memref_squeeze %dma_start3A_166 : memref<1x100x200xi32, #tpu.memory_space<hbm>> -> memref<100x200xi32, #tpu.memory_space<hbm>>
      %dma_start3A_168 = arith.constant 0 : i32
      %dma_start3A_169 = arith.constant 0 : i32
      %dma_start3A_170 = tpu.memref_slice %arg4[%arg1, %dma_start3A_168, %dma_start3A_169] : memref<16x100x200xi32, #tpu.memory_space<hbm>> -> memref<1x100x200xi32, #tpu.memory_space<hbm>>
      %dma_start3A_171 = tpu.memref_squeeze %dma_start3A_170 : memref<1x100x200xi32, #tpu.memory_space<hbm>> -> memref<100x200xi32, #tpu.memory_space<hbm>>
      tpu.enqueue_dma source(%dma_start3A_171 : memref<100x200xi32, #tpu.memory_space<hbm>>) target(%arg7 : memref<100x200xi32, #tpu.memory_space<vmem>>) target_semaphore(%run_scoped3A_163 : memref<!tpu.dma_semaphore, #tpu.memory_space<semaphore_mem>>)
      %dma_wait3A_172 = arith.constant 0 : i32
      %dma_wait3A_173 = arith.constant 0 : i32
      %dma_wait3A_174 = tpu.memref_slice %arg4[%arg1, %dma_wait3A_172, %dma_wait3A_173] : memref<16x100x200xi32, #tpu.memory_space<hbm>> -> memref<1x100x200xi32, #tpu.memory_space<hbm>>
      %dma_wait3A_175 = tpu.memref_squeeze %dma_wait3A_174 : memref<1x100x200xi32, #tpu.memory_space<hbm>> -> memref<100x200xi32, #tpu.memory_space<hbm>>
      %dma_wait3A_176 = arith.constant 0 : i32
      %dma_wait3A_177 = arith.constant 0 : i32
      %dma_wait3A_178 = tpu.memref_slice %arg4[%arg1, %dma_wait3A_176, %dma_wait3A_177] : memref<16x100x200xi32, #tpu.memory_space<hbm>> -> memref<1x100x200xi32, #tpu.memory_space<hbm>>
      %dma_wait3A_179 = tpu.memref_squeeze %dma_wait3A_178 : memref<1x100x200xi32, #tpu.memory_space<hbm>> -> memref<100x200xi32, #tpu.memory_space<hbm>>
      tpu.wait_dma2 semaphore(%run_scoped3A_163 : memref<!tpu.dma_semaphore, #tpu.memory_space<semaphore_mem>>) src(%dma_wait3A_179 : memref<100x200xi32, #tpu.memory_space<hbm>>) dst(%arg7 : memref<100x200xi32, #tpu.memory_space<vmem>>)
      tpu.yield
    }) : () -> ()
    %scan3A = arith.constant 0 : i32
    %scan3A_1 = arith.constant 0 : i32
    %scan3A_2 = arith.constant 200 : i32
    %scan3A_3 = arith.addi %scan3A_1, %scan3A_2 : i32
    %scan3A_4 = arith.constant 1 : i32
    scf.for %scan3A_163 = %scan3A_1 to %scan3A_3 step %scan3A_4  : i32 {
      %broadcast_in_dim3A = arith.constant 0.000000e+00 : f32
      %broadcast_in_dim3A_164 = vector.broadcast %broadcast_in_dim3A : f32 to vector<16xf32>
      %swap3A = arith.constant 0 : i32
      %swap3A_165 = arith.index_cast %swap3A : i32 to index
      %swap3A_166 = arith.index_cast %scan3A_163 : i32 to index
      %swap3A_167 = arith.constant 0 : index
      %swap3A_168 = tpu.vector_load %arg8[%swap3A_165, %swap3A_166, %swap3A_167] {strides = array<i32>} : memref<4x200x32xf32, #tpu.memory_space<vmem>>, vector<1x1x16xf32>,
      %swap3A_169 = vector.shape_cast %swap3A_168 : vector<1x1x16xf32> to vector<16xf32>
      %swap3A_170 = vector.shape_cast %broadcast_in_dim3A_164 : vector<16xf32> to vector<1x1x16xf32>
      tpu.vector_store %arg8[%swap3A_165, %swap3A_166, %swap3A_167], %swap3A_170 {strides = array<i32>} : memref<4x200x32xf32, #tpu.memory_space<vmem>>, vector<1x1x16xf32>,
      %broadcast_in_dim3A_171 = arith.constant 0.000000e+00 : f32
      %broadcast_in_dim3A_172 = vector.broadcast %broadcast_in_dim3A_171 : f32 to vector<16xf32>
      %swap3A_173 = arith.constant 0 : i32
      %swap3A_174 = arith.index_cast %swap3A_173 : i32 to index
      %swap3A_175 = arith.index_cast %scan3A_163 : i32 to index
      %swap3A_176 = arith.constant 16 : index
      %swap3A_177 = tpu.vector_load %arg8[%swap3A_174, %swap3A_175, %swap3A_176] {strides = array<i32>} : memref<4x200x32xf32, #tpu.memory_space<vmem>>, vector<1x1x16xf32>,
      %swap3A_178 = vector.shape_cast %swap3A_177 : vector<1x1x16xf32> to vector<16xf32>
      %swap3A_179 = vector.shape_cast %broadcast_in_dim3A_172 : vector<16xf32> to vector<1x1x16xf32>
      tpu.vector_store %arg8[%swap3A_174, %swap3A_175, %swap3A_176], %swap3A_179 {strides = array<i32>} : memref<4x200x32xf32, #tpu.memory_space<vmem>>, vector<1x1x16xf32>,
    }
    %scan3A_5 = arith.constant 200 : i32
    %mul3A = arith.constant 625 : i32
    %mul3A_6 = arith.muli %arg1, %mul3A : i32
    %add3A_7 = arith.constant 0 : i32
    %add3A_8 = arith.addi %mul3A_6, %add3A_7 : i32
    %run_scoped3A = arith.constant 0 : i32
    "tpu.region"() ({
      %run_scoped3A_163 = tpu.sem_alloc : memref<!tpu.dma_semaphore, #tpu.memory_space<semaphore_mem>>
      %dma_start3A_164 = arith.constant 0 : i32
      %dma_start3A_165 = arith.constant 0 : i32
      %dma_start3A_166 = tpu.memref_slice %arg8[%run_scoped3A, %dma_start3A_164, %dma_start3A_165] : memref<4x200x32xf32, #tpu.memory_space<vmem>> -> memref<1x200x32xf32, #tpu.memory_space<vmem>>
      %dma_start3A_167 = tpu.memref_squeeze %dma_start3A_166 : memref<1x200x32xf32, #tpu.memory_space<vmem>> -> memref<200x32xf32, #tpu.memory_space<vmem>>
      %dma_start3A_168 = arith.constant 0 : i32
      %dma_start3A_169 = tpu.memref_slice %arg9[%add3A_8, %dma_start3A_168] : memref<10000x32xf32, #tpu.memory_space<vmem_shared>> -> memref<200x32xf32, #tpu.memory_space<vmem_shared>>
      %dma_start3A_170 = arith.constant 0 : i32
      %dma_start3A_171 = tpu.memref_slice %arg9[%add3A_8, %dma_start3A_170] : memref<10000x32xf32, #tpu.memory_space<vmem_shared>> -> memref<200x32xf32, #tpu.memory_space<vmem_shared>>
      %dma_start3A_172 = arith.constant 0 : i32
      %dma_start3A_173 = arith.constant 0 : i32
      %dma_start3A_174 = tpu.memref_slice %arg8[%run_scoped3A, %dma_start3A_172, %dma_start3A_173] : memref<4x200x32xf32, #tpu.memory_space<vmem>> -> memref<1x200x32xf32, #tpu.memory_space<vmem>>
      %dma_start3A_175 = tpu.memref_squeeze %dma_start3A_174 : memref<1x200x32xf32, #tpu.memory_space<vmem>> -> memref<200x32xf32, #tpu.memory_space<vmem>>
      tpu.enqueue_dma source(%dma_start3A_175 : memref<200x32xf32, #tpu.memory_space<vmem>>) target(%dma_start3A_171 : memref<200x32xf32, #tpu.memory_space<vmem_shared>>) target_semaphore(%run_scoped3A_163 : memref<!tpu.dma_semaphore, #tpu.memory_space<semaphore_mem>>)
      %dma_wait3A_176 = arith.constant 0 : i32
      %dma_wait3A_177 = arith.constant 0 : i32
      %dma_wait3A_178 = tpu.memref_slice %arg8[%run_scoped3A, %dma_wait3A_176, %dma_wait3A_177] : memref<4x200x32xf32, #tpu.memory_space<vmem>> -> memref<1x200x32xf32, #tpu.memory_space<vmem>>
      %dma_wait3A_179 = tpu.memref_squeeze %dma_wait3A_178 : memref<1x200x32xf32, #tpu.memory_space<vmem>> -> memref<200x32xf32, #tpu.memory_space<vmem>>
      %dma_wait3A_180 = arith.constant 0 : i32
      %dma_wait3A_181 = tpu.memref_slice %arg9[%add3A_8, %dma_wait3A_180] : memref<10000x32xf32, #tpu.memory_space<vmem_shared>> -> memref<200x32xf32, #tpu.memory_space<vmem_shared>>
      %dma_wait3A_182 = arith.constant 0 : i32
      %dma_wait3A_183 = tpu.memref_slice %arg9[%add3A_8, %dma_wait3A_182] : memref<10000x32xf32, #tpu.memory_space<vmem_shared>> -> memref<200x32xf32, #tpu.memory_space<vmem_shared>>
      %dma_wait3A_184 = arith.constant 0 : i32
      %dma_wait3A_185 = arith.constant 0 : i32
      %dma_wait3A_186 = tpu.memref_slice %arg8[%run_scoped3A, %dma_wait3A_184, %dma_wait3A_185] : memref<4x200x32xf32, #tpu.memory_space<vmem>> -> memref<1x200x32xf32, #tpu.memory_space<vmem>>
      %dma_wait3A_187 = tpu.memref_squeeze %dma_wait3A_186 : memref<1x200x32xf32, #tpu.memory_space<vmem>> -> memref<200x32xf32, #tpu.memory_space<vmem>>
      tpu.wait_dma2 semaphore(%run_scoped3A_163 : memref<!tpu.dma_semaphore, #tpu.memory_space<semaphore_mem>>) src(%dma_wait3A_187 : memref<200x32xf32, #tpu.memory_space<vmem>>) dst(%dma_wait3A_183 : memref<200x32xf32, #tpu.memory_space<vmem_shared>>)
      tpu.yield
    }) : () -> ()
    %add3A_9 = arith.constant 200 : i32
    %add3A_10 = arith.addi %mul3A_6, %add3A_9 : i32
    %run_scoped3A_11 = arith.constant 0 : i32
    "tpu.region"() ({
      %run_scoped3A_163 = tpu.sem_alloc : memref<!tpu.dma_semaphore, #tpu.memory_space<semaphore_mem>>
      %dma_start3A_164 = arith.constant 0 : i32
      %dma_start3A_165 = arith.constant 0 : i32
      %dma_start3A_166 = tpu.memref_slice %arg8[%run_scoped3A_11, %dma_start3A_164, %dma_start3A_165] : memref<4x200x32xf32, #tpu.memory_space<vmem>> -> memref<1x200x32xf32, #tpu.memory_space<vmem>>
      %dma_start3A_167 = tpu.memref_squeeze %dma_start3A_166 : memref<1x200x32xf32, #tpu.memory_space<vmem>> -> memref<200x32xf32, #tpu.memory_space<vmem>>
      %dma_start3A_168 = arith.constant 0 : i32
      %dma_start3A_169 = tpu.memref_slice %arg9[%add3A_10, %dma_start3A_168] : memref<10000x32xf32, #tpu.memory_space<vmem_shared>> -> memref<200x32xf32, #tpu.memory_space<vmem_shared>>
      %dma_start3A_170 = arith.constant 0 : i32
      %dma_start3A_171 = tpu.memref_slice %arg9[%add3A_10, %dma_start3A_170] : memref<10000x32xf32, #tpu.memory_space<vmem_shared>> -> memref<200x32xf32, #tpu.memory_space<vmem_shared>>
      %dma_start3A_172 = arith.constant 0 : i32
      %dma_start3A_173 = arith.constant 0 : i32
      %dma_start3A_174 = tpu.memref_slice %arg8[%run_scoped3A_11, %dma_start3A_172, %dma_start3A_173] : memref<4x200x32xf32, #tpu.memory_space<vmem>> -> memref<1x200x32xf32, #tpu.memory_space<vmem>>
      %dma_start3A_175 = tpu.memref_squeeze %dma_start3A_174 : memref<1x200x32xf32, #tpu.memory_space<vmem>> -> memref<200x32xf32, #tpu.memory_space<vmem>>
      tpu.enqueue_dma source(%dma_start3A_175 : memref<200x32xf32, #tpu.memory_space<vmem>>) target(%dma_start3A_171 : memref<200x32xf32, #tpu.memory_space<vmem_shared>>) target_semaphore(%run_scoped3A_163 : memref<!tpu.dma_semaphore, #tpu.memory_space<semaphore_mem>>)
      %dma_wait3A_176 = arith.constant 0 : i32
      %dma_wait3A_177 = arith.constant 0 : i32
      %dma_wait3A_178 = tpu.memref_slice %arg8[%run_scoped3A_11, %dma_wait3A_176, %dma_wait3A_177] : memref<4x200x32xf32, #tpu.memory_space<vmem>> -> memref<1x200x32xf32, #tpu.memory_space<vmem>>
      %dma_wait3A_179 = tpu.memref_squeeze %dma_wait3A_178 : memref<1x200x32xf32, #tpu.memory_space<vmem>> -> memref<200x32xf32, #tpu.memory_space<vmem>>
      %dma_wait3A_180 = arith.constant 0 : i32
      %dma_wait3A_181 = tpu.memref_slice %arg9[%add3A_10, %dma_wait3A_180] : memref<10000x32xf32, #tpu.memory_space<vmem_shared>> -> memref<200x32xf32, #tpu.memory_space<vmem_shared>>
      %dma_wait3A_182 = arith.constant 0 : i32
      %dma_wait3A_183 = tpu.memref_slice %arg9[%add3A_10, %dma_wait3A_182] : memref<10000x32xf32, #tpu.memory_space<vmem_shared>> -> memref<200x32xf32, #tpu.memory_space<vmem_shared>>
      %dma_wait3A_184 = arith.constant 0 : i32
      %dma_wait3A_185 = arith.constant 0 : i32
      %dma_wait3A_186 = tpu.memref_slice %arg8[%run_scoped3A_11, %dma_wait3A_184, %dma_wait3A_185] : memref<4x200x32xf32, #tpu.memory_space<vmem>> -> memref<1x200x32xf32, #tpu.memory_space<vmem>>
      %dma_wait3A_187 = tpu.memref_squeeze %dma_wait3A_186 : memref<1x200x32xf32, #tpu.memory_space<vmem>> -> memref<200x32xf32, #tpu.memory_space<vmem>>
      tpu.wait_dma2 semaphore(%run_scoped3A_163 : memref<!tpu.dma_semaphore, #tpu.memory_space<semaphore_mem>>) src(%dma_wait3A_187 : memref<200x32xf32, #tpu.memory_space<vmem>>) dst(%dma_wait3A_183 : memref<200x32xf32, #tpu.memory_space<vmem_shared>>)
      tpu.yield
    }) : () -> ()
    %add3A_12 = arith.constant 400 : i32
    %add3A_13 = arith.addi %mul3A_6, %add3A_12 : i32
    %run_scoped3A_14 = arith.constant 0 : i32
    "tpu.region"() ({
      %run_scoped3A_163 = tpu.sem_alloc : memref<!tpu.dma_semaphore, #tpu.memory_space<semaphore_mem>>
      %dma_start3A_164 = arith.constant 0 : i32
      %dma_start3A_165 = arith.constant 0 : i32
      %dma_start3A_166 = tpu.memref_slice %arg8[%run_scoped3A_14, %dma_start3A_164, %dma_start3A_165] : memref<4x200x32xf32, #tpu.memory_space<vmem>> -> memref<1x200x32xf32, #tpu.memory_space<vmem>>
      %dma_start3A_167 = tpu.memref_squeeze %dma_start3A_166 : memref<1x200x32xf32, #tpu.memory_space<vmem>> -> memref<200x32xf32, #tpu.memory_space<vmem>>
      %dma_start3A_168 = arith.constant 0 : i32
      %dma_start3A_169 = tpu.memref_slice %arg9[%add3A_13, %dma_start3A_168] : memref<10000x32xf32, #tpu.memory_space<vmem_shared>> -> memref<200x32xf32, #tpu.memory_space<vmem_shared>>
      %dma_start3A_170 = arith.constant 0 : i32
      %dma_start3A_171 = tpu.memref_slice %arg9[%add3A_13, %dma_start3A_170] : memref<10000x32xf32, #tpu.memory_space<vmem_shared>> -> memref<200x32xf32, #tpu.memory_space<vmem_shared>>
      %dma_start3A_172 = arith.constant 0 : i32
      %dma_start3A_173 = arith.constant 0 : i32
      %dma_start3A_174 = tpu.memref_slice %arg8[%run_scoped3A_14, %dma_start3A_172, %dma_start3A_173] : memref<4x200x32xf32, #tpu.memory_space<vmem>> -> memref<1x200x32xf32, #tpu.memory_space<vmem>>
      %dma_start3A_175 = tpu.memref_squeeze %dma_start3A_174 : memref<1x200x32xf32, #tpu.memory_space<vmem>> -> memref<200x32xf32, #tpu.memory_space<vmem>>
      tpu.enqueue_dma source(%dma_start3A_175 : memref<200x32xf32, #tpu.memory_space<vmem>>) target(%dma_start3A_171 : memref<200x32xf32, #tpu.memory_space<vmem_shared>>) target_semaphore(%run_scoped3A_163 : memref<!tpu.dma_semaphore, #tpu.memory_space<semaphore_mem>>)
      %dma_wait3A_176 = arith.constant 0 : i32
      %dma_wait3A_177 = arith.constant 0 : i32
      %dma_wait3A_178 = tpu.memref_slice %arg8[%run_scoped3A_14, %dma_wait3A_176, %dma_wait3A_177] : memref<4x200x32xf32, #tpu.memory_space<vmem>> -> memref<1x200x32xf32, #tpu.memory_space<vmem>>
      %dma_wait3A_179 = tpu.memref_squeeze %dma_wait3A_178 : memref<1x200x32xf32, #tpu.memory_space<vmem>> -> memref<200x32xf32, #tpu.memory_space<vmem>>
      %dma_wait3A_180 = arith.constant 0 : i32
      %dma_wait3A_181 = tpu.memref_slice %arg9[%add3A_13, %dma_wait3A_180] : memref<10000x32xf32, #tpu.memory_space<vmem_shared>> -> memref<200x32xf32, #tpu.memory_space<vmem_shared>>
      %dma_wait3A_182 = arith.constant 0 : i32
      %dma_wait3A_183 = tpu.memref_slice %arg9[%add3A_13, %dma_wait3A_182] : memref<10000x32xf32, #tpu.memory_space<vmem_shared>> -> memref<200x32xf32, #tpu.memory_space<vmem_shared>>
      %dma_wait3A_184 = arith.constant 0 : i32
      %dma_wait3A_185 = arith.constant 0 : i32
      %dma_wait3A_186 = tpu.memref_slice %arg8[%run_scoped3A_14, %dma_wait3A_184, %dma_wait3A_185] : memref<4x200x32xf32, #tpu.memory_space<vmem>> -> memref<1x200x32xf32, #tpu.memory_space<vmem>>
      %dma_wait3A_187 = tpu.memref_squeeze %dma_wait3A_186 : memref<1x200x32xf32, #tpu.memory_space<vmem>> -> memref<200x32xf32, #tpu.memory_space<vmem>>
      tpu.wait_dma2 semaphore(%run_scoped3A_163 : memref<!tpu.dma_semaphore, #tpu.memory_space<semaphore_mem>>) src(%dma_wait3A_187 : memref<200x32xf32, #tpu.memory_space<vmem>>) dst(%dma_wait3A_183 : memref<200x32xf32, #tpu.memory_space<vmem_shared>>)
      tpu.yield
    }) : () -> ()
    %add3A_15 = arith.constant 600 : i32
    %add3A_16 = arith.addi %mul3A_6, %add3A_15 : i32
    %run_scoped3A_17 = arith.constant 0 : i32
    "tpu.region"() ({
      %run_scoped3A_163 = tpu.sem_alloc : memref<!tpu.dma_semaphore, #tpu.memory_space<semaphore_mem>>
      %dma_start3A_164 = arith.constant 0 : i32
      %dma_start3A_165 = arith.constant 0 : i32
      %dma_start3A_166 = tpu.memref_slice %arg8[%run_scoped3A_17, %dma_start3A_164, %dma_start3A_165] : memref<4x200x32xf32, #tpu.memory_space<vmem>> -> memref<1x25x32xf32, #tpu.memory_space<vmem>>
      %dma_start3A_167 = tpu.memref_squeeze %dma_start3A_166 : memref<1x25x32xf32, #tpu.memory_space<vmem>> -> memref<25x32xf32, #tpu.memory_space<vmem>>
      %dma_start3A_168 = arith.constant 0 : i32
      %dma_start3A_169 = tpu.memref_slice %arg9[%add3A_16, %dma_start3A_168] : memref<10000x32xf32, #tpu.memory_space<vmem_shared>> -> memref<25x32xf32, #tpu.memory_space<vmem_shared>>
      %dma_start3A_170 = arith.constant 0 : i32
      %dma_start3A_171 = tpu.memref_slice %arg9[%add3A_16, %dma_start3A_170] : memref<10000x32xf32, #tpu.memory_space<vmem_shared>> -> memref<25x32xf32, #tpu.memory_space<vmem_shared>>
      %dma_start3A_172 = arith.constant 0 : i32
      %dma_start3A_173 = arith.constant 0 : i32
      %dma_start3A_174 = tpu.memref_slice %arg8[%run_scoped3A_17, %dma_start3A_172, %dma_start3A_173] : memref<4x200x32xf32, #tpu.memory_space<vmem>> -> memref<1x25x32xf32, #tpu.memory_space<vmem>>
      %dma_start3A_175 = tpu.memref_squeeze %dma_start3A_174 : memref<1x25x32xf32, #tpu.memory_space<vmem>> -> memref<25x32xf32, #tpu.memory_space<vmem>>
      tpu.enqueue_dma source(%dma_start3A_175 : memref<25x32xf32, #tpu.memory_space<vmem>>) target(%dma_start3A_171 : memref<25x32xf32, #tpu.memory_space<vmem_shared>>) target_semaphore(%run_scoped3A_163 : memref<!tpu.dma_semaphore, #tpu.memory_space<semaphore_mem>>)
      %dma_wait3A_176 = arith.constant 0 : i32
      %dma_wait3A_177 = arith.constant 0 : i32
      %dma_wait3A_178 = tpu.memref_slice %arg8[%run_scoped3A_17, %dma_wait3A_176, %dma_wait3A_177] : memref<4x200x32xf32, #tpu.memory_space<vmem>> -> memref<1x25x32xf32, #tpu.memory_space<vmem>>
      %dma_wait3A_179 = tpu.memref_squeeze %dma_wait3A_178 : memref<1x25x32xf32, #tpu.memory_space<vmem>> -> memref<25x32xf32, #tpu.memory_space<vmem>>
      %dma_wait3A_180 = arith.constant 0 : i32
      %dma_wait3A_181 = tpu.memref_slice %arg9[%add3A_16, %dma_wait3A_180] : memref<10000x32xf32, #tpu.memory_space<vmem_shared>> -> memref<25x32xf32, #tpu.memory_space<vmem_shared>>
      %dma_wait3A_182 = arith.constant 0 : i32
      %dma_wait3A_183 = tpu.memref_slice %arg9[%add3A_16, %dma_wait3A_182] : memref<10000x32xf32, #tpu.memory_space<vmem_shared>> -> memref<25x32xf32, #tpu.memory_space<vmem_shared>>
      %dma_wait3A_184 = arith.constant 0 : i32
      %dma_wait3A_185 = arith.constant 0 : i32
      %dma_wait3A_186 = tpu.memref_slice %arg8[%run_scoped3A_17, %dma_wait3A_184, %dma_wait3A_185] : memref<4x200x32xf32, #tpu.memory_space<vmem>> -> memref<1x25x32xf32, #tpu.memory_space<vmem>>
      %dma_wait3A_187 = tpu.memref_squeeze %dma_wait3A_186 : memref<1x25x32xf32, #tpu.memory_space<vmem>> -> memref<25x32xf32, #tpu.memory_space<vmem>>
      tpu.wait_dma2 semaphore(%run_scoped3A_163 : memref<!tpu.dma_semaphore, #tpu.memory_space<semaphore_mem>>) src(%dma_wait3A_187 : memref<25x32xf32, #tpu.memory_space<vmem>>) dst(%dma_wait3A_183 : memref<25x32xf32, #tpu.memory_space<vmem_shared>>)
      tpu.yield
    }) : () -> ()
    %barrier3A = arith.constant 0 : index
    tpu.barrier barrier_id(%barrier3A)
    %dma_start3A = arith.constant 0 : i32
    %dma_start3A_18 = arith.constant 0 : i32
    %dma_start3A_19 = arith.constant 0 : i32
    %dma_start3A_20 = arith.constant 0 : i32
    %dma_start3A_21 = tpu.memref_slice %arg8[%dma_start3A_18, %dma_start3A_19, %dma_start3A_20] : memref<4x200x32xf32, #tpu.memory_space<vmem>> -> memref<1x200x32xf32, #tpu.memory_space<vmem>>
    %dma_start3A_22 = tpu.memref_squeeze %dma_start3A_21 : memref<1x200x32xf32, #tpu.memory_space<vmem>> -> memref<200x32xf32, #tpu.memory_space<vmem>>
    %dma_start3A_23 = arith.constant 0 : i32
    %dma_start3A_24 = tpu.memref_slice %arg6[%dma_start3A, %dma_start3A_23] : memref<100x200xi32, #tpu.memory_space<vmem>> -> memref<1x200xi32, #tpu.memory_space<vmem>>
    %dma_start3A_25 = tpu.memref_squeeze %dma_start3A_24 : memref<1x200xi32, #tpu.memory_space<vmem>> -> memref<200xi32, #tpu.memory_space<vmem>>
    %dma_start3A_26 = arith.constant 0 : i32
    %dma_start3A_27 = arith.constant 0 : i32
    %dma_start3A_28 = tpu.memref_slice %arg2[%add3A_0, %dma_start3A_26, %dma_start3A_27] : memref<4x10000x32xf32, #tpu.memory_space<hbm>> -> memref<1x10000x32xf32, #tpu.memory_space<hbm>>
    %dma_start3A_29 = tpu.memref_squeeze %dma_start3A_28 : memref<1x10000x32xf32, #tpu.memory_space<hbm>> -> memref<10000x32xf32, #tpu.memory_space<hbm>>
    %dma_start3A_30 = arith.constant 0 : i32
    %dma_start3A_31 = arith.constant 0 : i32
    %dma_start3A_32 = tpu.memref_slice %dma_start3A_29[%dma_start3A_30, %dma_start3A_31] : memref<10000x32xf32, #tpu.memory_space<hbm>> -> memref<10000x32xf32, #tpu.memory_space<hbm>>
    tpu.enqueue_indirect_dma source(%dma_start3A_32 : memref<10000x32xf32, #tpu.memory_space<hbm>>) target(%dma_start3A_22 : memref<200x32xf32, #tpu.memory_space<vmem>>) offsets(%dma_start3A_25 : memref<200xi32, #tpu.memory_space<vmem>>) semaphore(%arg10 : memref<!tpu.dma_semaphore, #tpu.memory_space<semaphore_mem>>)
    %dma_start3A_33 = arith.constant 1 : i32
    %dma_start3A_34 = arith.constant 1 : i32
    %dma_start3A_35 = arith.constant 0 : i32
    %dma_start3A_36 = arith.constant 0 : i32
    %dma_start3A_37 = tpu.memref_slice %arg8[%dma_start3A_34, %dma_start3A_35, %dma_start3A_36] : memref<4x200x32xf32, #tpu.memory_space<vmem>> -> memref<1x200x32xf32, #tpu.memory_space<vmem>>
    %dma_start3A_38 = tpu.memref_squeeze %dma_start3A_37 : memref<1x200x32xf32, #tpu.memory_space<vmem>> -> memref<200x32xf32, #tpu.memory_space<vmem>>
    %dma_start3A_39 = arith.constant 0 : i32
    %dma_start3A_40 = tpu.memref_slice %arg6[%dma_start3A_33, %dma_start3A_39] : memref<100x200xi32, #tpu.memory_space<vmem>> -> memref<1x200xi32, #tpu.memory_space<vmem>>
    %dma_start3A_41 = tpu.memref_squeeze %dma_start3A_40 : memref<1x200xi32, #tpu.memory_space<vmem>> -> memref<200xi32, #tpu.memory_space<vmem>>
    %dma_start3A_42 = arith.constant 0 : i32
    %dma_start3A_43 = arith.constant 0 : i32
    %dma_start3A_44 = tpu.memref_slice %arg2[%add3A_0, %dma_start3A_42, %dma_start3A_43] : memref<4x10000x32xf32, #tpu.memory_space<hbm>> -> memref<1x10000x32xf32, #tpu.memory_space<hbm>>
    %dma_start3A_45 = tpu.memref_squeeze %dma_start3A_44 : memref<1x10000x32xf32, #tpu.memory_space<hbm>> -> memref<10000x32xf32, #tpu.memory_space<hbm>>
    %dma_start3A_46 = arith.constant 0 : i32
    %dma_start3A_47 = arith.constant 0 : i32
    %dma_start3A_48 = tpu.memref_slice %dma_start3A_45[%dma_start3A_46, %dma_start3A_47] : memref<10000x32xf32, #tpu.memory_space<hbm>> -> memref<10000x32xf32, #tpu.memory_space<hbm>>
    tpu.enqueue_indirect_dma source(%dma_start3A_48 : memref<10000x32xf32, #tpu.memory_space<hbm>>) target(%dma_start3A_38 : memref<200x32xf32, #tpu.memory_space<vmem>>) offsets(%dma_start3A_41 : memref<200xi32, #tpu.memory_space<vmem>>) semaphore(%arg10 : memref<!tpu.dma_semaphore, #tpu.memory_space<semaphore_mem>>)
    %dma_start3A_49 = arith.constant 2 : i32
    %dma_start3A_50 = arith.constant 2 : i32
    %dma_start3A_51 = arith.constant 0 : i32
    %dma_start3A_52 = arith.constant 0 : i32
    %dma_start3A_53 = tpu.memref_slice %arg8[%dma_start3A_50, %dma_start3A_51, %dma_start3A_52] : memref<4x200x32xf32, #tpu.memory_space<vmem>> -> memref<1x200x32xf32, #tpu.memory_space<vmem>>
    %dma_start3A_54 = tpu.memref_squeeze %dma_start3A_53 : memref<1x200x32xf32, #tpu.memory_space<vmem>> -> memref<200x32xf32, #tpu.memory_space<vmem>>
    %dma_start3A_55 = arith.constant 0 : i32
    %dma_start3A_56 = tpu.memref_slice %arg6[%dma_start3A_49, %dma_start3A_55] : memref<100x200xi32, #tpu.memory_space<vmem>> -> memref<1x200xi32, #tpu.memory_space<vmem>>
    %dma_start3A_57 = tpu.memref_squeeze %dma_start3A_56 : memref<1x200xi32, #tpu.memory_space<vmem>> -> memref<200xi32, #tpu.memory_space<vmem>>
    %dma_start3A_58 = arith.constant 0 : i32
    %dma_start3A_59 = arith.constant 0 : i32
    %dma_start3A_60 = tpu.memref_slice %arg2[%add3A_0, %dma_start3A_58, %dma_start3A_59] : memref<4x10000x32xf32, #tpu.memory_space<hbm>> -> memref<1x10000x32xf32, #tpu.memory_space<hbm>>
    %dma_start3A_61 = tpu.memref_squeeze %dma_start3A_60 : memref<1x10000x32xf32, #tpu.memory_space<hbm>> -> memref<10000x32xf32, #tpu.memory_space<hbm>>
    %dma_start3A_62 = arith.constant 0 : i32
    %dma_start3A_63 = arith.constant 0 : i32
    %dma_start3A_64 = tpu.memref_slice %dma_start3A_61[%dma_start3A_62, %dma_start3A_63] : memref<10000x32xf32, #tpu.memory_space<hbm>> -> memref<10000x32xf32, #tpu.memory_space<hbm>>
    tpu.enqueue_indirect_dma source(%dma_start3A_64 : memref<10000x32xf32, #tpu.memory_space<hbm>>) target(%dma_start3A_54 : memref<200x32xf32, #tpu.memory_space<vmem>>) offsets(%dma_start3A_57 : memref<200xi32, #tpu.memory_space<vmem>>) semaphore(%arg10 : memref<!tpu.dma_semaphore, #tpu.memory_space<semaphore_mem>>)
    %dma_start3A_65 = arith.constant 3 : i32
    %dma_start3A_66 = arith.constant 3 : i32
    %dma_start3A_67 = arith.constant 0 : i32
    %dma_start3A_68 = arith.constant 0 : i32
    %dma_start3A_69 = tpu.memref_slice %arg8[%dma_start3A_66, %dma_start3A_67, %dma_start3A_68] : memref<4x200x32xf32, #tpu.memory_space<vmem>> -> memref<1x200x32xf32, #tpu.memory_space<vmem>>
    %dma_start3A_70 = tpu.memref_squeeze %dma_start3A_69 : memref<1x200x32xf32, #tpu.memory_space<vmem>> -> memref<200x32xf32, #tpu.memory_space<vmem>>
    %dma_start3A_71 = arith.constant 0 : i32
    %dma_start3A_72 = tpu.memref_slice %arg6[%dma_start3A_65, %dma_start3A_71] : memref<100x200xi32, #tpu.memory_space<vmem>> -> memref<1x200xi32, #tpu.memory_space<vmem>>
    %dma_start3A_73 = tpu.memref_squeeze %dma_start3A_72 : memref<1x200xi32, #tpu.memory_space<vmem>> -> memref<200xi32, #tpu.memory_space<vmem>>
    %dma_start3A_74 = arith.constant 0 : i32
    %dma_start3A_75 = arith.constant 0 : i32
    %dma_start3A_76 = tpu.memref_slice %arg2[%add3A_0, %dma_start3A_74, %dma_start3A_75] : memref<4x10000x32xf32, #tpu.memory_space<hbm>> -> memref<1x10000x32xf32, #tpu.memory_space<hbm>>
    %dma_start3A_77 = tpu.memref_squeeze %dma_start3A_76 : memref<1x10000x32xf32, #tpu.memory_space<hbm>> -> memref<10000x32xf32, #tpu.memory_space<hbm>>
    %dma_start3A_78 = arith.constant 0 : i32
    %dma_start3A_79 = arith.constant 0 : i32
    %dma_start3A_80 = tpu.memref_slice %dma_start3A_77[%dma_start3A_78, %dma_start3A_79] : memref<10000x32xf32, #tpu.memory_space<hbm>> -> memref<10000x32xf32, #tpu.memory_space<hbm>>
    tpu.enqueue_indirect_dma source(%dma_start3A_80 : memref<10000x32xf32, #tpu.memory_space<hbm>>) target(%dma_start3A_70 : memref<200x32xf32, #tpu.memory_space<vmem>>) offsets(%dma_start3A_73 : memref<200xi32, #tpu.memory_space<vmem>>) semaphore(%arg10 : memref<!tpu.dma_semaphore, #tpu.memory_space<semaphore_mem>>)
    %scan3A_81 = arith.constant 0 : i32
    %scan3A_82 = arith.constant 0 : i32
    %scan3A_83 = arith.constant 24 : i32
    %scan3A_84 = arith.addi %scan3A_82, %scan3A_83 : i32
    %scan3A_85 = arith.constant 1 : i32
    scf.for %scan3A_163 = %scan3A_82 to %scan3A_84 step %scan3A_85  : i32 {
      %mul3A_164 = arith.constant 4 : i32
      %mul3A_165 = arith.muli %scan3A_163, %mul3A_164 : i32
      %add3A_166 = arith.constant 0 : i32
      %add3A_167 = arith.addi %mul3A_165, %add3A_166 : i32
      %dma_wait3A_168 = arith.constant 0 : i32
      %dma_wait3A_169 = arith.constant 0 : i32
      %dma_wait3A_170 = arith.constant 0 : i32
      %dma_wait3A_171 = tpu.memref_slice %arg8[%dma_wait3A_168, %dma_wait3A_169, %dma_wait3A_170] : memref<4x200x32xf32, #tpu.memory_space<vmem>> -> memref<1x200x32xf32, #tpu.memory_space<vmem>>
      %dma_wait3A_172 = tpu.memref_squeeze %dma_wait3A_171 : memref<1x200x32xf32, #tpu.memory_space<vmem>> -> memref<200x32xf32, #tpu.memory_space<vmem>>
      %dma_wait3A_173 = arith.constant 0 : i32
      %dma_wait3A_174 = tpu.memref_slice %arg6[%add3A_167, %dma_wait3A_173] : memref<100x200xi32, #tpu.memory_space<vmem>> -> memref<1x200xi32, #tpu.memory_space<vmem>>
      %dma_wait3A_175 = tpu.memref_squeeze %dma_wait3A_174 : memref<1x200xi32, #tpu.memory_space<vmem>> -> memref<200xi32, #tpu.memory_space<vmem>>
      %dma_wait3A_176 = arith.constant 0 : i32
      %dma_wait3A_177 = arith.constant 0 : i32
      %dma_wait3A_178 = tpu.memref_slice %arg2[%add3A_0, %dma_wait3A_176, %dma_wait3A_177] : memref<4x10000x32xf32, #tpu.memory_space<hbm>> -> memref<1x10000x32xf32, #tpu.memory_space<hbm>>
      %dma_wait3A_179 = tpu.memref_squeeze %dma_wait3A_178 : memref<1x10000x32xf32, #tpu.memory_space<hbm>> -> memref<10000x32xf32, #tpu.memory_space<hbm>>
      %dma_wait3A_180 = arith.constant 0 : i32
      %dma_wait3A_181 = arith.constant 0 : i32
      %dma_wait3A_182 = tpu.memref_slice %dma_wait3A_179[%dma_wait3A_180, %dma_wait3A_181] : memref<10000x32xf32, #tpu.memory_space<hbm>> -> memref<10000x32xf32, #tpu.memory_space<hbm>>
      tpu.wait_indirect_dma semaphore(%arg10 : memref<!tpu.dma_semaphore, #tpu.memory_space<semaphore_mem>>) src(%dma_wait3A_182 : memref<10000x32xf32, #tpu.memory_space<hbm>>) dst(%dma_wait3A_172 : memref<200x32xf32, #tpu.memory_space<vmem>>)
      %run_scoped3A_183 = arith.constant 0 : i32
      "tpu.region"() ({
        %run_scoped3A_312 = tpu.sem_alloc : memref<!tpu.dma_semaphore, #tpu.memory_space<semaphore_mem>>
        %dma_start3A_313 = arith.constant 0 : i32
        %dma_start3A_314 = arith.constant 0 : i32
        %dma_start3A_315 = tpu.memref_slice %arg8[%run_scoped3A_183, %dma_start3A_313, %dma_start3A_314] : memref<4x200x32xf32, #tpu.memory_space<vmem>> -> memref<1x200x32xf32, #tpu.memory_space<vmem>>
        %dma_start3A_316 = tpu.memref_squeeze %dma_start3A_315 : memref<1x200x32xf32, #tpu.memory_space<vmem>> -> memref<200x32xf32, #tpu.memory_space<vmem>>
        %dma_start3A_317 = arith.constant 0 : i32
        %dma_start3A_318 = tpu.memref_slice %arg7[%add3A_167, %dma_start3A_317] : memref<100x200xi32, #tpu.memory_space<vmem>> -> memref<1x200xi32, #tpu.memory_space<vmem>>
        %dma_start3A_319 = tpu.memref_squeeze %dma_start3A_318 : memref<1x200xi32, #tpu.memory_space<vmem>> -> memref<200xi32, #tpu.memory_space<vmem>>
        %dma_start3A_320 = arith.constant 0 : i32
        %dma_start3A_321 = arith.constant 0 : i32
        %dma_start3A_322 = tpu.memref_slice %arg9[%dma_start3A_320, %dma_start3A_321] : memref<10000x32xf32, #tpu.memory_space<vmem_shared>> -> memref<10000x32xf32, #tpu.memory_space<vmem_shared>>
        tpu.enqueue_indirect_dma source(%dma_start3A_316 : memref<200x32xf32, #tpu.memory_space<vmem>>) target(%dma_start3A_322 : memref<10000x32xf32, #tpu.memory_space<vmem_shared>>) offsets(%dma_start3A_319 : memref<200xi32, #tpu.memory_space<vmem>>) semaphore(%run_scoped3A_312 : memref<!tpu.dma_semaphore, #tpu.memory_space<semaphore_mem>>) {add = true}
        %dma_wait3A_323 = arith.constant 0 : i32
        %dma_wait3A_324 = arith.constant 0 : i32
        %dma_wait3A_325 = tpu.memref_slice %arg8[%run_scoped3A_183, %dma_wait3A_323, %dma_wait3A_324] : memref<4x200x32xf32, #tpu.memory_space<vmem>> -> memref<1x200x32xf32, #tpu.memory_space<vmem>>
        %dma_wait3A_326 = tpu.memref_squeeze %dma_wait3A_325 : memref<1x200x32xf32, #tpu.memory_space<vmem>> -> memref<200x32xf32, #tpu.memory_space<vmem>>
        %dma_wait3A_327 = arith.constant 0 : i32
        %dma_wait3A_328 = tpu.memref_slice %arg7[%add3A_167, %dma_wait3A_327] : memref<100x200xi32, #tpu.memory_space<vmem>> -> memref<1x200xi32, #tpu.memory_space<vmem>>
        %dma_wait3A_329 = tpu.memref_squeeze %dma_wait3A_328 : memref<1x200xi32, #tpu.memory_space<vmem>> -> memref<200xi32, #tpu.memory_space<vmem>>
        %dma_wait3A_330 = arith.constant 0 : i32
        %dma_wait3A_331 = arith.constant 0 : i32
        %dma_wait3A_332 = tpu.memref_slice %arg9[%dma_wait3A_330, %dma_wait3A_331] : memref<10000x32xf32, #tpu.memory_space<vmem_shared>> -> memref<10000x32xf32, #tpu.memory_space<vmem_shared>>
        tpu.wait_indirect_dma semaphore(%run_scoped3A_312 : memref<!tpu.dma_semaphore, #tpu.memory_space<semaphore_mem>>) src(%dma_wait3A_326 : memref<200x32xf32, #tpu.memory_space<vmem>>) dst(%dma_wait3A_332 : memref<10000x32xf32, #tpu.memory_space<vmem_shared>>)
        tpu.yield
      }) : () -> ()
      %add3A_184 = arith.constant 4 : i32
      %add3A_185 = arith.addi %add3A_167, %add3A_184 : i32
      %dma_start3A_186 = arith.constant 0 : i32
      %dma_start3A_187 = arith.constant 0 : i32
      %dma_start3A_188 = arith.constant 0 : i32
      %dma_start3A_189 = tpu.memref_slice %arg8[%dma_start3A_186, %dma_start3A_187, %dma_start3A_188] : memref<4x200x32xf32, #tpu.memory_space<vmem>> -> memref<1x200x32xf32, #tpu.memory_space<vmem>>
      %dma_start3A_190 = tpu.memref_squeeze %dma_start3A_189 : memref<1x200x32xf32, #tpu.memory_space<vmem>> -> memref<200x32xf32, #tpu.memory_space<vmem>>
      %dma_start3A_191 = arith.constant 0 : i32
      %dma_start3A_192 = tpu.memref_slice %arg6[%add3A_185, %dma_start3A_191] : memref<100x200xi32, #tpu.memory_space<vmem>> -> memref<1x200xi32, #tpu.memory_space<vmem>>
      %dma_start3A_193 = tpu.memref_squeeze %dma_start3A_192 : memref<1x200xi32, #tpu.memory_space<vmem>> -> memref<200xi32, #tpu.memory_space<vmem>>
      %dma_start3A_194 = arith.constant 0 : i32
      %dma_start3A_195 = arith.constant 0 : i32
      %dma_start3A_196 = tpu.memref_slice %arg2[%add3A_0, %dma_start3A_194, %dma_start3A_195] : memref<4x10000x32xf32, #tpu.memory_space<hbm>> -> memref<1x10000x32xf32, #tpu.memory_space<hbm>>
      %dma_start3A_197 = tpu.memref_squeeze %dma_start3A_196 : memref<1x10000x32xf32, #tpu.memory_space<hbm>> -> memref<10000x32xf32, #tpu.memory_space<hbm>>
      %dma_start3A_198 = arith.constant 0 : i32
      %dma_start3A_199 = arith.constant 0 : i32
      %dma_start3A_200 = tpu.memref_slice %dma_start3A_197[%dma_start3A_198, %dma_start3A_199] : memref<10000x32xf32, #tpu.memory_space<hbm>> -> memref<10000x32xf32, #tpu.memory_space<hbm>>
      tpu.enqueue_indirect_dma source(%dma_start3A_200 : memref<10000x32xf32, #tpu.memory_space<hbm>>) target(%dma_start3A_190 : memref<200x32xf32, #tpu.memory_space<vmem>>) offsets(%dma_start3A_193 : memref<200xi32, #tpu.memory_space<vmem>>) semaphore(%arg10 : memref<!tpu.dma_semaphore, #tpu.memory_space<semaphore_mem>>)
      %mul3A_201 = arith.constant 4 : i32
      %mul3A_202 = arith.muli %scan3A_163, %mul3A_201 : i32
      %add3A_203 = arith.constant 1 : i32
      %add3A_204 = arith.addi %mul3A_202, %add3A_203 : i32
      %dma_wait3A_205 = arith.constant 1 : i32
      %dma_wait3A_206 = arith.constant 0 : i32
      %dma_wait3A_207 = arith.constant 0 : i32
      %dma_wait3A_208 = tpu.memref_slice %arg8[%dma_wait3A_205, %dma_wait3A_206, %dma_wait3A_207] : memref<4x200x32xf32, #tpu.memory_space<vmem>> -> memref<1x200x32xf32, #tpu.memory_space<vmem>>
      %dma_wait3A_209 = tpu.memref_squeeze %dma_wait3A_208 : memref<1x200x32xf32, #tpu.memory_space<vmem>> -> memref<200x32xf32, #tpu.memory_space<vmem>>
      %dma_wait3A_210 = arith.constant 0 : i32
      %dma_wait3A_211 = tpu.memref_slice %arg6[%add3A_204, %dma_wait3A_210] : memref<100x200xi32, #tpu.memory_space<vmem>> -> memref<1x200xi32, #tpu.memory_space<vmem>>
      %dma_wait3A_212 = tpu.memref_squeeze %dma_wait3A_211 : memref<1x200xi32, #tpu.memory_space<vmem>> -> memref<200xi32, #tpu.memory_space<vmem>>
      %dma_wait3A_213 = arith.constant 0 : i32
      %dma_wait3A_214 = arith.constant 0 : i32
      %dma_wait3A_215 = tpu.memref_slice %arg2[%add3A_0, %dma_wait3A_213, %dma_wait3A_214] : memref<4x10000x32xf32, #tpu.memory_space<hbm>> -> memref<1x10000x32xf32, #tpu.memory_space<hbm>>
      %dma_wait3A_216 = tpu.memref_squeeze %dma_wait3A_215 : memref<1x10000x32xf32, #tpu.memory_space<hbm>> -> memref<10000x32xf32, #tpu.memory_space<hbm>>
      %dma_wait3A_217 = arith.constant 0 : i32
      %dma_wait3A_218 = arith.constant 0 : i32
      %dma_wait3A_219 = tpu.memref_slice %dma_wait3A_216[%dma_wait3A_217, %dma_wait3A_218] : memref<10000x32xf32, #tpu.memory_space<hbm>> -> memref<10000x32xf32, #tpu.memory_space<hbm>>
      tpu.wait_indirect_dma semaphore(%arg10 : memref<!tpu.dma_semaphore, #tpu.memory_space<semaphore_mem>>) src(%dma_wait3A_219 : memref<10000x32xf32, #tpu.memory_space<hbm>>) dst(%dma_wait3A_209 : memref<200x32xf32, #tpu.memory_space<vmem>>)
      %run_scoped3A_220 = arith.constant 1 : i32
      "tpu.region"() ({
        %run_scoped3A_312 = tpu.sem_alloc : memref<!tpu.dma_semaphore, #tpu.memory_space<semaphore_mem>>
        %dma_start3A_313 = arith.constant 0 : i32
        %dma_start3A_314 = arith.constant 0 : i32
        %dma_start3A_315 = tpu.memref_slice %arg8[%run_scoped3A_220, %dma_start3A_313, %dma_start3A_314] : memref<4x200x32xf32, #tpu.memory_space<vmem>> -> memref<1x200x32xf32, #tpu.memory_space<vmem>>
        %dma_start3A_316 = tpu.memref_squeeze %dma_start3A_315 : memref<1x200x32xf32, #tpu.memory_space<vmem>> -> memref<200x32xf32, #tpu.memory_space<vmem>>
        %dma_start3A_317 = arith.constant 0 : i32
        %dma_start3A_318 = tpu.memref_slice %arg7[%add3A_204, %dma_start3A_317] : memref<100x200xi32, #tpu.memory_space<vmem>> -> memref<1x200xi32, #tpu.memory_space<vmem>>
        %dma_start3A_319 = tpu.memref_squeeze %dma_start3A_318 : memref<1x200xi32, #tpu.memory_space<vmem>> -> memref<200xi32, #tpu.memory_space<vmem>>
        %dma_start3A_320 = arith.constant 0 : i32
        %dma_start3A_321 = arith.constant 0 : i32
        %dma_start3A_322 = tpu.memref_slice %arg9[%dma_start3A_320, %dma_start3A_321] : memref<10000x32xf32, #tpu.memory_space<vmem_shared>> -> memref<10000x32xf32, #tpu.memory_space<vmem_shared>>
        tpu.enqueue_indirect_dma source(%dma_start3A_316 : memref<200x32xf32, #tpu.memory_space<vmem>>) target(%dma_start3A_322 : memref<10000x32xf32, #tpu.memory_space<vmem_shared>>) offsets(%dma_start3A_319 : memref<200xi32, #tpu.memory_space<vmem>>) semaphore(%run_scoped3A_312 : memref<!tpu.dma_semaphore, #tpu.memory_space<semaphore_mem>>) {add = true}
        %dma_wait3A_323 = arith.constant 0 : i32
        %dma_wait3A_324 = arith.constant 0 : i32
        %dma_wait3A_325 = tpu.memref_slice %arg8[%run_scoped3A_220, %dma_wait3A_323, %dma_wait3A_324] : memref<4x200x32xf32, #tpu.memory_space<vmem>> -> memref<1x200x32xf32, #tpu.memory_space<vmem>>
        %dma_wait3A_326 = tpu.memref_squeeze %dma_wait3A_325 : memref<1x200x32xf32, #tpu.memory_space<vmem>> -> memref<200x32xf32, #tpu.memory_space<vmem>>
        %dma_wait3A_327 = arith.constant 0 : i32
        %dma_wait3A_328 = tpu.memref_slice %arg7[%add3A_204, %dma_wait3A_327] : memref<100x200xi32, #tpu.memory_space<vmem>> -> memref<1x200xi32, #tpu.memory_space<vmem>>
        %dma_wait3A_329 = tpu.memref_squeeze %dma_wait3A_328 : memref<1x200xi32, #tpu.memory_space<vmem>> -> memref<200xi32, #tpu.memory_space<vmem>>
        %dma_wait3A_330 = arith.constant 0 : i32
        %dma_wait3A_331 = arith.constant 0 : i32
        %dma_wait3A_332 = tpu.memref_slice %arg9[%dma_wait3A_330, %dma_wait3A_331] : memref<10000x32xf32, #tpu.memory_space<vmem_shared>> -> memref<10000x32xf32, #tpu.memory_space<vmem_shared>>
        tpu.wait_indirect_dma semaphore(%run_scoped3A_312 : memref<!tpu.dma_semaphore, #tpu.memory_space<semaphore_mem>>) src(%dma_wait3A_326 : memref<200x32xf32, #tpu.memory_space<vmem>>) dst(%dma_wait3A_332 : memref<10000x32xf32, #tpu.memory_space<vmem_shared>>)
        tpu.yield
      }) : () -> ()
      %add3A_221 = arith.constant 4 : i32
      %add3A_222 = arith.addi %add3A_204, %add3A_221 : i32
      %dma_start3A_223 = arith.constant 1 : i32
      %dma_start3A_224 = arith.constant 0 : i32
      %dma_start3A_225 = arith.constant 0 : i32
      %dma_start3A_226 = tpu.memref_slice %arg8[%dma_start3A_223, %dma_start3A_224, %dma_start3A_225] : memref<4x200x32xf32, #tpu.memory_space<vmem>> -> memref<1x200x32xf32, #tpu.memory_space<vmem>>
      %dma_start3A_227 = tpu.memref_squeeze %dma_start3A_226 : memref<1x200x32xf32, #tpu.memory_space<vmem>> -> memref<200x32xf32, #tpu.memory_space<vmem>>
      %dma_start3A_228 = arith.constant 0 : i32
      %dma_start3A_229 = tpu.memref_slice %arg6[%add3A_222, %dma_start3A_228] : memref<100x200xi32, #tpu.memory_space<vmem>> -> memref<1x200xi32, #tpu.memory_space<vmem>>
      %dma_start3A_230 = tpu.memref_squeeze %dma_start3A_229 : memref<1x200xi32, #tpu.memory_space<vmem>> -> memref<200xi32, #tpu.memory_space<vmem>>
      %dma_start3A_231 = arith.constant 0 : i32
      %dma_start3A_232 = arith.constant 0 : i32
      %dma_start3A_233 = tpu.memref_slice %arg2[%add3A_0, %dma_start3A_231, %dma_start3A_232] : memref<4x10000x32xf32, #tpu.memory_space<hbm>> -> memref<1x10000x32xf32, #tpu.memory_space<hbm>>
      %dma_start3A_234 = tpu.memref_squeeze %dma_start3A_233 : memref<1x10000x32xf32, #tpu.memory_space<hbm>> -> memref<10000x32xf32, #tpu.memory_space<hbm>>
      %dma_start3A_235 = arith.constant 0 : i32
      %dma_start3A_236 = arith.constant 0 : i32
      %dma_start3A_237 = tpu.memref_slice %dma_start3A_234[%dma_start3A_235, %dma_start3A_236] : memref<10000x32xf32, #tpu.memory_space<hbm>> -> memref<10000x32xf32, #tpu.memory_space<hbm>>
      tpu.enqueue_indirect_dma source(%dma_start3A_237 : memref<10000x32xf32, #tpu.memory_space<hbm>>) target(%dma_start3A_227 : memref<200x32xf32, #tpu.memory_space<vmem>>) offsets(%dma_start3A_230 : memref<200xi32, #tpu.memory_space<vmem>>) semaphore(%arg10 : memref<!tpu.dma_semaphore, #tpu.memory_space<semaphore_mem>>)
      %mul3A_238 = arith.constant 4 : i32
      %mul3A_239 = arith.muli %scan3A_163, %mul3A_238 : i32
      %add3A_240 = arith.constant 2 : i32
      %add3A_241 = arith.addi %mul3A_239, %add3A_240 : i32
      %dma_wait3A_242 = arith.constant 2 : i32
      %dma_wait3A_243 = arith.constant 0 : i32
      %dma_wait3A_244 = arith.constant 0 : i32
      %dma_wait3A_245 = tpu.memref_slice %arg8[%dma_wait3A_242, %dma_wait3A_243, %dma_wait3A_244] : memref<4x200x32xf32, #tpu.memory_space<vmem>> -> memref<1x200x32xf32, #tpu.memory_space<vmem>>
      %dma_wait3A_246 = tpu.memref_squeeze %dma_wait3A_245 : memref<1x200x32xf32, #tpu.memory_space<vmem>> -> memref<200x32xf32, #tpu.memory_space<vmem>>
      %dma_wait3A_247 = arith.constant 0 : i32
      %dma_wait3A_248 = tpu.memref_slice %arg6[%add3A_241, %dma_wait3A_247] : memref<100x200xi32, #tpu.memory_space<vmem>> -> memref<1x200xi32, #tpu.memory_space<vmem>>
      %dma_wait3A_249 = tpu.memref_squeeze %dma_wait3A_248 : memref<1x200xi32, #tpu.memory_space<vmem>> -> memref<200xi32, #tpu.memory_space<vmem>>
      %dma_wait3A_250 = arith.constant 0 : i32
      %dma_wait3A_251 = arith.constant 0 : i32
      %dma_wait3A_252 = tpu.memref_slice %arg2[%add3A_0, %dma_wait3A_250, %dma_wait3A_251] : memref<4x10000x32xf32, #tpu.memory_space<hbm>> -> memref<1x10000x32xf32, #tpu.memory_space<hbm>>
      %dma_wait3A_253 = tpu.memref_squeeze %dma_wait3A_252 : memref<1x10000x32xf32, #tpu.memory_space<hbm>> -> memref<10000x32xf32, #tpu.memory_space<hbm>>
      %dma_wait3A_254 = arith.constant 0 : i32
      %dma_wait3A_255 = arith.constant 0 : i32
      %dma_wait3A_256 = tpu.memref_slice %dma_wait3A_253[%dma_wait3A_254, %dma_wait3A_255] : memref<10000x32xf32, #tpu.memory_space<hbm>> -> memref<10000x32xf32, #tpu.memory_space<hbm>>
      tpu.wait_indirect_dma semaphore(%arg10 : memref<!tpu.dma_semaphore, #tpu.memory_space<semaphore_mem>>) src(%dma_wait3A_256 : memref<10000x32xf32, #tpu.memory_space<hbm>>) dst(%dma_wait3A_246 : memref<200x32xf32, #tpu.memory_space<vmem>>)
      %run_scoped3A_257 = arith.constant 2 : i32
      "tpu.region"() ({
        %run_scoped3A_312 = tpu.sem_alloc : memref<!tpu.dma_semaphore, #tpu.memory_space<semaphore_mem>>
        %dma_start3A_313 = arith.constant 0 : i32
        %dma_start3A_314 = arith.constant 0 : i32
        %dma_start3A_315 = tpu.memref_slice %arg8[%run_scoped3A_257, %dma_start3A_313, %dma_start3A_314] : memref<4x200x32xf32, #tpu.memory_space<vmem>> -> memref<1x200x32xf32, #tpu.memory_space<vmem>>
        %dma_start3A_316 = tpu.memref_squeeze %dma_start3A_315 : memref<1x200x32xf32, #tpu.memory_space<vmem>> -> memref<200x32xf32, #tpu.memory_space<vmem>>
        %dma_start3A_317 = arith.constant 0 : i32
        %dma_start3A_318 = tpu.memref_slice %arg7[%add3A_241, %dma_start3A_317] : memref<100x200xi32, #tpu.memory_space<vmem>> -> memref<1x200xi32, #tpu.memory_space<vmem>>
        %dma_start3A_319 = tpu.memref_squeeze %dma_start3A_318 : memref<1x200xi32, #tpu.memory_space<vmem>> -> memref<200xi32, #tpu.memory_space<vmem>>
        %dma_start3A_320 = arith.constant 0 : i32
        %dma_start3A_321 = arith.constant 0 : i32
        %dma_start3A_322 = tpu.memref_slice %arg9[%dma_start3A_320, %dma_start3A_321] : memref<10000x32xf32, #tpu.memory_space<vmem_shared>> -> memref<10000x32xf32, #tpu.memory_space<vmem_shared>>
        tpu.enqueue_indirect_dma source(%dma_start3A_316 : memref<200x32xf32, #tpu.memory_space<vmem>>) target(%dma_start3A_322 : memref<10000x32xf32, #tpu.memory_space<vmem_shared>>) offsets(%dma_start3A_319 : memref<200xi32, #tpu.memory_space<vmem>>) semaphore(%run_scoped3A_312 : memref<!tpu.dma_semaphore, #tpu.memory_space<semaphore_mem>>) {add = true}
        %dma_wait3A_323 = arith.constant 0 : i32
        %dma_wait3A_324 = arith.constant 0 : i32
        %dma_wait3A_325 = tpu.memref_slice %arg8[%run_scoped3A_257, %dma_wait3A_323, %dma_wait3A_324] : memref<4x200x32xf32, #tpu.memory_space<vmem>> -> memref<1x200x32xf32, #tpu.memory_space<vmem>>
        %dma_wait3A_326 = tpu.memref_squeeze %dma_wait3A_325 : memref<1x200x32xf32, #tpu.memory_space<vmem>> -> memref<200x32xf32, #tpu.memory_space<vmem>>
        %dma_wait3A_327 = arith.constant 0 : i32
        %dma_wait3A_328 = tpu.memref_slice %arg7[%add3A_241, %dma_wait3A_327] : memref<100x200xi32, #tpu.memory_space<vmem>> -> memref<1x200xi32, #tpu.memory_space<vmem>>
        %dma_wait3A_329 = tpu.memref_squeeze %dma_wait3A_328 : memref<1x200xi32, #tpu.memory_space<vmem>> -> memref<200xi32, #tpu.memory_space<vmem>>
        %dma_wait3A_330 = arith.constant 0 : i32
        %dma_wait3A_331 = arith.constant 0 : i32
        %dma_wait3A_332 = tpu.memref_slice %arg9[%dma_wait3A_330, %dma_wait3A_331] : memref<10000x32xf32, #tpu.memory_space<vmem_shared>> -> memref<10000x32xf32, #tpu.memory_space<vmem_shared>>
        tpu.wait_indirect_dma semaphore(%run_scoped3A_312 : memref<!tpu.dma_semaphore, #tpu.memory_space<semaphore_mem>>) src(%dma_wait3A_326 : memref<200x32xf32, #tpu.memory_space<vmem>>) dst(%dma_wait3A_332 : memref<10000x32xf32, #tpu.memory_space<vmem_shared>>)
        tpu.yield
      }) : () -> ()
      %add3A_258 = arith.constant 4 : i32
      %add3A_259 = arith.addi %add3A_241, %add3A_258 : i32
      %dma_start3A_260 = arith.constant 2 : i32
      %dma_start3A_261 = arith.constant 0 : i32
      %dma_start3A_262 = arith.constant 0 : i32
      %dma_start3A_263 = tpu.memref_slice %arg8[%dma_start3A_260, %dma_start3A_261, %dma_start3A_262] : memref<4x200x32xf32, #tpu.memory_space<vmem>> -> memref<1x200x32xf32, #tpu.memory_space<vmem>>
      %dma_start3A_264 = tpu.memref_squeeze %dma_start3A_263 : memref<1x200x32xf32, #tpu.memory_space<vmem>> -> memref<200x32xf32, #tpu.memory_space<vmem>>
      %dma_start3A_265 = arith.constant 0 : i32
      %dma_start3A_266 = tpu.memref_slice %arg6[%add3A_259, %dma_start3A_265] : memref<100x200xi32, #tpu.memory_space<vmem>> -> memref<1x200xi32, #tpu.memory_space<vmem>>
      %dma_start3A_267 = tpu.memref_squeeze %dma_start3A_266 : memref<1x200xi32, #tpu.memory_space<vmem>> -> memref<200xi32, #tpu.memory_space<vmem>>
      %dma_start3A_268 = arith.constant 0 : i32
      %dma_start3A_269 = arith.constant 0 : i32
      %dma_start3A_270 = tpu.memref_slice %arg2[%add3A_0, %dma_start3A_268, %dma_start3A_269] : memref<4x10000x32xf32, #tpu.memory_space<hbm>> -> memref<1x10000x32xf32, #tpu.memory_space<hbm>>
      %dma_start3A_271 = tpu.memref_squeeze %dma_start3A_270 : memref<1x10000x32xf32, #tpu.memory_space<hbm>> -> memref<10000x32xf32, #tpu.memory_space<hbm>>
      %dma_start3A_272 = arith.constant 0 : i32
      %dma_start3A_273 = arith.constant 0 : i32
      %dma_start3A_274 = tpu.memref_slice %dma_start3A_271[%dma_start3A_272, %dma_start3A_273] : memref<10000x32xf32, #tpu.memory_space<hbm>> -> memref<10000x32xf32, #tpu.memory_space<hbm>>
      tpu.enqueue_indirect_dma source(%dma_start3A_274 : memref<10000x32xf32, #tpu.memory_space<hbm>>) target(%dma_start3A_264 : memref<200x32xf32, #tpu.memory_space<vmem>>) offsets(%dma_start3A_267 : memref<200xi32, #tpu.memory_space<vmem>>) semaphore(%arg10 : memref<!tpu.dma_semaphore, #tpu.memory_space<semaphore_mem>>)
      %mul3A_275 = arith.constant 4 : i32
      %mul3A_276 = arith.muli %scan3A_163, %mul3A_275 : i32
      %add3A_277 = arith.constant 3 : i32
      %add3A_278 = arith.addi %mul3A_276, %add3A_277 : i32
      %dma_wait3A_279 = arith.constant 3 : i32
      %dma_wait3A_280 = arith.constant 0 : i32
      %dma_wait3A_281 = arith.constant 0 : i32
      %dma_wait3A_282 = tpu.memref_slice %arg8[%dma_wait3A_279, %dma_wait3A_280, %dma_wait3A_281] : memref<4x200x32xf32, #tpu.memory_space<vmem>> -> memref<1x200x32xf32, #tpu.memory_space<vmem>>
      %dma_wait3A_283 = tpu.memref_squeeze %dma_wait3A_282 : memref<1x200x32xf32, #tpu.memory_space<vmem>> -> memref<200x32xf32, #tpu.memory_space<vmem>>
      %dma_wait3A_284 = arith.constant 0 : i32
      %dma_wait3A_285 = tpu.memref_slice %arg6[%add3A_278, %dma_wait3A_284] : memref<100x200xi32, #tpu.memory_space<vmem>> -> memref<1x200xi32, #tpu.memory_space<vmem>>
      %dma_wait3A_286 = tpu.memref_squeeze %dma_wait3A_285 : memref<1x200xi32, #tpu.memory_space<vmem>> -> memref<200xi32, #tpu.memory_space<vmem>>
      %dma_wait3A_287 = arith.constant 0 : i32
      %dma_wait3A_288 = arith.constant 0 : i32
      %dma_wait3A_289 = tpu.memref_slice %arg2[%add3A_0, %dma_wait3A_287, %dma_wait3A_288] : memref<4x10000x32xf32, #tpu.memory_space<hbm>> -> memref<1x10000x32xf32, #tpu.memory_space<hbm>>
      %dma_wait3A_290 = tpu.memref_squeeze %dma_wait3A_289 : memref<1x10000x32xf32, #tpu.memory_space<hbm>> -> memref<10000x32xf32, #tpu.memory_space<hbm>>
      %dma_wait3A_291 = arith.constant 0 : i32
      %dma_wait3A_292 = arith.constant 0 : i32
      %dma_wait3A_293 = tpu.memref_slice %dma_wait3A_290[%dma_wait3A_291, %dma_wait3A_292] : memref<10000x32xf32, #tpu.memory_space<hbm>> -> memref<10000x32xf32, #tpu.memory_space<hbm>>
      tpu.wait_indirect_dma semaphore(%arg10 : memref<!tpu.dma_semaphore, #tpu.memory_space<semaphore_mem>>) src(%dma_wait3A_293 : memref<10000x32xf32, #tpu.memory_space<hbm>>) dst(%dma_wait3A_283 : memref<200x32xf32, #tpu.memory_space<vmem>>)
      %run_scoped3A_294 = arith.constant 3 : i32
      "tpu.region"() ({
        %run_scoped3A_312 = tpu.sem_alloc : memref<!tpu.dma_semaphore, #tpu.memory_space<semaphore_mem>>
        %dma_start3A_313 = arith.constant 0 : i32
        %dma_start3A_314 = arith.constant 0 : i32
        %dma_start3A_315 = tpu.memref_slice %arg8[%run_scoped3A_294, %dma_start3A_313, %dma_start3A_314] : memref<4x200x32xf32, #tpu.memory_space<vmem>> -> memref<1x200x32xf32, #tpu.memory_space<vmem>>
        %dma_start3A_316 = tpu.memref_squeeze %dma_start3A_315 : memref<1x200x32xf32, #tpu.memory_space<vmem>> -> memref<200x32xf32, #tpu.memory_space<vmem>>
        %dma_start3A_317 = arith.constant 0 : i32
        %dma_start3A_318 = tpu.memref_slice %arg7[%add3A_278, %dma_start3A_317] : memref<100x200xi32, #tpu.memory_space<vmem>> -> memref<1x200xi32, #tpu.memory_space<vmem>>
        %dma_start3A_319 = tpu.memref_squeeze %dma_start3A_318 : memref<1x200xi32, #tpu.memory_space<vmem>> -> memref<200xi32, #tpu.memory_space<vmem>>
        %dma_start3A_320 = arith.constant 0 : i32
        %dma_start3A_321 = arith.constant 0 : i32
        %dma_start3A_322 = tpu.memref_slice %arg9[%dma_start3A_320, %dma_start3A_321] : memref<10000x32xf32, #tpu.memory_space<vmem_shared>> -> memref<10000x32xf32, #tpu.memory_space<vmem_shared>>
        tpu.enqueue_indirect_dma source(%dma_start3A_316 : memref<200x32xf32, #tpu.memory_space<vmem>>) target(%dma_start3A_322 : memref<10000x32xf32, #tpu.memory_space<vmem_shared>>) offsets(%dma_start3A_319 : memref<200xi32, #tpu.memory_space<vmem>>) semaphore(%run_scoped3A_312 : memref<!tpu.dma_semaphore, #tpu.memory_space<semaphore_mem>>) {add = true}
        %dma_wait3A_323 = arith.constant 0 : i32
        %dma_wait3A_324 = arith.constant 0 : i32
        %dma_wait3A_325 = tpu.memref_slice %arg8[%run_scoped3A_294, %dma_wait3A_323, %dma_wait3A_324] : memref<4x200x32xf32, #tpu.memory_space<vmem>> -> memref<1x200x32xf32, #tpu.memory_space<vmem>>
        %dma_wait3A_326 = tpu.memref_squeeze %dma_wait3A_325 : memref<1x200x32xf32, #tpu.memory_space<vmem>> -> memref<200x32xf32, #tpu.memory_space<vmem>>
        %dma_wait3A_327 = arith.constant 0 : i32
        %dma_wait3A_328 = tpu.memref_slice %arg7[%add3A_278, %dma_wait3A_327] : memref<100x200xi32, #tpu.memory_space<vmem>> -> memref<1x200xi32, #tpu.memory_space<vmem>>
        %dma_wait3A_329 = tpu.memref_squeeze %dma_wait3A_328 : memref<1x200xi32, #tpu.memory_space<vmem>> -> memref<200xi32, #tpu.memory_space<vmem>>
        %dma_wait3A_330 = arith.constant 0 : i32
        %dma_wait3A_331 = arith.constant 0 : i32
        %dma_wait3A_332 = tpu.memref_slice %arg9[%dma_wait3A_330, %dma_wait3A_331] : memref<10000x32xf32, #tpu.memory_space<vmem_shared>> -> memref<10000x32xf32, #tpu.memory_space<vmem_shared>>
        tpu.wait_indirect_dma semaphore(%run_scoped3A_312 : memref<!tpu.dma_semaphore, #tpu.memory_space<semaphore_mem>>) src(%dma_wait3A_326 : memref<200x32xf32, #tpu.memory_space<vmem>>) dst(%dma_wait3A_332 : memref<10000x32xf32, #tpu.memory_space<vmem_shared>>)
        tpu.yield
      }) : () -> ()
      %add3A_295 = arith.constant 4 : i32
      %add3A_296 = arith.addi %add3A_278, %add3A_295 : i32
      %dma_start3A_297 = arith.constant 3 : i32
      %dma_start3A_298 = arith.constant 0 : i32
      %dma_start3A_299 = arith.constant 0 : i32
      %dma_start3A_300 = tpu.memref_slice %arg8[%dma_start3A_297, %dma_start3A_298, %dma_start3A_299] : memref<4x200x32xf32, #tpu.memory_space<vmem>> -> memref<1x200x32xf32, #tpu.memory_space<vmem>>
      %dma_start3A_301 = tpu.memref_squeeze %dma_start3A_300 : memref<1x200x32xf32, #tpu.memory_space<vmem>> -> memref<200x32xf32, #tpu.memory_space<vmem>>
      %dma_start3A_302 = arith.constant 0 : i32
      %dma_start3A_303 = tpu.memref_slice %arg6[%add3A_296, %dma_start3A_302] : memref<100x200xi32, #tpu.memory_space<vmem>> -> memref<1x200xi32, #tpu.memory_space<vmem>>
      %dma_start3A_304 = tpu.memref_squeeze %dma_start3A_303 : memref<1x200xi32, #tpu.memory_space<vmem>> -> memref<200xi32, #tpu.memory_space<vmem>>
      %dma_start3A_305 = arith.constant 0 : i32
      %dma_start3A_306 = arith.constant 0 : i32
      %dma_start3A_307 = tpu.memref_slice %arg2[%add3A_0, %dma_start3A_305, %dma_start3A_306] : memref<4x10000x32xf32, #tpu.memory_space<hbm>> -> memref<1x10000x32xf32, #tpu.memory_space<hbm>>
      %dma_start3A_308 = tpu.memref_squeeze %dma_start3A_307 : memref<1x10000x32xf32, #tpu.memory_space<hbm>> -> memref<10000x32xf32, #tpu.memory_space<hbm>>
      %dma_start3A_309 = arith.constant 0 : i32
      %dma_start3A_310 = arith.constant 0 : i32
      %dma_start3A_311 = tpu.memref_slice %dma_start3A_308[%dma_start3A_309, %dma_start3A_310] : memref<10000x32xf32, #tpu.memory_space<hbm>> -> memref<10000x32xf32, #tpu.memory_space<hbm>>
      tpu.enqueue_indirect_dma source(%dma_start3A_311 : memref<10000x32xf32, #tpu.memory_space<hbm>>) target(%dma_start3A_301 : memref<200x32xf32, #tpu.memory_space<vmem>>) offsets(%dma_start3A_304 : memref<200xi32, #tpu.memory_space<vmem>>) semaphore(%arg10 : memref<!tpu.dma_semaphore, #tpu.memory_space<semaphore_mem>>)
    }
    %scan3A_86 = arith.constant 24 : i32
    %dma_wait3A = arith.constant 96 : i32
    %dma_wait3A_87 = arith.constant 0 : i32
    %dma_wait3A_88 = arith.constant 0 : i32
    %dma_wait3A_89 = arith.constant 0 : i32
    %dma_wait3A_90 = tpu.memref_slice %arg8[%dma_wait3A_87, %dma_wait3A_88, %dma_wait3A_89] : memref<4x200x32xf32, #tpu.memory_space<vmem>> -> memref<1x200x32xf32, #tpu.memory_space<vmem>>
    %dma_wait3A_91 = tpu.memref_squeeze %dma_wait3A_90 : memref<1x200x32xf32, #tpu.memory_space<vmem>> -> memref<200x32xf32, #tpu.memory_space<vmem>>
    %dma_wait3A_92 = arith.constant 0 : i32
    %dma_wait3A_93 = tpu.memref_slice %arg6[%dma_wait3A, %dma_wait3A_92] : memref<100x200xi32, #tpu.memory_space<vmem>> -> memref<1x200xi32, #tpu.memory_space<vmem>>
    %dma_wait3A_94 = tpu.memref_squeeze %dma_wait3A_93 : memref<1x200xi32, #tpu.memory_space<vmem>> -> memref<200xi32, #tpu.memory_space<vmem>>
    %dma_wait3A_95 = arith.constant 0 : i32
    %dma_wait3A_96 = arith.constant 0 : i32
    %dma_wait3A_97 = tpu.memref_slice %arg2[%add3A_0, %dma_wait3A_95, %dma_wait3A_96] : memref<4x10000x32xf32, #tpu.memory_space<hbm>> -> memref<1x10000x32xf32, #tpu.memory_space<hbm>>
    %dma_wait3A_98 = tpu.memref_squeeze %dma_wait3A_97 : memref<1x10000x32xf32, #tpu.memory_space<hbm>> -> memref<10000x32xf32, #tpu.memory_space<hbm>>
    %dma_wait3A_99 = arith.constant 0 : i32
    %dma_wait3A_100 = arith.constant 0 : i32
    %dma_wait3A_101 = tpu.memref_slice %dma_wait3A_98[%dma_wait3A_99, %dma_wait3A_100] : memref<10000x32xf32, #tpu.memory_space<hbm>> -> memref<10000x32xf32, #tpu.memory_space<hbm>>
    tpu.wait_indirect_dma semaphore(%arg10 : memref<!tpu.dma_semaphore, #tpu.memory_space<semaphore_mem>>) src(%dma_wait3A_101 : memref<10000x32xf32, #tpu.memory_space<hbm>>) dst(%dma_wait3A_91 : memref<200x32xf32, #tpu.memory_space<vmem>>)
    %run_scoped3A_102 = arith.constant 0 : i32
    %run_scoped3A_103 = arith.constant 96 : i32
    "tpu.region"() ({
      %run_scoped3A_163 = tpu.sem_alloc : memref<!tpu.dma_semaphore, #tpu.memory_space<semaphore_mem>>
      %dma_start3A_164 = arith.constant 0 : i32
      %dma_start3A_165 = arith.constant 0 : i32
      %dma_start3A_166 = tpu.memref_slice %arg8[%run_scoped3A_102, %dma_start3A_164, %dma_start3A_165] : memref<4x200x32xf32, #tpu.memory_space<vmem>> -> memref<1x200x32xf32, #tpu.memory_space<vmem>>
      %dma_start3A_167 = tpu.memref_squeeze %dma_start3A_166 : memref<1x200x32xf32, #tpu.memory_space<vmem>> -> memref<200x32xf32, #tpu.memory_space<vmem>>
      %dma_start3A_168 = arith.constant 0 : i32
      %dma_start3A_169 = tpu.memref_slice %arg7[%run_scoped3A_103, %dma_start3A_168] : memref<100x200xi32, #tpu.memory_space<vmem>> -> memref<1x200xi32, #tpu.memory_space<vmem>>
      %dma_start3A_170 = tpu.memref_squeeze %dma_start3A_169 : memref<1x200xi32, #tpu.memory_space<vmem>> -> memref<200xi32, #tpu.memory_space<vmem>>
      %dma_start3A_171 = arith.constant 0 : i32
      %dma_start3A_172 = arith.constant 0 : i32
      %dma_start3A_173 = tpu.memref_slice %arg9[%dma_start3A_171, %dma_start3A_172] : memref<10000x32xf32, #tpu.memory_space<vmem_shared>> -> memref<10000x32xf32, #tpu.memory_space<vmem_shared>>
      tpu.enqueue_indirect_dma source(%dma_start3A_167 : memref<200x32xf32, #tpu.memory_space<vmem>>) target(%dma_start3A_173 : memref<10000x32xf32, #tpu.memory_space<vmem_shared>>) offsets(%dma_start3A_170 : memref<200xi32, #tpu.memory_space<vmem>>) semaphore(%run_scoped3A_163 : memref<!tpu.dma_semaphore, #tpu.memory_space<semaphore_mem>>) {add = true}
      %dma_wait3A_174 = arith.constant 0 : i32
      %dma_wait3A_175 = arith.constant 0 : i32
      %dma_wait3A_176 = tpu.memref_slice %arg8[%run_scoped3A_102, %dma_wait3A_174, %dma_wait3A_175] : memref<4x200x32xf32, #tpu.memory_space<vmem>> -> memref<1x200x32xf32, #tpu.memory_space<vmem>>
      %dma_wait3A_177 = tpu.memref_squeeze %dma_wait3A_176 : memref<1x200x32xf32, #tpu.memory_space<vmem>> -> memref<200x32xf32, #tpu.memory_space<vmem>>
      %dma_wait3A_178 = arith.constant 0 : i32
      %dma_wait3A_179 = tpu.memref_slice %arg7[%run_scoped3A_103, %dma_wait3A_178] : memref<100x200xi32, #tpu.memory_space<vmem>> -> memref<1x200xi32, #tpu.memory_space<vmem>>
      %dma_wait3A_180 = tpu.memref_squeeze %dma_wait3A_179 : memref<1x200xi32, #tpu.memory_space<vmem>> -> memref<200xi32, #tpu.memory_space<vmem>>
      %dma_wait3A_181 = arith.constant 0 : i32
      %dma_wait3A_182 = arith.constant 0 : i32
      %dma_wait3A_183 = tpu.memref_slice %arg9[%dma_wait3A_181, %dma_wait3A_182] : memref<10000x32xf32, #tpu.memory_space<vmem_shared>> -> memref<10000x32xf32, #tpu.memory_space<vmem_shared>>
      tpu.wait_indirect_dma semaphore(%run_scoped3A_163 : memref<!tpu.dma_semaphore, #tpu.memory_space<semaphore_mem>>) src(%dma_wait3A_177 : memref<200x32xf32, #tpu.memory_space<vmem>>) dst(%dma_wait3A_183 : memref<10000x32xf32, #tpu.memory_space<vmem_shared>>)
      tpu.yield
    }) : () -> ()
    %dma_wait3A_104 = arith.constant 97 : i32
    %dma_wait3A_105 = arith.constant 1 : i32
    %dma_wait3A_106 = arith.constant 0 : i32
    %dma_wait3A_107 = arith.constant 0 : i32
    %dma_wait3A_108 = tpu.memref_slice %arg8[%dma_wait3A_105, %dma_wait3A_106, %dma_wait3A_107] : memref<4x200x32xf32, #tpu.memory_space<vmem>> -> memref<1x200x32xf32, #tpu.memory_space<vmem>>
    %dma_wait3A_109 = tpu.memref_squeeze %dma_wait3A_108 : memref<1x200x32xf32, #tpu.memory_space<vmem>> -> memref<200x32xf32, #tpu.memory_space<vmem>>
    %dma_wait3A_110 = arith.constant 0 : i32
    %dma_wait3A_111 = tpu.memref_slice %arg6[%dma_wait3A_104, %dma_wait3A_110] : memref<100x200xi32, #tpu.memory_space<vmem>> -> memref<1x200xi32, #tpu.memory_space<vmem>>
    %dma_wait3A_112 = tpu.memref_squeeze %dma_wait3A_111 : memref<1x200xi32, #tpu.memory_space<vmem>> -> memref<200xi32, #tpu.memory_space<vmem>>
    %dma_wait3A_113 = arith.constant 0 : i32
    %dma_wait3A_114 = arith.constant 0 : i32
    %dma_wait3A_115 = tpu.memref_slice %arg2[%add3A_0, %dma_wait3A_113, %dma_wait3A_114] : memref<4x10000x32xf32, #tpu.memory_space<hbm>> -> memref<1x10000x32xf32, #tpu.memory_space<hbm>>
    %dma_wait3A_116 = tpu.memref_squeeze %dma_wait3A_115 : memref<1x10000x32xf32, #tpu.memory_space<hbm>> -> memref<10000x32xf32, #tpu.memory_space<hbm>>
    %dma_wait3A_117 = arith.constant 0 : i32
    %dma_wait3A_118 = arith.constant 0 : i32
    %dma_wait3A_119 = tpu.memref_slice %dma_wait3A_116[%dma_wait3A_117, %dma_wait3A_118] : memref<10000x32xf32, #tpu.memory_space<hbm>> -> memref<10000x32xf32, #tpu.memory_space<hbm>>
    tpu.wait_indirect_dma semaphore(%arg10 : memref<!tpu.dma_semaphore, #tpu.memory_space<semaphore_mem>>) src(%dma_wait3A_119 : memref<10000x32xf32, #tpu.memory_space<hbm>>) dst(%dma_wait3A_109 : memref<200x32xf32, #tpu.memory_space<vmem>>)
    %run_scoped3A_120 = arith.constant 1 : i32
    %run_scoped3A_121 = arith.constant 97 : i32
    "tpu.region"() ({
      %run_scoped3A_163 = tpu.sem_alloc : memref<!tpu.dma_semaphore, #tpu.memory_space<semaphore_mem>>
      %dma_start3A_164 = arith.constant 0 : i32
      %dma_start3A_165 = arith.constant 0 : i32
      %dma_start3A_166 = tpu.memref_slice %arg8[%run_scoped3A_120, %dma_start3A_164, %dma_start3A_165] : memref<4x200x32xf32, #tpu.memory_space<vmem>> -> memref<1x200x32xf32, #tpu.memory_space<vmem>>
      %dma_start3A_167 = tpu.memref_squeeze %dma_start3A_166 : memref<1x200x32xf32, #tpu.memory_space<vmem>> -> memref<200x32xf32, #tpu.memory_space<vmem>>
      %dma_start3A_168 = arith.constant 0 : i32
      %dma_start3A_169 = tpu.memref_slice %arg7[%run_scoped3A_121, %dma_start3A_168] : memref<100x200xi32, #tpu.memory_space<vmem>> -> memref<1x200xi32, #tpu.memory_space<vmem>>
      %dma_start3A_170 = tpu.memref_squeeze %dma_start3A_169 : memref<1x200xi32, #tpu.memory_space<vmem>> -> memref<200xi32, #tpu.memory_space<vmem>>
      %dma_start3A_171 = arith.constant 0 : i32
      %dma_start3A_172 = arith.constant 0 : i32
      %dma_start3A_173 = tpu.memref_slice %arg9[%dma_start3A_171, %dma_start3A_172] : memref<10000x32xf32, #tpu.memory_space<vmem_shared>> -> memref<10000x32xf32, #tpu.memory_space<vmem_shared>>
      tpu.enqueue_indirect_dma source(%dma_start3A_167 : memref<200x32xf32, #tpu.memory_space<vmem>>) target(%dma_start3A_173 : memref<10000x32xf32, #tpu.memory_space<vmem_shared>>) offsets(%dma_start3A_170 : memref<200xi32, #tpu.memory_space<vmem>>) semaphore(%run_scoped3A_163 : memref<!tpu.dma_semaphore, #tpu.memory_space<semaphore_mem>>) {add = true}
      %dma_wait3A_174 = arith.constant 0 : i32
      %dma_wait3A_175 = arith.constant 0 : i32
      %dma_wait3A_176 = tpu.memref_slice %arg8[%run_scoped3A_120, %dma_wait3A_174, %dma_wait3A_175] : memref<4x200x32xf32, #tpu.memory_space<vmem>> -> memref<1x200x32xf32, #tpu.memory_space<vmem>>
      %dma_wait3A_177 = tpu.memref_squeeze %dma_wait3A_176 : memref<1x200x32xf32, #tpu.memory_space<vmem>> -> memref<200x32xf32, #tpu.memory_space<vmem>>
      %dma_wait3A_178 = arith.constant 0 : i32
      %dma_wait3A_179 = tpu.memref_slice %arg7[%run_scoped3A_121, %dma_wait3A_178] : memref<100x200xi32, #tpu.memory_space<vmem>> -> memref<1x200xi32, #tpu.memory_space<vmem>>
      %dma_wait3A_180 = tpu.memref_squeeze %dma_wait3A_179 : memref<1x200xi32, #tpu.memory_space<vmem>> -> memref<200xi32, #tpu.memory_space<vmem>>
      %dma_wait3A_181 = arith.constant 0 : i32
      %dma_wait3A_182 = arith.constant 0 : i32
      %dma_wait3A_183 = tpu.memref_slice %arg9[%dma_wait3A_181, %dma_wait3A_182] : memref<10000x32xf32, #tpu.memory_space<vmem_shared>> -> memref<10000x32xf32, #tpu.memory_space<vmem_shared>>
      tpu.wait_indirect_dma semaphore(%run_scoped3A_163 : memref<!tpu.dma_semaphore, #tpu.memory_space<semaphore_mem>>) src(%dma_wait3A_177 : memref<200x32xf32, #tpu.memory_space<vmem>>) dst(%dma_wait3A_183 : memref<10000x32xf32, #tpu.memory_space<vmem_shared>>)
      tpu.yield
    }) : () -> ()
    %dma_wait3A_122 = arith.constant 98 : i32
    %dma_wait3A_123 = arith.constant 2 : i32
    %dma_wait3A_124 = arith.constant 0 : i32
    %dma_wait3A_125 = arith.constant 0 : i32
    %dma_wait3A_126 = tpu.memref_slice %arg8[%dma_wait3A_123, %dma_wait3A_124, %dma_wait3A_125] : memref<4x200x32xf32, #tpu.memory_space<vmem>> -> memref<1x200x32xf32, #tpu.memory_space<vmem>>
    %dma_wait3A_127 = tpu.memref_squeeze %dma_wait3A_126 : memref<1x200x32xf32, #tpu.memory_space<vmem>> -> memref<200x32xf32, #tpu.memory_space<vmem>>
    %dma_wait3A_128 = arith.constant 0 : i32
    %dma_wait3A_129 = tpu.memref_slice %arg6[%dma_wait3A_122, %dma_wait3A_128] : memref<100x200xi32, #tpu.memory_space<vmem>> -> memref<1x200xi32, #tpu.memory_space<vmem>>
    %dma_wait3A_130 = tpu.memref_squeeze %dma_wait3A_129 : memref<1x200xi32, #tpu.memory_space<vmem>> -> memref<200xi32, #tpu.memory_space<vmem>>
    %dma_wait3A_131 = arith.constant 0 : i32
    %dma_wait3A_132 = arith.constant 0 : i32
    %dma_wait3A_133 = tpu.memref_slice %arg2[%add3A_0, %dma_wait3A_131, %dma_wait3A_132] : memref<4x10000x32xf32, #tpu.memory_space<hbm>> -> memref<1x10000x32xf32, #tpu.memory_space<hbm>>
    %dma_wait3A_134 = tpu.memref_squeeze %dma_wait3A_133 : memref<1x10000x32xf32, #tpu.memory_space<hbm>> -> memref<10000x32xf32, #tpu.memory_space<hbm>>
    %dma_wait3A_135 = arith.constant 0 : i32
    %dma_wait3A_136 = arith.constant 0 : i32
    %dma_wait3A_137 = tpu.memref_slice %dma_wait3A_134[%dma_wait3A_135, %dma_wait3A_136] : memref<10000x32xf32, #tpu.memory_space<hbm>> -> memref<10000x32xf32, #tpu.memory_space<hbm>>
    tpu.wait_indirect_dma semaphore(%arg10 : memref<!tpu.dma_semaphore, #tpu.memory_space<semaphore_mem>>) src(%dma_wait3A_137 : memref<10000x32xf32, #tpu.memory_space<hbm>>) dst(%dma_wait3A_127 : memref<200x32xf32, #tpu.memory_space<vmem>>)
    %run_scoped3A_138 = arith.constant 2 : i32
    %run_scoped3A_139 = arith.constant 98 : i32
    "tpu.region"() ({
      %run_scoped3A_163 = tpu.sem_alloc : memref<!tpu.dma_semaphore, #tpu.memory_space<semaphore_mem>>
      %dma_start3A_164 = arith.constant 0 : i32
      %dma_start3A_165 = arith.constant 0 : i32
      %dma_start3A_166 = tpu.memref_slice %arg8[%run_scoped3A_138, %dma_start3A_164, %dma_start3A_165] : memref<4x200x32xf32, #tpu.memory_space<vmem>> -> memref<1x200x32xf32, #tpu.memory_space<vmem>>
      %dma_start3A_167 = tpu.memref_squeeze %dma_start3A_166 : memref<1x200x32xf32, #tpu.memory_space<vmem>> -> memref<200x32xf32, #tpu.memory_space<vmem>>
      %dma_start3A_168 = arith.constant 0 : i32
      %dma_start3A_169 = tpu.memref_slice %arg7[%run_scoped3A_139, %dma_start3A_168] : memref<100x200xi32, #tpu.memory_space<vmem>> -> memref<1x200xi32, #tpu.memory_space<vmem>>
      %dma_start3A_170 = tpu.memref_squeeze %dma_start3A_169 : memref<1x200xi32, #tpu.memory_space<vmem>> -> memref<200xi32, #tpu.memory_space<vmem>>
      %dma_start3A_171 = arith.constant 0 : i32
      %dma_start3A_172 = arith.constant 0 : i32
      %dma_start3A_173 = tpu.memref_slice %arg9[%dma_start3A_171, %dma_start3A_172] : memref<10000x32xf32, #tpu.memory_space<vmem_shared>> -> memref<10000x32xf32, #tpu.memory_space<vmem_shared>>
      tpu.enqueue_indirect_dma source(%dma_start3A_167 : memref<200x32xf32, #tpu.memory_space<vmem>>) target(%dma_start3A_173 : memref<10000x32xf32, #tpu.memory_space<vmem_shared>>) offsets(%dma_start3A_170 : memref<200xi32, #tpu.memory_space<vmem>>) semaphore(%run_scoped3A_163 : memref<!tpu.dma_semaphore, #tpu.memory_space<semaphore_mem>>) {add = true}
      %dma_wait3A_174 = arith.constant 0 : i32
      %dma_wait3A_175 = arith.constant 0 : i32
      %dma_wait3A_176 = tpu.memref_slice %arg8[%run_scoped3A_138, %dma_wait3A_174, %dma_wait3A_175] : memref<4x200x32xf32, #tpu.memory_space<vmem>> -> memref<1x200x32xf32, #tpu.memory_space<vmem>>
      %dma_wait3A_177 = tpu.memref_squeeze %dma_wait3A_176 : memref<1x200x32xf32, #tpu.memory_space<vmem>> -> memref<200x32xf32, #tpu.memory_space<vmem>>
      %dma_wait3A_178 = arith.constant 0 : i32
      %dma_wait3A_179 = tpu.memref_slice %arg7[%run_scoped3A_139, %dma_wait3A_178] : memref<100x200xi32, #tpu.memory_space<vmem>> -> memref<1x200xi32, #tpu.memory_space<vmem>>
      %dma_wait3A_180 = tpu.memref_squeeze %dma_wait3A_179 : memref<1x200xi32, #tpu.memory_space<vmem>> -> memref<200xi32, #tpu.memory_space<vmem>>
      %dma_wait3A_181 = arith.constant 0 : i32
      %dma_wait3A_182 = arith.constant 0 : i32
      %dma_wait3A_183 = tpu.memref_slice %arg9[%dma_wait3A_181, %dma_wait3A_182] : memref<10000x32xf32, #tpu.memory_space<vmem_shared>> -> memref<10000x32xf32, #tpu.memory_space<vmem_shared>>
      tpu.wait_indirect_dma semaphore(%run_scoped3A_163 : memref<!tpu.dma_semaphore, #tpu.memory_space<semaphore_mem>>) src(%dma_wait3A_177 : memref<200x32xf32, #tpu.memory_space<vmem>>) dst(%dma_wait3A_183 : memref<10000x32xf32, #tpu.memory_space<vmem_shared>>)
      tpu.yield
    }) : () -> ()
    %dma_wait3A_140 = arith.constant 99 : i32
    %dma_wait3A_141 = arith.constant 3 : i32
    %dma_wait3A_142 = arith.constant 0 : i32
    %dma_wait3A_143 = arith.constant 0 : i32
    %dma_wait3A_144 = tpu.memref_slice %arg8[%dma_wait3A_141, %dma_wait3A_142, %dma_wait3A_143] : memref<4x200x32xf32, #tpu.memory_space<vmem>> -> memref<1x200x32xf32, #tpu.memory_space<vmem>>
    %dma_wait3A_145 = tpu.memref_squeeze %dma_wait3A_144 : memref<1x200x32xf32, #tpu.memory_space<vmem>> -> memref<200x32xf32, #tpu.memory_space<vmem>>
    %dma_wait3A_146 = arith.constant 0 : i32
    %dma_wait3A_147 = tpu.memref_slice %arg6[%dma_wait3A_140, %dma_wait3A_146] : memref<100x200xi32, #tpu.memory_space<vmem>> -> memref<1x200xi32, #tpu.memory_space<vmem>>
    %dma_wait3A_148 = tpu.memref_squeeze %dma_wait3A_147 : memref<1x200xi32, #tpu.memory_space<vmem>> -> memref<200xi32, #tpu.memory_space<vmem>>
    %dma_wait3A_149 = arith.constant 0 : i32
    %dma_wait3A_150 = arith.constant 0 : i32
    %dma_wait3A_151 = tpu.memref_slice %arg2[%add3A_0, %dma_wait3A_149, %dma_wait3A_150] : memref<4x10000x32xf32, #tpu.memory_space<hbm>> -> memref<1x10000x32xf32, #tpu.memory_space<hbm>>
    %dma_wait3A_152 = tpu.memref_squeeze %dma_wait3A_151 : memref<1x10000x32xf32, #tpu.memory_space<hbm>> -> memref<10000x32xf32, #tpu.memory_space<hbm>>
    %dma_wait3A_153 = arith.constant 0 : i32
    %dma_wait3A_154 = arith.constant 0 : i32
    %dma_wait3A_155 = tpu.memref_slice %dma_wait3A_152[%dma_wait3A_153, %dma_wait3A_154] : memref<10000x32xf32, #tpu.memory_space<hbm>> -> memref<10000x32xf32, #tpu.memory_space<hbm>>
    tpu.wait_indirect_dma semaphore(%arg10 : memref<!tpu.dma_semaphore, #tpu.memory_space<semaphore_mem>>) src(%dma_wait3A_155 : memref<10000x32xf32, #tpu.memory_space<hbm>>) dst(%dma_wait3A_145 : memref<200x32xf32, #tpu.memory_space<vmem>>)
    %run_scoped3A_156 = arith.constant 3 : i32
    %run_scoped3A_157 = arith.constant 99 : i32
    "tpu.region"() ({
      %run_scoped3A_163 = tpu.sem_alloc : memref<!tpu.dma_semaphore, #tpu.memory_space<semaphore_mem>>
      %dma_start3A_164 = arith.constant 0 : i32
      %dma_start3A_165 = arith.constant 0 : i32
      %dma_start3A_166 = tpu.memref_slice %arg8[%run_scoped3A_156, %dma_start3A_164, %dma_start3A_165] : memref<4x200x32xf32, #tpu.memory_space<vmem>> -> memref<1x200x32xf32, #tpu.memory_space<vmem>>
      %dma_start3A_167 = tpu.memref_squeeze %dma_start3A_166 : memref<1x200x32xf32, #tpu.memory_space<vmem>> -> memref<200x32xf32, #tpu.memory_space<vmem>>
      %dma_start3A_168 = arith.constant 0 : i32
      %dma_start3A_169 = tpu.memref_slice %arg7[%run_scoped3A_157, %dma_start3A_168] : memref<100x200xi32, #tpu.memory_space<vmem>> -> memref<1x200xi32, #tpu.memory_space<vmem>>
      %dma_start3A_170 = tpu.memref_squeeze %dma_start3A_169 : memref<1x200xi32, #tpu.memory_space<vmem>> -> memref<200xi32, #tpu.memory_space<vmem>>
      %dma_start3A_171 = arith.constant 0 : i32
      %dma_start3A_172 = arith.constant 0 : i32
      %dma_start3A_173 = tpu.memref_slice %arg9[%dma_start3A_171, %dma_start3A_172] : memref<10000x32xf32, #tpu.memory_space<vmem_shared>> -> memref<10000x32xf32, #tpu.memory_space<vmem_shared>>
      tpu.enqueue_indirect_dma source(%dma_start3A_167 : memref<200x32xf32, #tpu.memory_space<vmem>>) target(%dma_start3A_173 : memref<10000x32xf32, #tpu.memory_space<vmem_shared>>) offsets(%dma_start3A_170 : memref<200xi32, #tpu.memory_space<vmem>>) semaphore(%run_scoped3A_163 : memref<!tpu.dma_semaphore, #tpu.memory_space<semaphore_mem>>) {add = true}
      %dma_wait3A_174 = arith.constant 0 : i32
      %dma_wait3A_175 = arith.constant 0 : i32
      %dma_wait3A_176 = tpu.memref_slice %arg8[%run_scoped3A_156, %dma_wait3A_174, %dma_wait3A_175] : memref<4x200x32xf32, #tpu.memory_space<vmem>> -> memref<1x200x32xf32, #tpu.memory_space<vmem>>
      %dma_wait3A_177 = tpu.memref_squeeze %dma_wait3A_176 : memref<1x200x32xf32, #tpu.memory_space<vmem>> -> memref<200x32xf32, #tpu.memory_space<vmem>>
      %dma_wait3A_178 = arith.constant 0 : i32
      %dma_wait3A_179 = tpu.memref_slice %arg7[%run_scoped3A_157, %dma_wait3A_178] : memref<100x200xi32, #tpu.memory_space<vmem>> -> memref<1x200xi32, #tpu.memory_space<vmem>>
      %dma_wait3A_180 = tpu.memref_squeeze %dma_wait3A_179 : memref<1x200xi32, #tpu.memory_space<vmem>> -> memref<200xi32, #tpu.memory_space<vmem>>
      %dma_wait3A_181 = arith.constant 0 : i32
      %dma_wait3A_182 = arith.constant 0 : i32
      %dma_wait3A_183 = tpu.memref_slice %arg9[%dma_wait3A_181, %dma_wait3A_182] : memref<10000x32xf32, #tpu.memory_space<vmem_shared>> -> memref<10000x32xf32, #tpu.memory_space<vmem_shared>>
      tpu.wait_indirect_dma semaphore(%run_scoped3A_163 : memref<!tpu.dma_semaphore, #tpu.memory_space<semaphore_mem>>) src(%dma_wait3A_177 : memref<200x32xf32, #tpu.memory_space<vmem>>) dst(%dma_wait3A_183 : memref<10000x32xf32, #tpu.memory_space<vmem_shared>>)
      tpu.yield
    }) : () -> ()
    %barrier3A_158 = arith.constant 0 : index
    tpu.barrier barrier_id(%barrier3A_158)
    %mul3A_159 = arith.constant 625 : i32
    %mul3A_160 = arith.muli %arg1, %mul3A_159 : i32
    %mul3A_161 = arith.constant 625 : i32
    %mul3A_162 = arith.muli %arg1, %mul3A_161 : i32
    "tpu.region"() ({
      %run_scoped3A_163 = tpu.sem_alloc : memref<!tpu.dma_semaphore, #tpu.memory_space<semaphore_mem>>
      %dma_start3A_164 = arith.constant 0 : i32
      %dma_start3A_165 = tpu.memref_slice %arg5[%arg0, %mul3A_162, %dma_start3A_164] : memref<2x10000x32xf32, #tpu.memory_space<hbm>> -> memref<1x625x32xf32, #tpu.memory_space<hbm>>
      %dma_start3A_166 = tpu.memref_squeeze %dma_start3A_165 : memref<1x625x32xf32, #tpu.memory_space<hbm>> -> memref<625x32xf32, #tpu.memory_space<hbm>>
      %dma_start3A_167 = arith.constant 0 : i32
      %dma_start3A_168 = tpu.memref_slice %arg9[%mul3A_160, %dma_start3A_167] : memref<10000x32xf32, #tpu.memory_space<vmem_shared>> -> memref<625x32xf32, #tpu.memory_space<vmem_shared>>
      tpu.enqueue_dma source(%dma_start3A_168 : memref<625x32xf32, #tpu.memory_space<vmem_shared>>) target(%dma_start3A_166 : memref<625x32xf32, #tpu.memory_space<hbm>>) target_semaphore(%run_scoped3A_163 : memref<!tpu.dma_semaphore, #tpu.memory_space<semaphore_mem>>)
      %dma_wait3A_169 = arith.constant 0 : i32
      %dma_wait3A_170 = tpu.memref_slice %arg5[%arg0, %mul3A_162, %dma_wait3A_169] : memref<2x10000x32xf32, #tpu.memory_space<hbm>> -> memref<1x625x32xf32, #tpu.memory_space<hbm>>
      %dma_wait3A_171 = tpu.memref_squeeze %dma_wait3A_170 : memref<1x625x32xf32, #tpu.memory_space<hbm>> -> memref<625x32xf32, #tpu.memory_space<hbm>>
      %dma_wait3A_172 = arith.constant 0 : i32
      %dma_wait3A_173 = tpu.memref_slice %arg9[%mul3A_160, %dma_wait3A_172] : memref<10000x32xf32, #tpu.memory_space<vmem_shared>> -> memref<625x32xf32, #tpu.memory_space<vmem_shared>>
      tpu.wait_dma2 semaphore(%run_scoped3A_163 : memref<!tpu.dma_semaphore, #tpu.memory_space<semaphore_mem>>) src(%dma_wait3A_173 : memref<625x32xf32, #tpu.memory_space<vmem_shared>>) dst(%dma_wait3A_171 : memref<625x32xf32, #tpu.memory_space<hbm>>)
      tpu.yield
    }) : () -> ()
    return
  }
}

#map = affine_map<(d0, d1) -> (0, 0)>
#map1 = affine_map<(d0, d1) -> (0, 0, 0)>
module attributes {stable_mosaic.version = 14 : i64} {
  func.func @k(%arg0: i32, %arg1: i32, %arg2: memref<10000x16xf32, #tpu.memory_space<hbm>>, %arg3: memref<32x25x400xi32, #tpu.memory_space<hbm>>, %arg4: memref<32x25x400xi32, #tpu.memory_space<hbm>>, %arg5: memref<2x10000x16xf32, #tpu.memory_space<hbm>>, %arg6: memref<25x400xi32, #tpu.memory_space<vmem>>, %arg7: memref<25x400xi32, #tpu.memory_space<vmem>>, %arg8: memref<5x400x16xf32, #tpu.memory_space<vmem>>, %arg9: memref<625x16xf32, #tpu.memory_space<vmem>>, %arg10: memref<10000x16xf32, #tpu.memory_space<vmem_shared>>, %arg11: memref<10000x16xf32, #tpu.memory_space<vmem_shared>>, %arg12: memref<!tpu.dma_semaphore, #tpu.memory_space<semaphore_mem>>) attributes {dimension_semantics = [#tpu.dimension_semantics<core_parallel>, #tpu.dimension_semantics<subcore_parallel>], iteration_bounds = array<i64: 2, 16>, scalar_prefetch = 0 : i64, scratch_operands = 7 : i64, tpu.core_type = #tpu.core_type<sc_vector_subcore>, window_params = [{transform_indices = #map}, {transform_indices = #map1}, {transform_indices = #map1}, {transform_indices = #map1}]} {
    %mul3A = arith.constant 16 : i32
    %mul3A_0 = arith.muli %arg0, %mul3A : i32
    %add3A = arith.addi %mul3A_0, %arg1 : i32
    "tpu.region"() ({
      %run_scoped3A_150 = tpu.sem_alloc : memref<!tpu.dma_semaphore, #tpu.memory_space<semaphore_mem>>
      %dma_start3A_151 = arith.constant 0 : i32
      %dma_start3A_152 = arith.constant 0 : i32
      %dma_start3A_153 = tpu.memref_slice %arg3[%add3A, %dma_start3A_151, %dma_start3A_152] : memref<32x25x400xi32, #tpu.memory_space<hbm>> -> memref<1x25x400xi32, #tpu.memory_space<hbm>>
      %dma_start3A_154 = tpu.memref_squeeze %dma_start3A_153 : memref<1x25x400xi32, #tpu.memory_space<hbm>> -> memref<25x400xi32, #tpu.memory_space<hbm>>
      %dma_start3A_155 = arith.constant 0 : i32
      %dma_start3A_156 = arith.constant 0 : i32
      %dma_start3A_157 = tpu.memref_slice %arg3[%add3A, %dma_start3A_155, %dma_start3A_156] : memref<32x25x400xi32, #tpu.memory_space<hbm>> -> memref<1x25x400xi32, #tpu.memory_space<hbm>>
      %dma_start3A_158 = tpu.memref_squeeze %dma_start3A_157 : memref<1x25x400xi32, #tpu.memory_space<hbm>> -> memref<25x400xi32, #tpu.memory_space<hbm>>
      tpu.enqueue_dma source(%dma_start3A_158 : memref<25x400xi32, #tpu.memory_space<hbm>>) target(%arg6 : memref<25x400xi32, #tpu.memory_space<vmem>>) target_semaphore(%run_scoped3A_150 : memref<!tpu.dma_semaphore, #tpu.memory_space<semaphore_mem>>)
      %dma_wait3A_159 = arith.constant 0 : i32
      %dma_wait3A_160 = arith.constant 0 : i32
      %dma_wait3A_161 = tpu.memref_slice %arg3[%add3A, %dma_wait3A_159, %dma_wait3A_160] : memref<32x25x400xi32, #tpu.memory_space<hbm>> -> memref<1x25x400xi32, #tpu.memory_space<hbm>>
      %dma_wait3A_162 = tpu.memref_squeeze %dma_wait3A_161 : memref<1x25x400xi32, #tpu.memory_space<hbm>> -> memref<25x400xi32, #tpu.memory_space<hbm>>
      %dma_wait3A_163 = arith.constant 0 : i32
      %dma_wait3A_164 = arith.constant 0 : i32
      %dma_wait3A_165 = tpu.memref_slice %arg3[%add3A, %dma_wait3A_163, %dma_wait3A_164] : memref<32x25x400xi32, #tpu.memory_space<hbm>> -> memref<1x25x400xi32, #tpu.memory_space<hbm>>
      %dma_wait3A_166 = tpu.memref_squeeze %dma_wait3A_165 : memref<1x25x400xi32, #tpu.memory_space<hbm>> -> memref<25x400xi32, #tpu.memory_space<hbm>>
      tpu.wait_dma2 semaphore(%run_scoped3A_150 : memref<!tpu.dma_semaphore, #tpu.memory_space<semaphore_mem>>) src(%dma_wait3A_166 : memref<25x400xi32, #tpu.memory_space<hbm>>) dst(%arg6 : memref<25x400xi32, #tpu.memory_space<vmem>>)
      tpu.yield
    }) : () -> ()
    "tpu.region"() ({
      %run_scoped3A_150 = tpu.sem_alloc : memref<!tpu.dma_semaphore, #tpu.memory_space<semaphore_mem>>
      %dma_start3A_151 = arith.constant 0 : i32
      %dma_start3A_152 = arith.constant 0 : i32
      %dma_start3A_153 = tpu.memref_slice %arg4[%add3A, %dma_start3A_151, %dma_start3A_152] : memref<32x25x400xi32, #tpu.memory_space<hbm>> -> memref<1x25x400xi32, #tpu.memory_space<hbm>>
      %dma_start3A_154 = tpu.memref_squeeze %dma_start3A_153 : memref<1x25x400xi32, #tpu.memory_space<hbm>> -> memref<25x400xi32, #tpu.memory_space<hbm>>
      %dma_start3A_155 = arith.constant 0 : i32
      %dma_start3A_156 = arith.constant 0 : i32
      %dma_start3A_157 = tpu.memref_slice %arg4[%add3A, %dma_start3A_155, %dma_start3A_156] : memref<32x25x400xi32, #tpu.memory_space<hbm>> -> memref<1x25x400xi32, #tpu.memory_space<hbm>>
      %dma_start3A_158 = tpu.memref_squeeze %dma_start3A_157 : memref<1x25x400xi32, #tpu.memory_space<hbm>> -> memref<25x400xi32, #tpu.memory_space<hbm>>
      tpu.enqueue_dma source(%dma_start3A_158 : memref<25x400xi32, #tpu.memory_space<hbm>>) target(%arg7 : memref<25x400xi32, #tpu.memory_space<vmem>>) target_semaphore(%run_scoped3A_150 : memref<!tpu.dma_semaphore, #tpu.memory_space<semaphore_mem>>)
      %dma_wait3A_159 = arith.constant 0 : i32
      %dma_wait3A_160 = arith.constant 0 : i32
      %dma_wait3A_161 = tpu.memref_slice %arg4[%add3A, %dma_wait3A_159, %dma_wait3A_160] : memref<32x25x400xi32, #tpu.memory_space<hbm>> -> memref<1x25x400xi32, #tpu.memory_space<hbm>>
      %dma_wait3A_162 = tpu.memref_squeeze %dma_wait3A_161 : memref<1x25x400xi32, #tpu.memory_space<hbm>> -> memref<25x400xi32, #tpu.memory_space<hbm>>
      %dma_wait3A_163 = arith.constant 0 : i32
      %dma_wait3A_164 = arith.constant 0 : i32
      %dma_wait3A_165 = tpu.memref_slice %arg4[%add3A, %dma_wait3A_163, %dma_wait3A_164] : memref<32x25x400xi32, #tpu.memory_space<hbm>> -> memref<1x25x400xi32, #tpu.memory_space<hbm>>
      %dma_wait3A_166 = tpu.memref_squeeze %dma_wait3A_165 : memref<1x25x400xi32, #tpu.memory_space<hbm>> -> memref<25x400xi32, #tpu.memory_space<hbm>>
      tpu.wait_dma2 semaphore(%run_scoped3A_150 : memref<!tpu.dma_semaphore, #tpu.memory_space<semaphore_mem>>) src(%dma_wait3A_166 : memref<25x400xi32, #tpu.memory_space<hbm>>) dst(%arg7 : memref<25x400xi32, #tpu.memory_space<vmem>>)
      tpu.yield
    }) : () -> ()
    %mul3A_1 = arith.constant 625 : i32
    %mul3A_2 = arith.muli %arg1, %mul3A_1 : i32
    %mul3A_3 = arith.constant 625 : i32
    %mul3A_4 = arith.muli %arg1, %mul3A_3 : i32
    "tpu.region"() ({
      %run_scoped3A_150 = tpu.sem_alloc : memref<!tpu.dma_semaphore, #tpu.memory_space<semaphore_mem>>
      %dma_start3A_151 = arith.constant 0 : i32
      %dma_start3A_152 = tpu.memref_slice %arg11[%mul3A_4, %dma_start3A_151] : memref<10000x16xf32, #tpu.memory_space<vmem_shared>> -> memref<625x16xf32, #tpu.memory_space<vmem_shared>>
      %dma_start3A_153 = arith.constant 0 : i32
      %dma_start3A_154 = tpu.memref_slice %arg2[%mul3A_2, %dma_start3A_153] : memref<10000x16xf32, #tpu.memory_space<hbm>> -> memref<625x16xf32, #tpu.memory_space<hbm>>
      tpu.enqueue_dma source(%dma_start3A_154 : memref<625x16xf32, #tpu.memory_space<hbm>>) target(%dma_start3A_152 : memref<625x16xf32, #tpu.memory_space<vmem_shared>>) target_semaphore(%run_scoped3A_150 : memref<!tpu.dma_semaphore, #tpu.memory_space<semaphore_mem>>)
      %dma_wait3A_155 = arith.constant 0 : i32
      %dma_wait3A_156 = tpu.memref_slice %arg11[%mul3A_4, %dma_wait3A_155] : memref<10000x16xf32, #tpu.memory_space<vmem_shared>> -> memref<625x16xf32, #tpu.memory_space<vmem_shared>>
      %dma_wait3A_157 = arith.constant 0 : i32
      %dma_wait3A_158 = tpu.memref_slice %arg2[%mul3A_2, %dma_wait3A_157] : memref<10000x16xf32, #tpu.memory_space<hbm>> -> memref<625x16xf32, #tpu.memory_space<hbm>>
      tpu.wait_dma2 semaphore(%run_scoped3A_150 : memref<!tpu.dma_semaphore, #tpu.memory_space<semaphore_mem>>) src(%dma_wait3A_158 : memref<625x16xf32, #tpu.memory_space<hbm>>) dst(%dma_wait3A_156 : memref<625x16xf32, #tpu.memory_space<vmem_shared>>)
      tpu.yield
    }) : () -> ()
    %scan3A = arith.constant 0 : i32
    %scan3A_5 = arith.constant 0 : i32
    %scan3A_6 = arith.constant 625 : i32
    %scan3A_7 = arith.addi %scan3A_5, %scan3A_6 : i32
    %scan3A_8 = arith.constant 1 : i32
    scf.for %scan3A_150 = %scan3A_5 to %scan3A_7 step %scan3A_8  : i32 {
      %broadcast_in_dim3A = arith.constant 0.000000e+00 : f32
      %broadcast_in_dim3A_151 = vector.broadcast %broadcast_in_dim3A : f32 to vector<16xf32>
      %swap3A = arith.index_cast %scan3A_150 : i32 to index
      %swap3A_152 = arith.constant 0 : index
      %swap3A_153 = tpu.vector_load %arg9[%swap3A, %swap3A_152] {strides = array<i32>} : memref<625x16xf32, #tpu.memory_space<vmem>>, vector<1x16xf32>,
      %swap3A_154 = vector.shape_cast %swap3A_153 : vector<1x16xf32> to vector<16xf32>
      %swap3A_155 = vector.shape_cast %broadcast_in_dim3A_151 : vector<16xf32> to vector<1x16xf32>
      tpu.vector_store %arg9[%swap3A, %swap3A_152], %swap3A_155 {strides = array<i32>} : memref<625x16xf32, #tpu.memory_space<vmem>>, vector<1x16xf32>,
    }
    %scan3A_9 = arith.constant 625 : i32
    %mul3A_10 = arith.constant 625 : i32
    %mul3A_11 = arith.muli %arg1, %mul3A_10 : i32
    "tpu.region"() ({
      %run_scoped3A_150 = tpu.sem_alloc : memref<!tpu.dma_semaphore, #tpu.memory_space<semaphore_mem>>
      %dma_start3A_151 = arith.constant 0 : i32
      %dma_start3A_152 = tpu.memref_slice %arg10[%mul3A_11, %dma_start3A_151] : memref<10000x16xf32, #tpu.memory_space<vmem_shared>> -> memref<625x16xf32, #tpu.memory_space<vmem_shared>>
      %dma_start3A_153 = arith.constant 0 : i32
      %dma_start3A_154 = tpu.memref_slice %arg10[%mul3A_11, %dma_start3A_153] : memref<10000x16xf32, #tpu.memory_space<vmem_shared>> -> memref<625x16xf32, #tpu.memory_space<vmem_shared>>
      tpu.enqueue_dma source(%arg9 : memref<625x16xf32, #tpu.memory_space<vmem>>) target(%dma_start3A_154 : memref<625x16xf32, #tpu.memory_space<vmem_shared>>) target_semaphore(%run_scoped3A_150 : memref<!tpu.dma_semaphore, #tpu.memory_space<semaphore_mem>>)
      %dma_wait3A_155 = arith.constant 0 : i32
      %dma_wait3A_156 = tpu.memref_slice %arg10[%mul3A_11, %dma_wait3A_155] : memref<10000x16xf32, #tpu.memory_space<vmem_shared>> -> memref<625x16xf32, #tpu.memory_space<vmem_shared>>
      %dma_wait3A_157 = arith.constant 0 : i32
      %dma_wait3A_158 = tpu.memref_slice %arg10[%mul3A_11, %dma_wait3A_157] : memref<10000x16xf32, #tpu.memory_space<vmem_shared>> -> memref<625x16xf32, #tpu.memory_space<vmem_shared>>
      tpu.wait_dma2 semaphore(%run_scoped3A_150 : memref<!tpu.dma_semaphore, #tpu.memory_space<semaphore_mem>>) src(%arg9 : memref<625x16xf32, #tpu.memory_space<vmem>>) dst(%dma_wait3A_158 : memref<625x16xf32, #tpu.memory_space<vmem_shared>>)
      tpu.yield
    }) : () -> ()
    %barrier3A = arith.constant 0 : index
    tpu.barrier barrier_id(%barrier3A)
    %dma_start3A = arith.constant 0 : i32
    %dma_start3A_12 = arith.constant 0 : i32
    %dma_start3A_13 = arith.constant 0 : i32
    %dma_start3A_14 = arith.constant 0 : i32
    %dma_start3A_15 = tpu.memref_slice %arg8[%dma_start3A_12, %dma_start3A_13, %dma_start3A_14] : memref<5x400x16xf32, #tpu.memory_space<vmem>> -> memref<1x400x16xf32, #tpu.memory_space<vmem>>
    %dma_start3A_16 = tpu.memref_squeeze %dma_start3A_15 : memref<1x400x16xf32, #tpu.memory_space<vmem>> -> memref<400x16xf32, #tpu.memory_space<vmem>>
    %dma_start3A_17 = arith.constant 0 : i32
    %dma_start3A_18 = tpu.memref_slice %arg6[%dma_start3A, %dma_start3A_17] : memref<25x400xi32, #tpu.memory_space<vmem>> -> memref<1x400xi32, #tpu.memory_space<vmem>>
    %dma_start3A_19 = tpu.memref_squeeze %dma_start3A_18 : memref<1x400xi32, #tpu.memory_space<vmem>> -> memref<400xi32, #tpu.memory_space<vmem>>
    %dma_start3A_20 = arith.constant 0 : i32
    %dma_start3A_21 = arith.constant 0 : i32
    %dma_start3A_22 = tpu.memref_slice %arg11[%dma_start3A_20, %dma_start3A_21] : memref<10000x16xf32, #tpu.memory_space<vmem_shared>> -> memref<10000x16xf32, #tpu.memory_space<vmem_shared>>
    tpu.enqueue_indirect_dma source(%dma_start3A_22 : memref<10000x16xf32, #tpu.memory_space<vmem_shared>>) target(%dma_start3A_16 : memref<400x16xf32, #tpu.memory_space<vmem>>) offsets(%dma_start3A_19 : memref<400xi32, #tpu.memory_space<vmem>>) semaphore(%arg12 : memref<!tpu.dma_semaphore, #tpu.memory_space<semaphore_mem>>)
    %dma_start3A_23 = arith.constant 1 : i32
    %dma_start3A_24 = arith.constant 1 : i32
    %dma_start3A_25 = arith.constant 0 : i32
    %dma_start3A_26 = arith.constant 0 : i32
    %dma_start3A_27 = tpu.memref_slice %arg8[%dma_start3A_24, %dma_start3A_25, %dma_start3A_26] : memref<5x400x16xf32, #tpu.memory_space<vmem>> -> memref<1x400x16xf32, #tpu.memory_space<vmem>>
    %dma_start3A_28 = tpu.memref_squeeze %dma_start3A_27 : memref<1x400x16xf32, #tpu.memory_space<vmem>> -> memref<400x16xf32, #tpu.memory_space<vmem>>
    %dma_start3A_29 = arith.constant 0 : i32
    %dma_start3A_30 = tpu.memref_slice %arg6[%dma_start3A_23, %dma_start3A_29] : memref<25x400xi32, #tpu.memory_space<vmem>> -> memref<1x400xi32, #tpu.memory_space<vmem>>
    %dma_start3A_31 = tpu.memref_squeeze %dma_start3A_30 : memref<1x400xi32, #tpu.memory_space<vmem>> -> memref<400xi32, #tpu.memory_space<vmem>>
    %dma_start3A_32 = arith.constant 0 : i32
    %dma_start3A_33 = arith.constant 0 : i32
    %dma_start3A_34 = tpu.memref_slice %arg11[%dma_start3A_32, %dma_start3A_33] : memref<10000x16xf32, #tpu.memory_space<vmem_shared>> -> memref<10000x16xf32, #tpu.memory_space<vmem_shared>>
    tpu.enqueue_indirect_dma source(%dma_start3A_34 : memref<10000x16xf32, #tpu.memory_space<vmem_shared>>) target(%dma_start3A_28 : memref<400x16xf32, #tpu.memory_space<vmem>>) offsets(%dma_start3A_31 : memref<400xi32, #tpu.memory_space<vmem>>) semaphore(%arg12 : memref<!tpu.dma_semaphore, #tpu.memory_space<semaphore_mem>>)
    %dma_start3A_35 = arith.constant 2 : i32
    %dma_start3A_36 = arith.constant 2 : i32
    %dma_start3A_37 = arith.constant 0 : i32
    %dma_start3A_38 = arith.constant 0 : i32
    %dma_start3A_39 = tpu.memref_slice %arg8[%dma_start3A_36, %dma_start3A_37, %dma_start3A_38] : memref<5x400x16xf32, #tpu.memory_space<vmem>> -> memref<1x400x16xf32, #tpu.memory_space<vmem>>
    %dma_start3A_40 = tpu.memref_squeeze %dma_start3A_39 : memref<1x400x16xf32, #tpu.memory_space<vmem>> -> memref<400x16xf32, #tpu.memory_space<vmem>>
    %dma_start3A_41 = arith.constant 0 : i32
    %dma_start3A_42 = tpu.memref_slice %arg6[%dma_start3A_35, %dma_start3A_41] : memref<25x400xi32, #tpu.memory_space<vmem>> -> memref<1x400xi32, #tpu.memory_space<vmem>>
    %dma_start3A_43 = tpu.memref_squeeze %dma_start3A_42 : memref<1x400xi32, #tpu.memory_space<vmem>> -> memref<400xi32, #tpu.memory_space<vmem>>
    %dma_start3A_44 = arith.constant 0 : i32
    %dma_start3A_45 = arith.constant 0 : i32
    %dma_start3A_46 = tpu.memref_slice %arg11[%dma_start3A_44, %dma_start3A_45] : memref<10000x16xf32, #tpu.memory_space<vmem_shared>> -> memref<10000x16xf32, #tpu.memory_space<vmem_shared>>
    tpu.enqueue_indirect_dma source(%dma_start3A_46 : memref<10000x16xf32, #tpu.memory_space<vmem_shared>>) target(%dma_start3A_40 : memref<400x16xf32, #tpu.memory_space<vmem>>) offsets(%dma_start3A_43 : memref<400xi32, #tpu.memory_space<vmem>>) semaphore(%arg12 : memref<!tpu.dma_semaphore, #tpu.memory_space<semaphore_mem>>)
    %dma_start3A_47 = arith.constant 3 : i32
    %dma_start3A_48 = arith.constant 3 : i32
    %dma_start3A_49 = arith.constant 0 : i32
    %dma_start3A_50 = arith.constant 0 : i32
    %dma_start3A_51 = tpu.memref_slice %arg8[%dma_start3A_48, %dma_start3A_49, %dma_start3A_50] : memref<5x400x16xf32, #tpu.memory_space<vmem>> -> memref<1x400x16xf32, #tpu.memory_space<vmem>>
    %dma_start3A_52 = tpu.memref_squeeze %dma_start3A_51 : memref<1x400x16xf32, #tpu.memory_space<vmem>> -> memref<400x16xf32, #tpu.memory_space<vmem>>
    %dma_start3A_53 = arith.constant 0 : i32
    %dma_start3A_54 = tpu.memref_slice %arg6[%dma_start3A_47, %dma_start3A_53] : memref<25x400xi32, #tpu.memory_space<vmem>> -> memref<1x400xi32, #tpu.memory_space<vmem>>
    %dma_start3A_55 = tpu.memref_squeeze %dma_start3A_54 : memref<1x400xi32, #tpu.memory_space<vmem>> -> memref<400xi32, #tpu.memory_space<vmem>>
    %dma_start3A_56 = arith.constant 0 : i32
    %dma_start3A_57 = arith.constant 0 : i32
    %dma_start3A_58 = tpu.memref_slice %arg11[%dma_start3A_56, %dma_start3A_57] : memref<10000x16xf32, #tpu.memory_space<vmem_shared>> -> memref<10000x16xf32, #tpu.memory_space<vmem_shared>>
    tpu.enqueue_indirect_dma source(%dma_start3A_58 : memref<10000x16xf32, #tpu.memory_space<vmem_shared>>) target(%dma_start3A_52 : memref<400x16xf32, #tpu.memory_space<vmem>>) offsets(%dma_start3A_55 : memref<400xi32, #tpu.memory_space<vmem>>) semaphore(%arg12 : memref<!tpu.dma_semaphore, #tpu.memory_space<semaphore_mem>>)
    %dma_start3A_59 = arith.constant 4 : i32
    %dma_start3A_60 = arith.constant 4 : i32
    %dma_start3A_61 = arith.constant 0 : i32
    %dma_start3A_62 = arith.constant 0 : i32
    %dma_start3A_63 = tpu.memref_slice %arg8[%dma_start3A_60, %dma_start3A_61, %dma_start3A_62] : memref<5x400x16xf32, #tpu.memory_space<vmem>> -> memref<1x400x16xf32, #tpu.memory_space<vmem>>
    %dma_start3A_64 = tpu.memref_squeeze %dma_start3A_63 : memref<1x400x16xf32, #tpu.memory_space<vmem>> -> memref<400x16xf32, #tpu.memory_space<vmem>>
    %dma_start3A_65 = arith.constant 0 : i32
    %dma_start3A_66 = tpu.memref_slice %arg6[%dma_start3A_59, %dma_start3A_65] : memref<25x400xi32, #tpu.memory_space<vmem>> -> memref<1x400xi32, #tpu.memory_space<vmem>>
    %dma_start3A_67 = tpu.memref_squeeze %dma_start3A_66 : memref<1x400xi32, #tpu.memory_space<vmem>> -> memref<400xi32, #tpu.memory_space<vmem>>
    %dma_start3A_68 = arith.constant 0 : i32
    %dma_start3A_69 = arith.constant 0 : i32
    %dma_start3A_70 = tpu.memref_slice %arg11[%dma_start3A_68, %dma_start3A_69] : memref<10000x16xf32, #tpu.memory_space<vmem_shared>> -> memref<10000x16xf32, #tpu.memory_space<vmem_shared>>
    tpu.enqueue_indirect_dma source(%dma_start3A_70 : memref<10000x16xf32, #tpu.memory_space<vmem_shared>>) target(%dma_start3A_64 : memref<400x16xf32, #tpu.memory_space<vmem>>) offsets(%dma_start3A_67 : memref<400xi32, #tpu.memory_space<vmem>>) semaphore(%arg12 : memref<!tpu.dma_semaphore, #tpu.memory_space<semaphore_mem>>)
    %scan3A_71 = arith.constant 0 : i32
    %scan3A_72 = arith.constant 0 : i32
    %scan3A_73 = arith.constant 4 : i32
    %scan3A_74 = arith.addi %scan3A_72, %scan3A_73 : i32
    %scan3A_75 = arith.constant 1 : i32
    scf.for %scan3A_150 = %scan3A_72 to %scan3A_74 step %scan3A_75  : i32 {
      %mul3A_151 = arith.constant 5 : i32
      %mul3A_152 = arith.muli %scan3A_150, %mul3A_151 : i32
      %add3A_153 = arith.constant 0 : i32
      %add3A_154 = arith.addi %mul3A_152, %add3A_153 : i32
      %dma_wait3A_155 = arith.constant 0 : i32
      %dma_wait3A_156 = arith.constant 0 : i32
      %dma_wait3A_157 = arith.constant 0 : i32
      %dma_wait3A_158 = tpu.memref_slice %arg8[%dma_wait3A_155, %dma_wait3A_156, %dma_wait3A_157] : memref<5x400x16xf32, #tpu.memory_space<vmem>> -> memref<1x400x16xf32, #tpu.memory_space<vmem>>
      %dma_wait3A_159 = tpu.memref_squeeze %dma_wait3A_158 : memref<1x400x16xf32, #tpu.memory_space<vmem>> -> memref<400x16xf32, #tpu.memory_space<vmem>>
      %dma_wait3A_160 = arith.constant 0 : i32
      %dma_wait3A_161 = tpu.memref_slice %arg6[%add3A_154, %dma_wait3A_160] : memref<25x400xi32, #tpu.memory_space<vmem>> -> memref<1x400xi32, #tpu.memory_space<vmem>>
      %dma_wait3A_162 = tpu.memref_squeeze %dma_wait3A_161 : memref<1x400xi32, #tpu.memory_space<vmem>> -> memref<400xi32, #tpu.memory_space<vmem>>
      %dma_wait3A_163 = arith.constant 0 : i32
      %dma_wait3A_164 = arith.constant 0 : i32
      %dma_wait3A_165 = tpu.memref_slice %arg11[%dma_wait3A_163, %dma_wait3A_164] : memref<10000x16xf32, #tpu.memory_space<vmem_shared>> -> memref<10000x16xf32, #tpu.memory_space<vmem_shared>>
      tpu.wait_indirect_dma semaphore(%arg12 : memref<!tpu.dma_semaphore, #tpu.memory_space<semaphore_mem>>) src(%dma_wait3A_165 : memref<10000x16xf32, #tpu.memory_space<vmem_shared>>) dst(%dma_wait3A_159 : memref<400x16xf32, #tpu.memory_space<vmem>>)
      %run_scoped3A_166 = arith.constant 0 : i32
      "tpu.region"() ({
        %run_scoped3A_296 = tpu.sem_alloc : memref<!tpu.dma_semaphore, #tpu.memory_space<semaphore_mem>>
        %dma_start3A_297 = arith.constant 0 : i32
        %dma_start3A_298 = arith.constant 0 : i32
        %dma_start3A_299 = tpu.memref_slice %arg8[%run_scoped3A_166, %dma_start3A_297, %dma_start3A_298] : memref<5x400x16xf32, #tpu.memory_space<vmem>> -> memref<1x400x16xf32, #tpu.memory_space<vmem>>
        %dma_start3A_300 = tpu.memref_squeeze %dma_start3A_299 : memref<1x400x16xf32, #tpu.memory_space<vmem>> -> memref<400x16xf32, #tpu.memory_space<vmem>>
        %dma_start3A_301 = arith.constant 0 : i32
        %dma_start3A_302 = tpu.memref_slice %arg7[%add3A_154, %dma_start3A_301] : memref<25x400xi32, #tpu.memory_space<vmem>> -> memref<1x400xi32, #tpu.memory_space<vmem>>
        %dma_start3A_303 = tpu.memref_squeeze %dma_start3A_302 : memref<1x400xi32, #tpu.memory_space<vmem>> -> memref<400xi32, #tpu.memory_space<vmem>>
        %dma_start3A_304 = arith.constant 0 : i32
        %dma_start3A_305 = arith.constant 0 : i32
        %dma_start3A_306 = tpu.memref_slice %arg10[%dma_start3A_304, %dma_start3A_305] : memref<10000x16xf32, #tpu.memory_space<vmem_shared>> -> memref<10000x16xf32, #tpu.memory_space<vmem_shared>>
        tpu.enqueue_indirect_dma source(%dma_start3A_300 : memref<400x16xf32, #tpu.memory_space<vmem>>) target(%dma_start3A_306 : memref<10000x16xf32, #tpu.memory_space<vmem_shared>>) offsets(%dma_start3A_303 : memref<400xi32, #tpu.memory_space<vmem>>) semaphore(%run_scoped3A_296 : memref<!tpu.dma_semaphore, #tpu.memory_space<semaphore_mem>>) {add = true}
        %dma_wait3A_307 = arith.constant 0 : i32
        %dma_wait3A_308 = arith.constant 0 : i32
        %dma_wait3A_309 = tpu.memref_slice %arg8[%run_scoped3A_166, %dma_wait3A_307, %dma_wait3A_308] : memref<5x400x16xf32, #tpu.memory_space<vmem>> -> memref<1x400x16xf32, #tpu.memory_space<vmem>>
        %dma_wait3A_310 = tpu.memref_squeeze %dma_wait3A_309 : memref<1x400x16xf32, #tpu.memory_space<vmem>> -> memref<400x16xf32, #tpu.memory_space<vmem>>
        %dma_wait3A_311 = arith.constant 0 : i32
        %dma_wait3A_312 = tpu.memref_slice %arg7[%add3A_154, %dma_wait3A_311] : memref<25x400xi32, #tpu.memory_space<vmem>> -> memref<1x400xi32, #tpu.memory_space<vmem>>
        %dma_wait3A_313 = tpu.memref_squeeze %dma_wait3A_312 : memref<1x400xi32, #tpu.memory_space<vmem>> -> memref<400xi32, #tpu.memory_space<vmem>>
        %dma_wait3A_314 = arith.constant 0 : i32
        %dma_wait3A_315 = arith.constant 0 : i32
        %dma_wait3A_316 = tpu.memref_slice %arg10[%dma_wait3A_314, %dma_wait3A_315] : memref<10000x16xf32, #tpu.memory_space<vmem_shared>> -> memref<10000x16xf32, #tpu.memory_space<vmem_shared>>
        tpu.wait_indirect_dma semaphore(%run_scoped3A_296 : memref<!tpu.dma_semaphore, #tpu.memory_space<semaphore_mem>>) src(%dma_wait3A_310 : memref<400x16xf32, #tpu.memory_space<vmem>>) dst(%dma_wait3A_316 : memref<10000x16xf32, #tpu.memory_space<vmem_shared>>)
        tpu.yield
      }) : () -> ()
      %add3A_167 = arith.constant 5 : i32
      %add3A_168 = arith.addi %add3A_154, %add3A_167 : i32
      %dma_start3A_169 = arith.constant 0 : i32
      %dma_start3A_170 = arith.constant 0 : i32
      %dma_start3A_171 = arith.constant 0 : i32
      %dma_start3A_172 = tpu.memref_slice %arg8[%dma_start3A_169, %dma_start3A_170, %dma_start3A_171] : memref<5x400x16xf32, #tpu.memory_space<vmem>> -> memref<1x400x16xf32, #tpu.memory_space<vmem>>
      %dma_start3A_173 = tpu.memref_squeeze %dma_start3A_172 : memref<1x400x16xf32, #tpu.memory_space<vmem>> -> memref<400x16xf32, #tpu.memory_space<vmem>>
      %dma_start3A_174 = arith.constant 0 : i32
      %dma_start3A_175 = tpu.memref_slice %arg6[%add3A_168, %dma_start3A_174] : memref<25x400xi32, #tpu.memory_space<vmem>> -> memref<1x400xi32, #tpu.memory_space<vmem>>
      %dma_start3A_176 = tpu.memref_squeeze %dma_start3A_175 : memref<1x400xi32, #tpu.memory_space<vmem>> -> memref<400xi32, #tpu.memory_space<vmem>>
      %dma_start3A_177 = arith.constant 0 : i32
      %dma_start3A_178 = arith.constant 0 : i32
      %dma_start3A_179 = tpu.memref_slice %arg11[%dma_start3A_177, %dma_start3A_178] : memref<10000x16xf32, #tpu.memory_space<vmem_shared>> -> memref<10000x16xf32, #tpu.memory_space<vmem_shared>>
      tpu.enqueue_indirect_dma source(%dma_start3A_179 : memref<10000x16xf32, #tpu.memory_space<vmem_shared>>) target(%dma_start3A_173 : memref<400x16xf32, #tpu.memory_space<vmem>>) offsets(%dma_start3A_176 : memref<400xi32, #tpu.memory_space<vmem>>) semaphore(%arg12 : memref<!tpu.dma_semaphore, #tpu.memory_space<semaphore_mem>>)
      %mul3A_180 = arith.constant 5 : i32
      %mul3A_181 = arith.muli %scan3A_150, %mul3A_180 : i32
      %add3A_182 = arith.constant 1 : i32
      %add3A_183 = arith.addi %mul3A_181, %add3A_182 : i32
      %dma_wait3A_184 = arith.constant 1 : i32
      %dma_wait3A_185 = arith.constant 0 : i32
      %dma_wait3A_186 = arith.constant 0 : i32
      %dma_wait3A_187 = tpu.memref_slice %arg8[%dma_wait3A_184, %dma_wait3A_185, %dma_wait3A_186] : memref<5x400x16xf32, #tpu.memory_space<vmem>> -> memref<1x400x16xf32, #tpu.memory_space<vmem>>
      %dma_wait3A_188 = tpu.memref_squeeze %dma_wait3A_187 : memref<1x400x16xf32, #tpu.memory_space<vmem>> -> memref<400x16xf32, #tpu.memory_space<vmem>>
      %dma_wait3A_189 = arith.constant 0 : i32
      %dma_wait3A_190 = tpu.memref_slice %arg6[%add3A_183, %dma_wait3A_189] : memref<25x400xi32, #tpu.memory_space<vmem>> -> memref<1x400xi32, #tpu.memory_space<vmem>>
      %dma_wait3A_191 = tpu.memref_squeeze %dma_wait3A_190 : memref<1x400xi32, #tpu.memory_space<vmem>> -> memref<400xi32, #tpu.memory_space<vmem>>
      %dma_wait3A_192 = arith.constant 0 : i32
      %dma_wait3A_193 = arith.constant 0 : i32
      %dma_wait3A_194 = tpu.memref_slice %arg11[%dma_wait3A_192, %dma_wait3A_193] : memref<10000x16xf32, #tpu.memory_space<vmem_shared>> -> memref<10000x16xf32, #tpu.memory_space<vmem_shared>>
      tpu.wait_indirect_dma semaphore(%arg12 : memref<!tpu.dma_semaphore, #tpu.memory_space<semaphore_mem>>) src(%dma_wait3A_194 : memref<10000x16xf32, #tpu.memory_space<vmem_shared>>) dst(%dma_wait3A_188 : memref<400x16xf32, #tpu.memory_space<vmem>>)
      %run_scoped3A_195 = arith.constant 1 : i32
      "tpu.region"() ({
        %run_scoped3A_296 = tpu.sem_alloc : memref<!tpu.dma_semaphore, #tpu.memory_space<semaphore_mem>>
        %dma_start3A_297 = arith.constant 0 : i32
        %dma_start3A_298 = arith.constant 0 : i32
        %dma_start3A_299 = tpu.memref_slice %arg8[%run_scoped3A_195, %dma_start3A_297, %dma_start3A_298] : memref<5x400x16xf32, #tpu.memory_space<vmem>> -> memref<1x400x16xf32, #tpu.memory_space<vmem>>
        %dma_start3A_300 = tpu.memref_squeeze %dma_start3A_299 : memref<1x400x16xf32, #tpu.memory_space<vmem>> -> memref<400x16xf32, #tpu.memory_space<vmem>>
        %dma_start3A_301 = arith.constant 0 : i32
        %dma_start3A_302 = tpu.memref_slice %arg7[%add3A_183, %dma_start3A_301] : memref<25x400xi32, #tpu.memory_space<vmem>> -> memref<1x400xi32, #tpu.memory_space<vmem>>
        %dma_start3A_303 = tpu.memref_squeeze %dma_start3A_302 : memref<1x400xi32, #tpu.memory_space<vmem>> -> memref<400xi32, #tpu.memory_space<vmem>>
        %dma_start3A_304 = arith.constant 0 : i32
        %dma_start3A_305 = arith.constant 0 : i32
        %dma_start3A_306 = tpu.memref_slice %arg10[%dma_start3A_304, %dma_start3A_305] : memref<10000x16xf32, #tpu.memory_space<vmem_shared>> -> memref<10000x16xf32, #tpu.memory_space<vmem_shared>>
        tpu.enqueue_indirect_dma source(%dma_start3A_300 : memref<400x16xf32, #tpu.memory_space<vmem>>) target(%dma_start3A_306 : memref<10000x16xf32, #tpu.memory_space<vmem_shared>>) offsets(%dma_start3A_303 : memref<400xi32, #tpu.memory_space<vmem>>) semaphore(%run_scoped3A_296 : memref<!tpu.dma_semaphore, #tpu.memory_space<semaphore_mem>>) {add = true}
        %dma_wait3A_307 = arith.constant 0 : i32
        %dma_wait3A_308 = arith.constant 0 : i32
        %dma_wait3A_309 = tpu.memref_slice %arg8[%run_scoped3A_195, %dma_wait3A_307, %dma_wait3A_308] : memref<5x400x16xf32, #tpu.memory_space<vmem>> -> memref<1x400x16xf32, #tpu.memory_space<vmem>>
        %dma_wait3A_310 = tpu.memref_squeeze %dma_wait3A_309 : memref<1x400x16xf32, #tpu.memory_space<vmem>> -> memref<400x16xf32, #tpu.memory_space<vmem>>
        %dma_wait3A_311 = arith.constant 0 : i32
        %dma_wait3A_312 = tpu.memref_slice %arg7[%add3A_183, %dma_wait3A_311] : memref<25x400xi32, #tpu.memory_space<vmem>> -> memref<1x400xi32, #tpu.memory_space<vmem>>
        %dma_wait3A_313 = tpu.memref_squeeze %dma_wait3A_312 : memref<1x400xi32, #tpu.memory_space<vmem>> -> memref<400xi32, #tpu.memory_space<vmem>>
        %dma_wait3A_314 = arith.constant 0 : i32
        %dma_wait3A_315 = arith.constant 0 : i32
        %dma_wait3A_316 = tpu.memref_slice %arg10[%dma_wait3A_314, %dma_wait3A_315] : memref<10000x16xf32, #tpu.memory_space<vmem_shared>> -> memref<10000x16xf32, #tpu.memory_space<vmem_shared>>
        tpu.wait_indirect_dma semaphore(%run_scoped3A_296 : memref<!tpu.dma_semaphore, #tpu.memory_space<semaphore_mem>>) src(%dma_wait3A_310 : memref<400x16xf32, #tpu.memory_space<vmem>>) dst(%dma_wait3A_316 : memref<10000x16xf32, #tpu.memory_space<vmem_shared>>)
        tpu.yield
      }) : () -> ()
      %add3A_196 = arith.constant 5 : i32
      %add3A_197 = arith.addi %add3A_183, %add3A_196 : i32
      %dma_start3A_198 = arith.constant 1 : i32
      %dma_start3A_199 = arith.constant 0 : i32
      %dma_start3A_200 = arith.constant 0 : i32
      %dma_start3A_201 = tpu.memref_slice %arg8[%dma_start3A_198, %dma_start3A_199, %dma_start3A_200] : memref<5x400x16xf32, #tpu.memory_space<vmem>> -> memref<1x400x16xf32, #tpu.memory_space<vmem>>
      %dma_start3A_202 = tpu.memref_squeeze %dma_start3A_201 : memref<1x400x16xf32, #tpu.memory_space<vmem>> -> memref<400x16xf32, #tpu.memory_space<vmem>>
      %dma_start3A_203 = arith.constant 0 : i32
      %dma_start3A_204 = tpu.memref_slice %arg6[%add3A_197, %dma_start3A_203] : memref<25x400xi32, #tpu.memory_space<vmem>> -> memref<1x400xi32, #tpu.memory_space<vmem>>
      %dma_start3A_205 = tpu.memref_squeeze %dma_start3A_204 : memref<1x400xi32, #tpu.memory_space<vmem>> -> memref<400xi32, #tpu.memory_space<vmem>>
      %dma_start3A_206 = arith.constant 0 : i32
      %dma_start3A_207 = arith.constant 0 : i32
      %dma_start3A_208 = tpu.memref_slice %arg11[%dma_start3A_206, %dma_start3A_207] : memref<10000x16xf32, #tpu.memory_space<vmem_shared>> -> memref<10000x16xf32, #tpu.memory_space<vmem_shared>>
      tpu.enqueue_indirect_dma source(%dma_start3A_208 : memref<10000x16xf32, #tpu.memory_space<vmem_shared>>) target(%dma_start3A_202 : memref<400x16xf32, #tpu.memory_space<vmem>>) offsets(%dma_start3A_205 : memref<400xi32, #tpu.memory_space<vmem>>) semaphore(%arg12 : memref<!tpu.dma_semaphore, #tpu.memory_space<semaphore_mem>>)
      %mul3A_209 = arith.constant 5 : i32
      %mul3A_210 = arith.muli %scan3A_150, %mul3A_209 : i32
      %add3A_211 = arith.constant 2 : i32
      %add3A_212 = arith.addi %mul3A_210, %add3A_211 : i32
      %dma_wait3A_213 = arith.constant 2 : i32
      %dma_wait3A_214 = arith.constant 0 : i32
      %dma_wait3A_215 = arith.constant 0 : i32
      %dma_wait3A_216 = tpu.memref_slice %arg8[%dma_wait3A_213, %dma_wait3A_214, %dma_wait3A_215] : memref<5x400x16xf32, #tpu.memory_space<vmem>> -> memref<1x400x16xf32, #tpu.memory_space<vmem>>
      %dma_wait3A_217 = tpu.memref_squeeze %dma_wait3A_216 : memref<1x400x16xf32, #tpu.memory_space<vmem>> -> memref<400x16xf32, #tpu.memory_space<vmem>>
      %dma_wait3A_218 = arith.constant 0 : i32
      %dma_wait3A_219 = tpu.memref_slice %arg6[%add3A_212, %dma_wait3A_218] : memref<25x400xi32, #tpu.memory_space<vmem>> -> memref<1x400xi32, #tpu.memory_space<vmem>>
      %dma_wait3A_220 = tpu.memref_squeeze %dma_wait3A_219 : memref<1x400xi32, #tpu.memory_space<vmem>> -> memref<400xi32, #tpu.memory_space<vmem>>
      %dma_wait3A_221 = arith.constant 0 : i32
      %dma_wait3A_222 = arith.constant 0 : i32
      %dma_wait3A_223 = tpu.memref_slice %arg11[%dma_wait3A_221, %dma_wait3A_222] : memref<10000x16xf32, #tpu.memory_space<vmem_shared>> -> memref<10000x16xf32, #tpu.memory_space<vmem_shared>>
      tpu.wait_indirect_dma semaphore(%arg12 : memref<!tpu.dma_semaphore, #tpu.memory_space<semaphore_mem>>) src(%dma_wait3A_223 : memref<10000x16xf32, #tpu.memory_space<vmem_shared>>) dst(%dma_wait3A_217 : memref<400x16xf32, #tpu.memory_space<vmem>>)
      %run_scoped3A_224 = arith.constant 2 : i32
      "tpu.region"() ({
        %run_scoped3A_296 = tpu.sem_alloc : memref<!tpu.dma_semaphore, #tpu.memory_space<semaphore_mem>>
        %dma_start3A_297 = arith.constant 0 : i32
        %dma_start3A_298 = arith.constant 0 : i32
        %dma_start3A_299 = tpu.memref_slice %arg8[%run_scoped3A_224, %dma_start3A_297, %dma_start3A_298] : memref<5x400x16xf32, #tpu.memory_space<vmem>> -> memref<1x400x16xf32, #tpu.memory_space<vmem>>
        %dma_start3A_300 = tpu.memref_squeeze %dma_start3A_299 : memref<1x400x16xf32, #tpu.memory_space<vmem>> -> memref<400x16xf32, #tpu.memory_space<vmem>>
        %dma_start3A_301 = arith.constant 0 : i32
        %dma_start3A_302 = tpu.memref_slice %arg7[%add3A_212, %dma_start3A_301] : memref<25x400xi32, #tpu.memory_space<vmem>> -> memref<1x400xi32, #tpu.memory_space<vmem>>
        %dma_start3A_303 = tpu.memref_squeeze %dma_start3A_302 : memref<1x400xi32, #tpu.memory_space<vmem>> -> memref<400xi32, #tpu.memory_space<vmem>>
        %dma_start3A_304 = arith.constant 0 : i32
        %dma_start3A_305 = arith.constant 0 : i32
        %dma_start3A_306 = tpu.memref_slice %arg10[%dma_start3A_304, %dma_start3A_305] : memref<10000x16xf32, #tpu.memory_space<vmem_shared>> -> memref<10000x16xf32, #tpu.memory_space<vmem_shared>>
        tpu.enqueue_indirect_dma source(%dma_start3A_300 : memref<400x16xf32, #tpu.memory_space<vmem>>) target(%dma_start3A_306 : memref<10000x16xf32, #tpu.memory_space<vmem_shared>>) offsets(%dma_start3A_303 : memref<400xi32, #tpu.memory_space<vmem>>) semaphore(%run_scoped3A_296 : memref<!tpu.dma_semaphore, #tpu.memory_space<semaphore_mem>>) {add = true}
        %dma_wait3A_307 = arith.constant 0 : i32
        %dma_wait3A_308 = arith.constant 0 : i32
        %dma_wait3A_309 = tpu.memref_slice %arg8[%run_scoped3A_224, %dma_wait3A_307, %dma_wait3A_308] : memref<5x400x16xf32, #tpu.memory_space<vmem>> -> memref<1x400x16xf32, #tpu.memory_space<vmem>>
        %dma_wait3A_310 = tpu.memref_squeeze %dma_wait3A_309 : memref<1x400x16xf32, #tpu.memory_space<vmem>> -> memref<400x16xf32, #tpu.memory_space<vmem>>
        %dma_wait3A_311 = arith.constant 0 : i32
        %dma_wait3A_312 = tpu.memref_slice %arg7[%add3A_212, %dma_wait3A_311] : memref<25x400xi32, #tpu.memory_space<vmem>> -> memref<1x400xi32, #tpu.memory_space<vmem>>
        %dma_wait3A_313 = tpu.memref_squeeze %dma_wait3A_312 : memref<1x400xi32, #tpu.memory_space<vmem>> -> memref<400xi32, #tpu.memory_space<vmem>>
        %dma_wait3A_314 = arith.constant 0 : i32
        %dma_wait3A_315 = arith.constant 0 : i32
        %dma_wait3A_316 = tpu.memref_slice %arg10[%dma_wait3A_314, %dma_wait3A_315] : memref<10000x16xf32, #tpu.memory_space<vmem_shared>> -> memref<10000x16xf32, #tpu.memory_space<vmem_shared>>
        tpu.wait_indirect_dma semaphore(%run_scoped3A_296 : memref<!tpu.dma_semaphore, #tpu.memory_space<semaphore_mem>>) src(%dma_wait3A_310 : memref<400x16xf32, #tpu.memory_space<vmem>>) dst(%dma_wait3A_316 : memref<10000x16xf32, #tpu.memory_space<vmem_shared>>)
        tpu.yield
      }) : () -> ()
      %add3A_225 = arith.constant 5 : i32
      %add3A_226 = arith.addi %add3A_212, %add3A_225 : i32
      %dma_start3A_227 = arith.constant 2 : i32
      %dma_start3A_228 = arith.constant 0 : i32
      %dma_start3A_229 = arith.constant 0 : i32
      %dma_start3A_230 = tpu.memref_slice %arg8[%dma_start3A_227, %dma_start3A_228, %dma_start3A_229] : memref<5x400x16xf32, #tpu.memory_space<vmem>> -> memref<1x400x16xf32, #tpu.memory_space<vmem>>
      %dma_start3A_231 = tpu.memref_squeeze %dma_start3A_230 : memref<1x400x16xf32, #tpu.memory_space<vmem>> -> memref<400x16xf32, #tpu.memory_space<vmem>>
      %dma_start3A_232 = arith.constant 0 : i32
      %dma_start3A_233 = tpu.memref_slice %arg6[%add3A_226, %dma_start3A_232] : memref<25x400xi32, #tpu.memory_space<vmem>> -> memref<1x400xi32, #tpu.memory_space<vmem>>
      %dma_start3A_234 = tpu.memref_squeeze %dma_start3A_233 : memref<1x400xi32, #tpu.memory_space<vmem>> -> memref<400xi32, #tpu.memory_space<vmem>>
      %dma_start3A_235 = arith.constant 0 : i32
      %dma_start3A_236 = arith.constant 0 : i32
      %dma_start3A_237 = tpu.memref_slice %arg11[%dma_start3A_235, %dma_start3A_236] : memref<10000x16xf32, #tpu.memory_space<vmem_shared>> -> memref<10000x16xf32, #tpu.memory_space<vmem_shared>>
      tpu.enqueue_indirect_dma source(%dma_start3A_237 : memref<10000x16xf32, #tpu.memory_space<vmem_shared>>) target(%dma_start3A_231 : memref<400x16xf32, #tpu.memory_space<vmem>>) offsets(%dma_start3A_234 : memref<400xi32, #tpu.memory_space<vmem>>) semaphore(%arg12 : memref<!tpu.dma_semaphore, #tpu.memory_space<semaphore_mem>>)
      %mul3A_238 = arith.constant 5 : i32
      %mul3A_239 = arith.muli %scan3A_150, %mul3A_238 : i32
      %add3A_240 = arith.constant 3 : i32
      %add3A_241 = arith.addi %mul3A_239, %add3A_240 : i32
      %dma_wait3A_242 = arith.constant 3 : i32
      %dma_wait3A_243 = arith.constant 0 : i32
      %dma_wait3A_244 = arith.constant 0 : i32
      %dma_wait3A_245 = tpu.memref_slice %arg8[%dma_wait3A_242, %dma_wait3A_243, %dma_wait3A_244] : memref<5x400x16xf32, #tpu.memory_space<vmem>> -> memref<1x400x16xf32, #tpu.memory_space<vmem>>
      %dma_wait3A_246 = tpu.memref_squeeze %dma_wait3A_245 : memref<1x400x16xf32, #tpu.memory_space<vmem>> -> memref<400x16xf32, #tpu.memory_space<vmem>>
      %dma_wait3A_247 = arith.constant 0 : i32
      %dma_wait3A_248 = tpu.memref_slice %arg6[%add3A_241, %dma_wait3A_247] : memref<25x400xi32, #tpu.memory_space<vmem>> -> memref<1x400xi32, #tpu.memory_space<vmem>>
      %dma_wait3A_249 = tpu.memref_squeeze %dma_wait3A_248 : memref<1x400xi32, #tpu.memory_space<vmem>> -> memref<400xi32, #tpu.memory_space<vmem>>
      %dma_wait3A_250 = arith.constant 0 : i32
      %dma_wait3A_251 = arith.constant 0 : i32
      %dma_wait3A_252 = tpu.memref_slice %arg11[%dma_wait3A_250, %dma_wait3A_251] : memref<10000x16xf32, #tpu.memory_space<vmem_shared>> -> memref<10000x16xf32, #tpu.memory_space<vmem_shared>>
      tpu.wait_indirect_dma semaphore(%arg12 : memref<!tpu.dma_semaphore, #tpu.memory_space<semaphore_mem>>) src(%dma_wait3A_252 : memref<10000x16xf32, #tpu.memory_space<vmem_shared>>) dst(%dma_wait3A_246 : memref<400x16xf32, #tpu.memory_space<vmem>>)
      %run_scoped3A_253 = arith.constant 3 : i32
      "tpu.region"() ({
        %run_scoped3A_296 = tpu.sem_alloc : memref<!tpu.dma_semaphore, #tpu.memory_space<semaphore_mem>>
        %dma_start3A_297 = arith.constant 0 : i32
        %dma_start3A_298 = arith.constant 0 : i32
        %dma_start3A_299 = tpu.memref_slice %arg8[%run_scoped3A_253, %dma_start3A_297, %dma_start3A_298] : memref<5x400x16xf32, #tpu.memory_space<vmem>> -> memref<1x400x16xf32, #tpu.memory_space<vmem>>
        %dma_start3A_300 = tpu.memref_squeeze %dma_start3A_299 : memref<1x400x16xf32, #tpu.memory_space<vmem>> -> memref<400x16xf32, #tpu.memory_space<vmem>>
        %dma_start3A_301 = arith.constant 0 : i32
        %dma_start3A_302 = tpu.memref_slice %arg7[%add3A_241, %dma_start3A_301] : memref<25x400xi32, #tpu.memory_space<vmem>> -> memref<1x400xi32, #tpu.memory_space<vmem>>
        %dma_start3A_303 = tpu.memref_squeeze %dma_start3A_302 : memref<1x400xi32, #tpu.memory_space<vmem>> -> memref<400xi32, #tpu.memory_space<vmem>>
        %dma_start3A_304 = arith.constant 0 : i32
        %dma_start3A_305 = arith.constant 0 : i32
        %dma_start3A_306 = tpu.memref_slice %arg10[%dma_start3A_304, %dma_start3A_305] : memref<10000x16xf32, #tpu.memory_space<vmem_shared>> -> memref<10000x16xf32, #tpu.memory_space<vmem_shared>>
        tpu.enqueue_indirect_dma source(%dma_start3A_300 : memref<400x16xf32, #tpu.memory_space<vmem>>) target(%dma_start3A_306 : memref<10000x16xf32, #tpu.memory_space<vmem_shared>>) offsets(%dma_start3A_303 : memref<400xi32, #tpu.memory_space<vmem>>) semaphore(%run_scoped3A_296 : memref<!tpu.dma_semaphore, #tpu.memory_space<semaphore_mem>>) {add = true}
        %dma_wait3A_307 = arith.constant 0 : i32
        %dma_wait3A_308 = arith.constant 0 : i32
        %dma_wait3A_309 = tpu.memref_slice %arg8[%run_scoped3A_253, %dma_wait3A_307, %dma_wait3A_308] : memref<5x400x16xf32, #tpu.memory_space<vmem>> -> memref<1x400x16xf32, #tpu.memory_space<vmem>>
        %dma_wait3A_310 = tpu.memref_squeeze %dma_wait3A_309 : memref<1x400x16xf32, #tpu.memory_space<vmem>> -> memref<400x16xf32, #tpu.memory_space<vmem>>
        %dma_wait3A_311 = arith.constant 0 : i32
        %dma_wait3A_312 = tpu.memref_slice %arg7[%add3A_241, %dma_wait3A_311] : memref<25x400xi32, #tpu.memory_space<vmem>> -> memref<1x400xi32, #tpu.memory_space<vmem>>
        %dma_wait3A_313 = tpu.memref_squeeze %dma_wait3A_312 : memref<1x400xi32, #tpu.memory_space<vmem>> -> memref<400xi32, #tpu.memory_space<vmem>>
        %dma_wait3A_314 = arith.constant 0 : i32
        %dma_wait3A_315 = arith.constant 0 : i32
        %dma_wait3A_316 = tpu.memref_slice %arg10[%dma_wait3A_314, %dma_wait3A_315] : memref<10000x16xf32, #tpu.memory_space<vmem_shared>> -> memref<10000x16xf32, #tpu.memory_space<vmem_shared>>
        tpu.wait_indirect_dma semaphore(%run_scoped3A_296 : memref<!tpu.dma_semaphore, #tpu.memory_space<semaphore_mem>>) src(%dma_wait3A_310 : memref<400x16xf32, #tpu.memory_space<vmem>>) dst(%dma_wait3A_316 : memref<10000x16xf32, #tpu.memory_space<vmem_shared>>)
        tpu.yield
      }) : () -> ()
      %add3A_254 = arith.constant 5 : i32
      %add3A_255 = arith.addi %add3A_241, %add3A_254 : i32
      %dma_start3A_256 = arith.constant 3 : i32
      %dma_start3A_257 = arith.constant 0 : i32
      %dma_start3A_258 = arith.constant 0 : i32
      %dma_start3A_259 = tpu.memref_slice %arg8[%dma_start3A_256, %dma_start3A_257, %dma_start3A_258] : memref<5x400x16xf32, #tpu.memory_space<vmem>> -> memref<1x400x16xf32, #tpu.memory_space<vmem>>
      %dma_start3A_260 = tpu.memref_squeeze %dma_start3A_259 : memref<1x400x16xf32, #tpu.memory_space<vmem>> -> memref<400x16xf32, #tpu.memory_space<vmem>>
      %dma_start3A_261 = arith.constant 0 : i32
      %dma_start3A_262 = tpu.memref_slice %arg6[%add3A_255, %dma_start3A_261] : memref<25x400xi32, #tpu.memory_space<vmem>> -> memref<1x400xi32, #tpu.memory_space<vmem>>
      %dma_start3A_263 = tpu.memref_squeeze %dma_start3A_262 : memref<1x400xi32, #tpu.memory_space<vmem>> -> memref<400xi32, #tpu.memory_space<vmem>>
      %dma_start3A_264 = arith.constant 0 : i32
      %dma_start3A_265 = arith.constant 0 : i32
      %dma_start3A_266 = tpu.memref_slice %arg11[%dma_start3A_264, %dma_start3A_265] : memref<10000x16xf32, #tpu.memory_space<vmem_shared>> -> memref<10000x16xf32, #tpu.memory_space<vmem_shared>>
      tpu.enqueue_indirect_dma source(%dma_start3A_266 : memref<10000x16xf32, #tpu.memory_space<vmem_shared>>) target(%dma_start3A_260 : memref<400x16xf32, #tpu.memory_space<vmem>>) offsets(%dma_start3A_263 : memref<400xi32, #tpu.memory_space<vmem>>) semaphore(%arg12 : memref<!tpu.dma_semaphore, #tpu.memory_space<semaphore_mem>>)
      %mul3A_267 = arith.constant 5 : i32
      %mul3A_268 = arith.muli %scan3A_150, %mul3A_267 : i32
      %add3A_269 = arith.constant 4 : i32
      %add3A_270 = arith.addi %mul3A_268, %add3A_269 : i32
      %dma_wait3A_271 = arith.constant 4 : i32
      %dma_wait3A_272 = arith.constant 0 : i32
      %dma_wait3A_273 = arith.constant 0 : i32
      %dma_wait3A_274 = tpu.memref_slice %arg8[%dma_wait3A_271, %dma_wait3A_272, %dma_wait3A_273] : memref<5x400x16xf32, #tpu.memory_space<vmem>> -> memref<1x400x16xf32, #tpu.memory_space<vmem>>
      %dma_wait3A_275 = tpu.memref_squeeze %dma_wait3A_274 : memref<1x400x16xf32, #tpu.memory_space<vmem>> -> memref<400x16xf32, #tpu.memory_space<vmem>>
      %dma_wait3A_276 = arith.constant 0 : i32
      %dma_wait3A_277 = tpu.memref_slice %arg6[%add3A_270, %dma_wait3A_276] : memref<25x400xi32, #tpu.memory_space<vmem>> -> memref<1x400xi32, #tpu.memory_space<vmem>>
      %dma_wait3A_278 = tpu.memref_squeeze %dma_wait3A_277 : memref<1x400xi32, #tpu.memory_space<vmem>> -> memref<400xi32, #tpu.memory_space<vmem>>
      %dma_wait3A_279 = arith.constant 0 : i32
      %dma_wait3A_280 = arith.constant 0 : i32
      %dma_wait3A_281 = tpu.memref_slice %arg11[%dma_wait3A_279, %dma_wait3A_280] : memref<10000x16xf32, #tpu.memory_space<vmem_shared>> -> memref<10000x16xf32, #tpu.memory_space<vmem_shared>>
      tpu.wait_indirect_dma semaphore(%arg12 : memref<!tpu.dma_semaphore, #tpu.memory_space<semaphore_mem>>) src(%dma_wait3A_281 : memref<10000x16xf32, #tpu.memory_space<vmem_shared>>) dst(%dma_wait3A_275 : memref<400x16xf32, #tpu.memory_space<vmem>>)
      %run_scoped3A_282 = arith.constant 4 : i32
      "tpu.region"() ({
        %run_scoped3A_296 = tpu.sem_alloc : memref<!tpu.dma_semaphore, #tpu.memory_space<semaphore_mem>>
        %dma_start3A_297 = arith.constant 0 : i32
        %dma_start3A_298 = arith.constant 0 : i32
        %dma_start3A_299 = tpu.memref_slice %arg8[%run_scoped3A_282, %dma_start3A_297, %dma_start3A_298] : memref<5x400x16xf32, #tpu.memory_space<vmem>> -> memref<1x400x16xf32, #tpu.memory_space<vmem>>
        %dma_start3A_300 = tpu.memref_squeeze %dma_start3A_299 : memref<1x400x16xf32, #tpu.memory_space<vmem>> -> memref<400x16xf32, #tpu.memory_space<vmem>>
        %dma_start3A_301 = arith.constant 0 : i32
        %dma_start3A_302 = tpu.memref_slice %arg7[%add3A_270, %dma_start3A_301] : memref<25x400xi32, #tpu.memory_space<vmem>> -> memref<1x400xi32, #tpu.memory_space<vmem>>
        %dma_start3A_303 = tpu.memref_squeeze %dma_start3A_302 : memref<1x400xi32, #tpu.memory_space<vmem>> -> memref<400xi32, #tpu.memory_space<vmem>>
        %dma_start3A_304 = arith.constant 0 : i32
        %dma_start3A_305 = arith.constant 0 : i32
        %dma_start3A_306 = tpu.memref_slice %arg10[%dma_start3A_304, %dma_start3A_305] : memref<10000x16xf32, #tpu.memory_space<vmem_shared>> -> memref<10000x16xf32, #tpu.memory_space<vmem_shared>>
        tpu.enqueue_indirect_dma source(%dma_start3A_300 : memref<400x16xf32, #tpu.memory_space<vmem>>) target(%dma_start3A_306 : memref<10000x16xf32, #tpu.memory_space<vmem_shared>>) offsets(%dma_start3A_303 : memref<400xi32, #tpu.memory_space<vmem>>) semaphore(%run_scoped3A_296 : memref<!tpu.dma_semaphore, #tpu.memory_space<semaphore_mem>>) {add = true}
        %dma_wait3A_307 = arith.constant 0 : i32
        %dma_wait3A_308 = arith.constant 0 : i32
        %dma_wait3A_309 = tpu.memref_slice %arg8[%run_scoped3A_282, %dma_wait3A_307, %dma_wait3A_308] : memref<5x400x16xf32, #tpu.memory_space<vmem>> -> memref<1x400x16xf32, #tpu.memory_space<vmem>>
        %dma_wait3A_310 = tpu.memref_squeeze %dma_wait3A_309 : memref<1x400x16xf32, #tpu.memory_space<vmem>> -> memref<400x16xf32, #tpu.memory_space<vmem>>
        %dma_wait3A_311 = arith.constant 0 : i32
        %dma_wait3A_312 = tpu.memref_slice %arg7[%add3A_270, %dma_wait3A_311] : memref<25x400xi32, #tpu.memory_space<vmem>> -> memref<1x400xi32, #tpu.memory_space<vmem>>
        %dma_wait3A_313 = tpu.memref_squeeze %dma_wait3A_312 : memref<1x400xi32, #tpu.memory_space<vmem>> -> memref<400xi32, #tpu.memory_space<vmem>>
        %dma_wait3A_314 = arith.constant 0 : i32
        %dma_wait3A_315 = arith.constant 0 : i32
        %dma_wait3A_316 = tpu.memref_slice %arg10[%dma_wait3A_314, %dma_wait3A_315] : memref<10000x16xf32, #tpu.memory_space<vmem_shared>> -> memref<10000x16xf32, #tpu.memory_space<vmem_shared>>
        tpu.wait_indirect_dma semaphore(%run_scoped3A_296 : memref<!tpu.dma_semaphore, #tpu.memory_space<semaphore_mem>>) src(%dma_wait3A_310 : memref<400x16xf32, #tpu.memory_space<vmem>>) dst(%dma_wait3A_316 : memref<10000x16xf32, #tpu.memory_space<vmem_shared>>)
        tpu.yield
      }) : () -> ()
      %add3A_283 = arith.constant 5 : i32
      %add3A_284 = arith.addi %add3A_270, %add3A_283 : i32
      %dma_start3A_285 = arith.constant 4 : i32
      %dma_start3A_286 = arith.constant 0 : i32
      %dma_start3A_287 = arith.constant 0 : i32
      %dma_start3A_288 = tpu.memref_slice %arg8[%dma_start3A_285, %dma_start3A_286, %dma_start3A_287] : memref<5x400x16xf32, #tpu.memory_space<vmem>> -> memref<1x400x16xf32, #tpu.memory_space<vmem>>
      %dma_start3A_289 = tpu.memref_squeeze %dma_start3A_288 : memref<1x400x16xf32, #tpu.memory_space<vmem>> -> memref<400x16xf32, #tpu.memory_space<vmem>>
      %dma_start3A_290 = arith.constant 0 : i32
      %dma_start3A_291 = tpu.memref_slice %arg6[%add3A_284, %dma_start3A_290] : memref<25x400xi32, #tpu.memory_space<vmem>> -> memref<1x400xi32, #tpu.memory_space<vmem>>
      %dma_start3A_292 = tpu.memref_squeeze %dma_start3A_291 : memref<1x400xi32, #tpu.memory_space<vmem>> -> memref<400xi32, #tpu.memory_space<vmem>>
      %dma_start3A_293 = arith.constant 0 : i32
      %dma_start3A_294 = arith.constant 0 : i32
      %dma_start3A_295 = tpu.memref_slice %arg11[%dma_start3A_293, %dma_start3A_294] : memref<10000x16xf32, #tpu.memory_space<vmem_shared>> -> memref<10000x16xf32, #tpu.memory_space<vmem_shared>>
      tpu.enqueue_indirect_dma source(%dma_start3A_295 : memref<10000x16xf32, #tpu.memory_space<vmem_shared>>) target(%dma_start3A_289 : memref<400x16xf32, #tpu.memory_space<vmem>>) offsets(%dma_start3A_292 : memref<400xi32, #tpu.memory_space<vmem>>) semaphore(%arg12 : memref<!tpu.dma_semaphore, #tpu.memory_space<semaphore_mem>>)
    }
    %scan3A_76 = arith.constant 4 : i32
    %dma_wait3A = arith.constant 20 : i32
    %dma_wait3A_77 = arith.constant 0 : i32
    %dma_wait3A_78 = arith.constant 0 : i32
    %dma_wait3A_79 = arith.constant 0 : i32
    %dma_wait3A_80 = tpu.memref_slice %arg8[%dma_wait3A_77, %dma_wait3A_78, %dma_wait3A_79] : memref<5x400x16xf32, #tpu.memory_space<vmem>> -> memref<1x400x16xf32, #tpu.memory_space<vmem>>
    %dma_wait3A_81 = tpu.memref_squeeze %dma_wait3A_80 : memref<1x400x16xf32, #tpu.memory_space<vmem>> -> memref<400x16xf32, #tpu.memory_space<vmem>>
    %dma_wait3A_82 = arith.constant 0 : i32
    %dma_wait3A_83 = tpu.memref_slice %arg6[%dma_wait3A, %dma_wait3A_82] : memref<25x400xi32, #tpu.memory_space<vmem>> -> memref<1x400xi32, #tpu.memory_space<vmem>>
    %dma_wait3A_84 = tpu.memref_squeeze %dma_wait3A_83 : memref<1x400xi32, #tpu.memory_space<vmem>> -> memref<400xi32, #tpu.memory_space<vmem>>
    %dma_wait3A_85 = arith.constant 0 : i32
    %dma_wait3A_86 = arith.constant 0 : i32
    %dma_wait3A_87 = tpu.memref_slice %arg11[%dma_wait3A_85, %dma_wait3A_86] : memref<10000x16xf32, #tpu.memory_space<vmem_shared>> -> memref<10000x16xf32, #tpu.memory_space<vmem_shared>>
    tpu.wait_indirect_dma semaphore(%arg12 : memref<!tpu.dma_semaphore, #tpu.memory_space<semaphore_mem>>) src(%dma_wait3A_87 : memref<10000x16xf32, #tpu.memory_space<vmem_shared>>) dst(%dma_wait3A_81 : memref<400x16xf32, #tpu.memory_space<vmem>>)
    %run_scoped3A = arith.constant 0 : i32
    %run_scoped3A_88 = arith.constant 20 : i32
    "tpu.region"() ({
      %run_scoped3A_150 = tpu.sem_alloc : memref<!tpu.dma_semaphore, #tpu.memory_space<semaphore_mem>>
      %dma_start3A_151 = arith.constant 0 : i32
      %dma_start3A_152 = arith.constant 0 : i32
      %dma_start3A_153 = tpu.memref_slice %arg8[%run_scoped3A, %dma_start3A_151, %dma_start3A_152] : memref<5x400x16xf32, #tpu.memory_space<vmem>> -> memref<1x400x16xf32, #tpu.memory_space<vmem>>
      %dma_start3A_154 = tpu.memref_squeeze %dma_start3A_153 : memref<1x400x16xf32, #tpu.memory_space<vmem>> -> memref<400x16xf32, #tpu.memory_space<vmem>>
      %dma_start3A_155 = arith.constant 0 : i32
      %dma_start3A_156 = tpu.memref_slice %arg7[%run_scoped3A_88, %dma_start3A_155] : memref<25x400xi32, #tpu.memory_space<vmem>> -> memref<1x400xi32, #tpu.memory_space<vmem>>
      %dma_start3A_157 = tpu.memref_squeeze %dma_start3A_156 : memref<1x400xi32, #tpu.memory_space<vmem>> -> memref<400xi32, #tpu.memory_space<vmem>>
      %dma_start3A_158 = arith.constant 0 : i32
      %dma_start3A_159 = arith.constant 0 : i32
      %dma_start3A_160 = tpu.memref_slice %arg10[%dma_start3A_158, %dma_start3A_159] : memref<10000x16xf32, #tpu.memory_space<vmem_shared>> -> memref<10000x16xf32, #tpu.memory_space<vmem_shared>>
      tpu.enqueue_indirect_dma source(%dma_start3A_154 : memref<400x16xf32, #tpu.memory_space<vmem>>) target(%dma_start3A_160 : memref<10000x16xf32, #tpu.memory_space<vmem_shared>>) offsets(%dma_start3A_157 : memref<400xi32, #tpu.memory_space<vmem>>) semaphore(%run_scoped3A_150 : memref<!tpu.dma_semaphore, #tpu.memory_space<semaphore_mem>>) {add = true}
      %dma_wait3A_161 = arith.constant 0 : i32
      %dma_wait3A_162 = arith.constant 0 : i32
      %dma_wait3A_163 = tpu.memref_slice %arg8[%run_scoped3A, %dma_wait3A_161, %dma_wait3A_162] : memref<5x400x16xf32, #tpu.memory_space<vmem>> -> memref<1x400x16xf32, #tpu.memory_space<vmem>>
      %dma_wait3A_164 = tpu.memref_squeeze %dma_wait3A_163 : memref<1x400x16xf32, #tpu.memory_space<vmem>> -> memref<400x16xf32, #tpu.memory_space<vmem>>
      %dma_wait3A_165 = arith.constant 0 : i32
      %dma_wait3A_166 = tpu.memref_slice %arg7[%run_scoped3A_88, %dma_wait3A_165] : memref<25x400xi32, #tpu.memory_space<vmem>> -> memref<1x400xi32, #tpu.memory_space<vmem>>
      %dma_wait3A_167 = tpu.memref_squeeze %dma_wait3A_166 : memref<1x400xi32, #tpu.memory_space<vmem>> -> memref<400xi32, #tpu.memory_space<vmem>>
      %dma_wait3A_168 = arith.constant 0 : i32
      %dma_wait3A_169 = arith.constant 0 : i32
      %dma_wait3A_170 = tpu.memref_slice %arg10[%dma_wait3A_168, %dma_wait3A_169] : memref<10000x16xf32, #tpu.memory_space<vmem_shared>> -> memref<10000x16xf32, #tpu.memory_space<vmem_shared>>
      tpu.wait_indirect_dma semaphore(%run_scoped3A_150 : memref<!tpu.dma_semaphore, #tpu.memory_space<semaphore_mem>>) src(%dma_wait3A_164 : memref<400x16xf32, #tpu.memory_space<vmem>>) dst(%dma_wait3A_170 : memref<10000x16xf32, #tpu.memory_space<vmem_shared>>)
      tpu.yield
    }) : () -> ()
    %dma_wait3A_89 = arith.constant 21 : i32
    %dma_wait3A_90 = arith.constant 1 : i32
    %dma_wait3A_91 = arith.constant 0 : i32
    %dma_wait3A_92 = arith.constant 0 : i32
    %dma_wait3A_93 = tpu.memref_slice %arg8[%dma_wait3A_90, %dma_wait3A_91, %dma_wait3A_92] : memref<5x400x16xf32, #tpu.memory_space<vmem>> -> memref<1x400x16xf32, #tpu.memory_space<vmem>>
    %dma_wait3A_94 = tpu.memref_squeeze %dma_wait3A_93 : memref<1x400x16xf32, #tpu.memory_space<vmem>> -> memref<400x16xf32, #tpu.memory_space<vmem>>
    %dma_wait3A_95 = arith.constant 0 : i32
    %dma_wait3A_96 = tpu.memref_slice %arg6[%dma_wait3A_89, %dma_wait3A_95] : memref<25x400xi32, #tpu.memory_space<vmem>> -> memref<1x400xi32, #tpu.memory_space<vmem>>
    %dma_wait3A_97 = tpu.memref_squeeze %dma_wait3A_96 : memref<1x400xi32, #tpu.memory_space<vmem>> -> memref<400xi32, #tpu.memory_space<vmem>>
    %dma_wait3A_98 = arith.constant 0 : i32
    %dma_wait3A_99 = arith.constant 0 : i32
    %dma_wait3A_100 = tpu.memref_slice %arg11[%dma_wait3A_98, %dma_wait3A_99] : memref<10000x16xf32, #tpu.memory_space<vmem_shared>> -> memref<10000x16xf32, #tpu.memory_space<vmem_shared>>
    tpu.wait_indirect_dma semaphore(%arg12 : memref<!tpu.dma_semaphore, #tpu.memory_space<semaphore_mem>>) src(%dma_wait3A_100 : memref<10000x16xf32, #tpu.memory_space<vmem_shared>>) dst(%dma_wait3A_94 : memref<400x16xf32, #tpu.memory_space<vmem>>)
    %run_scoped3A_101 = arith.constant 1 : i32
    %run_scoped3A_102 = arith.constant 21 : i32
    "tpu.region"() ({
      %run_scoped3A_150 = tpu.sem_alloc : memref<!tpu.dma_semaphore, #tpu.memory_space<semaphore_mem>>
      %dma_start3A_151 = arith.constant 0 : i32
      %dma_start3A_152 = arith.constant 0 : i32
      %dma_start3A_153 = tpu.memref_slice %arg8[%run_scoped3A_101, %dma_start3A_151, %dma_start3A_152] : memref<5x400x16xf32, #tpu.memory_space<vmem>> -> memref<1x400x16xf32, #tpu.memory_space<vmem>>
      %dma_start3A_154 = tpu.memref_squeeze %dma_start3A_153 : memref<1x400x16xf32, #tpu.memory_space<vmem>> -> memref<400x16xf32, #tpu.memory_space<vmem>>
      %dma_start3A_155 = arith.constant 0 : i32
      %dma_start3A_156 = tpu.memref_slice %arg7[%run_scoped3A_102, %dma_start3A_155] : memref<25x400xi32, #tpu.memory_space<vmem>> -> memref<1x400xi32, #tpu.memory_space<vmem>>
      %dma_start3A_157 = tpu.memref_squeeze %dma_start3A_156 : memref<1x400xi32, #tpu.memory_space<vmem>> -> memref<400xi32, #tpu.memory_space<vmem>>
      %dma_start3A_158 = arith.constant 0 : i32
      %dma_start3A_159 = arith.constant 0 : i32
      %dma_start3A_160 = tpu.memref_slice %arg10[%dma_start3A_158, %dma_start3A_159] : memref<10000x16xf32, #tpu.memory_space<vmem_shared>> -> memref<10000x16xf32, #tpu.memory_space<vmem_shared>>
      tpu.enqueue_indirect_dma source(%dma_start3A_154 : memref<400x16xf32, #tpu.memory_space<vmem>>) target(%dma_start3A_160 : memref<10000x16xf32, #tpu.memory_space<vmem_shared>>) offsets(%dma_start3A_157 : memref<400xi32, #tpu.memory_space<vmem>>) semaphore(%run_scoped3A_150 : memref<!tpu.dma_semaphore, #tpu.memory_space<semaphore_mem>>) {add = true}
      %dma_wait3A_161 = arith.constant 0 : i32
      %dma_wait3A_162 = arith.constant 0 : i32
      %dma_wait3A_163 = tpu.memref_slice %arg8[%run_scoped3A_101, %dma_wait3A_161, %dma_wait3A_162] : memref<5x400x16xf32, #tpu.memory_space<vmem>> -> memref<1x400x16xf32, #tpu.memory_space<vmem>>
      %dma_wait3A_164 = tpu.memref_squeeze %dma_wait3A_163 : memref<1x400x16xf32, #tpu.memory_space<vmem>> -> memref<400x16xf32, #tpu.memory_space<vmem>>
      %dma_wait3A_165 = arith.constant 0 : i32
      %dma_wait3A_166 = tpu.memref_slice %arg7[%run_scoped3A_102, %dma_wait3A_165] : memref<25x400xi32, #tpu.memory_space<vmem>> -> memref<1x400xi32, #tpu.memory_space<vmem>>
      %dma_wait3A_167 = tpu.memref_squeeze %dma_wait3A_166 : memref<1x400xi32, #tpu.memory_space<vmem>> -> memref<400xi32, #tpu.memory_space<vmem>>
      %dma_wait3A_168 = arith.constant 0 : i32
      %dma_wait3A_169 = arith.constant 0 : i32
      %dma_wait3A_170 = tpu.memref_slice %arg10[%dma_wait3A_168, %dma_wait3A_169] : memref<10000x16xf32, #tpu.memory_space<vmem_shared>> -> memref<10000x16xf32, #tpu.memory_space<vmem_shared>>
      tpu.wait_indirect_dma semaphore(%run_scoped3A_150 : memref<!tpu.dma_semaphore, #tpu.memory_space<semaphore_mem>>) src(%dma_wait3A_164 : memref<400x16xf32, #tpu.memory_space<vmem>>) dst(%dma_wait3A_170 : memref<10000x16xf32, #tpu.memory_space<vmem_shared>>)
      tpu.yield
    }) : () -> ()
    %dma_wait3A_103 = arith.constant 22 : i32
    %dma_wait3A_104 = arith.constant 2 : i32
    %dma_wait3A_105 = arith.constant 0 : i32
    %dma_wait3A_106 = arith.constant 0 : i32
    %dma_wait3A_107 = tpu.memref_slice %arg8[%dma_wait3A_104, %dma_wait3A_105, %dma_wait3A_106] : memref<5x400x16xf32, #tpu.memory_space<vmem>> -> memref<1x400x16xf32, #tpu.memory_space<vmem>>
    %dma_wait3A_108 = tpu.memref_squeeze %dma_wait3A_107 : memref<1x400x16xf32, #tpu.memory_space<vmem>> -> memref<400x16xf32, #tpu.memory_space<vmem>>
    %dma_wait3A_109 = arith.constant 0 : i32
    %dma_wait3A_110 = tpu.memref_slice %arg6[%dma_wait3A_103, %dma_wait3A_109] : memref<25x400xi32, #tpu.memory_space<vmem>> -> memref<1x400xi32, #tpu.memory_space<vmem>>
    %dma_wait3A_111 = tpu.memref_squeeze %dma_wait3A_110 : memref<1x400xi32, #tpu.memory_space<vmem>> -> memref<400xi32, #tpu.memory_space<vmem>>
    %dma_wait3A_112 = arith.constant 0 : i32
    %dma_wait3A_113 = arith.constant 0 : i32
    %dma_wait3A_114 = tpu.memref_slice %arg11[%dma_wait3A_112, %dma_wait3A_113] : memref<10000x16xf32, #tpu.memory_space<vmem_shared>> -> memref<10000x16xf32, #tpu.memory_space<vmem_shared>>
    tpu.wait_indirect_dma semaphore(%arg12 : memref<!tpu.dma_semaphore, #tpu.memory_space<semaphore_mem>>) src(%dma_wait3A_114 : memref<10000x16xf32, #tpu.memory_space<vmem_shared>>) dst(%dma_wait3A_108 : memref<400x16xf32, #tpu.memory_space<vmem>>)
    %run_scoped3A_115 = arith.constant 2 : i32
    %run_scoped3A_116 = arith.constant 22 : i32
    "tpu.region"() ({
      %run_scoped3A_150 = tpu.sem_alloc : memref<!tpu.dma_semaphore, #tpu.memory_space<semaphore_mem>>
      %dma_start3A_151 = arith.constant 0 : i32
      %dma_start3A_152 = arith.constant 0 : i32
      %dma_start3A_153 = tpu.memref_slice %arg8[%run_scoped3A_115, %dma_start3A_151, %dma_start3A_152] : memref<5x400x16xf32, #tpu.memory_space<vmem>> -> memref<1x400x16xf32, #tpu.memory_space<vmem>>
      %dma_start3A_154 = tpu.memref_squeeze %dma_start3A_153 : memref<1x400x16xf32, #tpu.memory_space<vmem>> -> memref<400x16xf32, #tpu.memory_space<vmem>>
      %dma_start3A_155 = arith.constant 0 : i32
      %dma_start3A_156 = tpu.memref_slice %arg7[%run_scoped3A_116, %dma_start3A_155] : memref<25x400xi32, #tpu.memory_space<vmem>> -> memref<1x400xi32, #tpu.memory_space<vmem>>
      %dma_start3A_157 = tpu.memref_squeeze %dma_start3A_156 : memref<1x400xi32, #tpu.memory_space<vmem>> -> memref<400xi32, #tpu.memory_space<vmem>>
      %dma_start3A_158 = arith.constant 0 : i32
      %dma_start3A_159 = arith.constant 0 : i32
      %dma_start3A_160 = tpu.memref_slice %arg10[%dma_start3A_158, %dma_start3A_159] : memref<10000x16xf32, #tpu.memory_space<vmem_shared>> -> memref<10000x16xf32, #tpu.memory_space<vmem_shared>>
      tpu.enqueue_indirect_dma source(%dma_start3A_154 : memref<400x16xf32, #tpu.memory_space<vmem>>) target(%dma_start3A_160 : memref<10000x16xf32, #tpu.memory_space<vmem_shared>>) offsets(%dma_start3A_157 : memref<400xi32, #tpu.memory_space<vmem>>) semaphore(%run_scoped3A_150 : memref<!tpu.dma_semaphore, #tpu.memory_space<semaphore_mem>>) {add = true}
      %dma_wait3A_161 = arith.constant 0 : i32
      %dma_wait3A_162 = arith.constant 0 : i32
      %dma_wait3A_163 = tpu.memref_slice %arg8[%run_scoped3A_115, %dma_wait3A_161, %dma_wait3A_162] : memref<5x400x16xf32, #tpu.memory_space<vmem>> -> memref<1x400x16xf32, #tpu.memory_space<vmem>>
      %dma_wait3A_164 = tpu.memref_squeeze %dma_wait3A_163 : memref<1x400x16xf32, #tpu.memory_space<vmem>> -> memref<400x16xf32, #tpu.memory_space<vmem>>
      %dma_wait3A_165 = arith.constant 0 : i32
      %dma_wait3A_166 = tpu.memref_slice %arg7[%run_scoped3A_116, %dma_wait3A_165] : memref<25x400xi32, #tpu.memory_space<vmem>> -> memref<1x400xi32, #tpu.memory_space<vmem>>
      %dma_wait3A_167 = tpu.memref_squeeze %dma_wait3A_166 : memref<1x400xi32, #tpu.memory_space<vmem>> -> memref<400xi32, #tpu.memory_space<vmem>>
      %dma_wait3A_168 = arith.constant 0 : i32
      %dma_wait3A_169 = arith.constant 0 : i32
      %dma_wait3A_170 = tpu.memref_slice %arg10[%dma_wait3A_168, %dma_wait3A_169] : memref<10000x16xf32, #tpu.memory_space<vmem_shared>> -> memref<10000x16xf32, #tpu.memory_space<vmem_shared>>
      tpu.wait_indirect_dma semaphore(%run_scoped3A_150 : memref<!tpu.dma_semaphore, #tpu.memory_space<semaphore_mem>>) src(%dma_wait3A_164 : memref<400x16xf32, #tpu.memory_space<vmem>>) dst(%dma_wait3A_170 : memref<10000x16xf32, #tpu.memory_space<vmem_shared>>)
      tpu.yield
    }) : () -> ()
    %dma_wait3A_117 = arith.constant 23 : i32
    %dma_wait3A_118 = arith.constant 3 : i32
    %dma_wait3A_119 = arith.constant 0 : i32
    %dma_wait3A_120 = arith.constant 0 : i32
    %dma_wait3A_121 = tpu.memref_slice %arg8[%dma_wait3A_118, %dma_wait3A_119, %dma_wait3A_120] : memref<5x400x16xf32, #tpu.memory_space<vmem>> -> memref<1x400x16xf32, #tpu.memory_space<vmem>>
    %dma_wait3A_122 = tpu.memref_squeeze %dma_wait3A_121 : memref<1x400x16xf32, #tpu.memory_space<vmem>> -> memref<400x16xf32, #tpu.memory_space<vmem>>
    %dma_wait3A_123 = arith.constant 0 : i32
    %dma_wait3A_124 = tpu.memref_slice %arg6[%dma_wait3A_117, %dma_wait3A_123] : memref<25x400xi32, #tpu.memory_space<vmem>> -> memref<1x400xi32, #tpu.memory_space<vmem>>
    %dma_wait3A_125 = tpu.memref_squeeze %dma_wait3A_124 : memref<1x400xi32, #tpu.memory_space<vmem>> -> memref<400xi32, #tpu.memory_space<vmem>>
    %dma_wait3A_126 = arith.constant 0 : i32
    %dma_wait3A_127 = arith.constant 0 : i32
    %dma_wait3A_128 = tpu.memref_slice %arg11[%dma_wait3A_126, %dma_wait3A_127] : memref<10000x16xf32, #tpu.memory_space<vmem_shared>> -> memref<10000x16xf32, #tpu.memory_space<vmem_shared>>
    tpu.wait_indirect_dma semaphore(%arg12 : memref<!tpu.dma_semaphore, #tpu.memory_space<semaphore_mem>>) src(%dma_wait3A_128 : memref<10000x16xf32, #tpu.memory_space<vmem_shared>>) dst(%dma_wait3A_122 : memref<400x16xf32, #tpu.memory_space<vmem>>)
    %run_scoped3A_129 = arith.constant 3 : i32
    %run_scoped3A_130 = arith.constant 23 : i32
    "tpu.region"() ({
      %run_scoped3A_150 = tpu.sem_alloc : memref<!tpu.dma_semaphore, #tpu.memory_space<semaphore_mem>>
      %dma_start3A_151 = arith.constant 0 : i32
      %dma_start3A_152 = arith.constant 0 : i32
      %dma_start3A_153 = tpu.memref_slice %arg8[%run_scoped3A_129, %dma_start3A_151, %dma_start3A_152] : memref<5x400x16xf32, #tpu.memory_space<vmem>> -> memref<1x400x16xf32, #tpu.memory_space<vmem>>
      %dma_start3A_154 = tpu.memref_squeeze %dma_start3A_153 : memref<1x400x16xf32, #tpu.memory_space<vmem>> -> memref<400x16xf32, #tpu.memory_space<vmem>>
      %dma_start3A_155 = arith.constant 0 : i32
      %dma_start3A_156 = tpu.memref_slice %arg7[%run_scoped3A_130, %dma_start3A_155] : memref<25x400xi32, #tpu.memory_space<vmem>> -> memref<1x400xi32, #tpu.memory_space<vmem>>
      %dma_start3A_157 = tpu.memref_squeeze %dma_start3A_156 : memref<1x400xi32, #tpu.memory_space<vmem>> -> memref<400xi32, #tpu.memory_space<vmem>>
      %dma_start3A_158 = arith.constant 0 : i32
      %dma_start3A_159 = arith.constant 0 : i32
      %dma_start3A_160 = tpu.memref_slice %arg10[%dma_start3A_158, %dma_start3A_159] : memref<10000x16xf32, #tpu.memory_space<vmem_shared>> -> memref<10000x16xf32, #tpu.memory_space<vmem_shared>>
      tpu.enqueue_indirect_dma source(%dma_start3A_154 : memref<400x16xf32, #tpu.memory_space<vmem>>) target(%dma_start3A_160 : memref<10000x16xf32, #tpu.memory_space<vmem_shared>>) offsets(%dma_start3A_157 : memref<400xi32, #tpu.memory_space<vmem>>) semaphore(%run_scoped3A_150 : memref<!tpu.dma_semaphore, #tpu.memory_space<semaphore_mem>>) {add = true}
      %dma_wait3A_161 = arith.constant 0 : i32
      %dma_wait3A_162 = arith.constant 0 : i32
      %dma_wait3A_163 = tpu.memref_slice %arg8[%run_scoped3A_129, %dma_wait3A_161, %dma_wait3A_162] : memref<5x400x16xf32, #tpu.memory_space<vmem>> -> memref<1x400x16xf32, #tpu.memory_space<vmem>>
      %dma_wait3A_164 = tpu.memref_squeeze %dma_wait3A_163 : memref<1x400x16xf32, #tpu.memory_space<vmem>> -> memref<400x16xf32, #tpu.memory_space<vmem>>
      %dma_wait3A_165 = arith.constant 0 : i32
      %dma_wait3A_166 = tpu.memref_slice %arg7[%run_scoped3A_130, %dma_wait3A_165] : memref<25x400xi32, #tpu.memory_space<vmem>> -> memref<1x400xi32, #tpu.memory_space<vmem>>
      %dma_wait3A_167 = tpu.memref_squeeze %dma_wait3A_166 : memref<1x400xi32, #tpu.memory_space<vmem>> -> memref<400xi32, #tpu.memory_space<vmem>>
      %dma_wait3A_168 = arith.constant 0 : i32
      %dma_wait3A_169 = arith.constant 0 : i32
      %dma_wait3A_170 = tpu.memref_slice %arg10[%dma_wait3A_168, %dma_wait3A_169] : memref<10000x16xf32, #tpu.memory_space<vmem_shared>> -> memref<10000x16xf32, #tpu.memory_space<vmem_shared>>
      tpu.wait_indirect_dma semaphore(%run_scoped3A_150 : memref<!tpu.dma_semaphore, #tpu.memory_space<semaphore_mem>>) src(%dma_wait3A_164 : memref<400x16xf32, #tpu.memory_space<vmem>>) dst(%dma_wait3A_170 : memref<10000x16xf32, #tpu.memory_space<vmem_shared>>)
      tpu.yield
    }) : () -> ()
    %dma_wait3A_131 = arith.constant 24 : i32
    %dma_wait3A_132 = arith.constant 4 : i32
    %dma_wait3A_133 = arith.constant 0 : i32
    %dma_wait3A_134 = arith.constant 0 : i32
    %dma_wait3A_135 = tpu.memref_slice %arg8[%dma_wait3A_132, %dma_wait3A_133, %dma_wait3A_134] : memref<5x400x16xf32, #tpu.memory_space<vmem>> -> memref<1x400x16xf32, #tpu.memory_space<vmem>>
    %dma_wait3A_136 = tpu.memref_squeeze %dma_wait3A_135 : memref<1x400x16xf32, #tpu.memory_space<vmem>> -> memref<400x16xf32, #tpu.memory_space<vmem>>
    %dma_wait3A_137 = arith.constant 0 : i32
    %dma_wait3A_138 = tpu.memref_slice %arg6[%dma_wait3A_131, %dma_wait3A_137] : memref<25x400xi32, #tpu.memory_space<vmem>> -> memref<1x400xi32, #tpu.memory_space<vmem>>
    %dma_wait3A_139 = tpu.memref_squeeze %dma_wait3A_138 : memref<1x400xi32, #tpu.memory_space<vmem>> -> memref<400xi32, #tpu.memory_space<vmem>>
    %dma_wait3A_140 = arith.constant 0 : i32
    %dma_wait3A_141 = arith.constant 0 : i32
    %dma_wait3A_142 = tpu.memref_slice %arg11[%dma_wait3A_140, %dma_wait3A_141] : memref<10000x16xf32, #tpu.memory_space<vmem_shared>> -> memref<10000x16xf32, #tpu.memory_space<vmem_shared>>
    tpu.wait_indirect_dma semaphore(%arg12 : memref<!tpu.dma_semaphore, #tpu.memory_space<semaphore_mem>>) src(%dma_wait3A_142 : memref<10000x16xf32, #tpu.memory_space<vmem_shared>>) dst(%dma_wait3A_136 : memref<400x16xf32, #tpu.memory_space<vmem>>)
    %run_scoped3A_143 = arith.constant 4 : i32
    %run_scoped3A_144 = arith.constant 24 : i32
    "tpu.region"() ({
      %run_scoped3A_150 = tpu.sem_alloc : memref<!tpu.dma_semaphore, #tpu.memory_space<semaphore_mem>>
      %dma_start3A_151 = arith.constant 0 : i32
      %dma_start3A_152 = arith.constant 0 : i32
      %dma_start3A_153 = tpu.memref_slice %arg8[%run_scoped3A_143, %dma_start3A_151, %dma_start3A_152] : memref<5x400x16xf32, #tpu.memory_space<vmem>> -> memref<1x400x16xf32, #tpu.memory_space<vmem>>
      %dma_start3A_154 = tpu.memref_squeeze %dma_start3A_153 : memref<1x400x16xf32, #tpu.memory_space<vmem>> -> memref<400x16xf32, #tpu.memory_space<vmem>>
      %dma_start3A_155 = arith.constant 0 : i32
      %dma_start3A_156 = tpu.memref_slice %arg7[%run_scoped3A_144, %dma_start3A_155] : memref<25x400xi32, #tpu.memory_space<vmem>> -> memref<1x400xi32, #tpu.memory_space<vmem>>
      %dma_start3A_157 = tpu.memref_squeeze %dma_start3A_156 : memref<1x400xi32, #tpu.memory_space<vmem>> -> memref<400xi32, #tpu.memory_space<vmem>>
      %dma_start3A_158 = arith.constant 0 : i32
      %dma_start3A_159 = arith.constant 0 : i32
      %dma_start3A_160 = tpu.memref_slice %arg10[%dma_start3A_158, %dma_start3A_159] : memref<10000x16xf32, #tpu.memory_space<vmem_shared>> -> memref<10000x16xf32, #tpu.memory_space<vmem_shared>>
      tpu.enqueue_indirect_dma source(%dma_start3A_154 : memref<400x16xf32, #tpu.memory_space<vmem>>) target(%dma_start3A_160 : memref<10000x16xf32, #tpu.memory_space<vmem_shared>>) offsets(%dma_start3A_157 : memref<400xi32, #tpu.memory_space<vmem>>) semaphore(%run_scoped3A_150 : memref<!tpu.dma_semaphore, #tpu.memory_space<semaphore_mem>>) {add = true}
      %dma_wait3A_161 = arith.constant 0 : i32
      %dma_wait3A_162 = arith.constant 0 : i32
      %dma_wait3A_163 = tpu.memref_slice %arg8[%run_scoped3A_143, %dma_wait3A_161, %dma_wait3A_162] : memref<5x400x16xf32, #tpu.memory_space<vmem>> -> memref<1x400x16xf32, #tpu.memory_space<vmem>>
      %dma_wait3A_164 = tpu.memref_squeeze %dma_wait3A_163 : memref<1x400x16xf32, #tpu.memory_space<vmem>> -> memref<400x16xf32, #tpu.memory_space<vmem>>
      %dma_wait3A_165 = arith.constant 0 : i32
      %dma_wait3A_166 = tpu.memref_slice %arg7[%run_scoped3A_144, %dma_wait3A_165] : memref<25x400xi32, #tpu.memory_space<vmem>> -> memref<1x400xi32, #tpu.memory_space<vmem>>
      %dma_wait3A_167 = tpu.memref_squeeze %dma_wait3A_166 : memref<1x400xi32, #tpu.memory_space<vmem>> -> memref<400xi32, #tpu.memory_space<vmem>>
      %dma_wait3A_168 = arith.constant 0 : i32
      %dma_wait3A_169 = arith.constant 0 : i32
      %dma_wait3A_170 = tpu.memref_slice %arg10[%dma_wait3A_168, %dma_wait3A_169] : memref<10000x16xf32, #tpu.memory_space<vmem_shared>> -> memref<10000x16xf32, #tpu.memory_space<vmem_shared>>
      tpu.wait_indirect_dma semaphore(%run_scoped3A_150 : memref<!tpu.dma_semaphore, #tpu.memory_space<semaphore_mem>>) src(%dma_wait3A_164 : memref<400x16xf32, #tpu.memory_space<vmem>>) dst(%dma_wait3A_170 : memref<10000x16xf32, #tpu.memory_space<vmem_shared>>)
      tpu.yield
    }) : () -> ()
    %barrier3A_145 = arith.constant 0 : index
    tpu.barrier barrier_id(%barrier3A_145)
    %mul3A_146 = arith.constant 625 : i32
    %mul3A_147 = arith.muli %arg1, %mul3A_146 : i32
    %mul3A_148 = arith.constant 625 : i32
    %mul3A_149 = arith.muli %arg1, %mul3A_148 : i32
    "tpu.region"() ({
      %run_scoped3A_150 = tpu.sem_alloc : memref<!tpu.dma_semaphore, #tpu.memory_space<semaphore_mem>>
      %dma_start3A_151 = arith.constant 0 : i32
      %dma_start3A_152 = tpu.memref_slice %arg5[%arg0, %mul3A_149, %dma_start3A_151] : memref<2x10000x16xf32, #tpu.memory_space<hbm>> -> memref<1x625x16xf32, #tpu.memory_space<hbm>>
      %dma_start3A_153 = tpu.memref_squeeze %dma_start3A_152 : memref<1x625x16xf32, #tpu.memory_space<hbm>> -> memref<625x16xf32, #tpu.memory_space<hbm>>
      %dma_start3A_154 = arith.constant 0 : i32
      %dma_start3A_155 = tpu.memref_slice %arg10[%mul3A_147, %dma_start3A_154] : memref<10000x16xf32, #tpu.memory_space<vmem_shared>> -> memref<625x16xf32, #tpu.memory_space<vmem_shared>>
      tpu.enqueue_dma source(%dma_start3A_155 : memref<625x16xf32, #tpu.memory_space<vmem_shared>>) target(%dma_start3A_153 : memref<625x16xf32, #tpu.memory_space<hbm>>) target_semaphore(%run_scoped3A_150 : memref<!tpu.dma_semaphore, #tpu.memory_space<semaphore_mem>>)
      %dma_wait3A_156 = arith.constant 0 : i32
      %dma_wait3A_157 = tpu.memref_slice %arg5[%arg0, %mul3A_149, %dma_wait3A_156] : memref<2x10000x16xf32, #tpu.memory_space<hbm>> -> memref<1x625x16xf32, #tpu.memory_space<hbm>>
      %dma_wait3A_158 = tpu.memref_squeeze %dma_wait3A_157 : memref<1x625x16xf32, #tpu.memory_space<hbm>> -> memref<625x16xf32, #tpu.memory_space<hbm>>
      %dma_wait3A_159 = arith.constant 0 : i32
      %dma_wait3A_160 = tpu.memref_slice %arg10[%mul3A_147, %dma_wait3A_159] : memref<10000x16xf32, #tpu.memory_space<vmem_shared>> -> memref<625x16xf32, #tpu.memory_space<vmem_shared>>
      tpu.wait_dma2 semaphore(%run_scoped3A_150 : memref<!tpu.dma_semaphore, #tpu.memory_space<semaphore_mem>>) src(%dma_wait3A_160 : memref<625x16xf32, #tpu.memory_space<vmem_shared>>) dst(%dma_wait3A_158 : memref<625x16xf32, #tpu.memory_space<hbm>>)
      tpu.yield
    }) : () -> ()
    return
  }
}

module attributes {stable_mosaic.version = 14 : i64} {
  func.func @body(%arg0: memref<2x10000x32xf32, #tpu.memory_space<vmem>>, %arg1: memref<2x10000x32xf32, #tpu.memory_space<vmem>>, %arg2: memref<10000x128xf32, #tpu.memory_space<vmem>>, %arg3: memref<128x16xf32, #tpu.memory_space<vmem>>, %arg4: memref<1x16xf32, #tpu.memory_space<vmem>>, %arg5: memref<128x16xf32, #tpu.memory_space<vmem>>, %arg6: memref<10000x16xf32, #tpu.memory_space<vmem>>) attributes {dimension_semantics = [], scalar_prefetch = 0 : i64, scratch_operands = 0 : i64, tpu.core_type = #tpu.core_type<tc>} {
    %get3A = arith.constant 0 : index
    %get3A_0 = arith.constant 0 : index
    %get3A_1 = arith.constant 0 : index
    %get3A_2 = vector.load %arg0[%get3A, %get3A_0, %get3A_1] : memref<2x10000x32xf32, #tpu.memory_space<vmem>>, vector<1x10000x32xf32>
    %get3A_3 = vector.shape_cast %get3A_2 : vector<1x10000x32xf32> to vector<10000x32xf32>
    %get3A_4 = arith.constant 1 : index
    %get3A_5 = arith.constant 0 : index
    %get3A_6 = arith.constant 0 : index
    %get3A_7 = vector.load %arg0[%get3A_4, %get3A_5, %get3A_6] : memref<2x10000x32xf32, #tpu.memory_space<vmem>>, vector<1x10000x32xf32>
    %get3A_8 = vector.shape_cast %get3A_7 : vector<1x10000x32xf32> to vector<10000x32xf32>
    %get3A_9 = arith.constant 0 : index
    %get3A_10 = arith.constant 0 : index
    %get3A_11 = arith.constant 0 : index
    %get3A_12 = vector.load %arg1[%get3A_9, %get3A_10, %get3A_11] : memref<2x10000x32xf32, #tpu.memory_space<vmem>>, vector<1x10000x32xf32>
    %get3A_13 = vector.shape_cast %get3A_12 : vector<1x10000x32xf32> to vector<10000x32xf32>
    %get3A_14 = arith.constant 1 : index
    %get3A_15 = arith.constant 0 : index
    %get3A_16 = arith.constant 0 : index
    %get3A_17 = vector.load %arg1[%get3A_14, %get3A_15, %get3A_16] : memref<2x10000x32xf32, #tpu.memory_space<vmem>>, vector<1x10000x32xf32>
    %get3A_18 = vector.shape_cast %get3A_17 : vector<1x10000x32xf32> to vector<10000x32xf32>
    %concatenate3A = tpu.concatenate %get3A_3, %get3A_8, %get3A_13, %get3A_18 in 1 : vector<10000x32xf32>, vector<10000x32xf32>, vector<10000x32xf32>, vector<10000x32xf32> -> vector<10000x128xf32>
    %get3A_19 = arith.constant 0 : index
    %get3A_20 = arith.constant 0 : index
    %get3A_21 = vector.load %arg3[%get3A_19, %get3A_20] : memref<128x16xf32, #tpu.memory_space<vmem>>, vector<128x16xf32>
    %dot_general3A = arith.constant dense<0.000000e+00> : vector<10000x16xf32>
    %dot_general3A_22 = tpu.matmul %concatenate3A, %get3A_21, %dot_general3A {dimension_numbers = #tpu.dot_dimension_numbers<[1], [0], [0], [1], [0, 0, 1, 1], [], []>, transpose_lhs_hint = false} : vector<10000x128xf32>, vector<128x16xf32>, vector<10000x16xf32> -> vector<10000x16xf32>
    %get3A_23 = arith.constant 0 : index
    %get3A_24 = arith.constant 0 : index
    %get3A_25 = vector.load %arg4[%get3A_23, %get3A_24] : memref<1x16xf32, #tpu.memory_space<vmem>>, vector<1x16xf32>
    %add3A = vector.broadcast %get3A_25 : vector<1x16xf32> to vector<10000x16xf32>
    %add3A_26 = arith.addf %dot_general3A_22, %add3A : vector<10000x16xf32>
    %get3A_27 = arith.constant 0 : index
    %get3A_28 = arith.constant 0 : index
    %get3A_29 = vector.load %arg2[%get3A_27, %get3A_28] : memref<10000x128xf32, #tpu.memory_space<vmem>>, vector<10000x128xf32>
    %get3A_30 = arith.constant 0 : index
    %get3A_31 = arith.constant 0 : index
    %get3A_32 = vector.load %arg5[%get3A_30, %get3A_31] : memref<128x16xf32, #tpu.memory_space<vmem>>, vector<128x16xf32>
    %dot_general3A_33 = arith.constant dense<0.000000e+00> : vector<10000x16xf32>
    %dot_general3A_34 = tpu.matmul %get3A_29, %get3A_32, %dot_general3A_33 {dimension_numbers = #tpu.dot_dimension_numbers<[1], [0], [0], [1], [0, 0, 1, 1], [], []>, transpose_lhs_hint = false} : vector<10000x128xf32>, vector<128x16xf32>, vector<10000x16xf32> -> vector<10000x16xf32>
    %add3A_35 = arith.addf %add3A_26, %dot_general3A_34 : vector<10000x16xf32>
    %max3A = arith.constant 0.000000e+00 : f32
    %max3A_36 = vector.broadcast %max3A : f32 to vector<10000x16xf32>
    %max3A_37 = arith.maximumf %add3A_35, %max3A_36 : vector<10000x16xf32>
    %swap3A = arith.constant 0 : index
    %swap3A_38 = arith.constant 0 : index
    %swap3A_39 = vector.load %arg6[%swap3A, %swap3A_38] : memref<10000x16xf32, #tpu.memory_space<vmem>>, vector<10000x16xf32>
    tpu.vector_store %arg6[%swap3A, %swap3A_38], %max3A_37 {strides = array<i32>} : memref<10000x16xf32, #tpu.memory_space<vmem>>, vector<10000x16xf32>,
    return
  }
}

module attributes {stable_mosaic.version = 14 : i64} {
  func.func @body(%arg0: memref<2x10000x16xf32, #tpu.memory_space<vmem>>, %arg1: memref<10000x16xf32, #tpu.memory_space<vmem>>, %arg2: memref<16x16xf32, #tpu.memory_space<vmem>>, %arg3: memref<1x16xf32, #tpu.memory_space<vmem>>, %arg4: memref<16x16xf32, #tpu.memory_space<vmem>>, %arg5: memref<16x1xf32, #tpu.memory_space<vmem>>, %arg6: memref<1x1xf32, #tpu.memory_space<vmem>>, %arg7: memref<10000x1xf32, #tpu.memory_space<vmem>>) attributes {dimension_semantics = [], scalar_prefetch = 0 : i64, scratch_operands = 0 : i64, tpu.core_type = #tpu.core_type<tc>} {
    %get3A = arith.constant 0 : index
    %get3A_0 = arith.constant 0 : index
    %get3A_1 = arith.constant 0 : index
    %get3A_2 = vector.load %arg0[%get3A, %get3A_0, %get3A_1] : memref<2x10000x16xf32, #tpu.memory_space<vmem>>, vector<1x10000x16xf32>
    %get3A_3 = vector.shape_cast %get3A_2 : vector<1x10000x16xf32> to vector<10000x16xf32>
    %get3A_4 = arith.constant 1 : index
    %get3A_5 = arith.constant 0 : index
    %get3A_6 = arith.constant 0 : index
    %get3A_7 = vector.load %arg0[%get3A_4, %get3A_5, %get3A_6] : memref<2x10000x16xf32, #tpu.memory_space<vmem>>, vector<1x10000x16xf32>
    %get3A_8 = vector.shape_cast %get3A_7 : vector<1x10000x16xf32> to vector<10000x16xf32>
    %add3A = arith.addf %get3A_3, %get3A_8 : vector<10000x16xf32>
    %get3A_9 = arith.constant 0 : index
    %get3A_10 = arith.constant 0 : index
    %get3A_11 = vector.load %arg2[%get3A_9, %get3A_10] : memref<16x16xf32, #tpu.memory_space<vmem>>, vector<16x16xf32>
    %dot_general3A = arith.constant dense<0.000000e+00> : vector<10000x16xf32>
    %dot_general3A_12 = tpu.matmul %add3A, %get3A_11, %dot_general3A {dimension_numbers = #tpu.dot_dimension_numbers<[1], [0], [0], [1], [0, 0, 1, 1], [], []>, transpose_lhs_hint = false} : vector<10000x16xf32>, vector<16x16xf32>, vector<10000x16xf32> -> vector<10000x16xf32>
    %get3A_13 = arith.constant 0 : index
    %get3A_14 = arith.constant 0 : index
    %get3A_15 = vector.load %arg3[%get3A_13, %get3A_14] : memref<1x16xf32, #tpu.memory_space<vmem>>, vector<1x16xf32>
    %add3A_16 = vector.broadcast %get3A_15 : vector<1x16xf32> to vector<10000x16xf32>
    %add3A_17 = arith.addf %dot_general3A_12, %add3A_16 : vector<10000x16xf32>
    %get3A_18 = arith.constant 0 : index
    %get3A_19 = arith.constant 0 : index
    %get3A_20 = vector.load %arg1[%get3A_18, %get3A_19] : memref<10000x16xf32, #tpu.memory_space<vmem>>, vector<10000x16xf32>
    %get3A_21 = arith.constant 0 : index
    %get3A_22 = arith.constant 0 : index
    %get3A_23 = vector.load %arg4[%get3A_21, %get3A_22] : memref<16x16xf32, #tpu.memory_space<vmem>>, vector<16x16xf32>
    %dot_general3A_24 = arith.constant dense<0.000000e+00> : vector<10000x16xf32>
    %dot_general3A_25 = tpu.matmul %get3A_20, %get3A_23, %dot_general3A_24 {dimension_numbers = #tpu.dot_dimension_numbers<[1], [0], [0], [1], [0, 0, 1, 1], [], []>, transpose_lhs_hint = false} : vector<10000x16xf32>, vector<16x16xf32>, vector<10000x16xf32> -> vector<10000x16xf32>
    %add3A_26 = arith.addf %add3A_17, %dot_general3A_25 : vector<10000x16xf32>
    %max3A = arith.constant 0.000000e+00 : f32
    %max3A_27 = vector.broadcast %max3A : f32 to vector<10000x16xf32>
    %max3A_28 = arith.maximumf %add3A_26, %max3A_27 : vector<10000x16xf32>
    %get3A_29 = arith.constant 0 : index
    %get3A_30 = arith.constant 0 : index
    %get3A_31 = vector.load %arg5[%get3A_29, %get3A_30] : memref<16x1xf32, #tpu.memory_space<vmem>>, vector<16x1xf32>
    %dot_general3A_32 = arith.constant dense<0.000000e+00> : vector<10000x1xf32>
    %dot_general3A_33 = tpu.matmul %max3A_28, %get3A_31, %dot_general3A_32 {dimension_numbers = #tpu.dot_dimension_numbers<[1], [0], [0], [1], [0, 0, 1, 1], [], []>, transpose_lhs_hint = false} : vector<10000x16xf32>, vector<16x1xf32>, vector<10000x1xf32> -> vector<10000x1xf32>
    %get3A_34 = arith.constant 0 : index
    %get3A_35 = arith.constant 0 : index
    %get3A_36 = vector.load %arg6[%get3A_34, %get3A_35] : memref<1x1xf32, #tpu.memory_space<vmem>>, vector<1x1xf32>
    %add3A_37 = vector.broadcast %get3A_36 : vector<1x1xf32> to vector<10000x1xf32>
    %add3A_38 = arith.addf %dot_general3A_33, %add3A_37 : vector<10000x1xf32>
    %swap3A = arith.constant 0 : index
    %swap3A_39 = arith.constant 0 : index
    %swap3A_40 = vector.load %arg7[%swap3A, %swap3A_39] : memref<10000x1xf32, #tpu.memory_space<vmem>>, vector<10000x1xf32>
    tpu.vector_store %arg7[%swap3A, %swap3A_39], %add3A_38 {strides = array<i32>} : memref<10000x1xf32, #tpu.memory_space<vmem>>, vector<10000x1xf32>,
    return
  }
}

</mosaic_0001>

<sc_bundles>
// kernel: kernel.10.cloned.1.call-start
scs
__scs_entry_jumppad:
0x0: {  	(pc) =	sbr.rel $0x88, $3  }
0x1: {  	(tag) =	ssettag $0x0;
	lr =	simm.s32 $0x1  }
0x2: {  	[smem:$0x3F97] =	sst lr;
	_ =	strace $0xD0000000  }
0x3: {  	_ = 	snop  }
0x4: {  	_ = 	snop  }
0x5: {  	_ = 	snop  }
0x6: {  	_ = 	snop  }
0x7: {  	_ = 	snop  }
__scs_overlays_trampoline_lowered:
0x8: {  	[smem:$0x3FA6] =	sst s0  }
0x9: {  	[smem:$0x3FA7] =	sst s1  }
0xa: {  	[smem:$0x3FA8] =	sst s2  }
0xb: {  	[smem:$0x3FA9] =	sst s3  }
0xc: {  	[smem:$0x3FAA] =	sst s4  }
0xd: {  	[smem:$0x3FAB] =	sst s5  }
0xe: {  	[smem:$0x3FAC] =	sst s6  }
0xf: {  	[smem:$0x3FAD] =	sst s7  }
0x10: {  	[smem:$0x3FAE] =	sst s8  }
0x11: {  	[smem:$0x3FAF] =	sst s9;
	s0 =	simm.s32 @!p0 $0x0  }
0x12: {  	s1 =	sld [smem:$0x3F95];
	s0 =	simm.s32 @p0 $0x1  }
0x13: {  	[smem:$0x3FB0] =	sst s0;
	s0 =	simm.s32 @!p1 $0x0  }
0x14: {  	s2 =	sld [smem:$0x3F94];
	s0 =	simm.s32 @p1 $0x1  }
0x15: {  	[smem:$0x3FB1] =	sst s0;
	s0 =	simm.s32 @!p2 $0x0  }
0x16: {  	s3 =	sld [smem:$0x3FDB];
	s0 =	simm.s32 @p2 $0x1  }
0x17: {  	s4 =	simm.s32 $0x1BF5;
	[smem:$0x3FB3] =	sst s0  }
0x18: {  	s0 =	sld [smem:$0x3F96];
	_ =	swait.ge [sflag:s4], $0x0  }
0x19: {  	s7 =	sld [smem:$0x3F97]  }
0x1a: {  	s8 =	sadd.s32 $0xFFFFE003, lr  }
0x1b: {  	s9 =	sadd.s32 $0xFFFFFEF7, lr;
	s5 =	simm.s32 $0xFFFFFFFF;
	p2 =	slt.u32 s8, $0xFFFFF086  }
0x1c: {  	p1 =	slt.u32 s9, $0xF7A;
	s5 =	simm.s32 @!p2 $0x0  }
0x1d: {  	s5 =	simm.s32 @p1 $0x1;
	p0 =	seq.s32 s7, s2  }
0x1e: {  	s7 =	smul.u32 @!p0 $0xF7A, s2;
	p2 =	seq.s32 @!p0 s5, $0x0  }
0x1f: {  	s9 =	smul.u32 $0xF7A, s1;
	s8 =	simm.s32 @!p0 $0x1BF5;
	p2 =	por !p2, p0  }
0x20: {  	[sflag:s8] =	ssyncset.s32 @!p0 $0xFFFFF086;
	s6 =	sadd.s32 @!p0 s3, s7;
	s7 =	simm.s32 @!p0 $0x108  }
0x21: {  	s3 =	sadd.s32 s3, s9;
	s6 =	sadd.s32 @!p0 $0x88, s6;
	s7 =	simm.s32 @p2 $0x1082  }
0x22: {  	[simem:s7], [sflag:s8] =	dma.local @!p0 [hbm:s6], $0xF7A  }
0x23: {  	s9 =	sor.u32 $0xD0000000, s2;
	s6 =	simm.s32 $0x108;
	_ =	swait.ge @!p0 [sflag:s8], $0x0  }
0x24: {  	s3 =	sadd.s32 $0x88, s3;
	s6 =	simm.s32 @!p1 $0x1082;
	[sflag:s4] =	ssyncset.s32 $0xFFFFF086  }
0x25: {  	[simem:s6], [sflag:s4] =	dma.local [hbm:s3], $0xF7A  }
0x26: {  	[smem:$0x3F97] =	sst s1;
	(tag) =	ssettag s2;
	_ =	strace s9  }
0x27: {  	s1 =	sld [smem:$0x3FA7]  }
0x28: {  	s2 =	sld [smem:$0x3FA8]  }
0x29: {  	s4 =	sld [smem:$0x3FAA]  }
0x2a: {  	p0 =	seq.s32 s5, $0x0;
	s5 =	sld [smem:$0x3FAB]  }
0x2b: {  	s6 =	sld [smem:$0x3FAC]  }
0x2c: {  	s7 =	sld [smem:$0x3FAD]  }
0x2d: {  	s3 =	simm.s32 $0x108;
	s8 =	sld [smem:$0x3FAE]  }
0x2e: {  	s3 =	simm.s32 @!p0 $0x1082;
	s9 =	sld [smem:$0x3FAF]  }
0x2f: {  	lr =	sadd.s32 s0, s3;
	s0 =	sld [smem:$0x3FA6]  }
0x30: {  	s3 =	sld [smem:$0x3FA9]  }
0x31: {  	[smem:$0x3FB2] =	sst s10  }
0x32: {  	s10 =	sld [smem:$0x3FB0];
	_ =	sdelay $0x3  }
0x33: {  	p0 =	seq.s32 s10, $0x1;
	s10 =	sld [smem:$0x3FB2];
	_ =	sdelay $0x3  }
0x34: {  	[smem:$0x3FB2] =	sst s10  }
0x35: {  	s10 =	sld [smem:$0x3FB1];
	_ =	sdelay $0x3  }
0x36: {  	p1 =	seq.s32 s10, $0x1;
	s10 =	sld [smem:$0x3FB2];
	_ =	sdelay $0x3  }
0x37: {  	[smem:$0x3FB2] =	sst s10  }
0x38: {  	s10 =	sld [smem:$0x3FB3]  }
0x39: {  	_ = 	snop;
	(pc) =	sbr.ind lr, $3  }
0x3a: {  	_ = 	snop  }
0x3b: {  	_ = 	snop  }
0x3c: {  	p2 =	seq.s32 s10, $0x1;
	s10 =	sld [smem:$0x3FB2]  }
0x3d: {  	_ =	shalt  }
0x3e: {  	_ =	shalt  }
0x3f: {  	_ =	shalt  }
0x40: {  	_ =	shalt  }
0x41: {  	_ =	shalt  }
0x42: {  	_ =	shalt  }
0x43: {  	_ =	shalt  }
0x44: {  	_ =	shalt  }
0x45: {  	_ =	shalt  }
0x46: {  	_ =	shalt  }
0x47: {  	_ =	shalt  }
0x48: {  	_ =	shalt  }
0x49: {  	_ =	shalt  }
0x4a: {  	_ =	shalt  }
0x4b: {  	_ =	shalt  }
0x4c: {  	_ =	shalt  }
0x4d: {  	_ =	shalt  }
0x4e: {  	_ =	shalt  }
0x4f: {  	_ =	shalt  }
0x50: {  	_ =	shalt  }
0x51: {  	_ =	shalt  }
0x52: {  	_ =	shalt  }
0x53: {  	_ =	shalt  }
0x54: {  	_ =	shalt  }
0x55: {  	_ =	shalt  }
0x56: {  	_ =	shalt  }
0x57: {  	_ =	shalt  }
0x58: {  	_ =	shalt  }
0x59: {  	_ =	shalt  }
0x5a: {  	_ =	shalt  }
0x5b: {  	_ =	shalt  }
0x5c: {  	_ =	shalt  }
0x5d: {  	_ =	shalt  }
0x5e: {  	_ =	shalt  }
0x5f: {  	_ =	shalt  }
0x60: {  	_ =	shalt  }
0x61: {  	_ =	shalt  }
0x62: {  	_ =	shalt  }
0x63: {  	_ =	shalt  }
0x64: {  	_ =	shalt  }
0x65: {  	_ =	shalt  }
0x66: {  	_ =	shalt  }
0x67: {  	_ =	shalt  }
0x68: {  	_ =	shalt  }
0x69: {  	_ =	shalt  }
0x6a: {  	_ =	shalt  }
0x6b: {  	_ =	shalt  }
0x6c: {  	_ =	shalt  }
0x6d: {  	_ =	shalt  }
0x6e: {  	_ =	shalt  }
0x6f: {  	_ =	shalt  }
0x70: {  	_ =	shalt  }
0x71: {  	_ =	shalt  }
0x72: {  	_ =	shalt  }
0x73: {  	_ =	shalt  }
0x74: {  	_ =	shalt  }
0x75: {  	_ =	shalt  }
0x76: {  	_ =	shalt  }
0x77: {  	_ =	shalt  }
0x78: {  	_ =	shalt  }
0x79: {  	_ =	shalt  }
0x7a: {  	_ =	shalt  }
0x7b: {  	_ =	shalt  }
0x7c: {  	_ =	shalt  }
0x7d: {  	_ =	shalt  }
0x7e: {  	_ =	shalt  }
0x7f: {  	_ =	shalt  }
0x80: {  	_ =	shalt  }
0x81: {  	_ =	shalt  }
0x82: {  	_ =	shalt  }
0x83: {  	_ =	shalt  }
0x84: {  	_ =	shalt  }
0x85: {  	_ =	shalt  }
0x86: {  	_ =	shalt  }
0x87: {  	_ =	shalt  }
.Lfunc_end0:
.L_simem_size_0:
called_computation.1_lowered:
.L_overlay_start_0:
0x88: {  	s2 =	sld [smem:$0x3FD9]  }
0x89: {  	s3 =	sld [smem:$0x3FFE];
	_ =	sdelay $0x1  }
0x8a: {  	s1 =	srdreg.scid  }
0x8b: {  	s0 =	sand.u32 $0x1, s1  }
0x8c: {  	s16 =	sshll.u32 s0, $0xA;
	s2 =	sadd.s32 s3, s2  }
0x8d: {  	s2 =	sadd.s32 s2, s16  }
0x8e: {  	[smem:$0x3FBE] =	sst s2  }
0x8f: {  	_ = 	snop  }
0x90: {  	(tm) =	ssettm $0x1  }
0x91: {  	s17 =	sld [smem:$0x3FFB];
	_ =	sdelay $0x3  }
0x92: {  	_ =	strace s17  }
0x93: {  	s2 =	sld [smem:$0x3FFC];
	_ =	sdelay $0x3  }
0x94: {  	_ =	strace s2  }
0x95: {  	s2 =	sld [smem:$0x3FFD];
	_ =	sdelay $0x3  }
0x96: {  	_ =	strace s2  }
0x97: {  	_ =	strace $0x8FFFFFFF  }
0x98: {  	s18 =	sld [smem:$0x3FDB];
	_ =	sdelay $0x1  }
0x99: {  	s19 =	simm.s32 $_scs_section_size  }
0x9a: {  	s4 =	simm.s32 $_size__tile_overlayer_lowered;
	s5 =	simm.s32 $_tile_overlayer_lowered  }
0x9b: {  	s22 =	simm.s32 $0x1BFF;
	s21 =	sshll.u32 s5, $0x1;
	s2 =	sadd.s32 s19, s18  }
0x9c: {  	s6 =	simm.s32 $0x0;
	s20 =	sshll.u32 s4, $0x1;
	s4 =	sadd.s32 s21, s2  }
0x9d: {  	[timem:s6], [sflag:s22] =	dma.local [hbm:s4], s20  }
0x9e: {  	_ =	swait.ge [sflag:s22], s20  }
0x9f: {  	s3 =	ssub.s32 $0x0, s20;
	[sflag:s22] =	ssyncset.done $0x0  }
0xa0: {  	[sflag:s22] =	ssyncadd.s32 s3;
	_ =	sdelay $0x1  }
0xa1: {  	s23 =	simm.s32 $0x1B8B  }
0xa2: {  	_ =	swait.ge [sflag:s23], $0x1  }
0xa3: {  	[sflag:s23] =	ssyncset.done $0x0  }
0xa4: {  	s25 =	simm.s32 $0x1B8E;
	s24 =	sld [smem:$0x3FFE];
	[sflag:s23] =	ssyncadd.s32 $0xFFFFFFFF  }
0xa5: {  	s26 =	simm.s32 $execute0_lowered;
	[smem:$0x3FD2] =	sst s25  }
0xa6: {  	s4 =	sshll.u32 s26, $0x1;
	_ =	strace $0x80000046;
	[dreg:$0x1] =	wrdreg $0xFFFFFFFF  }
0xa7: {  	s28 =	simm.s32 $_size_execute0_lowered;
	s2 =	sadd.s32 s2, s4;
	[dreg:$0x0] =	wrdreg $0x0  }
0xa8: {  	s4 =	sshll.u32 s28, $0x1;
	[dreg:$0x2] =	wrdreg s2  }
0xa9: {  	[dreg:$0x3] =	wrdreg s4  }
0xaa: {  	[dreg:$0x4] =	wrdreg $0xC0  }
0xab: {  	_ =	task [dreg:s6], $0x5FFFF  }
0xac: {  	[dreg:$0x1] =	wrdreg $0xFFFFFFFF  }
0xad: {  	[dreg:$0x0] =	wrdreg $0x60  }
0xae: {  	[dreg:$0x2] =	wrdreg s24  }
0xaf: {  	[dreg:$0x3] =	wrdreg $0x100400  }
0xb0: {  	[dreg:$0x4] =	wrdreg $0xA  }
0xb1: {  	_ =	task.clear_ibuf [dreg:s6], $0x5FFFF;
	_ =	strace $0x90000046  }
0xb2: {  	s29 =	simm.s32 $0xA;
	_ =	strace $0x80000048  }
0xb3: {  	_ =	swait.ge [sflag:s29], $0x1  }
0xb4: {  	[sflag:s29] =	ssyncadd.s32 $0xFFFFFFFF  }
0xb5: {  	_ =	strace $0x90000048  }
0xb6: {  	_ =	sfence  }
0xb7: {  	s30 =	sld [smem:$0x0];
	_ =	sdelay $0x2  }
0xb8: {  	s31 =	sshll.u32 s1, $0xD;
	s1 =	sshrl.u32 s1, $0x2  }
0xb9: {  	s3 =	sand.u32 $0x4000, s31;
	s1 =	sadd.s32 s1, s30  }
0xba: {  	s0 =	sor.u32 s3, s0;
	s1 =	sshll.u32 s1, $0x11  }
0xbb: {  	s0 =	sor.u32 s1, s0  }
0xbc: {  	s0 =	sadd.s32 $0x8F2B, s0  }
0xbd: {  	[sflag:s0] =	ssyncadd.remote.s32 $0x1  }
0xbe: {  	_ =	sfence.sel $0xFFFF  }
0xbf: {  	[dreg:$0x0] =	wrdreg $0xFFFFFFFF;
	(pc) =	sbr.abs _section_cstart, $3  }
0xc0: {  	[dreg:$0x1] =	wrdreg $0xFFFFFFFF  }
0xc1: {  	_ =	task.clear_ibuf [dreg:s6], $0x2FFFF;
	_ =	strace $0x9FFFFFFF  }
0xc2: {  	(tm) =	ssettm $0x7FFFFFFF  }
0xc3: {  	_ =	shalt  }
tec
execute0_lowered:
.L_overlay_start_1:
0x0: {  	(tag) =	ssettag $0x1  }
0x1: {  	s10 =	rddreg [dreg:$0x0]  }
0x2: {  	s2 =	rddreg [dreg:$0x1]  }
0x3: {  	s0 =	rddreg [dreg:$0x2]  }
0x4: {  	s1 =	stileid.u32;
	s4 =	srdreg.scid;
	s3 =	simm.s32 $0x0  }
0x5: {  	s14 =	simm.s32 $0x4E20;
	s15 =	simm.s32 $0x9C40;
	s16 =	simm.s32 $0xC8  }
0x6: {  	s17 =	simm.s32 $0xB540;
	s18 =	simm.s32 $0x190;
	s19 =	simm.s32 $0xCE40  }
0x7: {  	s20 =	simm.s32 $0x258;
	s21 =	simm.s32 $0xE740;
	s22 =	simm.s32 $0x1  }
0x8: {  	s23 =	simm.s32 $0x9920;
	s24 =	simm.s32 $0x99E8;
	s6 =	smul.u32 $0x4E20, s1  }
0x9: {  	s25 =	simm.s32 $0x9AB0;
	s26 =	simm.s32 $0x9B78;
	s5 =	smul.u32 $0x9C4, s1  }
0xa: {  	s28 =	simm.s32 $0x0;
	s4 =	sand.u32 $0x1, s4;
	s9 =	smul.u32 $0x13880, s1  }
0xb: {  	[smem:$0x7FF] =	sst s3;
	s8 =	smul.u32 $0x4E200, s4;
	s4 =	ssub.s32 $0x2, s4  }
0xc: {  	_ =	strace $0x80000047;
	s5 =	sadd.s32 s5, s10;
	s11 =	sshrl.u32 s4, $0x1  }
0xd: {  	s30 =	sshrl.u32 s9, $0x2;
	s7 =	sadd.s32 s6, s8;
	s13 =	ssub.s32 s4, s11  }
0xe: {  	s4 =	sadd.s32 $0xB200, s5;
	s5 =	sadd.s32 $0x1400, s5;
	s9 =	sadd.s32 s30, s2  }
0xf: {  	s6 =	sadd.s32 s6, s2;
	s31 =	sshrl.u32 s8, $0x3;
	s7 =	sshrl.u32 s7, $0x3  }
0x10: {  	s8 =	sadd.s32 $0x3200, s9;
	s12 =	sadd.s32 s7, s10;
	s10 =	sadd.s32 s10, s31  }
0x11: {  	s7 =	sadd.s32 $0x1900, s9;
	s9 =	sadd.s32 $0x4B00, s9;
	s10 =	sadd.s32 $0x28880, s10  }
0x12: {  	v0 =	vimm.f32 $0.0e+00;
	s11 =	sadd.s32 $0x3C200, s12;
	s12 =	smax.u32 s13, $0x1;
	s13 =	simm.s32 $0x2  }
.LBB2_1:
0x13: {  	[tilespmem:s3], [sflag:$0x2] =	stream.linear.gather [hbm4b:s4+s3], $0x4E20, $0x38;
	[tilespmem:$0x14E60] =	vst v63  }
0x14: {  	_ =	swait.ge [sflag:s13], $0x4E20  }
0x15: {  	[sflag:s13] =	ssyncset.done $0x0  }
0x16: {  	[sflag:s13] =	ssyncadd.s32 $0xFFFFB1E0  }
0x17: {  	[tilespmem:s14], [sflag:$0x2] =	stream.linear.gather [hbm4b:s5+s3], $0x4E20, $0x38;
	[tilespmem:$0x14E60] =	vst v63  }
0x18: {  	_ =	swait.ge [sflag:s13], $0x4E20  }
0x19: {  	[sflag:s13] =	ssyncset.done $0x0  }
0x1a: {  	s29 =	simm.s32 $0x80;
	s30 =	simm.s32 $0x0;
	[sflag:s13] =	ssyncadd.s32 $0xFFFFB1E0  }
.LBB2_2:
0x1b: {  	p0 =	sne.s32 s29, $0x6380;
	[tilespmem:s30+$0x9C40] =	vst v0;
	s31 =	smov.u32 s29;
	s29 =	sadd.s32 $0x80, s29  }
.Ltmp0:
0x1c: {  	[tilespmem:s30+$0x9C50] =	vst v0;
	(pc) =	sbr.rel @p0 .LBB2_2-.Ltmp0, $2  }
0x1d: {  	_ =	sdelay $0x2  }
0x1e: {  	s30 =	sshra.s32 s31, $0x2  }
0x1f: {  	[tilespmem:s30+$0x9C40] =	vst v0  }
0x20: {  	[tilespmem:s30+$0x9C50] =	vst v0  }
0x21: {  	[spmem:s6] =	stream.linear.scatter [tilespmem:s15], [sflag:$0x2], $0x1900, $0x38;
	[tilespmem:$0x14E60] =	vst v63  }
0x22: {  	_ =	swait.ge [sflag:s13], $0x1900  }
0x23: {  	[sflag:s13] =	ssyncset.done $0x0  }
0x24: {  	[sflag:s13] =	ssyncadd.s32 $0xFFFFE700  }
0x25: {  	[spmem:s7] =	stream.linear.scatter [tilespmem:s15], [sflag:$0x2], $0x1900, $0x38;
	[tilespmem:$0x14E60] =	vst v63  }
0x26: {  	_ =	swait.ge [sflag:s13], $0x1900  }
0x27: {  	[sflag:s13] =	ssyncset.done $0x0  }
0x28: {  	[sflag:s13] =	ssyncadd.s32 $0xFFFFE700  }
0x29: {  	[spmem:s8] =	stream.linear.scatter [tilespmem:s15], [sflag:$0x2], $0x1900, $0x38;
	[tilespmem:$0x14E60] =	vst v63  }
0x2a: {  	_ =	swait.ge [sflag:s13], $0x1900  }
0x2b: {  	[sflag:s13] =	ssyncset.done $0x0  }
0x2c: {  	[sflag:s13] =	ssyncadd.s32 $0xFFFFE700  }
0x2d: {  	[spmem:s9] =	stream.linear.scatter [tilespmem:s15], [sflag:$0x2], $0x320, $0x38;
	[tilespmem:$0x14E60] =	vst v63  }
0x2e: {  	_ =	swait.ge [sflag:s13], $0x320  }
0x2f: {  	[sflag:s13] =	ssyncset.done $0x0  }
0x30: {  	[sflag:s13] =	ssyncadd.s32 $0xFFFFFCE0  }
0x31: {  	s29 =	simm.s32 $0x0;
	[bflag:$0x0] =	sbarrier.arrive $0xFFFF  }
0x32: {  	[tilespmem:s15], [sflag:$0x1] =	stream.indirect.gather [hbm4b:s10+s16], $0x20, s29, s16, $0xb8;
	[tilespmem:$0x14E60] =	vst v63  }
0x33: {  	_ = 	snop  }
0x34: {  	[tilespmem:s17], [sflag:$0x1] =	stream.indirect.gather [hbm4b:s10+s16], $0x20, s16, s16, $0xb8;
	[tilespmem:$0x14E60] =	vst v63  }
0x35: {  	_ = 	snop  }
0x36: {  	[tilespmem:s19], [sflag:$0x1] =	stream.indirect.gather [hbm4b:s10+s16], $0x20, s18, s16, $0xb8;
	[tilespmem:$0x14E60] =	vst v63  }
0x37: {  	_ = 	snop  }
0x38: {  	[tilespmem:s21], [sflag:$0x1] =	stream.indirect.gather [hbm4b:s10+s16], $0x20, s20, s16, $0xb8;
	[tilespmem:$0x14E60] =	vst v63  }
0x39: {  	_ =	swait.ge [sflag:s22], $0x1900  }
0x3a: {  	[sflag:s22] =	ssyncset.done $0x0  }
0x3b: {  	s29 =	simm.s32 $0x4E20;
	[sflag:s22] =	ssyncadd.s32 $0xFFFFE700  }
0x3c: {  	[spmem:s2] =	stream.indirect.scatter.add.f32 [tilespmem:s15], [sflag:$0x2], $0x20, s29, s16, $0xb8;
	[tilespmem:$0x14E60] =	vst v63  }
0x3d: {  	_ =	swait.ge [sflag:s13], $0x1900  }
0x3e: {  	[sflag:s13] =	ssyncset.done $0x0  }
0x3f: {  	s29 =	simm.s32 $0x320;
	[sflag:s13] =	ssyncadd.s32 $0xFFFFE700  }
0x40: {  	[tilespmem:s15], [sflag:$0x1] =	stream.indirect.gather [hbm4b:s10+s16], $0x20, s29, s16, $0xb8;
	[tilespmem:$0x14E60] =	vst v63  }
0x41: {  	_ =	swait.ge [sflag:s22], $0x1900  }
0x42: {  	[sflag:s22] =	ssyncset.done $0x0  }
0x43: {  	s29 =	simm.s32 $0x4EE8;
	[sflag:s22] =	ssyncadd.s32 $0xFFFFE700  }
0x44: {  	[spmem:s2] =	stream.indirect.scatter.add.f32 [tilespmem:s17], [sflag:$0x2], $0x20, s29, s16, $0xb8;
	[tilespmem:$0x14E60] =	vst v63  }
0x45: {  	_ =	swait.ge [sflag:s13], $0x1900  }
0x46: {  	[sflag:s13] =	ssyncset.done $0x0  }
0x47: {  	s29 =	simm.s32 $0x3E8;
	[sflag:s13] =	ssyncadd.s32 $0xFFFFE700  }
0x48: {  	[tilespmem:s17], [sflag:$0x1] =	stream.indirect.gather [hbm4b:s10+s16], $0x20, s29, s16, $0xb8;
	[tilespmem:$0x14E60] =	vst v63  }
0x49: {  	_ =	swait.ge [sflag:s22], $0x1900  }
0x4a: {  	[sflag:s22] =	ssyncset.done $0x0  }
0x4b: {  	s29 =	simm.s32 $0x4FB0;
	[sflag:s22] =	ssyncadd.s32 $0xFFFFE700  }
0x4c: {  	[spmem:s2] =	stream.indirect.scatter.add.f32 [tilespmem:s19], [sflag:$0x2], $0x20, s29, s16, $0xb8;
	[tilespmem:$0x14E60] =	vst v63  }
0x4d: {  	_ =	swait.ge [sflag:s13], $0x1900  }
0x4e: {  	[sflag:s13] =	ssyncset.done $0x0  }
0x4f: {  	s29 =	simm.s32 $0x4B0;
	[sflag:s13] =	ssyncadd.s32 $0xFFFFE700  }
0x50: {  	[tilespmem:s19], [sflag:$0x1] =	stream.indirect.gather [hbm4b:s10+s16], $0x20, s29, s16, $0xb8;
	[tilespmem:$0x14E60] =	vst v63  }
0x51: {  	_ =	swait.ge [sflag:s22], $0x1900  }
0x52: {  	[sflag:s22] =	ssyncset.done $0x0  }
0x53: {  	s29 =	simm.s32 $0x5078;
	[sflag:s22] =	ssyncadd.s32 $0xFFFFE700  }
0x54: {  	[spmem:s2] =	stream.indirect.scatter.add.f32 [tilespmem:s21], [sflag:$0x2], $0x20, s29, s16, $0xb8;
	[tilespmem:$0x14E60] =	vst v63  }
0x55: {  	_ =	swait.ge [sflag:s13], $0x1900  }
0x56: {  	[sflag:s13] =	ssyncset.done $0x0  }
0x57: {  	s30 =	simm.s32 $0x578;
	s29 =	simm.s32 $0xC80;
	[sflag:s13] =	ssyncadd.s32 $0xFFFFE700  }
.LBB2_4:
0x58: {  	[tilespmem:s21], [sflag:$0x1] =	stream.indirect.gather [hbm4b:s10+s16], $0x20, s30, s16, $0xb8;
	[tilespmem:$0x14E60] =	vst v63  }
0x59: {  	s30 =	smov.u32 s29  }
0x5a: {  	p0 =	sne.s32 s29, $0x11F80;
	s29 =	sadd.s32 $0xC80, s29;
	_ =	swait.ge [sflag:s22], $0x1900  }
0x5b: {  	s30 =	sshra.s32 s30, $0x2;
	[sflag:s22] =	ssyncset.done $0x0  }
0x5c: {  	s31 =	sadd.s32 $0x4E20, s30;
	[sflag:s22] =	ssyncadd.s32 $0xFFFFE700  }
0x5d: {  	[spmem:s2] =	stream.indirect.scatter.add.f32 [tilespmem:s15], [sflag:$0x2], $0x20, s31, s16, $0xb8;
	[tilespmem:$0x14E60] =	vst v63  }
0x5e: {  	_ =	swait.ge [sflag:s13], $0x1900  }
0x5f: {  	[sflag:s13] =	ssyncset.done $0x0  }
0x60: {  	s31 =	sadd.s32 $0x320, s30;
	[sflag:s13] =	ssyncadd.s32 $0xFFFFE700  }
0x61: {  	[tilespmem:s15], [sflag:$0x1] =	stream.indirect.gather [hbm4b:s10+s16], $0x20, s31, s16, $0xb8;
	[tilespmem:$0x14E60] =	vst v63  }
0x62: {  	_ =	swait.ge [sflag:s22], $0x1900  }
0x63: {  	[sflag:s22] =	ssyncset.done $0x0  }
0x64: {  	s31 =	sadd.s32 $0x4EE8, s30;
	[sflag:s22] =	ssyncadd.s32 $0xFFFFE700  }
0x65: {  	[spmem:s2] =	stream.indirect.scatter.add.f32 [tilespmem:s17], [sflag:$0x2], $0x20, s31, s16, $0xb8;
	[tilespmem:$0x14E60] =	vst v63  }
0x66: {  	_ =	swait.ge [sflag:s13], $0x1900  }
0x67: {  	[sflag:s13] =	ssyncset.done $0x0  }
0x68: {  	s31 =	sadd.s32 $0x3E8, s30;
	[sflag:s13] =	ssyncadd.s32 $0xFFFFE700  }
0x69: {  	[tilespmem:s17], [sflag:$0x1] =	stream.indirect.gather [hbm4b:s10+s16], $0x20, s31, s16, $0xb8;
	[tilespmem:$0x14E60] =	vst v63  }
0x6a: {  	_ =	swait.ge [sflag:s22], $0x1900  }
0x6b: {  	[sflag:s22] =	ssyncset.done $0x0  }
0x6c: {  	s31 =	sadd.s32 $0x4FB0, s30;
	[sflag:s22] =	ssyncadd.s32 $0xFFFFE700  }
0x6d: {  	[spmem:s2] =	stream.indirect.scatter.add.f32 [tilespmem:s19], [sflag:$0x2], $0x20, s31, s16, $0xb8;
	[tilespmem:$0x14E60] =	vst v63  }
0x6e: {  	_ =	swait.ge [sflag:s13], $0x1900  }
0x6f: {  	[sflag:s13] =	ssyncset.done $0x0  }
0x70: {  	s31 =	sadd.s32 $0x4B0, s30;
	[sflag:s13] =	ssyncadd.s32 $0xFFFFE700  }
0x71: {  	[tilespmem:s19], [sflag:$0x1] =	stream.indirect.gather [hbm4b:s10+s16], $0x20, s31, s16, $0xb8;
	[tilespmem:$0x14E60] =	vst v63  }
0x72: {  	_ =	swait.ge [sflag:s22], $0x1900  }
0x73: {  	[sflag:s22] =	ssyncset.done $0x0  }
.Ltmp1:
0x74: {  	s31 =	sadd.s32 $0x5078, s30;
	[sflag:s22] =	ssyncadd.s32 $0xFFFFE700;
	(pc) =	sbr.rel @p0 .LBB2_4-.Ltmp1, $4  }
0x75: {  	[spmem:s2] =	stream.indirect.scatter.add.f32 [tilespmem:s21], [sflag:$0x2], $0x20, s31, s16, $0xb8;
	[tilespmem:$0x14E60] =	vst v63  }
0x76: {  	_ =	swait.ge [sflag:s13], $0x1900  }
0x77: {  	[sflag:s13] =	ssyncset.done $0x0  }
0x78: {  	s30 =	sadd.s32 $0x578, s30;
	[sflag:s13] =	ssyncadd.s32 $0xFFFFE700  }
0x79: {  	[tilespmem:s21], [sflag:$0x1] =	stream.indirect.gather [hbm4b:s10+s16], $0x20, s30, s16, $0xb8;
	[tilespmem:$0x14E60] =	vst v63  }
0x7a: {  	_ =	swait.ge [sflag:s22], $0x1900  }
0x7b: {  	[sflag:s22] =	ssyncset.done $0x0  }
0x7c: {  	[sflag:s22] =	ssyncadd.s32 $0xFFFFE700  }
0x7d: {  	[spmem:s2] =	stream.indirect.scatter.add.f32 [tilespmem:s15], [sflag:$0x2], $0x20, s23, s16, $0xb8;
	[tilespmem:$0x14E60] =	vst v63  }
0x7e: {  	_ =	swait.ge [sflag:s13], $0x1900  }
0x7f: {  	[sflag:s13] =	ssyncset.done $0x0  }
0x80: {  	[sflag:s13] =	ssyncadd.s32 $0xFFFFE700  }
0x81: {  	_ =	swait.ge [sflag:s22], $0x1900  }
0x82: {  	[sflag:s22] =	ssyncset.done $0x0  }
0x83: {  	[sflag:s22] =	ssyncadd.s32 $0xFFFFE700  }
0x84: {  	[spmem:s2] =	stream.indirect.scatter.add.f32 [tilespmem:s17], [sflag:$0x2], $0x20, s24, s16, $0xb8;
	[tilespmem:$0x14E60] =	vst v63  }
0x85: {  	_ =	swait.ge [sflag:s13], $0x1900  }
0x86: {  	[sflag:s13] =	ssyncset.done $0x0  }
0x87: {  	[sflag:s13] =	ssyncadd.s32 $0xFFFFE700  }
0x88: {  	_ =	swait.ge [sflag:s22], $0x1900  }
0x89: {  	[sflag:s22] =	ssyncset.done $0x0  }
0x8a: {  	[sflag:s22] =	ssyncadd.s32 $0xFFFFE700  }
0x8b: {  	[spmem:s2] =	stream.indirect.scatter.add.f32 [tilespmem:s19], [sflag:$0x2], $0x20, s25, s16, $0xb8;
	[tilespmem:$0x14E60] =	vst v63  }
0x8c: {  	_ =	swait.ge [sflag:s13], $0x1900  }
0x8d: {  	[sflag:s13] =	ssyncset.done $0x0  }
0x8e: {  	[sflag:s13] =	ssyncadd.s32 $0xFFFFE700  }
0x8f: {  	_ =	swait.ge [sflag:s22], $0x1900  }
0x90: {  	[sflag:s22] =	ssyncset.done $0x0  }
0x91: {  	[sflag:s22] =	ssyncadd.s32 $0xFFFFE700  }
0x92: {  	[spmem:s2] =	stream.indirect.scatter.add.f32 [tilespmem:s21], [sflag:$0x2], $0x20, s26, s16, $0xb8;
	[tilespmem:$0x14E60] =	vst v63  }
0x93: {  	_ =	swait.ge [sflag:s13], $0x1900  }
0x94: {  	s29 =	sshll.u32 s1, $0x6;
	s28 =	sadd.s32 $0x1, s28;
	[sflag:s13] =	ssyncset.done $0x0  }
0x95: {  	s31 =	sshrl.u32 s6, $0x3;
	p0 =	sne.s32 s28, s12;
	[sflag:s13] =	ssyncadd.s32 $0xFFFFE700  }
.Ltmp2:
0x96: {  	s29 =	sor.u32 $0x1C02, s29;
	[bflag:$0x0] =	sbarrier.arrive $0xFFFF;
	(pc) =	sbr.rel @p0 .LBB2_1-.Ltmp2, $4  }
0x97: {  	[hbm:s11], [sflag:s29] =	dma.local [spmem:s31], $0x9C4  }
0x98: {  	_ =	swait.ge [sflag:s13], $0x9C4  }
0x99: {  	[sflag:s13] =	ssyncset.done $0x0  }
0x9a: {  	[sflag:s13] =	ssyncadd.s32 $0xFFFFF63C  }
0x9b: {  	_ =	sfence.sel $0x180000  }
0x9c: {  	[bflag:$0x0] =	sbarrier.arrive $0xFFFF  }
0x9d: {  	p0 =	sne.s32 s1, $0x0;
	_ =	strace $0x90000047  }
0x9e: {  	s0 =	sadd.s32 @!p0 $0x100000, s0;
	[bflag:$0x2] =	sbarrier.arrive $0xFFFF  }
0x9f: {  	[sflag:s0] =	ssyncadd.tile.s32 @!p0 $0x1;
	_ =	shalt  }
.Lfunc_end2:
_tile_overlayer_lowered:
.L_overlay_start_2:
0xa0: {  	(tag) =	ssettag $0x2  }
0xa1: {  	s0 =	rddreg [dreg:$0x0];
	s2 =	stileid.u32  }
0xa2: {  	s1 =	rddreg [dreg:$0x1];
	p0 =	sne.s32 s2, $0x0  }
0xa3: {  	s3 =	rddreg [dreg:$0x2];
	[bflag:$0x3] =	sbarrier.arrive $0xFFFF;
	s2 =	simm.s32 @!p0 $0x1C02  }
0xa4: {  	[timem:s3], [sflag:s2] =	dma.local @!p0 [hbm:s0], s1  }
0xa5: {  	s0 =	simm.s32 @!p0 $0x2  }
0xa6: {  	_ =	swait.ge @!p0 [sflag:s0], s1  }
0xa7: {  	s1 =	ssub.s32 @!p0 $0x0, s1;
	[sflag:s0] =	ssyncset.done @!p0 $0x0  }
0xa8: {  	[sflag:s0] =	ssyncadd.s32 @!p0 s1  }
0xa9: {  	[bflag:$0x3] =	sbarrier.arrive $0xFFFF  }
0xaa: {  	_ =	shalt  }

// kernel: kernel.13.cloned.1.call-start
scs
__scs_entry_jumppad:
0x0: {  	(pc) =	sbr.rel $0x88, $3  }
0x1: {  	(tag) =	ssettag $0x0;
	lr =	simm.s32 $0x1  }
0x2: {  	[smem:$0x3F97] =	sst lr;
	_ =	strace $0xD0000000  }
0x3: {  	_ = 	snop  }
0x4: {  	_ = 	snop  }
0x5: {  	_ = 	snop  }
0x6: {  	_ = 	snop  }
0x7: {  	_ = 	snop  }
__scs_overlays_trampoline_lowered:
0x8: {  	[smem:$0x3FA6] =	sst s0  }
0x9: {  	[smem:$0x3FA7] =	sst s1  }
0xa: {  	[smem:$0x3FA8] =	sst s2  }
0xb: {  	[smem:$0x3FA9] =	sst s3  }
0xc: {  	[smem:$0x3FAA] =	sst s4  }
0xd: {  	[smem:$0x3FAB] =	sst s5  }
0xe: {  	[smem:$0x3FAC] =	sst s6  }
0xf: {  	[smem:$0x3FAD] =	sst s7  }
0x10: {  	[smem:$0x3FAE] =	sst s8  }
0x11: {  	[smem:$0x3FAF] =	sst s9;
	s0 =	simm.s32 @!p0 $0x0  }
0x12: {  	s1 =	sld [smem:$0x3F95];
	s0 =	simm.s32 @p0 $0x1  }
0x13: {  	[smem:$0x3FB0] =	sst s0;
	s0 =	simm.s32 @!p1 $0x0  }
0x14: {  	s2 =	sld [smem:$0x3F94];
	s0 =	simm.s32 @p1 $0x1  }
0x15: {  	[smem:$0x3FB1] =	sst s0;
	s0 =	simm.s32 @!p2 $0x0  }
0x16: {  	s3 =	sld [smem:$0x3FDB];
	s0 =	simm.s32 @p2 $0x1  }
0x17: {  	s4 =	simm.s32 $0x1BF5;
	[smem:$0x3FB3] =	sst s0  }
0x18: {  	s0 =	sld [smem:$0x3F96];
	_ =	swait.ge [sflag:s4], $0x0  }
0x19: {  	s7 =	sld [smem:$0x3F97]  }
0x1a: {  	s8 =	sadd.s32 $0xFFFFE003, lr  }
0x1b: {  	s9 =	sadd.s32 $0xFFFFFEF7, lr;
	s5 =	simm.s32 $0xFFFFFFFF;
	p2 =	slt.u32 s8, $0xFFFFF086  }
0x1c: {  	p1 =	slt.u32 s9, $0xF7A;
	s5 =	simm.s32 @!p2 $0x0  }
0x1d: {  	s5 =	simm.s32 @p1 $0x1;
	p0 =	seq.s32 s7, s2  }
0x1e: {  	s7 =	smul.u32 @!p0 $0xF7A, s2;
	p2 =	seq.s32 @!p0 s5, $0x0  }
0x1f: {  	s9 =	smul.u32 $0xF7A, s1;
	s8 =	simm.s32 @!p0 $0x1BF5;
	p2 =	por !p2, p0  }
0x20: {  	[sflag:s8] =	ssyncset.s32 @!p0 $0xFFFFF086;
	s6 =	sadd.s32 @!p0 s3, s7;
	s7 =	simm.s32 @!p0 $0x108  }
0x21: {  	s3 =	sadd.s32 s3, s9;
	s6 =	sadd.s32 @!p0 $0x88, s6;
	s7 =	simm.s32 @p2 $0x1082  }
0x22: {  	[simem:s7], [sflag:s8] =	dma.local @!p0 [hbm:s6], $0xF7A  }
0x23: {  	s9 =	sor.u32 $0xD0000000, s2;
	s6 =	simm.s32 $0x108;
	_ =	swait.ge @!p0 [sflag:s8], $0x0  }
0x24: {  	s3 =	sadd.s32 $0x88, s3;
	s6 =	simm.s32 @!p1 $0x1082;
	[sflag:s4] =	ssyncset.s32 $0xFFFFF086  }
0x25: {  	[simem:s6], [sflag:s4] =	dma.local [hbm:s3], $0xF7A  }
0x26: {  	[smem:$0x3F97] =	sst s1;
	(tag) =	ssettag s2;
	_ =	strace s9  }
0x27: {  	s1 =	sld [smem:$0x3FA7]  }
0x28: {  	s2 =	sld [smem:$0x3FA8]  }
0x29: {  	s4 =	sld [smem:$0x3FAA]  }
0x2a: {  	p0 =	seq.s32 s5, $0x0;
	s5 =	sld [smem:$0x3FAB]  }
0x2b: {  	s6 =	sld [smem:$0x3FAC]  }
0x2c: {  	s7 =	sld [smem:$0x3FAD]  }
0x2d: {  	s3 =	simm.s32 $0x108;
	s8 =	sld [smem:$0x3FAE]  }
0x2e: {  	s3 =	simm.s32 @!p0 $0x1082;
	s9 =	sld [smem:$0x3FAF]  }
0x2f: {  	lr =	sadd.s32 s0, s3;
	s0 =	sld [smem:$0x3FA6]  }
0x30: {  	s3 =	sld [smem:$0x3FA9]  }
0x31: {  	[smem:$0x3FB2] =	sst s10  }
0x32: {  	s10 =	sld [smem:$0x3FB0];
	_ =	sdelay $0x3  }
0x33: {  	p0 =	seq.s32 s10, $0x1;
	s10 =	sld [smem:$0x3FB2];
	_ =	sdelay $0x3  }
0x34: {  	[smem:$0x3FB2] =	sst s10  }
0x35: {  	s10 =	sld [smem:$0x3FB1];
	_ =	sdelay $0x3  }
0x36: {  	p1 =	seq.s32 s10, $0x1;
	s10 =	sld [smem:$0x3FB2];
	_ =	sdelay $0x3  }
0x37: {  	[smem:$0x3FB2] =	sst s10  }
0x38: {  	s10 =	sld [smem:$0x3FB3]  }
0x39: {  	_ = 	snop;
	(pc) =	sbr.ind lr, $3  }
0x3a: {  	_ = 	snop  }
0x3b: {  	_ = 	snop  }
0x3c: {  	p2 =	seq.s32 s10, $0x1;
	s10 =	sld [smem:$0x3FB2]  }
0x3d: {  	_ =	shalt  }
0x3e: {  	_ =	shalt  }
0x3f: {  	_ =	shalt  }
0x40: {  	_ =	shalt  }
0x41: {  	_ =	shalt  }
0x42: {  	_ =	shalt  }
0x43: {  	_ =	shalt  }
0x44: {  	_ =	shalt  }
0x45: {  	_ =	shalt  }
0x46: {  	_ =	shalt  }
0x47: {  	_ =	shalt  }
0x48: {  	_ =	shalt  }
0x49: {  	_ =	shalt  }
0x4a: {  	_ =	shalt  }
0x4b: {  	_ =	shalt  }
0x4c: {  	_ =	shalt  }
0x4d: {  	_ =	shalt  }
0x4e: {  	_ =	shalt  }
0x4f: {  	_ =	shalt  }
0x50: {  	_ =	shalt  }
0x51: {  	_ =	shalt  }
0x52: {  	_ =	shalt  }
0x53: {  	_ =	shalt  }
0x54: {  	_ =	shalt  }
0x55: {  	_ =	shalt  }
0x56: {  	_ =	shalt  }
0x57: {  	_ =	shalt  }
0x58: {  	_ =	shalt  }
0x59: {  	_ =	shalt  }
0x5a: {  	_ =	shalt  }
0x5b: {  	_ =	shalt  }
0x5c: {  	_ =	shalt  }
0x5d: {  	_ =	shalt  }
0x5e: {  	_ =	shalt  }
0x5f: {  	_ =	shalt  }
0x60: {  	_ =	shalt  }
0x61: {  	_ =	shalt  }
0x62: {  	_ =	shalt  }
0x63: {  	_ =	shalt  }
0x64: {  	_ =	shalt  }
0x65: {  	_ =	shalt  }
0x66: {  	_ =	shalt  }
0x67: {  	_ =	shalt  }
0x68: {  	_ =	shalt  }
0x69: {  	_ =	shalt  }
0x6a: {  	_ =	shalt  }
0x6b: {  	_ =	shalt  }
0x6c: {  	_ =	shalt  }
0x6d: {  	_ =	shalt  }
0x6e: {  	_ =	shalt  }
0x6f: {  	_ =	shalt  }
0x70: {  	_ =	shalt  }
0x71: {  	_ =	shalt  }
0x72: {  	_ =	shalt  }
0x73: {  	_ =	shalt  }
0x74: {  	_ =	shalt  }
0x75: {  	_ =	shalt  }
0x76: {  	_ =	shalt  }
0x77: {  	_ =	shalt  }
0x78: {  	_ =	shalt  }
0x79: {  	_ =	shalt  }
0x7a: {  	_ =	shalt  }
0x7b: {  	_ =	shalt  }
0x7c: {  	_ =	shalt  }
0x7d: {  	_ =	shalt  }
0x7e: {  	_ =	shalt  }
0x7f: {  	_ =	shalt  }
0x80: {  	_ =	shalt  }
0x81: {  	_ =	shalt  }
0x82: {  	_ =	shalt  }
0x83: {  	_ =	shalt  }
0x84: {  	_ =	shalt  }
0x85: {  	_ =	shalt  }
0x86: {  	_ =	shalt  }
0x87: {  	_ =	shalt  }
.Lfunc_end0:
.L_simem_size_0:
called_computation.2_lowered:
.L_overlay_start_0:
0x88: {  	s2 =	sld [smem:$0x3FD9]  }
0x89: {  	s3 =	sld [smem:$0x3FFE];
	_ =	sdelay $0x1  }
0x8a: {  	s1 =	srdreg.scid  }
0x8b: {  	s0 =	sand.u32 $0x1, s1  }
0x8c: {  	s16 =	sshll.u32 s0, $0xA;
	s2 =	sadd.s32 s3, s2  }
0x8d: {  	s2 =	sadd.s32 s2, s16  }
0x8e: {  	[smem:$0x3FBE] =	sst s2  }
0x8f: {  	_ = 	snop  }
0x90: {  	(tm) =	ssettm $0x1  }
0x91: {  	s17 =	sld [smem:$0x3FFB];
	_ =	sdelay $0x3  }
0x92: {  	_ =	strace s17  }
0x93: {  	s2 =	sld [smem:$0x3FFC];
	_ =	sdelay $0x3  }
0x94: {  	_ =	strace s2  }
0x95: {  	s2 =	sld [smem:$0x3FFD];
	_ =	sdelay $0x3  }
0x96: {  	_ =	strace s2  }
0x97: {  	_ =	strace $0x8FFFFFFF  }
0x98: {  	s18 =	sld [smem:$0x3FDB];
	_ =	sdelay $0x1  }
0x99: {  	s19 =	simm.s32 $_scs_section_size  }
0x9a: {  	s4 =	simm.s32 $_size__tile_overlayer_lowered;
	s5 =	simm.s32 $_tile_overlayer_lowered  }
0x9b: {  	s22 =	simm.s32 $0x1BFF;
	s21 =	sshll.u32 s5, $0x1;
	s2 =	sadd.s32 s19, s18  }
0x9c: {  	s6 =	simm.s32 $0x0;
	s20 =	sshll.u32 s4, $0x1;
	s4 =	sadd.s32 s21, s2  }
0x9d: {  	[timem:s6], [sflag:s22] =	dma.local [hbm:s4], s20  }
0x9e: {  	_ =	swait.ge [sflag:s22], s20  }
0x9f: {  	s3 =	ssub.s32 $0x0, s20;
	[sflag:s22] =	ssyncset.done $0x0  }
0xa0: {  	[sflag:s22] =	ssyncadd.s32 s3;
	_ =	sdelay $0x1  }
0xa1: {  	s23 =	simm.s32 $0x1B8B  }
0xa2: {  	_ =	swait.ge [sflag:s23], $0x1  }
0xa3: {  	[sflag:s23] =	ssyncset.done $0x0  }
0xa4: {  	s25 =	simm.s32 $0x1B8E;
	s24 =	sld [smem:$0x3FFE];
	[sflag:s23] =	ssyncadd.s32 $0xFFFFFFFF  }
0xa5: {  	s26 =	simm.s32 $execute0_lowered;
	[smem:$0x3FD2] =	sst s25  }
0xa6: {  	s4 =	sshll.u32 s26, $0x1;
	_ =	strace $0x8000004C;
	[dreg:$0x1] =	wrdreg $0xFFFFFFFF  }
0xa7: {  	s28 =	simm.s32 $_size_execute0_lowered;
	s2 =	sadd.s32 s2, s4;
	[dreg:$0x0] =	wrdreg $0x0  }
0xa8: {  	s4 =	sshll.u32 s28, $0x1;
	[dreg:$0x2] =	wrdreg s2  }
0xa9: {  	[dreg:$0x3] =	wrdreg s4  }
0xaa: {  	[dreg:$0x4] =	wrdreg $0xC0  }
0xab: {  	_ =	task [dreg:s6], $0x5FFFF  }
0xac: {  	[dreg:$0x1] =	wrdreg $0xFFFFFFFF  }
0xad: {  	[dreg:$0x0] =	wrdreg $0x60  }
0xae: {  	[dreg:$0x2] =	wrdreg s24  }
0xaf: {  	[dreg:$0x3] =	wrdreg $0x119400  }
0xb0: {  	[dreg:$0x4] =	wrdreg $0xF2300  }
0xb1: {  	[dreg:$0x5] =	wrdreg $0x9  }
0xb2: {  	_ =	task.clear_ibuf [dreg:s6], $0x6FFFF;
	_ =	strace $0x9000004C  }
0xb3: {  	s29 =	simm.s32 $0x9;
	_ =	strace $0x8000004E  }
0xb4: {  	_ =	swait.ge [sflag:s29], $0x1  }
0xb5: {  	[sflag:s29] =	ssyncadd.s32 $0xFFFFFFFF  }
0xb6: {  	_ =	strace $0x9000004E  }
0xb7: {  	_ =	sfence  }
0xb8: {  	s30 =	sld [smem:$0x0];
	_ =	sdelay $0x2  }
0xb9: {  	s31 =	sshll.u32 s1, $0xD;
	s1 =	sshrl.u32 s1, $0x2  }
0xba: {  	s3 =	sand.u32 $0x4000, s31;
	s1 =	sadd.s32 s1, s30  }
0xbb: {  	s0 =	sor.u32 s3, s0;
	s1 =	sshll.u32 s1, $0x11  }
0xbc: {  	s0 =	sor.u32 s1, s0  }
0xbd: {  	s0 =	sadd.s32 $0x8F2B, s0  }
0xbe: {  	[sflag:s0] =	ssyncadd.remote.s32 $0x1  }
0xbf: {  	_ =	sfence.sel $0xFFFF  }
0xc0: {  	[dreg:$0x0] =	wrdreg $0xFFFFFFFF;
	(pc) =	sbr.abs _section_cstart, $3  }
0xc1: {  	[dreg:$0x1] =	wrdreg $0xFFFFFFFF  }
0xc2: {  	_ =	task.clear_ibuf [dreg:s6], $0x2FFFF;
	_ =	strace $0x9FFFFFFF  }
0xc3: {  	(tm) =	ssettm $0x7FFFFFFF  }
tec
execute0_lowered:
.L_overlay_start_1:
0x0: {  	(tag) =	ssettag $0x1  }
0x1: {  	s0 =	rddreg [dreg:$0x0]  }
0x2: {  	s2 =	rddreg [dreg:$0x1]  }
0x3: {  	s3 =	rddreg [dreg:$0x2]  }
0x4: {  	s11 =	stileid.u32;
	s1 =	srdreg.scid;
	s4 =	simm.s32 $0x0  }
0x5: {  	s12 =	simm.s32 $0x2710;
	s16 =	simm.s32 $0x190;
	s17 =	simm.s32 $0x4E20  }
0x6: {  	s18 =	simm.s32 $0x6720;
	s20 =	simm.s32 $0x8020;
	s22 =	simm.s32 $0x9920  }
0x7: {  	s24 =	simm.s32 $0xB220;
	s25 =	simm.s32 $0x1;
	s30 =	simm.s32 $0x23F0  }
0x8: {  	s31 =	simm.s32 $0x44C0;
	s15 =	simm.s32 $0x47E0;
	s19 =	simm.s32 $0x4970  }
0x9: {  	s21 =	simm.s32 $0x4B00;
	s23 =	simm.s32 $0x4C90;
	s26 =	simm.s32 $0x0  }
0xa: {  	s8 =	smul.u32 $0x2710, s11;
	s1 =	sand.u32 $0x1, s1;
	[smem:$0x7FF] =	sst s4  }
0xb: {  	s29 =	sshll.u32 s11, $0x6;
	s5 =	sshll.u32 s1, $0x4;
	s6 =	smul.u32 $0x27100, s1  }
0xc: {  	_ =	strace $0x8000004D;
	s1 =	ssub.s32 $0x2, s1;
	s13 =	sor.u32 $0x1C02, s29  }
0xd: {  	s5 =	sor.u32 s11, s5;
	s7 =	sshrl.u32 s8, $0x3;
	s28 =	sshrl.u32 s1, $0x1  }
0xe: {  	s14 =	sadd.s32 s8, s2;
	s11 =	simm.s32 $0x2;
	s5 =	smul.u32 $0x4E2, s5  }
0xf: {  	s6 =	sadd.s32 s8, s6;
	s7 =	sadd.s32 s7, s0;
	s1 =	ssub.s32 s1, s28  }
0x10: {  	s8 =	sadd.s32 s8, s3;
	s14 =	sshrl.u32 s14, $0x3;
	s6 =	sshrl.u32 s6, $0x3  }
0x11: {  	s7 =	sadd.s32 $0x15000, s7;
	s10 =	smax.u32 s1, $0x1;
	s9 =	sadd.s32 s5, s0  }
0x12: {  	s1 =	simm.s32 $0x4650;
	s0 =	sadd.s32 s6, s0;
	s5 =	sadd.s32 $0xB200, s9  }
0x13: {  	v0 =	vimm.f32 $0.0e+00;
	s6 =	sadd.s32 $0x1400, s9;
	s9 =	sadd.s32 $0x1A000, s0;
	s0 =	simm.s32 $0x2580  }
.LBB2_1:
0x14: {  	[tilespmem:s4], [sflag:$0x2] =	stream.linear.gather [hbm4b:s5+s4], $0x2710, $0x38;
	[tilespmem:$0x14050] =	vst v63  }
0x15: {  	_ =	swait.ge [sflag:s11], $0x2710  }
0x16: {  	[sflag:s11] =	ssyncset.done $0x0  }
0x17: {  	[sflag:s11] =	ssyncadd.s32 $0xFFFFD8F0  }
0x18: {  	[tilespmem:s12], [sflag:$0x2] =	stream.linear.gather [hbm4b:s6+s4], $0x2710, $0x38;
	[tilespmem:$0x14050] =	vst v63  }
0x19: {  	_ =	swait.ge [sflag:s11], $0x2710  }
0x1a: {  	[sflag:s11] =	ssyncset.done $0x0  }
0x1b: {  	[sflag:s11] =	ssyncadd.s32 $0xFFFFD8F0  }
0x1c: {  	[spmem:s14], [sflag:s13] =	dma.local [hbm:s7], $0x4E2  }
0x1d: {  	_ =	swait.ge [sflag:s11], $0x4E2  }
0x1e: {  	[sflag:s11] =	ssyncset.done $0x0  }
0x1f: {  	s28 =	simm.s32 $0x40;
	s29 =	simm.s32 $0x0;
	[sflag:s11] =	ssyncadd.s32 $0xFFFFFB1E  }
.LBB2_2:
0x20: {  	p0 =	sne.s32 s28, $0x9C00;
	[tilespmem:s29+$0xCB20] =	vst v0;
	s29 =	smov.u32 s28;
	s28 =	sadd.s32 $0x40, s28  }
.Ltmp0:
0x21: {  	(pc) =	sbr.rel @p0 .LBB2_2-.Ltmp0, $2  }
0x22: {  	_ =	sdelay $0x2  }
0x23: {  	s29 =	sshra.s32 s29, $0x2  }
0x24: {  	[tilespmem:s29+$0xCB20] =	vst v0;
	s28 =	simm.s32 $0xCB20  }
0x25: {  	[spmem:s8] =	stream.linear.scatter [tilespmem:s28], [sflag:$0x2], $0x2710, $0x38;
	[tilespmem:$0x14050] =	vst v63  }
0x26: {  	_ =	swait.ge [sflag:s11], $0x2710  }
0x27: {  	[sflag:s11] =	ssyncset.done $0x0  }
0x28: {  	[sflag:s11] =	ssyncadd.s32 $0xFFFFD8F0  }
0x29: {  	[bflag:$0x0] =	sbarrier.arrive $0xFFFF  }
0x2a: {  	[tilespmem:s17], [sflag:$0x1] =	stream.indirect.gather [spmem:s2], $0x10, s4, s16, $0xb8;
	[tilespmem:$0x14050] =	vst v63  }
0x2b: {  	_ = 	snop  }
0x2c: {  	[tilespmem:s18], [sflag:$0x1] =	stream.indirect.gather [spmem:s2], $0x10, s16, s16, $0xb8;
	[tilespmem:$0x14050] =	vst v63  }
0x2d: {  	s29 =	simm.s32 $0x320  }
0x2e: {  	[tilespmem:s20], [sflag:$0x1] =	stream.indirect.gather [spmem:s2], $0x10, s29, s16, $0xb8;
	[tilespmem:$0x14050] =	vst v63  }
0x2f: {  	s29 =	simm.s32 $0x4B0  }
0x30: {  	[tilespmem:s22], [sflag:$0x1] =	stream.indirect.gather [spmem:s2], $0x10, s29, s16, $0xb8;
	[tilespmem:$0x14050] =	vst v63  }
0x31: {  	s29 =	simm.s32 $0x640  }
0x32: {  	[tilespmem:s24], [sflag:$0x1] =	stream.indirect.gather [spmem:s2], $0x10, s29, s16, $0xb8;
	[tilespmem:$0x14050] =	vst v63  }
0x33: {  	_ =	swait.ge [sflag:s25], $0x1900  }
0x34: {  	[sflag:s25] =	ssyncset.done $0x0  }
0x35: {  	[sflag:s25] =	ssyncadd.s32 $0xFFFFE700  }
0x36: {  	[spmem:s3] =	stream.indirect.scatter.add.f32 [tilespmem:s17], [sflag:$0x2], $0x10, s12, s16, $0xb8;
	[tilespmem:$0x14050] =	vst v63  }
0x37: {  	_ =	swait.ge [sflag:s11], $0x1900  }
0x38: {  	[sflag:s11] =	ssyncset.done $0x0  }
0x39: {  	s29 =	simm.s32 $0x7D0;
	[sflag:s11] =	ssyncadd.s32 $0xFFFFE700  }
0x3a: {  	[tilespmem:s17], [sflag:$0x1] =	stream.indirect.gather [spmem:s2], $0x10, s29, s16, $0xb8;
	[tilespmem:$0x14050] =	vst v63  }
0x3b: {  	_ =	swait.ge [sflag:s25], $0x1900  }
0x3c: {  	[sflag:s25] =	ssyncset.done $0x0  }
0x3d: {  	s29 =	simm.s32 $0x28A0;
	[sflag:s25] =	ssyncadd.s32 $0xFFFFE700  }
0x3e: {  	[spmem:s3] =	stream.indirect.scatter.add.f32 [tilespmem:s18], [sflag:$0x2], $0x10, s29, s16, $0xb8;
	[tilespmem:$0x14050] =	vst v63  }
0x3f: {  	_ =	swait.ge [sflag:s11], $0x1900  }
0x40: {  	[sflag:s11] =	ssyncset.done $0x0  }
0x41: {  	s29 =	simm.s32 $0x960;
	[sflag:s11] =	ssyncadd.s32 $0xFFFFE700  }
0x42: {  	[tilespmem:s18], [sflag:$0x1] =	stream.indirect.gather [spmem:s2], $0x10, s29, s16, $0xb8;
	[tilespmem:$0x14050] =	vst v63  }
0x43: {  	_ =	swait.ge [sflag:s25], $0x1900  }
0x44: {  	[sflag:s25] =	ssyncset.done $0x0  }
0x45: {  	s29 =	simm.s32 $0x2A30;
	[sflag:s25] =	ssyncadd.s32 $0xFFFFE700  }
0x46: {  	[spmem:s3] =	stream.indirect.scatter.add.f32 [tilespmem:s20], [sflag:$0x2], $0x10, s29, s16, $0xb8;
	[tilespmem:$0x14050] =	vst v63  }
0x47: {  	_ =	swait.ge [sflag:s11], $0x1900  }
0x48: {  	[sflag:s11] =	ssyncset.done $0x0  }
0x49: {  	s29 =	simm.s32 $0xAF0;
	[sflag:s11] =	ssyncadd.s32 $0xFFFFE700  }
0x4a: {  	[tilespmem:s20], [sflag:$0x1] =	stream.indirect.gather [spmem:s2], $0x10, s29, s16, $0xb8;
	[tilespmem:$0x14050] =	vst v63  }
0x4b: {  	_ =	swait.ge [sflag:s25], $0x1900  }
0x4c: {  	[sflag:s25] =	ssyncset.done $0x0  }
0x4d: {  	s29 =	simm.s32 $0x2BC0;
	[sflag:s25] =	ssyncadd.s32 $0xFFFFE700  }
0x4e: {  	[spmem:s3] =	stream.indirect.scatter.add.f32 [tilespmem:s22], [sflag:$0x2], $0x10, s29, s16, $0xb8;
	[tilespmem:$0x14050] =	vst v63  }
0x4f: {  	_ =	swait.ge [sflag:s11], $0x1900  }
0x50: {  	[sflag:s11] =	ssyncset.done $0x0  }
0x51: {  	s29 =	simm.s32 $0xC80;
	[sflag:s11] =	ssyncadd.s32 $0xFFFFE700  }
0x52: {  	[tilespmem:s22], [sflag:$0x1] =	stream.indirect.gather [spmem:s2], $0x10, s29, s16, $0xb8;
	[tilespmem:$0x14050] =	vst v63  }
0x53: {  	_ =	swait.ge [sflag:s25], $0x1900  }
0x54: {  	[sflag:s25] =	ssyncset.done $0x0  }
0x55: {  	s29 =	simm.s32 $0x2D50;
	[sflag:s25] =	ssyncadd.s32 $0xFFFFE700  }
0x56: {  	[spmem:s3] =	stream.indirect.scatter.add.f32 [tilespmem:s24], [sflag:$0x2], $0x10, s29, s16, $0xb8;
	[tilespmem:$0x14050] =	vst v63  }
0x57: {  	_ =	swait.ge [sflag:s11], $0x1900  }
0x58: {  	[sflag:s11] =	ssyncset.done $0x0  }
0x59: {  	s29 =	simm.s32 $0xE10;
	[sflag:s11] =	ssyncadd.s32 $0xFFFFE700  }
0x5a: {  	[tilespmem:s24], [sflag:$0x1] =	stream.indirect.gather [spmem:s2], $0x10, s29, s16, $0xb8;
	[tilespmem:$0x14050] =	vst v63  }
0x5b: {  	_ =	swait.ge [sflag:s25], $0x1900  }
0x5c: {  	[sflag:s25] =	ssyncset.done $0x0  }
0x5d: {  	s29 =	simm.s32 $0x2EE0;
	[sflag:s25] =	ssyncadd.s32 $0xFFFFE700  }
0x5e: {  	[spmem:s3] =	stream.indirect.scatter.add.f32 [tilespmem:s17], [sflag:$0x2], $0x10, s29, s16, $0xb8;
	[tilespmem:$0x14050] =	vst v63  }
0x5f: {  	_ =	swait.ge [sflag:s11], $0x1900  }
0x60: {  	[sflag:s11] =	ssyncset.done $0x0  }
0x61: {  	s29 =	simm.s32 $0xFA0;
	[sflag:s11] =	ssyncadd.s32 $0xFFFFE700  }
0x62: {  	[tilespmem:s17], [sflag:$0x1] =	stream.indirect.gather [spmem:s2], $0x10, s29, s16, $0xb8;
	[tilespmem:$0x14050] =	vst v63  }
0x63: {  	_ =	swait.ge [sflag:s25], $0x1900  }
0x64: {  	[sflag:s25] =	ssyncset.done $0x0  }
0x65: {  	s29 =	simm.s32 $0x3070;
	[sflag:s25] =	ssyncadd.s32 $0xFFFFE700  }
0x66: {  	[spmem:s3] =	stream.indirect.scatter.add.f32 [tilespmem:s18], [sflag:$0x2], $0x10, s29, s16, $0xb8;
	[tilespmem:$0x14050] =	vst v63  }
0x67: {  	_ =	swait.ge [sflag:s11], $0x1900  }
0x68: {  	[sflag:s11] =	ssyncset.done $0x0  }
0x69: {  	s29 =	simm.s32 $0x1130;
	[sflag:s11] =	ssyncadd.s32 $0xFFFFE700  }
0x6a: {  	[tilespmem:s18], [sflag:$0x1] =	stream.indirect.gather [spmem:s2], $0x10, s29, s16, $0xb8;
	[tilespmem:$0x14050] =	vst v63  }
0x6b: {  	_ =	swait.ge [sflag:s25], $0x1900  }
0x6c: {  	[sflag:s25] =	ssyncset.done $0x0  }
0x6d: {  	s29 =	simm.s32 $0x3200;
	[sflag:s25] =	ssyncadd.s32 $0xFFFFE700  }
0x6e: {  	[spmem:s3] =	stream.indirect.scatter.add.f32 [tilespmem:s20], [sflag:$0x2], $0x10, s29, s16, $0xb8;
	[tilespmem:$0x14050] =	vst v63  }
0x6f: {  	_ =	swait.ge [sflag:s11], $0x1900  }
0x70: {  	[sflag:s11] =	ssyncset.done $0x0  }
0x71: {  	s29 =	simm.s32 $0x12C0;
	[sflag:s11] =	ssyncadd.s32 $0xFFFFE700  }
0x72: {  	[tilespmem:s20], [sflag:$0x1] =	stream.indirect.gather [spmem:s2], $0x10, s29, s16, $0xb8;
	[tilespmem:$0x14050] =	vst v63  }
0x73: {  	_ =	swait.ge [sflag:s25], $0x1900  }
0x74: {  	[sflag:s25] =	ssyncset.done $0x0  }
0x75: {  	s29 =	simm.s32 $0x3390;
	[sflag:s25] =	ssyncadd.s32 $0xFFFFE700  }
0x76: {  	[spmem:s3] =	stream.indirect.scatter.add.f32 [tilespmem:s22], [sflag:$0x2], $0x10, s29, s16, $0xb8;
	[tilespmem:$0x14050] =	vst v63  }
0x77: {  	_ =	swait.ge [sflag:s11], $0x1900  }
0x78: {  	[sflag:s11] =	ssyncset.done $0x0  }
0x79: {  	s29 =	simm.s32 $0x1450;
	[sflag:s11] =	ssyncadd.s32 $0xFFFFE700  }
0x7a: {  	[tilespmem:s22], [sflag:$0x1] =	stream.indirect.gather [spmem:s2], $0x10, s29, s16, $0xb8;
	[tilespmem:$0x14050] =	vst v63  }
0x7b: {  	_ =	swait.ge [sflag:s25], $0x1900  }
0x7c: {  	[sflag:s25] =	ssyncset.done $0x0  }
0x7d: {  	s29 =	simm.s32 $0x3520;
	[sflag:s25] =	ssyncadd.s32 $0xFFFFE700  }
0x7e: {  	[spmem:s3] =	stream.indirect.scatter.add.f32 [tilespmem:s24], [sflag:$0x2], $0x10, s29, s16, $0xb8;
	[tilespmem:$0x14050] =	vst v63  }
0x7f: {  	_ =	swait.ge [sflag:s11], $0x1900  }
0x80: {  	[sflag:s11] =	ssyncset.done $0x0  }
0x81: {  	s29 =	simm.s32 $0x15E0;
	[sflag:s11] =	ssyncadd.s32 $0xFFFFE700  }
0x82: {  	[tilespmem:s24], [sflag:$0x1] =	stream.indirect.gather [spmem:s2], $0x10, s29, s16, $0xb8;
	[tilespmem:$0x14050] =	vst v63  }
0x83: {  	_ =	swait.ge [sflag:s25], $0x1900  }
0x84: {  	[sflag:s25] =	ssyncset.done $0x0  }
0x85: {  	s29 =	simm.s32 $0x36B0;
	[sflag:s25] =	ssyncadd.s32 $0xFFFFE700  }
0x86: {  	[spmem:s3] =	stream.indirect.scatter.add.f32 [tilespmem:s17], [sflag:$0x2], $0x10, s29, s16, $0xb8;
	[tilespmem:$0x14050] =	vst v63  }
0x87: {  	_ =	swait.ge [sflag:s11], $0x1900  }
0x88: {  	[sflag:s11] =	ssyncset.done $0x0  }
0x89: {  	s29 =	simm.s32 $0x1770;
	[sflag:s11] =	ssyncadd.s32 $0xFFFFE700  }
0x8a: {  	[tilespmem:s17], [sflag:$0x1] =	stream.indirect.gather [spmem:s2], $0x10, s29, s16, $0xb8;
	[tilespmem:$0x14050] =	vst v63  }
0x8b: {  	_ =	swait.ge [sflag:s25], $0x1900  }
0x8c: {  	[sflag:s25] =	ssyncset.done $0x0  }
0x8d: {  	s29 =	simm.s32 $0x3840;
	[sflag:s25] =	ssyncadd.s32 $0xFFFFE700  }
0x8e: {  	[spmem:s3] =	stream.indirect.scatter.add.f32 [tilespmem:s18], [sflag:$0x2], $0x10, s29, s16, $0xb8;
	[tilespmem:$0x14050] =	vst v63  }
0x8f: {  	_ =	swait.ge [sflag:s11], $0x1900  }
0x90: {  	[sflag:s11] =	ssyncset.done $0x0  }
0x91: {  	s29 =	simm.s32 $0x1900;
	[sflag:s11] =	ssyncadd.s32 $0xFFFFE700  }
0x92: {  	[tilespmem:s18], [sflag:$0x1] =	stream.indirect.gather [spmem:s2], $0x10, s29, s16, $0xb8;
	[tilespmem:$0x14050] =	vst v63  }
0x93: {  	_ =	swait.ge [sflag:s25], $0x1900  }
0x94: {  	[sflag:s25] =	ssyncset.done $0x0  }
0x95: {  	s29 =	simm.s32 $0x39D0;
	[sflag:s25] =	ssyncadd.s32 $0xFFFFE700  }
0x96: {  	[spmem:s3] =	stream.indirect.scatter.add.f32 [tilespmem:s20], [sflag:$0x2], $0x10, s29, s16, $0xb8;
	[tilespmem:$0x14050] =	vst v63  }
0x97: {  	_ =	swait.ge [sflag:s11], $0x1900  }
0x98: {  	[sflag:s11] =	ssyncset.done $0x0  }
0x99: {  	s29 =	simm.s32 $0x1A90;
	[sflag:s11] =	ssyncadd.s32 $0xFFFFE700  }
0x9a: {  	[tilespmem:s20], [sflag:$0x1] =	stream.indirect.gather [spmem:s2], $0x10, s29, s16, $0xb8;
	[tilespmem:$0x14050] =	vst v63  }
0x9b: {  	_ =	swait.ge [sflag:s25], $0x1900  }
0x9c: {  	[sflag:s25] =	ssyncset.done $0x0  }
0x9d: {  	s29 =	simm.s32 $0x3B60;
	[sflag:s25] =	ssyncadd.s32 $0xFFFFE700  }
0x9e: {  	[spmem:s3] =	stream.indirect.scatter.add.f32 [tilespmem:s22], [sflag:$0x2], $0x10, s29, s16, $0xb8;
	[tilespmem:$0x14050] =	vst v63  }
0x9f: {  	_ =	swait.ge [sflag:s11], $0x1900  }
0xa0: {  	[sflag:s11] =	ssyncset.done $0x0  }
0xa1: {  	s29 =	simm.s32 $0x1C20;
	[sflag:s11] =	ssyncadd.s32 $0xFFFFE700  }
0xa2: {  	[tilespmem:s22], [sflag:$0x1] =	stream.indirect.gather [spmem:s2], $0x10, s29, s16, $0xb8;
	[tilespmem:$0x14050] =	vst v63  }
0xa3: {  	_ =	swait.ge [sflag:s25], $0x1900  }
0xa4: {  	[sflag:s25] =	ssyncset.done $0x0  }
0xa5: {  	s29 =	simm.s32 $0x3CF0;
	[sflag:s25] =	ssyncadd.s32 $0xFFFFE700  }
0xa6: {  	[spmem:s3] =	stream.indirect.scatter.add.f32 [tilespmem:s24], [sflag:$0x2], $0x10, s29, s16, $0xb8;
	[tilespmem:$0x14050] =	vst v63  }
0xa7: {  	_ =	swait.ge [sflag:s11], $0x1900  }
0xa8: {  	[sflag:s11] =	ssyncset.done $0x0  }
0xa9: {  	s29 =	simm.s32 $0x1DB0;
	[sflag:s11] =	ssyncadd.s32 $0xFFFFE700  }
0xaa: {  	[tilespmem:s24], [sflag:$0x1] =	stream.indirect.gather [spmem:s2], $0x10, s29, s16, $0xb8;
	[tilespmem:$0x14050] =	vst v63  }
0xab: {  	_ =	swait.ge [sflag:s25], $0x1900  }
0xac: {  	[sflag:s25] =	ssyncset.done $0x0  }
0xad: {  	s29 =	simm.s32 $0x3E80;
	[sflag:s25] =	ssyncadd.s32 $0xFFFFE700  }
0xae: {  	[spmem:s3] =	stream.indirect.scatter.add.f32 [tilespmem:s17], [sflag:$0x2], $0x10, s29, s16, $0xb8;
	[tilespmem:$0x14050] =	vst v63  }
0xaf: {  	_ =	swait.ge [sflag:s11], $0x1900  }
0xb0: {  	[sflag:s11] =	ssyncset.done $0x0  }
0xb1: {  	s29 =	simm.s32 $0x1F40;
	[sflag:s11] =	ssyncadd.s32 $0xFFFFE700  }
0xb2: {  	[tilespmem:s17], [sflag:$0x1] =	stream.indirect.gather [spmem:s2], $0x10, s29, s16, $0xb8;
	[tilespmem:$0x14050] =	vst v63  }
0xb3: {  	_ =	swait.ge [sflag:s25], $0x1900  }
0xb4: {  	[sflag:s25] =	ssyncset.done $0x0  }
0xb5: {  	s29 =	simm.s32 $0x4010;
	[sflag:s25] =	ssyncadd.s32 $0xFFFFE700  }
0xb6: {  	[spmem:s3] =	stream.indirect.scatter.add.f32 [tilespmem:s18], [sflag:$0x2], $0x10, s29, s16, $0xb8;
	[tilespmem:$0x14050] =	vst v63  }
0xb7: {  	_ =	swait.ge [sflag:s11], $0x1900  }
0xb8: {  	[sflag:s11] =	ssyncset.done $0x0  }
0xb9: {  	s29 =	simm.s32 $0x20D0;
	[sflag:s11] =	ssyncadd.s32 $0xFFFFE700  }
0xba: {  	[tilespmem:s18], [sflag:$0x1] =	stream.indirect.gather [spmem:s2], $0x10, s29, s16, $0xb8;
	[tilespmem:$0x14050] =	vst v63  }
0xbb: {  	_ =	swait.ge [sflag:s25], $0x1900  }
0xbc: {  	[sflag:s25] =	ssyncset.done $0x0  }
0xbd: {  	s29 =	simm.s32 $0x41A0;
	[sflag:s25] =	ssyncadd.s32 $0xFFFFE700  }
0xbe: {  	[spmem:s3] =	stream.indirect.scatter.add.f32 [tilespmem:s20], [sflag:$0x2], $0x10, s29, s16, $0xb8;
	[tilespmem:$0x14050] =	vst v63  }
0xbf: {  	_ =	swait.ge [sflag:s11], $0x1900  }
0xc0: {  	[sflag:s11] =	ssyncset.done $0x0  }
0xc1: {  	s29 =	simm.s32 $0x2260;
	[sflag:s11] =	ssyncadd.s32 $0xFFFFE700  }
0xc2: {  	[tilespmem:s20], [sflag:$0x1] =	stream.indirect.gather [spmem:s2], $0x10, s29, s16, $0xb8;
	[tilespmem:$0x14050] =	vst v63  }
0xc3: {  	_ =	swait.ge [sflag:s25], $0x1900  }
0xc4: {  	[sflag:s25] =	ssyncset.done $0x0  }
0xc5: {  	s29 =	simm.s32 $0x4330;
	[sflag:s25] =	ssyncadd.s32 $0xFFFFE700  }
0xc6: {  	[spmem:s3] =	stream.indirect.scatter.add.f32 [tilespmem:s22], [sflag:$0x2], $0x10, s29, s16, $0xb8;
	[tilespmem:$0x14050] =	vst v63  }
0xc7: {  	_ =	swait.ge [sflag:s11], $0x1900  }
0xc8: {  	[sflag:s11] =	ssyncset.done $0x0  }
0xc9: {  	[sflag:s11] =	ssyncadd.s32 $0xFFFFE700  }
0xca: {  	[tilespmem:s22], [sflag:$0x1] =	stream.indirect.gather [spmem:s2], $0x10, s30, s16, $0xb8;
	[tilespmem:$0x14050] =	vst v63  }
0xcb: {  	_ =	swait.ge [sflag:s25], $0x1900  }
0xcc: {  	[sflag:s25] =	ssyncset.done $0x0  }
0xcd: {  	[sflag:s25] =	ssyncadd.s32 $0xFFFFE700  }
0xce: {  	[spmem:s3] =	stream.indirect.scatter.add.f32 [tilespmem:s24], [sflag:$0x2], $0x10, s31, s16, $0xb8;
	[tilespmem:$0x14050] =	vst v63  }
0xcf: {  	_ =	swait.ge [sflag:s11], $0x1900  }
0xd0: {  	[sflag:s11] =	ssyncset.done $0x0  }
0xd1: {  	[sflag:s11] =	ssyncadd.s32 $0xFFFFE700  }
0xd2: {  	[tilespmem:s24], [sflag:$0x1] =	stream.indirect.gather [spmem:s2], $0x10, s0, s16, $0xb8;
	[tilespmem:$0x14050] =	vst v63  }
0xd3: {  	_ =	swait.ge [sflag:s25], $0x1900  }
0xd4: {  	[sflag:s25] =	ssyncset.done $0x0  }
0xd5: {  	[sflag:s25] =	ssyncadd.s32 $0xFFFFE700  }
0xd6: {  	[spmem:s3] =	stream.indirect.scatter.add.f32 [tilespmem:s17], [sflag:$0x2], $0x10, s1, s16, $0xb8;
	[tilespmem:$0x14050] =	vst v63  }
0xd7: {  	_ =	swait.ge [sflag:s11], $0x1900  }
0xd8: {  	[sflag:s11] =	ssyncset.done $0x0  }
0xd9: {  	[sflag:s11] =	ssyncadd.s32 $0xFFFFE700  }
0xda: {  	_ =	swait.ge [sflag:s25], $0x1900  }
0xdb: {  	[sflag:s25] =	ssyncset.done $0x0  }
0xdc: {  	[sflag:s25] =	ssyncadd.s32 $0xFFFFE700  }
0xdd: {  	[spmem:s3] =	stream.indirect.scatter.add.f32 [tilespmem:s18], [sflag:$0x2], $0x10, s15, s16, $0xb8;
	[tilespmem:$0x14050] =	vst v63  }
0xde: {  	_ =	swait.ge [sflag:s11], $0x1900  }
0xdf: {  	[sflag:s11] =	ssyncset.done $0x0  }
0xe0: {  	[sflag:s11] =	ssyncadd.s32 $0xFFFFE700  }
0xe1: {  	_ =	swait.ge [sflag:s25], $0x1900  }
0xe2: {  	[sflag:s25] =	ssyncset.done $0x0  }
0xe3: {  	[sflag:s25] =	ssyncadd.s32 $0xFFFFE700  }
0xe4: {  	[spmem:s3] =	stream.indirect.scatter.add.f32 [tilespmem:s20], [sflag:$0x2], $0x10, s19, s16, $0xb8;
	[tilespmem:$0x14050] =	vst v63  }
0xe5: {  	_ =	swait.ge [sflag:s11], $0x1900  }
0xe6: {  	[sflag:s11] =	ssyncset.done $0x0  }
0xe7: {  	[sflag:s11] =	ssyncadd.s32 $0xFFFFE700  }
0xe8: {  	_ =	swait.ge [sflag:s25], $0x1900  }
0xe9: {  	[sflag:s25] =	ssyncset.done $0x0  }
0xea: {  	[sflag:s25] =	ssyncadd.s32 $0xFFFFE700  }
0xeb: {  	[spmem:s3] =	stream.indirect.scatter.add.f32 [tilespmem:s22], [sflag:$0x2], $0x10, s21, s16, $0xb8;
	[tilespmem:$0x14050] =	vst v63  }
0xec: {  	_ =	swait.ge [sflag:s11], $0x1900  }
0xed: {  	[sflag:s11] =	ssyncset.done $0x0  }
0xee: {  	[sflag:s11] =	ssyncadd.s32 $0xFFFFE700  }
0xef: {  	_ =	swait.ge [sflag:s25], $0x1900  }
0xf0: {  	[sflag:s25] =	ssyncset.done $0x0  }
0xf1: {  	[sflag:s25] =	ssyncadd.s32 $0xFFFFE700  }
0xf2: {  	[spmem:s3] =	stream.indirect.scatter.add.f32 [tilespmem:s24], [sflag:$0x2], $0x10, s23, s16, $0xb8;
	[tilespmem:$0x14050] =	vst v63  }
0xf3: {  	_ =	swait.ge [sflag:s11], $0x1900  }
0xf4: {  	s26 =	sadd.s32 $0x1, s26;
	[sflag:s11] =	ssyncset.done $0x0  }
0xf5: {  	p0 =	sne.s32 s26, s10;
	[sflag:s11] =	ssyncadd.s32 $0xFFFFE700  }
.Ltmp1:
0xf6: {  	s29 =	sshrl.u32 s8, $0x3;
	[bflag:$0x0] =	sbarrier.arrive $0xFFFF;
	(pc) =	sbr.rel @p0 .LBB2_1-.Ltmp1, $4  }
0xf7: {  	[hbm:s9], [sflag:s13] =	dma.local [spmem:s29], $0x4E2  }
0xf8: {  	_ =	swait.ge [sflag:s11], $0x4E2  }
0xf9: {  	[sflag:s11] =	ssyncset.done $0x0  }
0xfa: {  	[sflag:s11] =	ssyncadd.s32 $0xFFFFFB1E  }
0xfb: {  	_ =	sfence.sel $0x180000  }
0xfc: {  	[bflag:$0x0] =	sbarrier.arrive $0xFFFF  }
0xfd: {  	_ =	strace $0x9000004D  }
0xfe: {  	s0 =	stileid.u32;
	[bflag:$0x2] =	sbarrier.arrive $0xFFFF  }
0xff: {  	p0 =	sne.s32 s0, $0x0;
	s0 =	rddreg [dreg:$0x3]  }
0x100: {  	s0 =	sadd.s32 @!p0 $0x100000, s0  }
0x101: {  	[sflag:s0] =	ssyncadd.tile.s32 @!p0 $0x1;
	_ =	shalt  }
.Lfunc_end2:
_tile_overlayer_lowered:
.L_overlay_start_2:
0x102: {  	(tag) =	ssettag $0x2  }
0x103: {  	s0 =	rddreg [dreg:$0x0];
	s2 =	stileid.u32  }
0x104: {  	s1 =	rddreg [dreg:$0x1];
	p0 =	sne.s32 s2, $0x0  }
0x105: {  	s3 =	rddreg [dreg:$0x2];
	[bflag:$0x3] =	sbarrier.arrive $0xFFFF;
	s2 =	simm.s32 @!p0 $0x1C02  }
0x106: {  	[timem:s3], [sflag:s2] =	dma.local @!p0 [hbm:s0], s1  }
0x107: {  	s0 =	simm.s32 @!p0 $0x2  }
0x108: {  	_ =	swait.ge @!p0 [sflag:s0], s1  }
0x109: {  	s1 =	ssub.s32 @!p0 $0x0, s1;
	[sflag:s0] =	ssyncset.done @!p0 $0x0  }
0x10a: {  	[sflag:s0] =	ssyncadd.s32 @!p0 s1  }
0x10b: {  	[bflag:$0x3] =	sbarrier.arrive $0xFFFF  }
0x10c: {  	_ =	shalt  }

// kernel: kernel.7.cloned.1.call-start
scs
__scs_entry_jumppad:
0x0: {  	(pc) =	sbr.rel $0x88, $3  }
0x1: {  	(tag) =	ssettag $0x0;
	lr =	simm.s32 $0x1  }
0x2: {  	[smem:$0x3F97] =	sst lr;
	_ =	strace $0xD0000000  }
0x3: {  	_ = 	snop  }
0x4: {  	_ = 	snop  }
0x5: {  	_ = 	snop  }
0x6: {  	_ = 	snop  }
0x7: {  	_ = 	snop  }
__scs_overlays_trampoline_lowered:
0x8: {  	[smem:$0x3FA6] =	sst s0  }
0x9: {  	[smem:$0x3FA7] =	sst s1  }
0xa: {  	[smem:$0x3FA8] =	sst s2  }
0xb: {  	[smem:$0x3FA9] =	sst s3  }
0xc: {  	[smem:$0x3FAA] =	sst s4  }
0xd: {  	[smem:$0x3FAB] =	sst s5  }
0xe: {  	[smem:$0x3FAC] =	sst s6  }
0xf: {  	[smem:$0x3FAD] =	sst s7  }
0x10: {  	[smem:$0x3FAE] =	sst s8  }
0x11: {  	[smem:$0x3FAF] =	sst s9;
	s0 =	simm.s32 @!p0 $0x0  }
0x12: {  	s1 =	sld [smem:$0x3F95];
	s0 =	simm.s32 @p0 $0x1  }
0x13: {  	[smem:$0x3FB0] =	sst s0;
	s0 =	simm.s32 @!p1 $0x0  }
0x14: {  	s2 =	sld [smem:$0x3F94];
	s0 =	simm.s32 @p1 $0x1  }
0x15: {  	[smem:$0x3FB1] =	sst s0;
	s0 =	simm.s32 @!p2 $0x0  }
0x16: {  	s3 =	sld [smem:$0x3FDB];
	s0 =	simm.s32 @p2 $0x1  }
0x17: {  	s4 =	simm.s32 $0x1BF5;
	[smem:$0x3FB3] =	sst s0  }
0x18: {  	s0 =	sld [smem:$0x3F96];
	_ =	swait.ge [sflag:s4], $0x0  }
0x19: {  	s7 =	sld [smem:$0x3F97]  }
0x1a: {  	s8 =	sadd.s32 $0xFFFFE003, lr  }
0x1b: {  	s9 =	sadd.s32 $0xFFFFFEF7, lr;
	s5 =	simm.s32 $0xFFFFFFFF;
	p2 =	slt.u32 s8, $0xFFFFF086  }
0x1c: {  	p1 =	slt.u32 s9, $0xF7A;
	s5 =	simm.s32 @!p2 $0x0  }
0x1d: {  	s5 =	simm.s32 @p1 $0x1;
	p0 =	seq.s32 s7, s2  }
0x1e: {  	s7 =	smul.u32 @!p0 $0xF7A, s2;
	p2 =	seq.s32 @!p0 s5, $0x0  }
0x1f: {  	s9 =	smul.u32 $0xF7A, s1;
	s8 =	simm.s32 @!p0 $0x1BF5;
	p2 =	por !p2, p0  }
0x20: {  	[sflag:s8] =	ssyncset.s32 @!p0 $0xFFFFF086;
	s6 =	sadd.s32 @!p0 s3, s7;
	s7 =	simm.s32 @!p0 $0x108  }
0x21: {  	s3 =	sadd.s32 s3, s9;
	s6 =	sadd.s32 @!p0 $0x88, s6;
	s7 =	simm.s32 @p2 $0x1082  }
0x22: {  	[simem:s7], [sflag:s8] =	dma.local @!p0 [hbm:s6], $0xF7A  }
0x23: {  	s9 =	sor.u32 $0xD0000000, s2;
	s6 =	simm.s32 $0x108;
	_ =	swait.ge @!p0 [sflag:s8], $0x0  }
0x24: {  	s3 =	sadd.s32 $0x88, s3;
	s6 =	simm.s32 @!p1 $0x1082;
	[sflag:s4] =	ssyncset.s32 $0xFFFFF086  }
0x25: {  	[simem:s6], [sflag:s4] =	dma.local [hbm:s3], $0xF7A  }
0x26: {  	[smem:$0x3F97] =	sst s1;
	(tag) =	ssettag s2;
	_ =	strace s9  }
0x27: {  	s1 =	sld [smem:$0x3FA7]  }
0x28: {  	s2 =	sld [smem:$0x3FA8]  }
0x29: {  	s4 =	sld [smem:$0x3FAA]  }
0x2a: {  	p0 =	seq.s32 s5, $0x0;
	s5 =	sld [smem:$0x3FAB]  }
0x2b: {  	s6 =	sld [smem:$0x3FAC]  }
0x2c: {  	s7 =	sld [smem:$0x3FAD]  }
0x2d: {  	s3 =	simm.s32 $0x108;
	s8 =	sld [smem:$0x3FAE]  }
0x2e: {  	s3 =	simm.s32 @!p0 $0x1082;
	s9 =	sld [smem:$0x3FAF]  }
0x2f: {  	lr =	sadd.s32 s0, s3;
	s0 =	sld [smem:$0x3FA6]  }
0x30: {  	s3 =	sld [smem:$0x3FA9]  }
0x31: {  	[smem:$0x3FB2] =	sst s10  }
0x32: {  	s10 =	sld [smem:$0x3FB0];
	_ =	sdelay $0x3  }
0x33: {  	p0 =	seq.s32 s10, $0x1;
	s10 =	sld [smem:$0x3FB2];
	_ =	sdelay $0x3  }
0x34: {  	[smem:$0x3FB2] =	sst s10  }
0x35: {  	s10 =	sld [smem:$0x3FB1];
	_ =	sdelay $0x3  }
0x36: {  	p1 =	seq.s32 s10, $0x1;
	s10 =	sld [smem:$0x3FB2];
	_ =	sdelay $0x3  }
0x37: {  	[smem:$0x3FB2] =	sst s10  }
0x38: {  	s10 =	sld [smem:$0x3FB3]  }
0x39: {  	_ = 	snop;
	(pc) =	sbr.ind lr, $3  }
0x3a: {  	_ = 	snop  }
0x3b: {  	_ = 	snop  }
0x3c: {  	p2 =	seq.s32 s10, $0x1;
	s10 =	sld [smem:$0x3FB2]  }
0x3d: {  	_ =	shalt  }
0x3e: {  	_ =	shalt  }
0x3f: {  	_ =	shalt  }
0x40: {  	_ =	shalt  }
0x41: {  	_ =	shalt  }
0x42: {  	_ =	shalt  }
0x43: {  	_ =	shalt  }
0x44: {  	_ =	shalt  }
0x45: {  	_ =	shalt  }
0x46: {  	_ =	shalt  }
0x47: {  	_ =	shalt  }
0x48: {  	_ =	shalt  }
0x49: {  	_ =	shalt  }
0x4a: {  	_ =	shalt  }
0x4b: {  	_ =	shalt  }
0x4c: {  	_ =	shalt  }
0x4d: {  	_ =	shalt  }
0x4e: {  	_ =	shalt  }
0x4f: {  	_ =	shalt  }
0x50: {  	_ =	shalt  }
0x51: {  	_ =	shalt  }
0x52: {  	_ =	shalt  }
0x53: {  	_ =	shalt  }
0x54: {  	_ =	shalt  }
0x55: {  	_ =	shalt  }
0x56: {  	_ =	shalt  }
0x57: {  	_ =	shalt  }
0x58: {  	_ =	shalt  }
0x59: {  	_ =	shalt  }
0x5a: {  	_ =	shalt  }
0x5b: {  	_ =	shalt  }
0x5c: {  	_ =	shalt  }
0x5d: {  	_ =	shalt  }
0x5e: {  	_ =	shalt  }
0x5f: {  	_ =	shalt  }
0x60: {  	_ =	shalt  }
0x61: {  	_ =	shalt  }
0x62: {  	_ =	shalt  }
0x63: {  	_ =	shalt  }
0x64: {  	_ =	shalt  }
0x65: {  	_ =	shalt  }
0x66: {  	_ =	shalt  }
0x67: {  	_ =	shalt  }
0x68: {  	_ =	shalt  }
0x69: {  	_ =	shalt  }
0x6a: {  	_ =	shalt  }
0x6b: {  	_ =	shalt  }
0x6c: {  	_ =	shalt  }
0x6d: {  	_ =	shalt  }
0x6e: {  	_ =	shalt  }
0x6f: {  	_ =	shalt  }
0x70: {  	_ =	shalt  }
0x71: {  	_ =	shalt  }
0x72: {  	_ =	shalt  }
0x73: {  	_ =	shalt  }
0x74: {  	_ =	shalt  }
0x75: {  	_ =	shalt  }
0x76: {  	_ =	shalt  }
0x77: {  	_ =	shalt  }
0x78: {  	_ =	shalt  }
0x79: {  	_ =	shalt  }
0x7a: {  	_ =	shalt  }
0x7b: {  	_ =	shalt  }
0x7c: {  	_ =	shalt  }
0x7d: {  	_ =	shalt  }
0x7e: {  	_ =	shalt  }
0x7f: {  	_ =	shalt  }
0x80: {  	_ =	shalt  }
0x81: {  	_ =	shalt  }
0x82: {  	_ =	shalt  }
0x83: {  	_ =	shalt  }
0x84: {  	_ =	shalt  }
0x85: {  	_ =	shalt  }
0x86: {  	_ =	shalt  }
0x87: {  	_ =	shalt  }
.Lfunc_end0:
.L_simem_size_0:
called_computation_lowered:
.L_overlay_start_0:
0x88: {  	s2 =	sld [smem:$0x3FD9]  }
0x89: {  	s3 =	sld [smem:$0x3FFE];
	_ =	sdelay $0x1  }
0x8a: {  	s1 =	srdreg.scid  }
0x8b: {  	s0 =	sand.u32 $0x1, s1  }
0x8c: {  	s17 =	sshll.u32 s0, $0xA;
	s2 =	sadd.s32 s3, s2  }
0x8d: {  	s2 =	sadd.s32 s2, s17  }
0x8e: {  	[smem:$0x3FBE] =	sst s2  }
0x8f: {  	_ = 	snop  }
0x90: {  	(tm) =	ssettm $0x1  }
0x91: {  	s18 =	sld [smem:$0x3FFB];
	_ =	sdelay $0x3  }
0x92: {  	_ =	strace s18  }
0x93: {  	s2 =	sld [smem:$0x3FFC];
	_ =	sdelay $0x3  }
0x94: {  	_ =	strace s2  }
0x95: {  	s2 =	sld [smem:$0x3FFD];
	_ =	sdelay $0x3  }
0x96: {  	_ =	strace s2  }
0x97: {  	_ =	strace $0x8FFFFFFF  }
0x98: {  	s19 =	sld [smem:$0x3FDB];
	_ =	sdelay $0x1  }
0x99: {  	s20 =	simm.s32 $_scs_section_size  }
0x9a: {  	s4 =	simm.s32 $_size__tile_overlayer_lowered;
	s5 =	simm.s32 $_tile_overlayer_lowered  }
0x9b: {  	s6 =	simm.s32 $0x1BFF;
	s21 =	sshll.u32 s5, $0x1;
	s3 =	sadd.s32 s20, s19  }
0x9c: {  	s22 =	simm.s32 $0x0;
	s4 =	sshll.u32 s4, $0x1;
	s5 =	sadd.s32 s21, s3  }
0x9d: {  	[timem:s22], [sflag:s6] =	dma.local [hbm:s5], s4  }
0x9e: {  	_ =	swait.ge [sflag:s6], s4  }
0x9f: {  	s4 =	ssub.s32 $0x0, s4;
	[sflag:s6] =	ssyncset.done $0x0  }
0xa0: {  	[sflag:s6] =	ssyncadd.s32 s4;
	_ =	sdelay $0x1  }
0xa1: {  	s23 =	simm.s32 $0x1B8B  }
0xa2: {  	_ =	swait.ge [sflag:s23], $0x1  }
0xa3: {  	[sflag:s23] =	ssyncset.done $0x0  }
0xa4: {  	[sflag:s23] =	ssyncadd.s32 $0xFFFFFFFF  }
0xa5: {  	s4 =	sld [smem:$0x0]  }
0xa6: {  	s5 =	sand.u32 $0xFFFFFFFE, s1  }
0xa7: {  	p0 =	sne.s32 s1, s5  }
0xa8: {  	s5 =	sshll.u32 @p0 s5, $0xE  }
0xa9: {  	s5 =	sadd.s32 @p0 $0x11B8D, s5;
	s6 =	sshll.u32 @p0 s4, $0x11  }
0xaa: {  	s5 =	sor.u32 @p0 s6, s5  }
0xab: {  	[sflag:s5] =	ssyncadd.remote.s32 @p0 $0x1;
	_ =	sdelay $0x1  }
0xac: {  	s5 =	simm.s32 @p0 $0x1B8D  }
0xad: {  	_ =	swait.eq @p0 [sflag:s5], $0x1  }
0xae: {  	[sflag:s5] =	ssyncadd.s32 @p0 $0xFFFFFFFF  }
0xaf: {  	s6 =	sshll.u32 @!p0 s1, $0xE  }
0xb0: {  	s6 =	sor.u32 @!p0 $0x4000, s6;
	s5 =	simm.s32 @!p0 $0x1B8D  }
0xb1: {  	s4 =	sshll.u32 @!p0 s4, $0x11;
	s6 =	sadd.s32 @!p0 $0x11B8D, s6;
	_ =	swait.eq @!p0 [sflag:s5], $0x1  }
0xb2: {  	s4 =	sor.u32 @!p0 s4, s6;
	[sflag:s5] =	ssyncadd.s32 @!p0 $0xFFFFFFFF  }
0xb3: {  	s25 =	simm.s32 $0x1B8E;
	s24 =	sld [smem:$0x3FFE];
	[sflag:s4] =	ssyncadd.remote.s32 @!p0 $0x1  }
0xb4: {  	s26 =	simm.s32 $execute0_lowered;
	[smem:$0x3FD2] =	sst s25  }
0xb5: {  	s5 =	sshll.u32 s26, $0x1;
	_ =	strace $0x80000049;
	[dreg:$0x1] =	wrdreg $0xFFFFFFFF  }
0xb6: {  	s28 =	simm.s32 $_size_execute0_lowered;
	s3 =	sadd.s32 s3, s5;
	[dreg:$0x0] =	wrdreg $0x0  }
0xb7: {  	s5 =	sshll.u32 s28, $0x1;
	[dreg:$0x2] =	wrdreg s3  }
0xb8: {  	[dreg:$0x3] =	wrdreg s5  }
0xb9: {  	[dreg:$0x4] =	wrdreg $0xC0  }
0xba: {  	_ =	task [dreg:s22], $0x5FFFF  }
0xbb: {  	[dreg:$0x1] =	wrdreg $0xFFFFFFFF  }
0xbc: {  	[dreg:$0x0] =	wrdreg $0x60  }
0xbd: {  	[dreg:$0x2] =	wrdreg s24  }
0xbe: {  	[dreg:$0x3] =	wrdreg $0x100400  }
0xbf: {  	[dreg:$0x4] =	wrdreg $0x9  }
0xc0: {  	_ =	task.clear_ibuf [dreg:s22], $0x5FFFF;
	_ =	strace $0x90000049  }
0xc1: {  	s29 =	simm.s32 $0x9;
	_ =	strace $0x8000004B  }
0xc2: {  	_ =	swait.ge [sflag:s29], $0x1  }
0xc3: {  	[sflag:s29] =	ssyncadd.s32 $0xFFFFFFFF  }
0xc4: {  	_ =	strace $0x9000004B  }
0xc5: {  	_ =	sfence  }
0xc6: {  	s30 =	sld [smem:$0x0];
	_ =	sdelay $0x2  }
0xc7: {  	s31 =	sshll.u32 s1, $0xD;
	s1 =	sshrl.u32 s1, $0x2  }
0xc8: {  	s4 =	sand.u32 $0x4000, s31;
	s1 =	sadd.s32 s1, s30  }
0xc9: {  	s0 =	sor.u32 s4, s0;
	s1 =	sshll.u32 s1, $0x11  }
0xca: {  	s0 =	sor.u32 s1, s0  }
0xcb: {  	s0 =	sadd.s32 $0x8F2B, s0  }
0xcc: {  	[sflag:s0] =	ssyncadd.remote.s32 $0x1  }
0xcd: {  	_ =	sfence.sel $0xFFFF  }
0xce: {  	[dreg:$0x0] =	wrdreg $0xFFFFFFFF;
	(pc) =	sbr.abs _section_cstart, $3  }
0xcf: {  	[dreg:$0x1] =	wrdreg $0xFFFFFFFF  }
0xd0: {  	_ =	task.clear_ibuf [dreg:s22], $0x2FFFF;
	_ =	strace $0x9FFFFFFF  }
0xd1: {  	(tm) =	ssettm $0x7FFFFFFF  }
tec
execute0_lowered:
.L_overlay_start_1:
0x0: {  	(tag) =	ssettag $0x1  }
0x1: {  	s4 =	rddreg [dreg:$0x0]  }
0x2: {  	s1 =	rddreg [dreg:$0x1];
	s2 =	srdreg.scid  }
0x3: {  	s0 =	rddreg [dreg:$0x2];
	s3 =	simm.s32 $0x0;
	s13 =	simm.s32 $0x2  }
0x4: {  	s14 =	simm.s32 $0x4E20;
	s15 =	simm.s32 $0x9C40;
	s16 =	simm.s32 $0xC8  }
0x5: {  	s17 =	simm.s32 $0xB540;
	s18 =	simm.s32 $0x190;
	s19 =	simm.s32 $0xCE40  }
0x6: {  	s20 =	simm.s32 $0x258;
	s21 =	simm.s32 $0xE740;
	s22 =	simm.s32 $0x1  }
0x7: {  	s23 =	simm.s32 $0x9920;
	s24 =	simm.s32 $0x99E8;
	s5 =	sand.u32 $0x1, s2  }
0x8: {  	s25 =	simm.s32 $0x9AB0;
	s2 =	stileid.u32;
	s6 =	smul.u32 $0x4E200, s5  }
0x9: {  	s26 =	simm.s32 $0x9B78;
	s28 =	simm.s32 $0x0;
	s7 =	smul.u32 $0x4E20, s2  }
0xa: {  	[smem:$0x7FF] =	sst s3;
	s30 =	smul.u32 $0x9C4, s2;
	s5 =	ssub.s32 $0x2, s5  }
0xb: {  	_ =	strace $0x8000004A;
	s9 =	smul.u32 $0x13880, s2;
	s31 =	sshrl.u32 s5, $0x1  }
0xc: {  	s8 =	sshrl.u32 s6, $0x3;
	s6 =	sadd.s32 s7, s6;
	s12 =	ssub.s32 s5, s31  }
0xd: {  	s9 =	sshrl.u32 s9, $0x2;
	s10 =	sadd.s32 s8, s4;
	s6 =	sshrl.u32 s6, $0x3  }
0xe: {  	s8 =	sadd.s32 s30, s4;
	s9 =	sadd.s32 s9, s1;
	s12 =	smax.u32 s12, $0x1  }
0xf: {  	s11 =	sadd.s32 s6, s4;
	s4 =	sadd.s32 $0xB200, s8;
	s5 =	sadd.s32 $0x1400, s8  }
0x10: {  	s6 =	sadd.s32 s7, s1;
	s7 =	sadd.s32 $0x1900, s9;
	s8 =	sadd.s32 $0x3200, s9  }
0x11: {  	v0 =	vimm.f32 $0.0e+00;
	s9 =	sadd.s32 $0x4B00, s9;
	s10 =	sadd.s32 $0x15000, s10;
	s11 =	sadd.s32 $0x4FC00, s11  }
.LBB2_1:
0x12: {  	[tilespmem:s3], [sflag:$0x2] =	stream.linear.gather [hbm4b:s4+s3], $0x4E20, $0x38;
	[tilespmem:$0x14E60] =	vst v63  }
0x13: {  	_ =	swait.ge [sflag:s13], $0x4E20  }
0x14: {  	[sflag:s13] =	ssyncset.done $0x0  }
0x15: {  	[sflag:s13] =	ssyncadd.s32 $0xFFFFB1E0  }
0x16: {  	[tilespmem:s14], [sflag:$0x2] =	stream.linear.gather [hbm4b:s5+s3], $0x4E20, $0x38;
	[tilespmem:$0x14E60] =	vst v63  }
0x17: {  	_ =	swait.ge [sflag:s13], $0x4E20  }
0x18: {  	[sflag:s13] =	ssyncset.done $0x0  }
0x19: {  	s29 =	simm.s32 $0x80;
	s30 =	simm.s32 $0x0;
	[sflag:s13] =	ssyncadd.s32 $0xFFFFB1E0  }
.LBB2_2:
0x1a: {  	p0 =	sne.s32 s29, $0x6380;
	[tilespmem:s30+$0x9C40] =	vst v0;
	s31 =	smov.u32 s29;
	s29 =	sadd.s32 $0x80, s29  }
.Ltmp0:
0x1b: {  	[tilespmem:s30+$0x9C50] =	vst v0;
	(pc) =	sbr.rel @p0 .LBB2_2-.Ltmp0, $2  }
0x1c: {  	_ =	sdelay $0x2  }
0x1d: {  	s30 =	sshra.s32 s31, $0x2  }
0x1e: {  	[tilespmem:s30+$0x9C40] =	vst v0  }
0x1f: {  	[tilespmem:s30+$0x9C50] =	vst v0  }
0x20: {  	[spmem:s6] =	stream.linear.scatter [tilespmem:s15], [sflag:$0x2], $0x1900, $0x38;
	[tilespmem:$0x14E60] =	vst v63  }
0x21: {  	_ =	swait.ge [sflag:s13], $0x1900  }
0x22: {  	[sflag:s13] =	ssyncset.done $0x0  }
0x23: {  	[sflag:s13] =	ssyncadd.s32 $0xFFFFE700  }
0x24: {  	[spmem:s7] =	stream.linear.scatter [tilespmem:s15], [sflag:$0x2], $0x1900, $0x38;
	[tilespmem:$0x14E60] =	vst v63  }
0x25: {  	_ =	swait.ge [sflag:s13], $0x1900  }
0x26: {  	[sflag:s13] =	ssyncset.done $0x0  }
0x27: {  	[sflag:s13] =	ssyncadd.s32 $0xFFFFE700  }
0x28: {  	[spmem:s8] =	stream.linear.scatter [tilespmem:s15], [sflag:$0x2], $0x1900, $0x38;
	[tilespmem:$0x14E60] =	vst v63  }
0x29: {  	_ =	swait.ge [sflag:s13], $0x1900  }
0x2a: {  	[sflag:s13] =	ssyncset.done $0x0  }
0x2b: {  	[sflag:s13] =	ssyncadd.s32 $0xFFFFE700  }
0x2c: {  	[spmem:s9] =	stream.linear.scatter [tilespmem:s15], [sflag:$0x2], $0x320, $0x38;
	[tilespmem:$0x14E60] =	vst v63  }
0x2d: {  	_ =	swait.ge [sflag:s13], $0x320  }
0x2e: {  	[sflag:s13] =	ssyncset.done $0x0  }
0x2f: {  	[sflag:s13] =	ssyncadd.s32 $0xFFFFFCE0  }
0x30: {  	s29 =	simm.s32 $0x0;
	[bflag:$0x0] =	sbarrier.arrive $0xFFFF  }
0x31: {  	[tilespmem:s15], [sflag:$0x1] =	stream.indirect.gather [hbm4b:s10+s16], $0x20, s29, s16, $0xb8;
	[tilespmem:$0x14E60] =	vst v63  }
0x32: {  	_ = 	snop  }
0x33: {  	[tilespmem:s17], [sflag:$0x1] =	stream.indirect.gather [hbm4b:s10+s16], $0x20, s16, s16, $0xb8;
	[tilespmem:$0x14E60] =	vst v63  }
0x34: {  	_ = 	snop  }
0x35: {  	[tilespmem:s19], [sflag:$0x1] =	stream.indirect.gather [hbm4b:s10+s16], $0x20, s18, s16, $0xb8;
	[tilespmem:$0x14E60] =	vst v63  }
0x36: {  	_ = 	snop  }
0x37: {  	[tilespmem:s21], [sflag:$0x1] =	stream.indirect.gather [hbm4b:s10+s16], $0x20, s20, s16, $0xb8;
	[tilespmem:$0x14E60] =	vst v63  }
0x38: {  	_ =	swait.ge [sflag:s22], $0x1900  }
0x39: {  	[sflag:s22] =	ssyncset.done $0x0  }
0x3a: {  	s29 =	simm.s32 $0x4E20;
	[sflag:s22] =	ssyncadd.s32 $0xFFFFE700  }
0x3b: {  	[spmem:s1] =	stream.indirect.scatter.add.f32 [tilespmem:s15], [sflag:$0x2], $0x20, s29, s16, $0xb8;
	[tilespmem:$0x14E60] =	vst v63  }
0x3c: {  	_ =	swait.ge [sflag:s13], $0x1900  }
0x3d: {  	[sflag:s13] =	ssyncset.done $0x0  }
0x3e: {  	s29 =	simm.s32 $0x320;
	[sflag:s13] =	ssyncadd.s32 $0xFFFFE700  }
0x3f: {  	[tilespmem:s15], [sflag:$0x1] =	stream.indirect.gather [hbm4b:s10+s16], $0x20, s29, s16, $0xb8;
	[tilespmem:$0x14E60] =	vst v63  }
0x40: {  	_ =	swait.ge [sflag:s22], $0x1900  }
0x41: {  	[sflag:s22] =	ssyncset.done $0x0  }
0x42: {  	s29 =	simm.s32 $0x4EE8;
	[sflag:s22] =	ssyncadd.s32 $0xFFFFE700  }
0x43: {  	[spmem:s1] =	stream.indirect.scatter.add.f32 [tilespmem:s17], [sflag:$0x2], $0x20, s29, s16, $0xb8;
	[tilespmem:$0x14E60] =	vst v63  }
0x44: {  	_ =	swait.ge [sflag:s13], $0x1900  }
0x45: {  	[sflag:s13] =	ssyncset.done $0x0  }
0x46: {  	s29 =	simm.s32 $0x3E8;
	[sflag:s13] =	ssyncadd.s32 $0xFFFFE700  }
0x47: {  	[tilespmem:s17], [sflag:$0x1] =	stream.indirect.gather [hbm4b:s10+s16], $0x20, s29, s16, $0xb8;
	[tilespmem:$0x14E60] =	vst v63  }
0x48: {  	_ =	swait.ge [sflag:s22], $0x1900  }
0x49: {  	[sflag:s22] =	ssyncset.done $0x0  }
0x4a: {  	s29 =	simm.s32 $0x4FB0;
	[sflag:s22] =	ssyncadd.s32 $0xFFFFE700  }
0x4b: {  	[spmem:s1] =	stream.indirect.scatter.add.f32 [tilespmem:s19], [sflag:$0x2], $0x20, s29, s16, $0xb8;
	[tilespmem:$0x14E60] =	vst v63  }
0x4c: {  	_ =	swait.ge [sflag:s13], $0x1900  }
0x4d: {  	[sflag:s13] =	ssyncset.done $0x0  }
0x4e: {  	s29 =	simm.s32 $0x4B0;
	[sflag:s13] =	ssyncadd.s32 $0xFFFFE700  }
0x4f: {  	[tilespmem:s19], [sflag:$0x1] =	stream.indirect.gather [hbm4b:s10+s16], $0x20, s29, s16, $0xb8;
	[tilespmem:$0x14E60] =	vst v63  }
0x50: {  	_ =	swait.ge [sflag:s22], $0x1900  }
0x51: {  	[sflag:s22] =	ssyncset.done $0x0  }
0x52: {  	s29 =	simm.s32 $0x5078;
	[sflag:s22] =	ssyncadd.s32 $0xFFFFE700  }
0x53: {  	[spmem:s1] =	stream.indirect.scatter.add.f32 [tilespmem:s21], [sflag:$0x2], $0x20, s29, s16, $0xb8;
	[tilespmem:$0x14E60] =	vst v63  }
0x54: {  	_ =	swait.ge [sflag:s13], $0x1900  }
0x55: {  	[sflag:s13] =	ssyncset.done $0x0  }
0x56: {  	s30 =	simm.s32 $0x578;
	s29 =	simm.s32 $0xC80;
	[sflag:s13] =	ssyncadd.s32 $0xFFFFE700  }
.LBB2_4:
0x57: {  	[tilespmem:s21], [sflag:$0x1] =	stream.indirect.gather [hbm4b:s10+s16], $0x20, s30, s16, $0xb8;
	[tilespmem:$0x14E60] =	vst v63  }
0x58: {  	s30 =	smov.u32 s29  }
0x59: {  	p0 =	sne.s32 s29, $0x11F80;
	s29 =	sadd.s32 $0xC80, s29;
	_ =	swait.ge [sflag:s22], $0x1900  }
0x5a: {  	s30 =	sshra.s32 s30, $0x2;
	[sflag:s22] =	ssyncset.done $0x0  }
0x5b: {  	s31 =	sadd.s32 $0x4E20, s30;
	[sflag:s22] =	ssyncadd.s32 $0xFFFFE700  }
0x5c: {  	[spmem:s1] =	stream.indirect.scatter.add.f32 [tilespmem:s15], [sflag:$0x2], $0x20, s31, s16, $0xb8;
	[tilespmem:$0x14E60] =	vst v63  }
0x5d: {  	_ =	swait.ge [sflag:s13], $0x1900  }
0x5e: {  	[sflag:s13] =	ssyncset.done $0x0  }
0x5f: {  	s31 =	sadd.s32 $0x320, s30;
	[sflag:s13] =	ssyncadd.s32 $0xFFFFE700  }
0x60: {  	[tilespmem:s15], [sflag:$0x1] =	stream.indirect.gather [hbm4b:s10+s16], $0x20, s31, s16, $0xb8;
	[tilespmem:$0x14E60] =	vst v63  }
0x61: {  	_ =	swait.ge [sflag:s22], $0x1900  }
0x62: {  	[sflag:s22] =	ssyncset.done $0x0  }
0x63: {  	s31 =	sadd.s32 $0x4EE8, s30;
	[sflag:s22] =	ssyncadd.s32 $0xFFFFE700  }
0x64: {  	[spmem:s1] =	stream.indirect.scatter.add.f32 [tilespmem:s17], [sflag:$0x2], $0x20, s31, s16, $0xb8;
	[tilespmem:$0x14E60] =	vst v63  }
0x65: {  	_ =	swait.ge [sflag:s13], $0x1900  }
0x66: {  	[sflag:s13] =	ssyncset.done $0x0  }
0x67: {  	s31 =	sadd.s32 $0x3E8, s30;
	[sflag:s13] =	ssyncadd.s32 $0xFFFFE700  }
0x68: {  	[tilespmem:s17], [sflag:$0x1] =	stream.indirect.gather [hbm4b:s10+s16], $0x20, s31, s16, $0xb8;
	[tilespmem:$0x14E60] =	vst v63  }
0x69: {  	_ =	swait.ge [sflag:s22], $0x1900  }
0x6a: {  	[sflag:s22] =	ssyncset.done $0x0  }
0x6b: {  	s31 =	sadd.s32 $0x4FB0, s30;
	[sflag:s22] =	ssyncadd.s32 $0xFFFFE700  }
0x6c: {  	[spmem:s1] =	stream.indirect.scatter.add.f32 [tilespmem:s19], [sflag:$0x2], $0x20, s31, s16, $0xb8;
	[tilespmem:$0x14E60] =	vst v63  }
0x6d: {  	_ =	swait.ge [sflag:s13], $0x1900  }
0x6e: {  	[sflag:s13] =	ssyncset.done $0x0  }
0x6f: {  	s31 =	sadd.s32 $0x4B0, s30;
	[sflag:s13] =	ssyncadd.s32 $0xFFFFE700  }
0x70: {  	[tilespmem:s19], [sflag:$0x1] =	stream.indirect.gather [hbm4b:s10+s16], $0x20, s31, s16, $0xb8;
	[tilespmem:$0x14E60] =	vst v63  }
0x71: {  	_ =	swait.ge [sflag:s22], $0x1900  }
0x72: {  	[sflag:s22] =	ssyncset.done $0x0  }
.Ltmp1:
0x73: {  	s31 =	sadd.s32 $0x5078, s30;
	[sflag:s22] =	ssyncadd.s32 $0xFFFFE700;
	(pc) =	sbr.rel @p0 .LBB2_4-.Ltmp1, $4  }
0x74: {  	[spmem:s1] =	stream.indirect.scatter.add.f32 [tilespmem:s21], [sflag:$0x2], $0x20, s31, s16, $0xb8;
	[tilespmem:$0x14E60] =	vst v63  }
0x75: {  	_ =	swait.ge [sflag:s13], $0x1900  }
0x76: {  	[sflag:s13] =	ssyncset.done $0x0  }
0x77: {  	s30 =	sadd.s32 $0x578, s30;
	[sflag:s13] =	ssyncadd.s32 $0xFFFFE700  }
0x78: {  	[tilespmem:s21], [sflag:$0x1] =	stream.indirect.gather [hbm4b:s10+s16], $0x20, s30, s16, $0xb8;
	[tilespmem:$0x14E60] =	vst v63  }
0x79: {  	_ =	swait.ge [sflag:s22], $0x1900  }
0x7a: {  	[sflag:s22] =	ssyncset.done $0x0  }
0x7b: {  	[sflag:s22] =	ssyncadd.s32 $0xFFFFE700  }
0x7c: {  	[spmem:s1] =	stream.indirect.scatter.add.f32 [tilespmem:s15], [sflag:$0x2], $0x20, s23, s16, $0xb8;
	[tilespmem:$0x14E60] =	vst v63  }
0x7d: {  	_ =	swait.ge [sflag:s13], $0x1900  }
0x7e: {  	[sflag:s13] =	ssyncset.done $0x0  }
0x7f: {  	[sflag:s13] =	ssyncadd.s32 $0xFFFFE700  }
0x80: {  	_ =	swait.ge [sflag:s22], $0x1900  }
0x81: {  	[sflag:s22] =	ssyncset.done $0x0  }
0x82: {  	[sflag:s22] =	ssyncadd.s32 $0xFFFFE700  }
0x83: {  	[spmem:s1] =	stream.indirect.scatter.add.f32 [tilespmem:s17], [sflag:$0x2], $0x20, s24, s16, $0xb8;
	[tilespmem:$0x14E60] =	vst v63  }
0x84: {  	_ =	swait.ge [sflag:s13], $0x1900  }
0x85: {  	[sflag:s13] =	ssyncset.done $0x0  }
0x86: {  	[sflag:s13] =	ssyncadd.s32 $0xFFFFE700  }
0x87: {  	_ =	swait.ge [sflag:s22], $0x1900  }
0x88: {  	[sflag:s22] =	ssyncset.done $0x0  }
0x89: {  	[sflag:s22] =	ssyncadd.s32 $0xFFFFE700  }
0x8a: {  	[spmem:s1] =	stream.indirect.scatter.add.f32 [tilespmem:s19], [sflag:$0x2], $0x20, s25, s16, $0xb8;
	[tilespmem:$0x14E60] =	vst v63  }
0x8b: {  	_ =	swait.ge [sflag:s13], $0x1900  }
0x8c: {  	[sflag:s13] =	ssyncset.done $0x0  }
0x8d: {  	[sflag:s13] =	ssyncadd.s32 $0xFFFFE700  }
0x8e: {  	_ =	swait.ge [sflag:s22], $0x1900  }
0x8f: {  	[sflag:s22] =	ssyncset.done $0x0  }
0x90: {  	[sflag:s22] =	ssyncadd.s32 $0xFFFFE700  }
0x91: {  	[spmem:s1] =	stream.indirect.scatter.add.f32 [tilespmem:s21], [sflag:$0x2], $0x20, s26, s16, $0xb8;
	[tilespmem:$0x14E60] =	vst v63  }
0x92: {  	_ =	swait.ge [sflag:s13], $0x1900  }
0x93: {  	s29 =	sshll.u32 s2, $0x6;
	s28 =	sadd.s32 $0x1, s28;
	[sflag:s13] =	ssyncset.done $0x0  }
0x94: {  	s31 =	sshrl.u32 s6, $0x3;
	p0 =	sne.s32 s28, s12;
	[sflag:s13] =	ssyncadd.s32 $0xFFFFE700  }
.Ltmp2:
0x95: {  	s29 =	sor.u32 $0x1C02, s29;
	[bflag:$0x0] =	sbarrier.arrive $0xFFFF;
	(pc) =	sbr.rel @p0 .LBB2_1-.Ltmp2, $4  }
0x96: {  	[hbm:s11], [sflag:s29] =	dma.local [spmem:s31], $0x9C4  }
0x97: {  	_ =	swait.ge [sflag:s13], $0x9C4  }
0x98: {  	[sflag:s13] =	ssyncset.done $0x0  }
0x99: {  	[sflag:s13] =	ssyncadd.s32 $0xFFFFF63C  }
0x9a: {  	_ =	sfence.sel $0x180000  }
0x9b: {  	[bflag:$0x0] =	sbarrier.arrive $0xFFFF  }
0x9c: {  	p0 =	sne.s32 s2, $0x0;
	_ =	strace $0x9000004A  }
0x9d: {  	s0 =	sadd.s32 @!p0 $0x100000, s0;
	[bflag:$0x2] =	sbarrier.arrive $0xFFFF  }
0x9e: {  	[sflag:s0] =	ssyncadd.tile.s32 @!p0 $0x1;
	_ =	shalt  }
.Lfunc_end2:
_tile_overlayer_lowered:
.L_overlay_start_2:
0x9f: {  	(tag) =	ssettag $0x2  }
0xa0: {  	s0 =	rddreg [dreg:$0x0];
	s2 =	stileid.u32  }
0xa1: {  	s1 =	rddreg [dreg:$0x1];
	p0 =	sne.s32 s2, $0x0  }
0xa2: {  	s3 =	rddreg [dreg:$0x2];
	[bflag:$0x3] =	sbarrier.arrive $0xFFFF;
	s2 =	simm.s32 @!p0 $0x1C02  }
0xa3: {  	[timem:s3], [sflag:s2] =	dma.local @!p0 [hbm:s0], s1  }
0xa4: {  	s0 =	simm.s32 @!p0 $0x2  }
0xa5: {  	_ =	swait.ge @!p0 [sflag:s0], s1  }
0xa6: {  	s1 =	ssub.s32 @!p0 $0x0, s1;
	[sflag:s0] =	ssyncset.done @!p0 $0x0  }
0xa7: {  	[sflag:s0] =	ssyncadd.s32 @!p0 s1  }
0xa8: {  	[bflag:$0x3] =	sbarrier.arrive $0xFFFF  }
0xa9: {  	_ =	shalt  }

</sc_bundles>
